<compile_context>
chip_gen: v7x
topology: tpu7x:2x2x1
jax: 0.10.2.dev20260603
libtpu: 0.0.44.dev20260713+nightly
codegen_flags: <defaults>
</compile_context>

<pallas_src>
import functools

import jax
import jax.numpy as jnp
from jax import lax
from jax.experimental import pallas as pl
from jax.experimental.pallas import tpu as pltpu
from jax.experimental.pallas import tpu_sc as plsc

N = 10000
E = 320000
IN_CH = 128
HID = 16
OUT_CH = 128

NC = 2
NS = 16
NW = NC * NS
EB = 128
KB = 80
E_PAD = NW * KB * EB
N_PAD = 10240
RPS = N_PAD // NS
ZCH = RPS // EB
NBUF = 4
NCH = KB // NBUF

_mesh = plsc.VectorSubcoreMesh(core_axis_name="c", subcore_axis_name="s")


def _fill_rows(buf, nrows, vec):
    def body(i, _):
        buf[i, :] = vec
        return 0

    lax.fori_loop(0, nrows, body, 0)


@functools.partial(
    pl.kernel,
    out_type=jax.ShapeDtypeStruct((NC, N_PAD, HID), jnp.float32),
    mesh=_mesh,
    scratch_types=[
        pltpu.VMEM((KB, EB), jnp.int32),
        pltpu.VMEM((EB, HID), jnp.float32),
        pltpu.VMEM((EB, HID), jnp.float32),
        pltpu.VMEM_SHARED((N_PAD, HID), jnp.float32),
        pltpu.SemaphoreType.DMA,
        pltpu.SemaphoreType.DMA,
    ],
    compiler_params=pltpu.CompilerParams(use_tc_tiling_on_sc=False),
)
def _deg_kernel(dst_hbm, out_hbm, dst_v, ones_v, zero_v, acc, sem, sem2):
    cid = lax.axis_index("c")
    sid = lax.axis_index("s")
    wid = cid * NS + sid

    pltpu.async_copy(dst_hbm.at[wid], dst_v, sem2)
    _fill_rows(zero_v, EB, jnp.zeros((16,), jnp.float32))
    for t in range(ZCH):
        pltpu.async_copy(zero_v, acc.at[pl.ds(sid * RPS + t * EB, EB)], sem)
    _fill_rows(ones_v, EB, jnp.ones((16,), jnp.float32))
    for t in range(ZCH):
        pltpu.make_async_copy(zero_v, acc.at[pl.ds(sid * RPS + t * EB, EB)],
                              sem).wait()
    pltpu.make_async_copy(dst_hbm.at[wid], dst_v, sem2).wait()
    plsc.subcore_barrier()

    def edge_block(j, _):
        @pl.when(j >= 16)
        def _():
            pltpu.make_async_copy(ones_v, acc.at[dst_v.at[j - 16]], sem).wait()

        pltpu.async_copy(ones_v, acc.at[dst_v.at[j]], sem, add=True)
        return 0

    lax.fori_loop(0, KB, edge_block, 0)
    for t in range(16):
        pltpu.make_async_copy(ones_v, acc.at[dst_v.at[KB - 16 + t]], sem).wait()
    plsc.subcore_barrier()
    pltpu.sync_copy(acc.at[pl.ds(sid * RPS, RPS)],
                    out_hbm.at[cid, pl.ds(sid * RPS, RPS)])


def _newton_rsqrt(d):
    ibits = lax.bitcast_convert_type(d, jnp.int32)
    seed = jnp.int32(0x5F3759DF) - lax.shift_right_logical(ibits, 1)
    y = lax.bitcast_convert_type(seed, jnp.float32)
    for _ in range(3):
        y = y * (1.5 - 0.5 * d * y * y)
    return y


@functools.partial(
    pl.kernel,
    out_type=[
        jax.ShapeDtypeStruct((NC, N_PAD, HID), jnp.float32),
        jax.ShapeDtypeStruct((N_PAD, HID), jnp.float32),
    ],
    mesh=_mesh,
    scratch_types=[
        pltpu.VMEM((KB, EB), jnp.int32),
        pltpu.VMEM((KB, EB), jnp.int32),
        pltpu.VMEM((2, NBUF, EB, HID), jnp.float32),
        pltpu.VMEM((EB, HID), jnp.float32),
        pltpu.VMEM((RPS, HID), jnp.float32),
        pltpu.VMEM((RPS, HID), jnp.float32),
        pltpu.VMEM((RPS, HID), jnp.float32),
        pltpu.VMEM_SHARED((N_PAD, HID), jnp.float32),
        pltpu.VMEM_SHARED((N_PAD, HID), jnp.float32),
        pltpu.SemaphoreType.DMA,
        pltpu.SemaphoreType.DMA,
        pltpu.SemaphoreType.DMA,
        pltpu.SemaphoreType.DMA,
    ],
    compiler_params=pltpu.CompilerParams(use_tc_tiling_on_sc=False),
)
def _agg1_kernel(src_hbm, dst_hbm, deg_hbm, h1_hbm, out_hbm, g1_hbm,
                 src_v, dst_v, rows_v, zero_v, d0_v, d1_v, g_v,
                 acc, g_sp, gs0, gs1, ss0, ss1):
    cid = lax.axis_index("c")
    sid = lax.axis_index("s")
    wid = cid * NS + sid
    row0 = sid * RPS

    pltpu.async_copy(deg_hbm.at[0, pl.ds(row0, RPS)], d0_v, gs0)
    pltpu.async_copy(deg_hbm.at[1, pl.ds(row0, RPS)], d1_v, gs0)
    pltpu.async_copy(h1_hbm.at[pl.ds(row0, RPS)], g_v, gs0)
    pltpu.async_copy(src_hbm.at[wid], src_v, gs1)
    pltpu.async_copy(dst_hbm.at[wid], dst_v, gs1)
    _fill_rows(zero_v, EB, jnp.zeros((16,), jnp.float32))
    for t in range(ZCH):
        pltpu.async_copy(zero_v, acc.at[pl.ds(row0 + t * EB, EB)], ss0)
    pltpu.make_async_copy(deg_hbm.at[0, pl.ds(row0, RPS)], d0_v, gs0).wait()
    pltpu.make_async_copy(deg_hbm.at[1, pl.ds(row0, RPS)], d1_v, gs0).wait()
    pltpu.make_async_copy(h1_hbm.at[pl.ds(row0, RPS)], g_v, gs0).wait()

    def row_body(i, _):
        d = d0_v[i, :] + d1_v[i, :] + 1.0
        g_v[i, :] = _newton_rsqrt(d) * g_v[i, :]
        return 0

    lax.fori_loop(0, RPS, row_body, 0)
    pltpu.sync_copy(g_v, g_sp.at[pl.ds(row0, RPS)])

    @pl.when(cid == 0)
    def _():
        pltpu.sync_copy(g_v, g1_hbm.at[pl.ds(row0, RPS)])

    pltpu.make_async_copy(src_hbm.at[wid], src_v, gs1).wait()
    pltpu.make_async_copy(dst_hbm.at[wid], dst_v, gs1).wait()
    for t in range(ZCH):
        pltpu.make_async_copy(zero_v, acc.at[pl.ds(row0 + t * EB, EB)],
                              ss0).wait()
    plsc.subcore_barrier()
    _edge_pipeline(src_v, dst_v, rows_v, acc, g_sp, gs0, gs1, ss0, ss1)
    plsc.subcore_barrier()
    pltpu.sync_copy(acc.at[pl.ds(row0, RPS)],
                    out_hbm.at[cid, pl.ds(row0, RPS)])


def _edge_pipeline(src_v, dst_v, rows_v, acc, g_sp, gs0, gs1, ss0, ss1):
    def gather(c, p, sem):
        for b in range(NBUF):
            pltpu.async_copy(g_sp.at[src_v.at[c * NBUF + b]],
                             rows_v.at[p, b], sem)

    def wait_gather(c, p, sem):
        for b in range(NBUF):
            pltpu.make_async_copy(g_sp.at[src_v.at[c * NBUF + b]],
                                  rows_v.at[p, b], sem).wait()

    def scatter(c, p, sem):
        for b in range(NBUF):
            pltpu.async_copy(rows_v.at[p, b],
                             acc.at[dst_v.at[c * NBUF + b]], sem, add=True)

    def wait_scatter(c, p, sem):
        for b in range(NBUF):
            pltpu.make_async_copy(rows_v.at[p, b],
                                  acc.at[dst_v.at[c * NBUF + b]], sem).wait()

    gather(0, 0, gs0)

    def body(i, _):
        c0 = 2 * i
        c1 = c0 + 1

        @pl.when(i > 0)
        def _():
            wait_scatter(c0 - 1, 1, ss1)

        gather(c1, 1, gs1)
        wait_gather(c0, 0, gs0)
        scatter(c0, 0, ss0)
        wait_gather(c1, 1, gs1)
        scatter(c1, 1, ss1)
        wait_scatter(c0, 0, ss0)

        @pl.when(i < NCH // 2 - 1)
        def _():
            gather(c0 + 2, 0, gs0)

        return 0

    lax.fori_loop(0, NCH // 2, body, 0)
    wait_scatter(NCH - 1, 1, ss1)


@functools.partial(
    pl.kernel,
    out_type=[
        jax.ShapeDtypeStruct((NC, N_PAD, HID), jnp.float32),
        jax.ShapeDtypeStruct((N_PAD, HID), jnp.float32),
    ],
    mesh=_mesh,
    scratch_types=[
        pltpu.VMEM((KB, EB), jnp.int32),
        pltpu.VMEM((KB, EB), jnp.int32),
        pltpu.VMEM((2, NBUF, EB, HID), jnp.float32),
        pltpu.VMEM((EB, HID), jnp.float32),
        pltpu.VMEM((RPS, HID), jnp.float32),
        pltpu.VMEM((RPS, HID), jnp.float32),
        pltpu.VMEM((RPS, HID), jnp.float32),
        pltpu.VMEM((RPS, HID), jnp.float32),
        pltpu.VMEM((RPS, HID), jnp.float32),
        pltpu.VMEM((1, HID), jnp.float32),
        pltpu.VMEM_SHARED((N_PAD, HID), jnp.float32),
        pltpu.VMEM_SHARED((N_PAD, HID), jnp.float32),
        pltpu.SemaphoreType.DMA,
        pltpu.SemaphoreType.DMA,
        pltpu.SemaphoreType.DMA,
        pltpu.SemaphoreType.DMA,
    ],
    compiler_params=pltpu.CompilerParams(use_tc_tiling_on_sc=False),
)
def _agg2_kernel(src_hbm, dst_hbm, deg_hbm, s1_hbm, g1_hbm, b1_hbm,
                 out_hbm, g2_hbm,
                 src_v, dst_v, rows_v, zero_v, d0_v, d1_v, s0_v, s1_v, g_v,
                 b1_v, acc, g_sp, gs0, gs1, ss0, ss1):
    cid = lax.axis_index("c")
    sid = lax.axis_index("s")
    wid = cid * NS + sid
    row0 = sid * RPS

    pltpu.async_copy(deg_hbm.at[0, pl.ds(row0, RPS)], d0_v, gs0)
    pltpu.async_copy(deg_hbm.at[1, pl.ds(row0, RPS)], d1_v, gs0)
    pltpu.async_copy(s1_hbm.at[0, pl.ds(row0, RPS)], s0_v, gs0)
    pltpu.async_copy(s1_hbm.at[1, pl.ds(row0, RPS)], s1_v, gs0)
    pltpu.async_copy(g1_hbm.at[pl.ds(row0, RPS)], g_v, gs0)
    pltpu.async_copy(b1_hbm, b1_v, gs0)
    pltpu.async_copy(src_hbm.at[wid], src_v, gs1)
    pltpu.async_copy(dst_hbm.at[wid], dst_v, gs1)
    _fill_rows(zero_v, EB, jnp.zeros((16,), jnp.float32))
    for t in range(ZCH):
        pltpu.async_copy(zero_v, acc.at[pl.ds(row0 + t * EB, EB)], ss0)
    pltpu.make_async_copy(deg_hbm.at[0, pl.ds(row0, RPS)], d0_v, gs0).wait()
    pltpu.make_async_copy(deg_hbm.at[1, pl.ds(row0, RPS)], d1_v, gs0).wait()
    pltpu.make_async_copy(s1_hbm.at[0, pl.ds(row0, RPS)], s0_v, gs0).wait()
    pltpu.make_async_copy(s1_hbm.at[1, pl.ds(row0, RPS)], s1_v, gs0).wait()
    pltpu.make_async_copy(g1_hbm.at[pl.ds(row0, RPS)], g_v, gs0).wait()
    pltpu.make_async_copy(b1_hbm, b1_v, gs0).wait()
    bias = b1_v[0, :]

    def row_body(i, _):
        d = d0_v[i, :] + d1_v[i, :] + 1.0
        dinv = _newton_rsqrt(d)
        s = s0_v[i, :] + s1_v[i, :] + g_v[i, :]
        h = jnp.maximum(dinv * s + bias, 0.0)
        g_v[i, :] = dinv * h
        return 0

    lax.fori_loop(0, RPS, row_body, 0)
    pltpu.sync_copy(g_v, g_sp.at[pl.ds(row0, RPS)])

    @pl.when(cid == 0)
    def _():
        pltpu.sync_copy(g_v, g2_hbm.at[pl.ds(row0, RPS)])

    pltpu.make_async_copy(src_hbm.at[wid], src_v, gs1).wait()
    pltpu.make_async_copy(dst_hbm.at[wid], dst_v, gs1).wait()
    for t in range(ZCH):
        pltpu.make_async_copy(zero_v, acc.at[pl.ds(row0 + t * EB, EB)],
                              ss0).wait()
    plsc.subcore_barrier()
    _edge_pipeline(src_v, dst_v, rows_v, acc, g_sp, gs0, gs1, ss0, ss1)
    plsc.subcore_barrier()
    pltpu.sync_copy(acc.at[pl.ds(row0, RPS)],
                    out_hbm.at[cid, pl.ds(row0, RPS)])


_R = 2048
_R3 = 2000


def _tc_mm_body(x_ref, w1_ref, h1_ref):
    h1_ref[...] = jnp.dot(x_ref[...], w1_ref[...],
                          preferred_element_type=jnp.float32)


def _tc_mm(x, W1):
    return pl.pallas_call(
        _tc_mm_body,
        grid=(N_PAD // _R,),
        in_specs=[
            pl.BlockSpec((_R, IN_CH), lambda i: (i, 0)),
            pl.BlockSpec((IN_CH, HID), lambda i: (0, 0)),
        ],
        out_specs=pl.BlockSpec((_R, HID), lambda i: (i, 0)),
        out_shape=jax.ShapeDtypeStruct((N_PAD, HID), jnp.float32),
    )(x, W1)


def _tc3_body(s0_ref, s1_ref, g2_ref, d0_ref, d1_ref, w2_ref, b2_ref, out_ref):
    dinv = lax.rsqrt(d0_ref[...] + d1_ref[...] + 1.0)
    agg = dinv * (s0_ref[...] + s1_ref[...] + g2_ref[...])
    o = jnp.dot(agg, w2_ref[...], preferred_element_type=jnp.float32)
    o = o + b2_ref[...]
    m = jnp.max(o, axis=1, keepdims=True)
    lse = m + jnp.log(jnp.sum(jnp.exp(o - m), axis=1, keepdims=True))
    out_ref[...] = o - lse


def _tc3(s0, s1, g2, d0, d1, W2, b2):
    return pl.pallas_call(
        _tc3_body,
        grid=(N // _R3,),
        in_specs=[
            pl.BlockSpec((_R3, HID), lambda i: (i, 0)),
            pl.BlockSpec((_R3, HID), lambda i: (i, 0)),
            pl.BlockSpec((_R3, HID), lambda i: (i, 0)),
            pl.BlockSpec((_R3, HID), lambda i: (i, 0)),
            pl.BlockSpec((_R3, HID), lambda i: (i, 0)),
            pl.BlockSpec((HID, OUT_CH), lambda i: (0, 0)),
            pl.BlockSpec((1, OUT_CH), lambda i: (0, 0)),
        ],
        out_specs=pl.BlockSpec((_R3, OUT_CH), lambda i: (i, 0)),
        out_shape=jax.ShapeDtypeStruct((N, OUT_CH), jnp.float32),
    )(s0, s1, g2, d0, d1, W2, b2)


def kernel(x, edge_index, W1, b1, W2, b2):
    pad = jnp.full((E_PAD - E,), N, jnp.int32)
    src = jnp.concatenate([edge_index[0].astype(jnp.int32), pad])
    dst = jnp.concatenate([edge_index[1].astype(jnp.int32), pad])
    src = src.reshape(NW, KB, EB)
    dst = dst.reshape(NW, KB, EB)
    xp = jnp.zeros((N_PAD, IN_CH), x.dtype).at[:N].set(x)
    b1r = b1.reshape(1, HID)
    b2r = b2.reshape(1, OUT_CH)

    degp = _deg_kernel(dst)
    h1 = _tc_mm(xp, W1)
    s1p, g1 = _agg1_kernel(src, dst, degp, h1)
    s2p, g2 = _agg2_kernel(src, dst, degp, s1p, g1, b1r)
    return _tc3(s2p[0], s2p[1], g2, degp[0], degp[1], W2, b2r)

# --- scband reference (transcript-rebuilt; emitter-appended) ---
"""Pipeline reference for scband-gcn-30485677867423 (READ-ONLY COPY).

The authoritative reference and input builder live on the scoring server;
editing this copy changes nothing except your own understanding.
"""

import jax, jax.numpy as jnp
import numpy as np

N_NODES = 10000
N_EDGES = 320000
IN_CH = 128
HID_CH = 16
OUT_CH = 128


def setup_inputs(seed: int = 0) -> dict:
    key = jax.random.key(seed)
    k1, k2, k3, k4, k5 = jax.random.split(key, 5)
    x = jax.random.normal(k1, (N_NODES, IN_CH), dtype=jnp.float32)
    edge_index = jax.random.randint(k2, (2, N_EDGES), 0, N_NODES, dtype=jnp.int64)
    # Glorot-initialized layer weights (as in PyG GCNConv)
    s1 = float(np.sqrt(6.0 / (IN_CH + HID_CH)))
    W1 = jax.random.uniform(k3, (IN_CH, HID_CH), dtype=jnp.float32, minval=-s1, maxval=s1)
    b1 = jnp.zeros((HID_CH,), dtype=jnp.float32)
    s2 = float(np.sqrt(6.0 / (HID_CH + OUT_CH)))
    W2 = jax.random.uniform(k4, (HID_CH, OUT_CH), dtype=jnp.float32, minval=-s2, maxval=s2)
    b2 = jnp.zeros((OUT_CH,), dtype=jnp.float32)
    return {"x": x, "edge_index": edge_index, "W1": W1, "b1": b1, "W2": W2, "b2": b2}


def _gcn_conv(x, W, b, src, dst, n):
    # linear transform
    h = x @ W
    # add self-loops
    loop = jnp.arange(n, dtype=src.dtype)
    src_f = jnp.concatenate([src, loop])
    dst_f = jnp.concatenate([dst, loop])
    # symmetric normalization: D^{-1/2} A_hat D^{-1/2}
    deg = jnp.zeros((n,), dtype=h.dtype).at[dst_f].add(1.0)
    dinv = jnp.where(deg > 0, jax.lax.rsqrt(deg), 0.0)
    norm = dinv[src_f] * dinv[dst_f]
    # gather messages from source nodes, scale, scatter-add to destination
    msg = h[src_f] * norm[:, None]
    out = jnp.zeros((n, h.shape[1]), dtype=h.dtype).at[dst_f].add(msg)
    return out + b


def reference(x, edge_index, W1, b1, W2, b2):
    src = edge_index[0]
    dst = edge_index[1]
    n = x.shape[0]
    h = _gcn_conv(x, W1, b1, src, dst, n)
    h = jax.nn.relu(h)
    h = _gcn_conv(h, W2, b2, src, dst, n)
    return jax.nn.log_softmax(h, axis=1)

if __name__ == "__main__":
    import jax
    _d = setup_inputs()
    print(jax.jit(kernel)(*tuple(_d.values())))

</pallas_src>

<mosaic_0001>
#map = affine_map<(d0, d1) -> (0, 0, 0)>
module attributes {stable_mosaic.version = 14 : i64} {
  func.func @_deg_kernel(%arg0: i32, %arg1: i32, %arg2: memref<32x80x128xi32, #tpu.memory_space<hbm>>, %arg3: memref<2x10240x16xf32, #tpu.memory_space<hbm>>, %arg4: memref<80x128xi32, #tpu.memory_space<vmem>>, %arg5: memref<128x16xf32, #tpu.memory_space<vmem>>, %arg6: memref<128x16xf32, #tpu.memory_space<vmem>>, %arg7: memref<10240x16xf32, #tpu.memory_space<vmem_shared>>, %arg8: memref<!tpu.dma_semaphore, #tpu.memory_space<semaphore_mem>>, %arg9: memref<!tpu.dma_semaphore, #tpu.memory_space<semaphore_mem>>) attributes {dimension_semantics = [#tpu.dimension_semantics<core_parallel>, #tpu.dimension_semantics<subcore_parallel>], iteration_bounds = array<i64: 2, 16>, scalar_prefetch = 0 : i64, scratch_operands = 6 : i64, tpu.core_type = #tpu.core_type<sc_vector_subcore>, window_params = [{transform_indices = #map}, {transform_indices = #map}]} {
    %mul3A = arith.constant 16 : i32
    %mul3A_0 = arith.muli %arg0, %mul3A : i32
    %add3A = arith.addi %mul3A_0, %arg1 : i32
    %dma_start3A = arith.constant 0 : i32
    %dma_start3A_1 = arith.constant 0 : i32
    %dma_start3A_2 = tpu.memref_slice %arg2[%add3A, %dma_start3A, %dma_start3A_1] : memref<32x80x128xi32, #tpu.memory_space<hbm>> -> memref<1x80x128xi32, #tpu.memory_space<hbm>>
    %dma_start3A_3 = tpu.memref_squeeze %dma_start3A_2 : memref<1x80x128xi32, #tpu.memory_space<hbm>> -> memref<80x128xi32, #tpu.memory_space<hbm>>
    %dma_start3A_4 = arith.constant 0 : i32
    %dma_start3A_5 = arith.constant 0 : i32
    %dma_start3A_6 = tpu.memref_slice %arg2[%add3A, %dma_start3A_4, %dma_start3A_5] : memref<32x80x128xi32, #tpu.memory_space<hbm>> -> memref<1x80x128xi32, #tpu.memory_space<hbm>>
    %dma_start3A_7 = tpu.memref_squeeze %dma_start3A_6 : memref<1x80x128xi32, #tpu.memory_space<hbm>> -> memref<80x128xi32, #tpu.memory_space<hbm>>
    tpu.enqueue_dma source(%dma_start3A_7 : memref<80x128xi32, #tpu.memory_space<hbm>>) target(%arg4 : memref<80x128xi32, #tpu.memory_space<vmem>>) target_semaphore(%arg9 : memref<!tpu.dma_semaphore, #tpu.memory_space<semaphore_mem>>)
    %broadcast_in_dim3A = arith.constant 0.000000e+00 : f32
    %broadcast_in_dim3A_8 = vector.broadcast %broadcast_in_dim3A : f32 to vector<16xf32>
    %scan3A = arith.constant 0 : i32
    %scan3A_9 = arith.constant 0 : i32
    %scan3A_10 = arith.constant 128 : i32
    %scan3A_11 = arith.addi %scan3A_9, %scan3A_10 : i32
    %scan3A_12 = arith.constant 1 : i32
    %scan3A_13 = scf.for %scan3A_235 = %scan3A_9 to %scan3A_11 step %scan3A_12 iter_args(%scan3A_236 = %scan3A) -> (i32)  : i32 {
      %swap3A = arith.index_cast %scan3A_235 : i32 to index
      %swap3A_237 = arith.constant 0 : index
      %swap3A_238 = tpu.vector_load %arg6[%swap3A, %swap3A_237] {strides = array<i32>} : memref<128x16xf32, #tpu.memory_space<vmem>>, vector<1x16xf32>,
      %swap3A_239 = vector.shape_cast %swap3A_238 : vector<1x16xf32> to vector<16xf32>
      %swap3A_240 = vector.shape_cast %broadcast_in_dim3A_8 : vector<16xf32> to vector<1x16xf32>
      tpu.vector_store %arg6[%swap3A, %swap3A_237], %swap3A_240 {strides = array<i32>} : memref<128x16xf32, #tpu.memory_space<vmem>>, vector<1x16xf32>,
      %scan3A_241 = arith.constant 0 : i32
      scf.yield %scan3A_241 : i32
    }
    %scan3A_14 = arith.constant 128 : i32
    %mul3A_15 = arith.constant 640 : i32
    %mul3A_16 = arith.muli %arg1, %mul3A_15 : i32
    %add3A_17 = arith.constant 0 : i32
    %add3A_18 = arith.addi %mul3A_16, %add3A_17 : i32
    %dma_start3A_19 = arith.constant 0 : i32
    %dma_start3A_20 = tpu.memref_slice %arg7[%add3A_18, %dma_start3A_19] : memref<10240x16xf32, #tpu.memory_space<vmem_shared>> -> memref<128x16xf32, #tpu.memory_space<vmem_shared>>
    %dma_start3A_21 = arith.constant 0 : i32
    %dma_start3A_22 = tpu.memref_slice %arg7[%add3A_18, %dma_start3A_21] : memref<10240x16xf32, #tpu.memory_space<vmem_shared>> -> memref<128x16xf32, #tpu.memory_space<vmem_shared>>
    tpu.enqueue_dma source(%arg6 : memref<128x16xf32, #tpu.memory_space<vmem>>) target(%dma_start3A_22 : memref<128x16xf32, #tpu.memory_space<vmem_shared>>) target_semaphore(%arg8 : memref<!tpu.dma_semaphore, #tpu.memory_space<semaphore_mem>>)
    %mul3A_23 = arith.constant 640 : i32
    %mul3A_24 = arith.muli %arg1, %mul3A_23 : i32
    %add3A_25 = arith.constant 128 : i32
    %add3A_26 = arith.addi %mul3A_24, %add3A_25 : i32
    %dma_start3A_27 = arith.constant 0 : i32
    %dma_start3A_28 = tpu.memref_slice %arg7[%add3A_26, %dma_start3A_27] : memref<10240x16xf32, #tpu.memory_space<vmem_shared>> -> memref<128x16xf32, #tpu.memory_space<vmem_shared>>
    %dma_start3A_29 = arith.constant 0 : i32
    %dma_start3A_30 = tpu.memref_slice %arg7[%add3A_26, %dma_start3A_29] : memref<10240x16xf32, #tpu.memory_space<vmem_shared>> -> memref<128x16xf32, #tpu.memory_space<vmem_shared>>
    tpu.enqueue_dma source(%arg6 : memref<128x16xf32, #tpu.memory_space<vmem>>) target(%dma_start3A_30 : memref<128x16xf32, #tpu.memory_space<vmem_shared>>) target_semaphore(%arg8 : memref<!tpu.dma_semaphore, #tpu.memory_space<semaphore_mem>>)
    %mul3A_31 = arith.constant 640 : i32
    %mul3A_32 = arith.muli %arg1, %mul3A_31 : i32
    %add3A_33 = arith.constant 256 : i32
    %add3A_34 = arith.addi %mul3A_32, %add3A_33 : i32
    %dma_start3A_35 = arith.constant 0 : i32
    %dma_start3A_36 = tpu.memref_slice %arg7[%add3A_34, %dma_start3A_35] : memref<10240x16xf32, #tpu.memory_space<vmem_shared>> -> memref<128x16xf32, #tpu.memory_space<vmem_shared>>
    %dma_start3A_37 = arith.constant 0 : i32
    %dma_start3A_38 = tpu.memref_slice %arg7[%add3A_34, %dma_start3A_37] : memref<10240x16xf32, #tpu.memory_space<vmem_shared>> -> memref<128x16xf32, #tpu.memory_space<vmem_shared>>
    tpu.enqueue_dma source(%arg6 : memref<128x16xf32, #tpu.memory_space<vmem>>) target(%dma_start3A_38 : memref<128x16xf32, #tpu.memory_space<vmem_shared>>) target_semaphore(%arg8 : memref<!tpu.dma_semaphore, #tpu.memory_space<semaphore_mem>>)
    %mul3A_39 = arith.constant 640 : i32
    %mul3A_40 = arith.muli %arg1, %mul3A_39 : i32
    %add3A_41 = arith.constant 384 : i32
    %add3A_42 = arith.addi %mul3A_40, %add3A_41 : i32
    %dma_start3A_43 = arith.constant 0 : i32
    %dma_start3A_44 = tpu.memref_slice %arg7[%add3A_42, %dma_start3A_43] : memref<10240x16xf32, #tpu.memory_space<vmem_shared>> -> memref<128x16xf32, #tpu.memory_space<vmem_shared>>
    %dma_start3A_45 = arith.constant 0 : i32
    %dma_start3A_46 = tpu.memref_slice %arg7[%add3A_42, %dma_start3A_45] : memref<10240x16xf32, #tpu.memory_space<vmem_shared>> -> memref<128x16xf32, #tpu.memory_space<vmem_shared>>
    tpu.enqueue_dma source(%arg6 : memref<128x16xf32, #tpu.memory_space<vmem>>) target(%dma_start3A_46 : memref<128x16xf32, #tpu.memory_space<vmem_shared>>) target_semaphore(%arg8 : memref<!tpu.dma_semaphore, #tpu.memory_space<semaphore_mem>>)
    %mul3A_47 = arith.constant 640 : i32
    %mul3A_48 = arith.muli %arg1, %mul3A_47 : i32
    %add3A_49 = arith.constant 512 : i32
    %add3A_50 = arith.addi %mul3A_48, %add3A_49 : i32
    %dma_start3A_51 = arith.constant 0 : i32
    %dma_start3A_52 = tpu.memref_slice %arg7[%add3A_50, %dma_start3A_51] : memref<10240x16xf32, #tpu.memory_space<vmem_shared>> -> memref<128x16xf32, #tpu.memory_space<vmem_shared>>
    %dma_start3A_53 = arith.constant 0 : i32
    %dma_start3A_54 = tpu.memref_slice %arg7[%add3A_50, %dma_start3A_53] : memref<10240x16xf32, #tpu.memory_space<vmem_shared>> -> memref<128x16xf32, #tpu.memory_space<vmem_shared>>
    tpu.enqueue_dma source(%arg6 : memref<128x16xf32, #tpu.memory_space<vmem>>) target(%dma_start3A_54 : memref<128x16xf32, #tpu.memory_space<vmem_shared>>) target_semaphore(%arg8 : memref<!tpu.dma_semaphore, #tpu.memory_space<semaphore_mem>>)
    %broadcast_in_dim3A_55 = arith.constant 1.000000e+00 : f32
    %broadcast_in_dim3A_56 = vector.broadcast %broadcast_in_dim3A_55 : f32 to vector<16xf32>
    %scan3A_57 = arith.constant 0 : i32
    %scan3A_58 = arith.constant 0 : i32
    %scan3A_59 = arith.constant 128 : i32
    %scan3A_60 = arith.addi %scan3A_58, %scan3A_59 : i32
    %scan3A_61 = arith.constant 1 : i32
    %scan3A_62 = scf.for %scan3A_235 = %scan3A_58 to %scan3A_60 step %scan3A_61 iter_args(%scan3A_236 = %scan3A_57) -> (i32)  : i32 {
      %swap3A = arith.index_cast %scan3A_235 : i32 to index
      %swap3A_237 = arith.constant 0 : index
      %swap3A_238 = tpu.vector_load %arg5[%swap3A, %swap3A_237] {strides = array<i32>} : memref<128x16xf32, #tpu.memory_space<vmem>>, vector<1x16xf32>,
      %swap3A_239 = vector.shape_cast %swap3A_238 : vector<1x16xf32> to vector<16xf32>
      %swap3A_240 = vector.shape_cast %broadcast_in_dim3A_56 : vector<16xf32> to vector<1x16xf32>
      tpu.vector_store %arg5[%swap3A, %swap3A_237], %swap3A_240 {strides = array<i32>} : memref<128x16xf32, #tpu.memory_space<vmem>>, vector<1x16xf32>,
      %scan3A_241 = arith.constant 0 : i32
      scf.yield %scan3A_241 : i32
    }
    %scan3A_63 = arith.constant 128 : i32
    %mul3A_64 = arith.constant 640 : i32
    %mul3A_65 = arith.muli %arg1, %mul3A_64 : i32
    %add3A_66 = arith.constant 0 : i32
    %add3A_67 = arith.addi %mul3A_65, %add3A_66 : i32
    %dma_wait3A = arith.constant 0 : i32
    %dma_wait3A_68 = tpu.memref_slice %arg7[%add3A_67, %dma_wait3A] : memref<10240x16xf32, #tpu.memory_space<vmem_shared>> -> memref<128x16xf32, #tpu.memory_space<vmem_shared>>
    %dma_wait3A_69 = arith.constant 0 : i32
    %dma_wait3A_70 = tpu.memref_slice %arg7[%add3A_67, %dma_wait3A_69] : memref<10240x16xf32, #tpu.memory_space<vmem_shared>> -> memref<128x16xf32, #tpu.memory_space<vmem_shared>>
    tpu.wait_dma2 semaphore(%arg8 : memref<!tpu.dma_semaphore, #tpu.memory_space<semaphore_mem>>) src(%arg6 : memref<128x16xf32, #tpu.memory_space<vmem>>) dst(%dma_wait3A_70 : memref<128x16xf32, #tpu.memory_space<vmem_shared>>)
    %mul3A_71 = arith.constant 640 : i32
    %mul3A_72 = arith.muli %arg1, %mul3A_71 : i32
    %add3A_73 = arith.constant 128 : i32
    %add3A_74 = arith.addi %mul3A_72, %add3A_73 : i32
    %dma_wait3A_75 = arith.constant 0 : i32
    %dma_wait3A_76 = tpu.memref_slice %arg7[%add3A_74, %dma_wait3A_75] : memref<10240x16xf32, #tpu.memory_space<vmem_shared>> -> memref<128x16xf32, #tpu.memory_space<vmem_shared>>
    %dma_wait3A_77 = arith.constant 0 : i32
    %dma_wait3A_78 = tpu.memref_slice %arg7[%add3A_74, %dma_wait3A_77] : memref<10240x16xf32, #tpu.memory_space<vmem_shared>> -> memref<128x16xf32, #tpu.memory_space<vmem_shared>>
    tpu.wait_dma2 semaphore(%arg8 : memref<!tpu.dma_semaphore, #tpu.memory_space<semaphore_mem>>) src(%arg6 : memref<128x16xf32, #tpu.memory_space<vmem>>) dst(%dma_wait3A_78 : memref<128x16xf32, #tpu.memory_space<vmem_shared>>)
    %mul3A_79 = arith.constant 640 : i32
    %mul3A_80 = arith.muli %arg1, %mul3A_79 : i32
    %add3A_81 = arith.constant 256 : i32
    %add3A_82 = arith.addi %mul3A_80, %add3A_81 : i32
    %dma_wait3A_83 = arith.constant 0 : i32
    %dma_wait3A_84 = tpu.memref_slice %arg7[%add3A_82, %dma_wait3A_83] : memref<10240x16xf32, #tpu.memory_space<vmem_shared>> -> memref<128x16xf32, #tpu.memory_space<vmem_shared>>
    %dma_wait3A_85 = arith.constant 0 : i32
    %dma_wait3A_86 = tpu.memref_slice %arg7[%add3A_82, %dma_wait3A_85] : memref<10240x16xf32, #tpu.memory_space<vmem_shared>> -> memref<128x16xf32, #tpu.memory_space<vmem_shared>>
    tpu.wait_dma2 semaphore(%arg8 : memref<!tpu.dma_semaphore, #tpu.memory_space<semaphore_mem>>) src(%arg6 : memref<128x16xf32, #tpu.memory_space<vmem>>) dst(%dma_wait3A_86 : memref<128x16xf32, #tpu.memory_space<vmem_shared>>)
    %mul3A_87 = arith.constant 640 : i32
    %mul3A_88 = arith.muli %arg1, %mul3A_87 : i32
    %add3A_89 = arith.constant 384 : i32
    %add3A_90 = arith.addi %mul3A_88, %add3A_89 : i32
    %dma_wait3A_91 = arith.constant 0 : i32
    %dma_wait3A_92 = tpu.memref_slice %arg7[%add3A_90, %dma_wait3A_91] : memref<10240x16xf32, #tpu.memory_space<vmem_shared>> -> memref<128x16xf32, #tpu.memory_space<vmem_shared>>
    %dma_wait3A_93 = arith.constant 0 : i32
    %dma_wait3A_94 = tpu.memref_slice %arg7[%add3A_90, %dma_wait3A_93] : memref<10240x16xf32, #tpu.memory_space<vmem_shared>> -> memref<128x16xf32, #tpu.memory_space<vmem_shared>>
    tpu.wait_dma2 semaphore(%arg8 : memref<!tpu.dma_semaphore, #tpu.memory_space<semaphore_mem>>) src(%arg6 : memref<128x16xf32, #tpu.memory_space<vmem>>) dst(%dma_wait3A_94 : memref<128x16xf32, #tpu.memory_space<vmem_shared>>)
    %mul3A_95 = arith.constant 640 : i32
    %mul3A_96 = arith.muli %arg1, %mul3A_95 : i32
    %add3A_97 = arith.constant 512 : i32
    %add3A_98 = arith.addi %mul3A_96, %add3A_97 : i32
    %dma_wait3A_99 = arith.constant 0 : i32
    %dma_wait3A_100 = tpu.memref_slice %arg7[%add3A_98, %dma_wait3A_99] : memref<10240x16xf32, #tpu.memory_space<vmem_shared>> -> memref<128x16xf32, #tpu.memory_space<vmem_shared>>
    %dma_wait3A_101 = arith.constant 0 : i32
    %dma_wait3A_102 = tpu.memref_slice %arg7[%add3A_98, %dma_wait3A_101] : memref<10240x16xf32, #tpu.memory_space<vmem_shared>> -> memref<128x16xf32, #tpu.memory_space<vmem_shared>>
    tpu.wait_dma2 semaphore(%arg8 : memref<!tpu.dma_semaphore, #tpu.memory_space<semaphore_mem>>) src(%arg6 : memref<128x16xf32, #tpu.memory_space<vmem>>) dst(%dma_wait3A_102 : memref<128x16xf32, #tpu.memory_space<vmem_shared>>)
    %dma_wait3A_103 = arith.constant 0 : i32
    %dma_wait3A_104 = arith.constant 0 : i32
    %dma_wait3A_105 = tpu.memref_slice %arg2[%add3A, %dma_wait3A_103, %dma_wait3A_104] : memref<32x80x128xi32, #tpu.memory_space<hbm>> -> memref<1x80x128xi32, #tpu.memory_space<hbm>>
    %dma_wait3A_106 = tpu.memref_squeeze %dma_wait3A_105 : memref<1x80x128xi32, #tpu.memory_space<hbm>> -> memref<80x128xi32, #tpu.memory_space<hbm>>
    %dma_wait3A_107 = arith.constant 0 : i32
    %dma_wait3A_108 = arith.constant 0 : i32
    %dma_wait3A_109 = tpu.memref_slice %arg2[%add3A, %dma_wait3A_107, %dma_wait3A_108] : memref<32x80x128xi32, #tpu.memory_space<hbm>> -> memref<1x80x128xi32, #tpu.memory_space<hbm>>
    %dma_wait3A_110 = tpu.memref_squeeze %dma_wait3A_109 : memref<1x80x128xi32, #tpu.memory_space<hbm>> -> memref<80x128xi32, #tpu.memory_space<hbm>>
    tpu.wait_dma2 semaphore(%arg9 : memref<!tpu.dma_semaphore, #tpu.memory_space<semaphore_mem>>) src(%dma_wait3A_110 : memref<80x128xi32, #tpu.memory_space<hbm>>) dst(%arg4 : memref<80x128xi32, #tpu.memory_space<vmem>>)
    %barrier3A = arith.constant 0 : index
    tpu.barrier barrier_id(%barrier3A)
    %scan3A_111 = arith.constant 0 : i32
    %scan3A_112 = arith.constant 0 : i32
    %scan3A_113 = arith.constant 80 : i32
    %scan3A_114 = arith.addi %scan3A_112, %scan3A_113 : i32
    %scan3A_115 = arith.constant 1 : i32
    %scan3A_116 = scf.for %scan3A_235 = %scan3A_112 to %scan3A_114 step %scan3A_115 iter_args(%scan3A_236 = %scan3A_111) -> (i32)  : i32 {
      %ge3A = arith.constant 16 : i32
      %ge3A_237 = arith.cmpi sge, %scan3A_235, %ge3A : i32
      %convert_element_type3A = arith.extui %ge3A_237 : i1 to i32
      %cond3A = arith.constant 0 : i32
      %cond3A_238 = arith.cmpi ne, %convert_element_type3A, %cond3A : i32
      scf.if %cond3A_238 {
        %sub3A = arith.constant 16 : i32
        %sub3A_246 = arith.subi %scan3A_235, %sub3A : i32
        %dma_wait3A_247 = arith.constant 0 : i32
        %dma_wait3A_248 = tpu.memref_slice %arg4[%sub3A_246, %dma_wait3A_247] : memref<80x128xi32, #tpu.memory_space<vmem>> -> memref<1x128xi32, #tpu.memory_space<vmem>>
        %dma_wait3A_249 = tpu.memref_squeeze %dma_wait3A_248 : memref<1x128xi32, #tpu.memory_space<vmem>> -> memref<128xi32, #tpu.memory_space<vmem>>
        %dma_wait3A_250 = arith.constant 0 : i32
        %dma_wait3A_251 = arith.constant 0 : i32
        %dma_wait3A_252 = tpu.memref_slice %arg7[%dma_wait3A_250, %dma_wait3A_251] : memref<10240x16xf32, #tpu.memory_space<vmem_shared>> -> memref<10240x16xf32, #tpu.memory_space<vmem_shared>>
        tpu.wait_indirect_dma semaphore(%arg8 : memref<!tpu.dma_semaphore, #tpu.memory_space<semaphore_mem>>) src(%arg5 : memref<128x16xf32, #tpu.memory_space<vmem>>) dst(%dma_wait3A_252 : memref<10240x16xf32, #tpu.memory_space<vmem_shared>>)
      } else {
      }
      %dma_start3A_239 = arith.constant 0 : i32
      %dma_start3A_240 = tpu.memref_slice %arg4[%scan3A_235, %dma_start3A_239] : memref<80x128xi32, #tpu.memory_space<vmem>> -> memref<1x128xi32, #tpu.memory_space<vmem>>
      %dma_start3A_241 = tpu.memref_squeeze %dma_start3A_240 : memref<1x128xi32, #tpu.memory_space<vmem>> -> memref<128xi32, #tpu.memory_space<vmem>>
      %dma_start3A_242 = arith.constant 0 : i32
      %dma_start3A_243 = arith.constant 0 : i32
      %dma_start3A_244 = tpu.memref_slice %arg7[%dma_start3A_242, %dma_start3A_243] : memref<10240x16xf32, #tpu.memory_space<vmem_shared>> -> memref<10240x16xf32, #tpu.memory_space<vmem_shared>>
      tpu.enqueue_indirect_dma source(%arg5 : memref<128x16xf32, #tpu.memory_space<vmem>>) target(%dma_start3A_244 : memref<10240x16xf32, #tpu.memory_space<vmem_shared>>) offsets(%dma_start3A_241 : memref<128xi32, #tpu.memory_space<vmem>>) semaphore(%arg8 : memref<!tpu.dma_semaphore, #tpu.memory_space<semaphore_mem>>) {add = true}
      %scan3A_245 = arith.constant 0 : i32
      scf.yield %scan3A_245 : i32
    }
    %scan3A_117 = arith.constant 80 : i32
    %dma_wait3A_118 = arith.constant 64 : i32
    %dma_wait3A_119 = arith.constant 0 : i32
    %dma_wait3A_120 = tpu.memref_slice %arg4[%dma_wait3A_118, %dma_wait3A_119] : memref<80x128xi32, #tpu.memory_space<vmem>> -> memref<1x128xi32, #tpu.memory_space<vmem>>
    %dma_wait3A_121 = tpu.memref_squeeze %dma_wait3A_120 : memref<1x128xi32, #tpu.memory_space<vmem>> -> memref<128xi32, #tpu.memory_space<vmem>>
    %dma_wait3A_122 = arith.constant 0 : i32
    %dma_wait3A_123 = arith.constant 0 : i32
    %dma_wait3A_124 = tpu.memref_slice %arg7[%dma_wait3A_122, %dma_wait3A_123] : memref<10240x16xf32, #tpu.memory_space<vmem_shared>> -> memref<10240x16xf32, #tpu.memory_space<vmem_shared>>
    tpu.wait_indirect_dma semaphore(%arg8 : memref<!tpu.dma_semaphore, #tpu.memory_space<semaphore_mem>>) src(%arg5 : memref<128x16xf32, #tpu.memory_space<vmem>>) dst(%dma_wait3A_124 : memref<10240x16xf32, #tpu.memory_space<vmem_shared>>)
    %dma_wait3A_125 = arith.constant 65 : i32
    %dma_wait3A_126 = arith.constant 0 : i32
    %dma_wait3A_127 = tpu.memref_slice %arg4[%dma_wait3A_125, %dma_wait3A_126] : memref<80x128xi32, #tpu.memory_space<vmem>> -> memref<1x128xi32, #tpu.memory_space<vmem>>
    %dma_wait3A_128 = tpu.memref_squeeze %dma_wait3A_127 : memref<1x128xi32, #tpu.memory_space<vmem>> -> memref<128xi32, #tpu.memory_space<vmem>>
    %dma_wait3A_129 = arith.constant 0 : i32
    %dma_wait3A_130 = arith.constant 0 : i32
    %dma_wait3A_131 = tpu.memref_slice %arg7[%dma_wait3A_129, %dma_wait3A_130] : memref<10240x16xf32, #tpu.memory_space<vmem_shared>> -> memref<10240x16xf32, #tpu.memory_space<vmem_shared>>
    tpu.wait_indirect_dma semaphore(%arg8 : memref<!tpu.dma_semaphore, #tpu.memory_space<semaphore_mem>>) src(%arg5 : memref<128x16xf32, #tpu.memory_space<vmem>>) dst(%dma_wait3A_131 : memref<10240x16xf32, #tpu.memory_space<vmem_shared>>)
    %dma_wait3A_132 = arith.constant 66 : i32
    %dma_wait3A_133 = arith.constant 0 : i32
    %dma_wait3A_134 = tpu.memref_slice %arg4[%dma_wait3A_132, %dma_wait3A_133] : memref<80x128xi32, #tpu.memory_space<vmem>> -> memref<1x128xi32, #tpu.memory_space<vmem>>
    %dma_wait3A_135 = tpu.memref_squeeze %dma_wait3A_134 : memref<1x128xi32, #tpu.memory_space<vmem>> -> memref<128xi32, #tpu.memory_space<vmem>>
    %dma_wait3A_136 = arith.constant 0 : i32
    %dma_wait3A_137 = arith.constant 0 : i32
    %dma_wait3A_138 = tpu.memref_slice %arg7[%dma_wait3A_136, %dma_wait3A_137] : memref<10240x16xf32, #tpu.memory_space<vmem_shared>> -> memref<10240x16xf32, #tpu.memory_space<vmem_shared>>
    tpu.wait_indirect_dma semaphore(%arg8 : memref<!tpu.dma_semaphore, #tpu.memory_space<semaphore_mem>>) src(%arg5 : memref<128x16xf32, #tpu.memory_space<vmem>>) dst(%dma_wait3A_138 : memref<10240x16xf32, #tpu.memory_space<vmem_shared>>)
    %dma_wait3A_139 = arith.constant 67 : i32
    %dma_wait3A_140 = arith.constant 0 : i32
    %dma_wait3A_141 = tpu.memref_slice %arg4[%dma_wait3A_139, %dma_wait3A_140] : memref<80x128xi32, #tpu.memory_space<vmem>> -> memref<1x128xi32, #tpu.memory_space<vmem>>
    %dma_wait3A_142 = tpu.memref_squeeze %dma_wait3A_141 : memref<1x128xi32, #tpu.memory_space<vmem>> -> memref<128xi32, #tpu.memory_space<vmem>>
    %dma_wait3A_143 = arith.constant 0 : i32
    %dma_wait3A_144 = arith.constant 0 : i32
    %dma_wait3A_145 = tpu.memref_slice %arg7[%dma_wait3A_143, %dma_wait3A_144] : memref<10240x16xf32, #tpu.memory_space<vmem_shared>> -> memref<10240x16xf32, #tpu.memory_space<vmem_shared>>
    tpu.wait_indirect_dma semaphore(%arg8 : memref<!tpu.dma_semaphore, #tpu.memory_space<semaphore_mem>>) src(%arg5 : memref<128x16xf32, #tpu.memory_space<vmem>>) dst(%dma_wait3A_145 : memref<10240x16xf32, #tpu.memory_space<vmem_shared>>)
    %dma_wait3A_146 = arith.constant 68 : i32
    %dma_wait3A_147 = arith.constant 0 : i32
    %dma_wait3A_148 = tpu.memref_slice %arg4[%dma_wait3A_146, %dma_wait3A_147] : memref<80x128xi32, #tpu.memory_space<vmem>> -> memref<1x128xi32, #tpu.memory_space<vmem>>
    %dma_wait3A_149 = tpu.memref_squeeze %dma_wait3A_148 : memref<1x128xi32, #tpu.memory_space<vmem>> -> memref<128xi32, #tpu.memory_space<vmem>>
    %dma_wait3A_150 = arith.constant 0 : i32
    %dma_wait3A_151 = arith.constant 0 : i32
    %dma_wait3A_152 = tpu.memref_slice %arg7[%dma_wait3A_150, %dma_wait3A_151] : memref<10240x16xf32, #tpu.memory_space<vmem_shared>> -> memref<10240x16xf32, #tpu.memory_space<vmem_shared>>
    tpu.wait_indirect_dma semaphore(%arg8 : memref<!tpu.dma_semaphore, #tpu.memory_space<semaphore_mem>>) src(%arg5 : memref<128x16xf32, #tpu.memory_space<vmem>>) dst(%dma_wait3A_152 : memref<10240x16xf32, #tpu.memory_space<vmem_shared>>)
    %dma_wait3A_153 = arith.constant 69 : i32
    %dma_wait3A_154 = arith.constant 0 : i32
    %dma_wait3A_155 = tpu.memref_slice %arg4[%dma_wait3A_153, %dma_wait3A_154] : memref<80x128xi32, #tpu.memory_space<vmem>> -> memref<1x128xi32, #tpu.memory_space<vmem>>
    %dma_wait3A_156 = tpu.memref_squeeze %dma_wait3A_155 : memref<1x128xi32, #tpu.memory_space<vmem>> -> memref<128xi32, #tpu.memory_space<vmem>>
    %dma_wait3A_157 = arith.constant 0 : i32
    %dma_wait3A_158 = arith.constant 0 : i32
    %dma_wait3A_159 = tpu.memref_slice %arg7[%dma_wait3A_157, %dma_wait3A_158] : memref<10240x16xf32, #tpu.memory_space<vmem_shared>> -> memref<10240x16xf32, #tpu.memory_space<vmem_shared>>
    tpu.wait_indirect_dma semaphore(%arg8 : memref<!tpu.dma_semaphore, #tpu.memory_space<semaphore_mem>>) src(%arg5 : memref<128x16xf32, #tpu.memory_space<vmem>>) dst(%dma_wait3A_159 : memref<10240x16xf32, #tpu.memory_space<vmem_shared>>)
    %dma_wait3A_160 = arith.constant 70 : i32
    %dma_wait3A_161 = arith.constant 0 : i32
    %dma_wait3A_162 = tpu.memref_slice %arg4[%dma_wait3A_160, %dma_wait3A_161] : memref<80x128xi32, #tpu.memory_space<vmem>> -> memref<1x128xi32, #tpu.memory_space<vmem>>
    %dma_wait3A_163 = tpu.memref_squeeze %dma_wait3A_162 : memref<1x128xi32, #tpu.memory_space<vmem>> -> memref<128xi32, #tpu.memory_space<vmem>>
    %dma_wait3A_164 = arith.constant 0 : i32
    %dma_wait3A_165 = arith.constant 0 : i32
    %dma_wait3A_166 = tpu.memref_slice %arg7[%dma_wait3A_164, %dma_wait3A_165] : memref<10240x16xf32, #tpu.memory_space<vmem_shared>> -> memref<10240x16xf32, #tpu.memory_space<vmem_shared>>
    tpu.wait_indirect_dma semaphore(%arg8 : memref<!tpu.dma_semaphore, #tpu.memory_space<semaphore_mem>>) src(%arg5 : memref<128x16xf32, #tpu.memory_space<vmem>>) dst(%dma_wait3A_166 : memref<10240x16xf32, #tpu.memory_space<vmem_shared>>)
    %dma_wait3A_167 = arith.constant 71 : i32
    %dma_wait3A_168 = arith.constant 0 : i32
    %dma_wait3A_169 = tpu.memref_slice %arg4[%dma_wait3A_167, %dma_wait3A_168] : memref<80x128xi32, #tpu.memory_space<vmem>> -> memref<1x128xi32, #tpu.memory_space<vmem>>
    %dma_wait3A_170 = tpu.memref_squeeze %dma_wait3A_169 : memref<1x128xi32, #tpu.memory_space<vmem>> -> memref<128xi32, #tpu.memory_space<vmem>>
    %dma_wait3A_171 = arith.constant 0 : i32
    %dma_wait3A_172 = arith.constant 0 : i32
    %dma_wait3A_173 = tpu.memref_slice %arg7[%dma_wait3A_171, %dma_wait3A_172] : memref<10240x16xf32, #tpu.memory_space<vmem_shared>> -> memref<10240x16xf32, #tpu.memory_space<vmem_shared>>
    tpu.wait_indirect_dma semaphore(%arg8 : memref<!tpu.dma_semaphore, #tpu.memory_space<semaphore_mem>>) src(%arg5 : memref<128x16xf32, #tpu.memory_space<vmem>>) dst(%dma_wait3A_173 : memref<10240x16xf32, #tpu.memory_space<vmem_shared>>)
    %dma_wait3A_174 = arith.constant 72 : i32
    %dma_wait3A_175 = arith.constant 0 : i32
    %dma_wait3A_176 = tpu.memref_slice %arg4[%dma_wait3A_174, %dma_wait3A_175] : memref<80x128xi32, #tpu.memory_space<vmem>> -> memref<1x128xi32, #tpu.memory_space<vmem>>
    %dma_wait3A_177 = tpu.memref_squeeze %dma_wait3A_176 : memref<1x128xi32, #tpu.memory_space<vmem>> -> memref<128xi32, #tpu.memory_space<vmem>>
    %dma_wait3A_178 = arith.constant 0 : i32
    %dma_wait3A_179 = arith.constant 0 : i32
    %dma_wait3A_180 = tpu.memref_slice %arg7[%dma_wait3A_178, %dma_wait3A_179] : memref<10240x16xf32, #tpu.memory_space<vmem_shared>> -> memref<10240x16xf32, #tpu.memory_space<vmem_shared>>
    tpu.wait_indirect_dma semaphore(%arg8 : memref<!tpu.dma_semaphore, #tpu.memory_space<semaphore_mem>>) src(%arg5 : memref<128x16xf32, #tpu.memory_space<vmem>>) dst(%dma_wait3A_180 : memref<10240x16xf32, #tpu.memory_space<vmem_shared>>)
    %dma_wait3A_181 = arith.constant 73 : i32
    %dma_wait3A_182 = arith.constant 0 : i32
    %dma_wait3A_183 = tpu.memref_slice %arg4[%dma_wait3A_181, %dma_wait3A_182] : memref<80x128xi32, #tpu.memory_space<vmem>> -> memref<1x128xi32, #tpu.memory_space<vmem>>
    %dma_wait3A_184 = tpu.memref_squeeze %dma_wait3A_183 : memref<1x128xi32, #tpu.memory_space<vmem>> -> memref<128xi32, #tpu.memory_space<vmem>>
    %dma_wait3A_185 = arith.constant 0 : i32
    %dma_wait3A_186 = arith.constant 0 : i32
    %dma_wait3A_187 = tpu.memref_slice %arg7[%dma_wait3A_185, %dma_wait3A_186] : memref<10240x16xf32, #tpu.memory_space<vmem_shared>> -> memref<10240x16xf32, #tpu.memory_space<vmem_shared>>
    tpu.wait_indirect_dma semaphore(%arg8 : memref<!tpu.dma_semaphore, #tpu.memory_space<semaphore_mem>>) src(%arg5 : memref<128x16xf32, #tpu.memory_space<vmem>>) dst(%dma_wait3A_187 : memref<10240x16xf32, #tpu.memory_space<vmem_shared>>)
    %dma_wait3A_188 = arith.constant 74 : i32
    %dma_wait3A_189 = arith.constant 0 : i32
    %dma_wait3A_190 = tpu.memref_slice %arg4[%dma_wait3A_188, %dma_wait3A_189] : memref<80x128xi32, #tpu.memory_space<vmem>> -> memref<1x128xi32, #tpu.memory_space<vmem>>
    %dma_wait3A_191 = tpu.memref_squeeze %dma_wait3A_190 : memref<1x128xi32, #tpu.memory_space<vmem>> -> memref<128xi32, #tpu.memory_space<vmem>>
    %dma_wait3A_192 = arith.constant 0 : i32
    %dma_wait3A_193 = arith.constant 0 : i32
    %dma_wait3A_194 = tpu.memref_slice %arg7[%dma_wait3A_192, %dma_wait3A_193] : memref<10240x16xf32, #tpu.memory_space<vmem_shared>> -> memref<10240x16xf32, #tpu.memory_space<vmem_shared>>
    tpu.wait_indirect_dma semaphore(%arg8 : memref<!tpu.dma_semaphore, #tpu.memory_space<semaphore_mem>>) src(%arg5 : memref<128x16xf32, #tpu.memory_space<vmem>>) dst(%dma_wait3A_194 : memref<10240x16xf32, #tpu.memory_space<vmem_shared>>)
    %dma_wait3A_195 = arith.constant 75 : i32
    %dma_wait3A_196 = arith.constant 0 : i32
    %dma_wait3A_197 = tpu.memref_slice %arg4[%dma_wait3A_195, %dma_wait3A_196] : memref<80x128xi32, #tpu.memory_space<vmem>> -> memref<1x128xi32, #tpu.memory_space<vmem>>
    %dma_wait3A_198 = tpu.memref_squeeze %dma_wait3A_197 : memref<1x128xi32, #tpu.memory_space<vmem>> -> memref<128xi32, #tpu.memory_space<vmem>>
    %dma_wait3A_199 = arith.constant 0 : i32
    %dma_wait3A_200 = arith.constant 0 : i32
    %dma_wait3A_201 = tpu.memref_slice %arg7[%dma_wait3A_199, %dma_wait3A_200] : memref<10240x16xf32, #tpu.memory_space<vmem_shared>> -> memref<10240x16xf32, #tpu.memory_space<vmem_shared>>
    tpu.wait_indirect_dma semaphore(%arg8 : memref<!tpu.dma_semaphore, #tpu.memory_space<semaphore_mem>>) src(%arg5 : memref<128x16xf32, #tpu.memory_space<vmem>>) dst(%dma_wait3A_201 : memref<10240x16xf32, #tpu.memory_space<vmem_shared>>)
    %dma_wait3A_202 = arith.constant 76 : i32
    %dma_wait3A_203 = arith.constant 0 : i32
    %dma_wait3A_204 = tpu.memref_slice %arg4[%dma_wait3A_202, %dma_wait3A_203] : memref<80x128xi32, #tpu.memory_space<vmem>> -> memref<1x128xi32, #tpu.memory_space<vmem>>
    %dma_wait3A_205 = tpu.memref_squeeze %dma_wait3A_204 : memref<1x128xi32, #tpu.memory_space<vmem>> -> memref<128xi32, #tpu.memory_space<vmem>>
    %dma_wait3A_206 = arith.constant 0 : i32
    %dma_wait3A_207 = arith.constant 0 : i32
    %dma_wait3A_208 = tpu.memref_slice %arg7[%dma_wait3A_206, %dma_wait3A_207] : memref<10240x16xf32, #tpu.memory_space<vmem_shared>> -> memref<10240x16xf32, #tpu.memory_space<vmem_shared>>
    tpu.wait_indirect_dma semaphore(%arg8 : memref<!tpu.dma_semaphore, #tpu.memory_space<semaphore_mem>>) src(%arg5 : memref<128x16xf32, #tpu.memory_space<vmem>>) dst(%dma_wait3A_208 : memref<10240x16xf32, #tpu.memory_space<vmem_shared>>)
    %dma_wait3A_209 = arith.constant 77 : i32
    %dma_wait3A_210 = arith.constant 0 : i32
    %dma_wait3A_211 = tpu.memref_slice %arg4[%dma_wait3A_209, %dma_wait3A_210] : memref<80x128xi32, #tpu.memory_space<vmem>> -> memref<1x128xi32, #tpu.memory_space<vmem>>
    %dma_wait3A_212 = tpu.memref_squeeze %dma_wait3A_211 : memref<1x128xi32, #tpu.memory_space<vmem>> -> memref<128xi32, #tpu.memory_space<vmem>>
    %dma_wait3A_213 = arith.constant 0 : i32
    %dma_wait3A_214 = arith.constant 0 : i32
    %dma_wait3A_215 = tpu.memref_slice %arg7[%dma_wait3A_213, %dma_wait3A_214] : memref<10240x16xf32, #tpu.memory_space<vmem_shared>> -> memref<10240x16xf32, #tpu.memory_space<vmem_shared>>
    tpu.wait_indirect_dma semaphore(%arg8 : memref<!tpu.dma_semaphore, #tpu.memory_space<semaphore_mem>>) src(%arg5 : memref<128x16xf32, #tpu.memory_space<vmem>>) dst(%dma_wait3A_215 : memref<10240x16xf32, #tpu.memory_space<vmem_shared>>)
    %dma_wait3A_216 = arith.constant 78 : i32
    %dma_wait3A_217 = arith.constant 0 : i32
    %dma_wait3A_218 = tpu.memref_slice %arg4[%dma_wait3A_216, %dma_wait3A_217] : memref<80x128xi32, #tpu.memory_space<vmem>> -> memref<1x128xi32, #tpu.memory_space<vmem>>
    %dma_wait3A_219 = tpu.memref_squeeze %dma_wait3A_218 : memref<1x128xi32, #tpu.memory_space<vmem>> -> memref<128xi32, #tpu.memory_space<vmem>>
    %dma_wait3A_220 = arith.constant 0 : i32
    %dma_wait3A_221 = arith.constant 0 : i32
    %dma_wait3A_222 = tpu.memref_slice %arg7[%dma_wait3A_220, %dma_wait3A_221] : memref<10240x16xf32, #tpu.memory_space<vmem_shared>> -> memref<10240x16xf32, #tpu.memory_space<vmem_shared>>
    tpu.wait_indirect_dma semaphore(%arg8 : memref<!tpu.dma_semaphore, #tpu.memory_space<semaphore_mem>>) src(%arg5 : memref<128x16xf32, #tpu.memory_space<vmem>>) dst(%dma_wait3A_222 : memref<10240x16xf32, #tpu.memory_space<vmem_shared>>)
    %dma_wait3A_223 = arith.constant 79 : i32
    %dma_wait3A_224 = arith.constant 0 : i32
    %dma_wait3A_225 = tpu.memref_slice %arg4[%dma_wait3A_223, %dma_wait3A_224] : memref<80x128xi32, #tpu.memory_space<vmem>> -> memref<1x128xi32, #tpu.memory_space<vmem>>
    %dma_wait3A_226 = tpu.memref_squeeze %dma_wait3A_225 : memref<1x128xi32, #tpu.memory_space<vmem>> -> memref<128xi32, #tpu.memory_space<vmem>>
    %dma_wait3A_227 = arith.constant 0 : i32
    %dma_wait3A_228 = arith.constant 0 : i32
    %dma_wait3A_229 = tpu.memref_slice %arg7[%dma_wait3A_227, %dma_wait3A_228] : memref<10240x16xf32, #tpu.memory_space<vmem_shared>> -> memref<10240x16xf32, #tpu.memory_space<vmem_shared>>
    tpu.wait_indirect_dma semaphore(%arg8 : memref<!tpu.dma_semaphore, #tpu.memory_space<semaphore_mem>>) src(%arg5 : memref<128x16xf32, #tpu.memory_space<vmem>>) dst(%dma_wait3A_229 : memref<10240x16xf32, #tpu.memory_space<vmem_shared>>)
    %barrier3A_230 = arith.constant 0 : index
    tpu.barrier barrier_id(%barrier3A_230)
    %mul3A_231 = arith.constant 640 : i32
    %mul3A_232 = arith.muli %arg1, %mul3A_231 : i32
    %mul3A_233 = arith.constant 640 : i32
    %mul3A_234 = arith.muli %arg1, %mul3A_233 : i32
    "tpu.region"() ({
      %run_scoped3A = tpu.sem_alloc : memref<!tpu.dma_semaphore, #tpu.memory_space<semaphore_mem>>
      %dma_start3A_235 = arith.constant 0 : i32
      %dma_start3A_236 = tpu.memref_slice %arg3[%arg0, %mul3A_234, %dma_start3A_235] : memref<2x10240x16xf32, #tpu.memory_space<hbm>> -> memref<1x640x16xf32, #tpu.memory_space<hbm>>
      %dma_start3A_237 = tpu.memref_squeeze %dma_start3A_236 : memref<1x640x16xf32, #tpu.memory_space<hbm>> -> memref<640x16xf32, #tpu.memory_space<hbm>>
      %dma_start3A_238 = arith.constant 0 : i32
      %dma_start3A_239 = tpu.memref_slice %arg7[%mul3A_232, %dma_start3A_238] : memref<10240x16xf32, #tpu.memory_space<vmem_shared>> -> memref<640x16xf32, #tpu.memory_space<vmem_shared>>
      tpu.enqueue_dma source(%dma_start3A_239 : memref<640x16xf32, #tpu.memory_space<vmem_shared>>) target(%dma_start3A_237 : memref<640x16xf32, #tpu.memory_space<hbm>>) target_semaphore(%run_scoped3A : memref<!tpu.dma_semaphore, #tpu.memory_space<semaphore_mem>>)
      %dma_wait3A_240 = arith.constant 0 : i32
      %dma_wait3A_241 = tpu.memref_slice %arg3[%arg0, %mul3A_234, %dma_wait3A_240] : memref<2x10240x16xf32, #tpu.memory_space<hbm>> -> memref<1x640x16xf32, #tpu.memory_space<hbm>>
      %dma_wait3A_242 = tpu.memref_squeeze %dma_wait3A_241 : memref<1x640x16xf32, #tpu.memory_space<hbm>> -> memref<640x16xf32, #tpu.memory_space<hbm>>
      %dma_wait3A_243 = arith.constant 0 : i32
      %dma_wait3A_244 = tpu.memref_slice %arg7[%mul3A_232, %dma_wait3A_243] : memref<10240x16xf32, #tpu.memory_space<vmem_shared>> -> memref<640x16xf32, #tpu.memory_space<vmem_shared>>
      tpu.wait_dma2 semaphore(%run_scoped3A : memref<!tpu.dma_semaphore, #tpu.memory_space<semaphore_mem>>) src(%dma_wait3A_244 : memref<640x16xf32, #tpu.memory_space<vmem_shared>>) dst(%dma_wait3A_242 : memref<640x16xf32, #tpu.memory_space<hbm>>)
      tpu.yield
    }) : () -> ()
    return
  }
}

#map = affine_map<(d0, d1) -> (0, 0, 0)>
#map1 = affine_map<(d0, d1) -> (0, 0)>
module attributes {stable_mosaic.version = 14 : i64} {
  func.func @_agg2_kernel(%arg0: i32, %arg1: i32, %arg2: memref<32x80x128xi32, #tpu.memory_space<hbm>>, %arg3: memref<32x80x128xi32, #tpu.memory_space<hbm>>, %arg4: memref<2x10240x16xf32, #tpu.memory_space<hbm>>, %arg5: memref<2x10240x16xf32, #tpu.memory_space<hbm>>, %arg6: memref<10240x16xf32, #tpu.memory_space<hbm>>, %arg7: memref<1x16xf32, #tpu.memory_space<hbm>>, %arg8: memref<2x10240x16xf32, #tpu.memory_space<hbm>>, %arg9: memref<10240x16xf32, #tpu.memory_space<hbm>>, %arg10: memref<80x128xi32, #tpu.memory_space<vmem>>, %arg11: memref<80x128xi32, #tpu.memory_space<vmem>>, %arg12: memref<2x4x128x16xf32, #tpu.memory_space<vmem>>, %arg13: memref<128x16xf32, #tpu.memory_space<vmem>>, %arg14: memref<640x16xf32, #tpu.memory_space<vmem>>, %arg15: memref<640x16xf32, #tpu.memory_space<vmem>>, %arg16: memref<640x16xf32, #tpu.memory_space<vmem>>, %arg17: memref<640x16xf32, #tpu.memory_space<vmem>>, %arg18: memref<640x16xf32, #tpu.memory_space<vmem>>, %arg19: memref<1x16xf32, #tpu.memory_space<vmem>>, %arg20: memref<10240x16xf32, #tpu.memory_space<vmem_shared>>, %arg21: memref<10240x16xf32, #tpu.memory_space<vmem_shared>>, %arg22: memref<!tpu.dma_semaphore, #tpu.memory_space<semaphore_mem>>, %arg23: memref<!tpu.dma_semaphore, #tpu.memory_space<semaphore_mem>>, %arg24: memref<!tpu.dma_semaphore, #tpu.memory_space<semaphore_mem>>, %arg25: memref<!tpu.dma_semaphore, #tpu.memory_space<semaphore_mem>>) attributes {dimension_semantics = [#tpu.dimension_semantics<core_parallel>, #tpu.dimension_semantics<subcore_parallel>], iteration_bounds = array<i64: 2, 16>, scalar_prefetch = 0 : i64, scratch_operands = 16 : i64, tpu.core_type = #tpu.core_type<sc_vector_subcore>, window_params = [{transform_indices = #map}, {transform_indices = #map}, {transform_indices = #map}, {transform_indices = #map}, {transform_indices = #map1}, {transform_indices = #map1}, {transform_indices = #map}, {transform_indices = #map1}]} {
    %mul3A = arith.constant 16 : i32
    %mul3A_0 = arith.muli %arg0, %mul3A : i32
    %add3A = arith.addi %mul3A_0, %arg1 : i32
    %mul3A_1 = arith.constant 640 : i32
    %mul3A_2 = arith.muli %arg1, %mul3A_1 : i32
    %dma_start3A = arith.constant 0 : i32
    %dma_start3A_3 = arith.constant 0 : i32
    %dma_start3A_4 = tpu.memref_slice %arg4[%dma_start3A, %mul3A_2, %dma_start3A_3] : memref<2x10240x16xf32, #tpu.memory_space<hbm>> -> memref<1x640x16xf32, #tpu.memory_space<hbm>>
    %dma_start3A_5 = tpu.memref_squeeze %dma_start3A_4 : memref<1x640x16xf32, #tpu.memory_space<hbm>> -> memref<640x16xf32, #tpu.memory_space<hbm>>
    %dma_start3A_6 = arith.constant 0 : i32
    %dma_start3A_7 = tpu.memref_slice %arg4[%dma_start3A, %mul3A_2, %dma_start3A_6] : memref<2x10240x16xf32, #tpu.memory_space<hbm>> -> memref<1x640x16xf32, #tpu.memory_space<hbm>>
    %dma_start3A_8 = tpu.memref_squeeze %dma_start3A_7 : memref<1x640x16xf32, #tpu.memory_space<hbm>> -> memref<640x16xf32, #tpu.memory_space<hbm>>
    tpu.enqueue_dma source(%dma_start3A_8 : memref<640x16xf32, #tpu.memory_space<hbm>>) target(%arg14 : memref<640x16xf32, #tpu.memory_space<vmem>>) target_semaphore(%arg22 : memref<!tpu.dma_semaphore, #tpu.memory_space<semaphore_mem>>)
    %dma_start3A_9 = arith.constant 1 : i32
    %dma_start3A_10 = arith.constant 0 : i32
    %dma_start3A_11 = tpu.memref_slice %arg4[%dma_start3A_9, %mul3A_2, %dma_start3A_10] : memref<2x10240x16xf32, #tpu.memory_space<hbm>> -> memref<1x640x16xf32, #tpu.memory_space<hbm>>
    %dma_start3A_12 = tpu.memref_squeeze %dma_start3A_11 : memref<1x640x16xf32, #tpu.memory_space<hbm>> -> memref<640x16xf32, #tpu.memory_space<hbm>>
    %dma_start3A_13 = arith.constant 0 : i32
    %dma_start3A_14 = tpu.memref_slice %arg4[%dma_start3A_9, %mul3A_2, %dma_start3A_13] : memref<2x10240x16xf32, #tpu.memory_space<hbm>> -> memref<1x640x16xf32, #tpu.memory_space<hbm>>
    %dma_start3A_15 = tpu.memref_squeeze %dma_start3A_14 : memref<1x640x16xf32, #tpu.memory_space<hbm>> -> memref<640x16xf32, #tpu.memory_space<hbm>>
    tpu.enqueue_dma source(%dma_start3A_15 : memref<640x16xf32, #tpu.memory_space<hbm>>) target(%arg15 : memref<640x16xf32, #tpu.memory_space<vmem>>) target_semaphore(%arg22 : memref<!tpu.dma_semaphore, #tpu.memory_space<semaphore_mem>>)
    %dma_start3A_16 = arith.constant 0 : i32
    %dma_start3A_17 = arith.constant 0 : i32
    %dma_start3A_18 = tpu.memref_slice %arg5[%dma_start3A_16, %mul3A_2, %dma_start3A_17] : memref<2x10240x16xf32, #tpu.memory_space<hbm>> -> memref<1x640x16xf32, #tpu.memory_space<hbm>>
    %dma_start3A_19 = tpu.memref_squeeze %dma_start3A_18 : memref<1x640x16xf32, #tpu.memory_space<hbm>> -> memref<640x16xf32, #tpu.memory_space<hbm>>
    %dma_start3A_20 = arith.constant 0 : i32
    %dma_start3A_21 = tpu.memref_slice %arg5[%dma_start3A_16, %mul3A_2, %dma_start3A_20] : memref<2x10240x16xf32, #tpu.memory_space<hbm>> -> memref<1x640x16xf32, #tpu.memory_space<hbm>>
    %dma_start3A_22 = tpu.memref_squeeze %dma_start3A_21 : memref<1x640x16xf32, #tpu.memory_space<hbm>> -> memref<640x16xf32, #tpu.memory_space<hbm>>
    tpu.enqueue_dma source(%dma_start3A_22 : memref<640x16xf32, #tpu.memory_space<hbm>>) target(%arg16 : memref<640x16xf32, #tpu.memory_space<vmem>>) target_semaphore(%arg22 : memref<!tpu.dma_semaphore, #tpu.memory_space<semaphore_mem>>)
    %dma_start3A_23 = arith.constant 1 : i32
    %dma_start3A_24 = arith.constant 0 : i32
    %dma_start3A_25 = tpu.memref_slice %arg5[%dma_start3A_23, %mul3A_2, %dma_start3A_24] : memref<2x10240x16xf32, #tpu.memory_space<hbm>> -> memref<1x640x16xf32, #tpu.memory_space<hbm>>
    %dma_start3A_26 = tpu.memref_squeeze %dma_start3A_25 : memref<1x640x16xf32, #tpu.memory_space<hbm>> -> memref<640x16xf32, #tpu.memory_space<hbm>>
    %dma_start3A_27 = arith.constant 0 : i32
    %dma_start3A_28 = tpu.memref_slice %arg5[%dma_start3A_23, %mul3A_2, %dma_start3A_27] : memref<2x10240x16xf32, #tpu.memory_space<hbm>> -> memref<1x640x16xf32, #tpu.memory_space<hbm>>
    %dma_start3A_29 = tpu.memref_squeeze %dma_start3A_28 : memref<1x640x16xf32, #tpu.memory_space<hbm>> -> memref<640x16xf32, #tpu.memory_space<hbm>>
    tpu.enqueue_dma source(%dma_start3A_29 : memref<640x16xf32, #tpu.memory_space<hbm>>) target(%arg17 : memref<640x16xf32, #tpu.memory_space<vmem>>) target_semaphore(%arg22 : memref<!tpu.dma_semaphore, #tpu.memory_space<semaphore_mem>>)
    %dma_start3A_30 = arith.constant 0 : i32
    %dma_start3A_31 = tpu.memref_slice %arg6[%mul3A_2, %dma_start3A_30] : memref<10240x16xf32, #tpu.memory_space<hbm>> -> memref<640x16xf32, #tpu.memory_space<hbm>>
    %dma_start3A_32 = arith.constant 0 : i32
    %dma_start3A_33 = tpu.memref_slice %arg6[%mul3A_2, %dma_start3A_32] : memref<10240x16xf32, #tpu.memory_space<hbm>> -> memref<640x16xf32, #tpu.memory_space<hbm>>
    tpu.enqueue_dma source(%dma_start3A_33 : memref<640x16xf32, #tpu.memory_space<hbm>>) target(%arg18 : memref<640x16xf32, #tpu.memory_space<vmem>>) target_semaphore(%arg22 : memref<!tpu.dma_semaphore, #tpu.memory_space<semaphore_mem>>)
    tpu.enqueue_dma source(%arg7 : memref<1x16xf32, #tpu.memory_space<hbm>>) target(%arg19 : memref<1x16xf32, #tpu.memory_space<vmem>>) target_semaphore(%arg22 : memref<!tpu.dma_semaphore, #tpu.memory_space<semaphore_mem>>)
    %dma_start3A_34 = arith.constant 0 : i32
    %dma_start3A_35 = arith.constant 0 : i32
    %dma_start3A_36 = tpu.memref_slice %arg2[%add3A, %dma_start3A_34, %dma_start3A_35] : memref<32x80x128xi32, #tpu.memory_space<hbm>> -> memref<1x80x128xi32, #tpu.memory_space<hbm>>
    %dma_start3A_37 = tpu.memref_squeeze %dma_start3A_36 : memref<1x80x128xi32, #tpu.memory_space<hbm>> -> memref<80x128xi32, #tpu.memory_space<hbm>>
    %dma_start3A_38 = arith.constant 0 : i32
    %dma_start3A_39 = arith.constant 0 : i32
    %dma_start3A_40 = tpu.memref_slice %arg2[%add3A, %dma_start3A_38, %dma_start3A_39] : memref<32x80x128xi32, #tpu.memory_space<hbm>> -> memref<1x80x128xi32, #tpu.memory_space<hbm>>
    %dma_start3A_41 = tpu.memref_squeeze %dma_start3A_40 : memref<1x80x128xi32, #tpu.memory_space<hbm>> -> memref<80x128xi32, #tpu.memory_space<hbm>>
    tpu.enqueue_dma source(%dma_start3A_41 : memref<80x128xi32, #tpu.memory_space<hbm>>) target(%arg10 : memref<80x128xi32, #tpu.memory_space<vmem>>) target_semaphore(%arg23 : memref<!tpu.dma_semaphore, #tpu.memory_space<semaphore_mem>>)
    %dma_start3A_42 = arith.constant 0 : i32
    %dma_start3A_43 = arith.constant 0 : i32
    %dma_start3A_44 = tpu.memref_slice %arg3[%add3A, %dma_start3A_42, %dma_start3A_43] : memref<32x80x128xi32, #tpu.memory_space<hbm>> -> memref<1x80x128xi32, #tpu.memory_space<hbm>>
    %dma_start3A_45 = tpu.memref_squeeze %dma_start3A_44 : memref<1x80x128xi32, #tpu.memory_space<hbm>> -> memref<80x128xi32, #tpu.memory_space<hbm>>
    %dma_start3A_46 = arith.constant 0 : i32
    %dma_start3A_47 = arith.constant 0 : i32
    %dma_start3A_48 = tpu.memref_slice %arg3[%add3A, %dma_start3A_46, %dma_start3A_47] : memref<32x80x128xi32, #tpu.memory_space<hbm>> -> memref<1x80x128xi32, #tpu.memory_space<hbm>>
    %dma_start3A_49 = tpu.memref_squeeze %dma_start3A_48 : memref<1x80x128xi32, #tpu.memory_space<hbm>> -> memref<80x128xi32, #tpu.memory_space<hbm>>
    tpu.enqueue_dma source(%dma_start3A_49 : memref<80x128xi32, #tpu.memory_space<hbm>>) target(%arg11 : memref<80x128xi32, #tpu.memory_space<vmem>>) target_semaphore(%arg23 : memref<!tpu.dma_semaphore, #tpu.memory_space<semaphore_mem>>)
    %broadcast_in_dim3A = arith.constant 0.000000e+00 : f32
    %broadcast_in_dim3A_50 = vector.broadcast %broadcast_in_dim3A : f32 to vector<16xf32>
    %scan3A = arith.constant 0 : i32
    %scan3A_51 = arith.constant 0 : i32
    %scan3A_52 = arith.constant 128 : i32
    %scan3A_53 = arith.addi %scan3A_51, %scan3A_52 : i32
    %scan3A_54 = arith.constant 1 : i32
    %scan3A_55 = scf.for %scan3A_289 = %scan3A_51 to %scan3A_53 step %scan3A_54 iter_args(%scan3A_290 = %scan3A) -> (i32)  : i32 {
      %swap3A = arith.index_cast %scan3A_289 : i32 to index
      %swap3A_291 = arith.constant 0 : index
      %swap3A_292 = tpu.vector_load %arg13[%swap3A, %swap3A_291] {strides = array<i32>} : memref<128x16xf32, #tpu.memory_space<vmem>>, vector<1x16xf32>,
      %swap3A_293 = vector.shape_cast %swap3A_292 : vector<1x16xf32> to vector<16xf32>
      %swap3A_294 = vector.shape_cast %broadcast_in_dim3A_50 : vector<16xf32> to vector<1x16xf32>
      tpu.vector_store %arg13[%swap3A, %swap3A_291], %swap3A_294 {strides = array<i32>} : memref<128x16xf32, #tpu.memory_space<vmem>>, vector<1x16xf32>,
      %scan3A_295 = arith.constant 0 : i32
      scf.yield %scan3A_295 : i32
    }
    %scan3A_56 = arith.constant 128 : i32
    %add3A_57 = arith.constant 0 : i32
    %add3A_58 = arith.addi %mul3A_2, %add3A_57 : i32
    %dma_start3A_59 = arith.constant 0 : i32
    %dma_start3A_60 = tpu.memref_slice %arg20[%add3A_58, %dma_start3A_59] : memref<10240x16xf32, #tpu.memory_space<vmem_shared>> -> memref<128x16xf32, #tpu.memory_space<vmem_shared>>
    %dma_start3A_61 = arith.constant 0 : i32
    %dma_start3A_62 = tpu.memref_slice %arg20[%add3A_58, %dma_start3A_61] : memref<10240x16xf32, #tpu.memory_space<vmem_shared>> -> memref<128x16xf32, #tpu.memory_space<vmem_shared>>
    tpu.enqueue_dma source(%arg13 : memref<128x16xf32, #tpu.memory_space<vmem>>) target(%dma_start3A_62 : memref<128x16xf32, #tpu.memory_space<vmem_shared>>) target_semaphore(%arg24 : memref<!tpu.dma_semaphore, #tpu.memory_space<semaphore_mem>>)
    %add3A_63 = arith.constant 128 : i32
    %add3A_64 = arith.addi %mul3A_2, %add3A_63 : i32
    %dma_start3A_65 = arith.constant 0 : i32
    %dma_start3A_66 = tpu.memref_slice %arg20[%add3A_64, %dma_start3A_65] : memref<10240x16xf32, #tpu.memory_space<vmem_shared>> -> memref<128x16xf32, #tpu.memory_space<vmem_shared>>
    %dma_start3A_67 = arith.constant 0 : i32
    %dma_start3A_68 = tpu.memref_slice %arg20[%add3A_64, %dma_start3A_67] : memref<10240x16xf32, #tpu.memory_space<vmem_shared>> -> memref<128x16xf32, #tpu.memory_space<vmem_shared>>
    tpu.enqueue_dma source(%arg13 : memref<128x16xf32, #tpu.memory_space<vmem>>) target(%dma_start3A_68 : memref<128x16xf32, #tpu.memory_space<vmem_shared>>) target_semaphore(%arg24 : memref<!tpu.dma_semaphore, #tpu.memory_space<semaphore_mem>>)
    %add3A_69 = arith.constant 256 : i32
    %add3A_70 = arith.addi %mul3A_2, %add3A_69 : i32
    %dma_start3A_71 = arith.constant 0 : i32
    %dma_start3A_72 = tpu.memref_slice %arg20[%add3A_70, %dma_start3A_71] : memref<10240x16xf32, #tpu.memory_space<vmem_shared>> -> memref<128x16xf32, #tpu.memory_space<vmem_shared>>
    %dma_start3A_73 = arith.constant 0 : i32
    %dma_start3A_74 = tpu.memref_slice %arg20[%add3A_70, %dma_start3A_73] : memref<10240x16xf32, #tpu.memory_space<vmem_shared>> -> memref<128x16xf32, #tpu.memory_space<vmem_shared>>
    tpu.enqueue_dma source(%arg13 : memref<128x16xf32, #tpu.memory_space<vmem>>) target(%dma_start3A_74 : memref<128x16xf32, #tpu.memory_space<vmem_shared>>) target_semaphore(%arg24 : memref<!tpu.dma_semaphore, #tpu.memory_space<semaphore_mem>>)
    %add3A_75 = arith.constant 384 : i32
    %add3A_76 = arith.addi %mul3A_2, %add3A_75 : i32
    %dma_start3A_77 = arith.constant 0 : i32
    %dma_start3A_78 = tpu.memref_slice %arg20[%add3A_76, %dma_start3A_77] : memref<10240x16xf32, #tpu.memory_space<vmem_shared>> -> memref<128x16xf32, #tpu.memory_space<vmem_shared>>
    %dma_start3A_79 = arith.constant 0 : i32
    %dma_start3A_80 = tpu.memref_slice %arg20[%add3A_76, %dma_start3A_79] : memref<10240x16xf32, #tpu.memory_space<vmem_shared>> -> memref<128x16xf32, #tpu.memory_space<vmem_shared>>
    tpu.enqueue_dma source(%arg13 : memref<128x16xf32, #tpu.memory_space<vmem>>) target(%dma_start3A_80 : memref<128x16xf32, #tpu.memory_space<vmem_shared>>) target_semaphore(%arg24 : memref<!tpu.dma_semaphore, #tpu.memory_space<semaphore_mem>>)
    %add3A_81 = arith.constant 512 : i32
    %add3A_82 = arith.addi %mul3A_2, %add3A_81 : i32
    %dma_start3A_83 = arith.constant 0 : i32
    %dma_start3A_84 = tpu.memref_slice %arg20[%add3A_82, %dma_start3A_83] : memref<10240x16xf32, #tpu.memory_space<vmem_shared>> -> memref<128x16xf32, #tpu.memory_space<vmem_shared>>
    %dma_start3A_85 = arith.constant 0 : i32
    %dma_start3A_86 = tpu.memref_slice %arg20[%add3A_82, %dma_start3A_85] : memref<10240x16xf32, #tpu.memory_space<vmem_shared>> -> memref<128x16xf32, #tpu.memory_space<vmem_shared>>
    tpu.enqueue_dma source(%arg13 : memref<128x16xf32, #tpu.memory_space<vmem>>) target(%dma_start3A_86 : memref<128x16xf32, #tpu.memory_space<vmem_shared>>) target_semaphore(%arg24 : memref<!tpu.dma_semaphore, #tpu.memory_space<semaphore_mem>>)
    %dma_wait3A = arith.constant 0 : i32
    %dma_wait3A_87 = arith.constant 0 : i32
    %dma_wait3A_88 = tpu.memref_slice %arg4[%dma_wait3A, %mul3A_2, %dma_wait3A_87] : memref<2x10240x16xf32, #tpu.memory_space<hbm>> -> memref<1x640x16xf32, #tpu.memory_space<hbm>>
    %dma_wait3A_89 = tpu.memref_squeeze %dma_wait3A_88 : memref<1x640x16xf32, #tpu.memory_space<hbm>> -> memref<640x16xf32, #tpu.memory_space<hbm>>
    %dma_wait3A_90 = arith.constant 0 : i32
    %dma_wait3A_91 = tpu.memref_slice %arg4[%dma_wait3A, %mul3A_2, %dma_wait3A_90] : memref<2x10240x16xf32, #tpu.memory_space<hbm>> -> memref<1x640x16xf32, #tpu.memory_space<hbm>>
    %dma_wait3A_92 = tpu.memref_squeeze %dma_wait3A_91 : memref<1x640x16xf32, #tpu.memory_space<hbm>> -> memref<640x16xf32, #tpu.memory_space<hbm>>
    tpu.wait_dma2 semaphore(%arg22 : memref<!tpu.dma_semaphore, #tpu.memory_space<semaphore_mem>>) src(%dma_wait3A_92 : memref<640x16xf32, #tpu.memory_space<hbm>>) dst(%arg14 : memref<640x16xf32, #tpu.memory_space<vmem>>)
    %dma_wait3A_93 = arith.constant 1 : i32
    %dma_wait3A_94 = arith.constant 0 : i32
    %dma_wait3A_95 = tpu.memref_slice %arg4[%dma_wait3A_93, %mul3A_2, %dma_wait3A_94] : memref<2x10240x16xf32, #tpu.memory_space<hbm>> -> memref<1x640x16xf32, #tpu.memory_space<hbm>>
    %dma_wait3A_96 = tpu.memref_squeeze %dma_wait3A_95 : memref<1x640x16xf32, #tpu.memory_space<hbm>> -> memref<640x16xf32, #tpu.memory_space<hbm>>
    %dma_wait3A_97 = arith.constant 0 : i32
    %dma_wait3A_98 = tpu.memref_slice %arg4[%dma_wait3A_93, %mul3A_2, %dma_wait3A_97] : memref<2x10240x16xf32, #tpu.memory_space<hbm>> -> memref<1x640x16xf32, #tpu.memory_space<hbm>>
    %dma_wait3A_99 = tpu.memref_squeeze %dma_wait3A_98 : memref<1x640x16xf32, #tpu.memory_space<hbm>> -> memref<640x16xf32, #tpu.memory_space<hbm>>
    tpu.wait_dma2 semaphore(%arg22 : memref<!tpu.dma_semaphore, #tpu.memory_space<semaphore_mem>>) src(%dma_wait3A_99 : memref<640x16xf32, #tpu.memory_space<hbm>>) dst(%arg15 : memref<640x16xf32, #tpu.memory_space<vmem>>)
    %dma_wait3A_100 = arith.constant 0 : i32
    %dma_wait3A_101 = arith.constant 0 : i32
    %dma_wait3A_102 = tpu.memref_slice %arg5[%dma_wait3A_100, %mul3A_2, %dma_wait3A_101] : memref<2x10240x16xf32, #tpu.memory_space<hbm>> -> memref<1x640x16xf32, #tpu.memory_space<hbm>>
    %dma_wait3A_103 = tpu.memref_squeeze %dma_wait3A_102 : memref<1x640x16xf32, #tpu.memory_space<hbm>> -> memref<640x16xf32, #tpu.memory_space<hbm>>
    %dma_wait3A_104 = arith.constant 0 : i32
    %dma_wait3A_105 = tpu.memref_slice %arg5[%dma_wait3A_100, %mul3A_2, %dma_wait3A_104] : memref<2x10240x16xf32, #tpu.memory_space<hbm>> -> memref<1x640x16xf32, #tpu.memory_space<hbm>>
    %dma_wait3A_106 = tpu.memref_squeeze %dma_wait3A_105 : memref<1x640x16xf32, #tpu.memory_space<hbm>> -> memref<640x16xf32, #tpu.memory_space<hbm>>
    tpu.wait_dma2 semaphore(%arg22 : memref<!tpu.dma_semaphore, #tpu.memory_space<semaphore_mem>>) src(%dma_wait3A_106 : memref<640x16xf32, #tpu.memory_space<hbm>>) dst(%arg16 : memref<640x16xf32, #tpu.memory_space<vmem>>)
    %dma_wait3A_107 = arith.constant 1 : i32
    %dma_wait3A_108 = arith.constant 0 : i32
    %dma_wait3A_109 = tpu.memref_slice %arg5[%dma_wait3A_107, %mul3A_2, %dma_wait3A_108] : memref<2x10240x16xf32, #tpu.memory_space<hbm>> -> memref<1x640x16xf32, #tpu.memory_space<hbm>>
    %dma_wait3A_110 = tpu.memref_squeeze %dma_wait3A_109 : memref<1x640x16xf32, #tpu.memory_space<hbm>> -> memref<640x16xf32, #tpu.memory_space<hbm>>
    %dma_wait3A_111 = arith.constant 0 : i32
    %dma_wait3A_112 = tpu.memref_slice %arg5[%dma_wait3A_107, %mul3A_2, %dma_wait3A_111] : memref<2x10240x16xf32, #tpu.memory_space<hbm>> -> memref<1x640x16xf32, #tpu.memory_space<hbm>>
    %dma_wait3A_113 = tpu.memref_squeeze %dma_wait3A_112 : memref<1x640x16xf32, #tpu.memory_space<hbm>> -> memref<640x16xf32, #tpu.memory_space<hbm>>
    tpu.wait_dma2 semaphore(%arg22 : memref<!tpu.dma_semaphore, #tpu.memory_space<semaphore_mem>>) src(%dma_wait3A_113 : memref<640x16xf32, #tpu.memory_space<hbm>>) dst(%arg17 : memref<640x16xf32, #tpu.memory_space<vmem>>)
    %dma_wait3A_114 = arith.constant 0 : i32
    %dma_wait3A_115 = tpu.memref_slice %arg6[%mul3A_2, %dma_wait3A_114] : memref<10240x16xf32, #tpu.memory_space<hbm>> -> memref<640x16xf32, #tpu.memory_space<hbm>>
    %dma_wait3A_116 = arith.constant 0 : i32
    %dma_wait3A_117 = tpu.memref_slice %arg6[%mul3A_2, %dma_wait3A_116] : memref<10240x16xf32, #tpu.memory_space<hbm>> -> memref<640x16xf32, #tpu.memory_space<hbm>>
    tpu.wait_dma2 semaphore(%arg22 : memref<!tpu.dma_semaphore, #tpu.memory_space<semaphore_mem>>) src(%dma_wait3A_117 : memref<640x16xf32, #tpu.memory_space<hbm>>) dst(%arg18 : memref<640x16xf32, #tpu.memory_space<vmem>>)
    tpu.wait_dma2 semaphore(%arg22 : memref<!tpu.dma_semaphore, #tpu.memory_space<semaphore_mem>>) src(%arg7 : memref<1x16xf32, #tpu.memory_space<hbm>>) dst(%arg19 : memref<1x16xf32, #tpu.memory_space<vmem>>)
    %get3A = arith.constant 0 : i32
    %get3A_118 = arith.index_cast %get3A : i32 to index
    %get3A_119 = arith.constant 0 : index
    %get3A_120 = tpu.vector_load %arg19[%get3A_118, %get3A_119] {strides = array<i32>} : memref<1x16xf32, #tpu.memory_space<vmem>>, vector<1x16xf32>,
    %get3A_121 = vector.shape_cast %get3A_120 : vector<1x16xf32> to vector<16xf32>
    %scan3A_122 = arith.constant 0 : i32
    %scan3A_123 = arith.constant 0 : i32
    %scan3A_124 = arith.constant 640 : i32
    %scan3A_125 = arith.addi %scan3A_123, %scan3A_124 : i32
    %scan3A_126 = arith.constant 1 : i32
    %scan3A_127 = scf.for %scan3A_289 = %scan3A_123 to %scan3A_125 step %scan3A_126 iter_args(%scan3A_290 = %scan3A_122) -> (i32)  : i32 {
      %get3A_291 = arith.index_cast %scan3A_289 : i32 to index
      %get3A_292 = arith.constant 0 : index
      %get3A_293 = tpu.vector_load %arg14[%get3A_291, %get3A_292] {strides = array<i32>} : memref<640x16xf32, #tpu.memory_space<vmem>>, vector<1x16xf32>,
      %get3A_294 = vector.shape_cast %get3A_293 : vector<1x16xf32> to vector<16xf32>
      %get3A_295 = arith.index_cast %scan3A_289 : i32 to index
      %get3A_296 = arith.constant 0 : index
      %get3A_297 = tpu.vector_load %arg15[%get3A_295, %get3A_296] {strides = array<i32>} : memref<640x16xf32, #tpu.memory_space<vmem>>, vector<1x16xf32>,
      %get3A_298 = vector.shape_cast %get3A_297 : vector<1x16xf32> to vector<16xf32>
      %add3A_299 = arith.addf %get3A_294, %get3A_298 : vector<16xf32>
      %add3A_300 = arith.constant 1.000000e+00 : f32
      %add3A_301 = vector.broadcast %add3A_300 : f32 to vector<16xf32>
      %add3A_302 = arith.addf %add3A_299, %add3A_301 : vector<16xf32>
      %bitcast_convert_type3A = tpu.bitcast %add3A_302 : vector<16xf32> -> vector<16xi32>
      %shift_right_logical3A = arith.constant 1 : i32
      %shift_right_logical3A_303 = vector.broadcast %shift_right_logical3A : i32 to vector<16xi32>
      %shift_right_logical3A_304 = arith.shrui %bitcast_convert_type3A, %shift_right_logical3A_303 : vector<16xi32>
      %sub3A = arith.constant 1597463007 : i32
      %sub3A_305 = vector.broadcast %sub3A : i32 to vector<16xi32>
      %sub3A_306 = arith.subi %sub3A_305, %shift_right_logical3A_304 : vector<16xi32>
      %bitcast_convert_type3A_307 = tpu.bitcast %sub3A_306 : vector<16xi32> -> vector<16xf32>
      %mul3A_308 = arith.constant 5.000000e-01 : f32
      %mul3A_309 = vector.broadcast %mul3A_308 : f32 to vector<16xf32>
      %mul3A_310 = arith.mulf %mul3A_309, %add3A_302 : vector<16xf32>
      %mul3A_311 = arith.mulf %mul3A_310, %bitcast_convert_type3A_307 : vector<16xf32>
      %mul3A_312 = arith.mulf %mul3A_311, %bitcast_convert_type3A_307 : vector<16xf32>
      %sub3A_313 = arith.constant 1.500000e+00 : f32
      %sub3A_314 = vector.broadcast %sub3A_313 : f32 to vector<16xf32>
      %sub3A_315 = arith.subf %sub3A_314, %mul3A_312 : vector<16xf32>
      %mul3A_316 = arith.mulf %bitcast_convert_type3A_307, %sub3A_315 : vector<16xf32>
      %mul3A_317 = arith.constant 5.000000e-01 : f32
      %mul3A_318 = vector.broadcast %mul3A_317 : f32 to vector<16xf32>
      %mul3A_319 = arith.mulf %mul3A_318, %add3A_302 : vector<16xf32>
      %mul3A_320 = arith.mulf %mul3A_319, %mul3A_316 : vector<16xf32>
      %mul3A_321 = arith.mulf %mul3A_320, %mul3A_316 : vector<16xf32>
      %sub3A_322 = arith.constant 1.500000e+00 : f32
      %sub3A_323 = vector.broadcast %sub3A_322 : f32 to vector<16xf32>
      %sub3A_324 = arith.subf %sub3A_323, %mul3A_321 : vector<16xf32>
      %mul3A_325 = arith.mulf %mul3A_316, %sub3A_324 : vector<16xf32>
      %mul3A_326 = arith.constant 5.000000e-01 : f32
      %mul3A_327 = vector.broadcast %mul3A_326 : f32 to vector<16xf32>
      %mul3A_328 = arith.mulf %mul3A_327, %add3A_302 : vector<16xf32>
      %mul3A_329 = arith.mulf %mul3A_328, %mul3A_325 : vector<16xf32>
      %mul3A_330 = arith.mulf %mul3A_329, %mul3A_325 : vector<16xf32>
      %sub3A_331 = arith.constant 1.500000e+00 : f32
      %sub3A_332 = vector.broadcast %sub3A_331 : f32 to vector<16xf32>
      %sub3A_333 = arith.subf %sub3A_332, %mul3A_330 : vector<16xf32>
      %mul3A_334 = arith.mulf %mul3A_325, %sub3A_333 : vector<16xf32>
      %get3A_335 = arith.index_cast %scan3A_289 : i32 to index
      %get3A_336 = arith.constant 0 : index
      %get3A_337 = tpu.vector_load %arg16[%get3A_335, %get3A_336] {strides = array<i32>} : memref<640x16xf32, #tpu.memory_space<vmem>>, vector<1x16xf32>,
      %get3A_338 = vector.shape_cast %get3A_337 : vector<1x16xf32> to vector<16xf32>
      %get3A_339 = arith.index_cast %scan3A_289 : i32 to index
      %get3A_340 = arith.constant 0 : index
      %get3A_341 = tpu.vector_load %arg17[%get3A_339, %get3A_340] {strides = array<i32>} : memref<640x16xf32, #tpu.memory_space<vmem>>, vector<1x16xf32>,
      %get3A_342 = vector.shape_cast %get3A_341 : vector<1x16xf32> to vector<16xf32>
      %add3A_343 = arith.addf %get3A_338, %get3A_342 : vector<16xf32>
      %get3A_344 = arith.index_cast %scan3A_289 : i32 to index
      %get3A_345 = arith.constant 0 : index
      %get3A_346 = tpu.vector_load %arg18[%get3A_344, %get3A_345] {strides = array<i32>} : memref<640x16xf32, #tpu.memory_space<vmem>>, vector<1x16xf32>,
      %get3A_347 = vector.shape_cast %get3A_346 : vector<1x16xf32> to vector<16xf32>
      %add3A_348 = arith.addf %add3A_343, %get3A_347 : vector<16xf32>
      %mul3A_349 = arith.mulf %mul3A_334, %add3A_348 : vector<16xf32>
      %add3A_350 = arith.addf %mul3A_349, %get3A_121 : vector<16xf32>
      %max3A = arith.constant 0.000000e+00 : f32
      %max3A_351 = vector.broadcast %max3A : f32 to vector<16xf32>
      %max3A_352 = arith.maximumf %add3A_350, %max3A_351 : vector<16xf32>
      %mul3A_353 = arith.mulf %mul3A_334, %max3A_352 : vector<16xf32>
      %swap3A = arith.index_cast %scan3A_289 : i32 to index
      %swap3A_354 = arith.constant 0 : index
      %swap3A_355 = tpu.vector_load %arg18[%swap3A, %swap3A_354] {strides = array<i32>} : memref<640x16xf32, #tpu.memory_space<vmem>>, vector<1x16xf32>,
      %swap3A_356 = vector.shape_cast %swap3A_355 : vector<1x16xf32> to vector<16xf32>
      %swap3A_357 = vector.shape_cast %mul3A_353 : vector<16xf32> to vector<1x16xf32>
      tpu.vector_store %arg18[%swap3A, %swap3A_354], %swap3A_357 {strides = array<i32>} : memref<640x16xf32, #tpu.memory_space<vmem>>, vector<1x16xf32>,
      %scan3A_358 = arith.constant 0 : i32
      scf.yield %scan3A_358 : i32
    }
    %scan3A_128 = arith.constant 640 : i32
    "tpu.region"() ({
      %run_scoped3A = tpu.sem_alloc : memref<!tpu.dma_semaphore, #tpu.memory_space<semaphore_mem>>
      %dma_start3A_289 = arith.constant 0 : i32
      %dma_start3A_290 = tpu.memref_slice %arg21[%mul3A_2, %dma_start3A_289] : memref<10240x16xf32, #tpu.memory_space<vmem_shared>> -> memref<640x16xf32, #tpu.memory_space<vmem_shared>>
      %dma_start3A_291 = arith.constant 0 : i32
      %dma_start3A_292 = tpu.memref_slice %arg21[%mul3A_2, %dma_start3A_291] : memref<10240x16xf32, #tpu.memory_space<vmem_shared>> -> memref<640x16xf32, #tpu.memory_space<vmem_shared>>
      tpu.enqueue_dma source(%arg18 : memref<640x16xf32, #tpu.memory_space<vmem>>) target(%dma_start3A_292 : memref<640x16xf32, #tpu.memory_space<vmem_shared>>) target_semaphore(%run_scoped3A : memref<!tpu.dma_semaphore, #tpu.memory_space<semaphore_mem>>)
      %dma_wait3A_293 = arith.constant 0 : i32
      %dma_wait3A_294 = tpu.memref_slice %arg21[%mul3A_2, %dma_wait3A_293] : memref<10240x16xf32, #tpu.memory_space<vmem_shared>> -> memref<640x16xf32, #tpu.memory_space<vmem_shared>>
      %dma_wait3A_295 = arith.constant 0 : i32
      %dma_wait3A_296 = tpu.memref_slice %arg21[%mul3A_2, %dma_wait3A_295] : memref<10240x16xf32, #tpu.memory_space<vmem_shared>> -> memref<640x16xf32, #tpu.memory_space<vmem_shared>>
      tpu.wait_dma2 semaphore(%run_scoped3A : memref<!tpu.dma_semaphore, #tpu.memory_space<semaphore_mem>>) src(%arg18 : memref<640x16xf32, #tpu.memory_space<vmem>>) dst(%dma_wait3A_296 : memref<640x16xf32, #tpu.memory_space<vmem_shared>>)
      tpu.yield
    }) : () -> ()
    %eq3A = arith.constant 0 : i32
    %eq3A_129 = arith.cmpi eq, %arg0, %eq3A : i32
    %convert_element_type3A = arith.extui %eq3A_129 : i1 to i32
    %cond3A = arith.constant 0 : i32
    %cond3A_130 = arith.cmpi ne, %convert_element_type3A, %cond3A : i32
    scf.if %cond3A_130 {
      "tpu.region"() ({
        %run_scoped3A = tpu.sem_alloc : memref<!tpu.dma_semaphore, #tpu.memory_space<semaphore_mem>>
        %dma_start3A_289 = arith.constant 0 : i32
        %dma_start3A_290 = tpu.memref_slice %arg9[%mul3A_2, %dma_start3A_289] : memref<10240x16xf32, #tpu.memory_space<hbm>> -> memref<640x16xf32, #tpu.memory_space<hbm>>
        %dma_start3A_291 = arith.constant 0 : i32
        %dma_start3A_292 = tpu.memref_slice %arg9[%mul3A_2, %dma_start3A_291] : memref<10240x16xf32, #tpu.memory_space<hbm>> -> memref<640x16xf32, #tpu.memory_space<hbm>>
        tpu.enqueue_dma source(%arg18 : memref<640x16xf32, #tpu.memory_space<vmem>>) target(%dma_start3A_292 : memref<640x16xf32, #tpu.memory_space<hbm>>) target_semaphore(%run_scoped3A : memref<!tpu.dma_semaphore, #tpu.memory_space<semaphore_mem>>)
        %dma_wait3A_293 = arith.constant 0 : i32
        %dma_wait3A_294 = tpu.memref_slice %arg9[%mul3A_2, %dma_wait3A_293] : memref<10240x16xf32, #tpu.memory_space<hbm>> -> memref<640x16xf32, #tpu.memory_space<hbm>>
        %dma_wait3A_295 = arith.constant 0 : i32
        %dma_wait3A_296 = tpu.memref_slice %arg9[%mul3A_2, %dma_wait3A_295] : memref<10240x16xf32, #tpu.memory_space<hbm>> -> memref<640x16xf32, #tpu.memory_space<hbm>>
        tpu.wait_dma2 semaphore(%run_scoped3A : memref<!tpu.dma_semaphore, #tpu.memory_space<semaphore_mem>>) src(%arg18 : memref<640x16xf32, #tpu.memory_space<vmem>>) dst(%dma_wait3A_296 : memref<640x16xf32, #tpu.memory_space<hbm>>)
        tpu.yield
      }) : () -> ()
    } else {
    }
    %dma_wait3A_131 = arith.constant 0 : i32
    %dma_wait3A_132 = arith.constant 0 : i32
    %dma_wait3A_133 = tpu.memref_slice %arg2[%add3A, %dma_wait3A_131, %dma_wait3A_132] : memref<32x80x128xi32, #tpu.memory_space<hbm>> -> memref<1x80x128xi32, #tpu.memory_space<hbm>>
    %dma_wait3A_134 = tpu.memref_squeeze %dma_wait3A_133 : memref<1x80x128xi32, #tpu.memory_space<hbm>> -> memref<80x128xi32, #tpu.memory_space<hbm>>
    %dma_wait3A_135 = arith.constant 0 : i32
    %dma_wait3A_136 = arith.constant 0 : i32
    %dma_wait3A_137 = tpu.memref_slice %arg2[%add3A, %dma_wait3A_135, %dma_wait3A_136] : memref<32x80x128xi32, #tpu.memory_space<hbm>> -> memref<1x80x128xi32, #tpu.memory_space<hbm>>
    %dma_wait3A_138 = tpu.memref_squeeze %dma_wait3A_137 : memref<1x80x128xi32, #tpu.memory_space<hbm>> -> memref<80x128xi32, #tpu.memory_space<hbm>>
    tpu.wait_dma2 semaphore(%arg23 : memref<!tpu.dma_semaphore, #tpu.memory_space<semaphore_mem>>) src(%dma_wait3A_138 : memref<80x128xi32, #tpu.memory_space<hbm>>) dst(%arg10 : memref<80x128xi32, #tpu.memory_space<vmem>>)
    %dma_wait3A_139 = arith.constant 0 : i32
    %dma_wait3A_140 = arith.constant 0 : i32
    %dma_wait3A_141 = tpu.memref_slice %arg3[%add3A, %dma_wait3A_139, %dma_wait3A_140] : memref<32x80x128xi32, #tpu.memory_space<hbm>> -> memref<1x80x128xi32, #tpu.memory_space<hbm>>
    %dma_wait3A_142 = tpu.memref_squeeze %dma_wait3A_141 : memref<1x80x128xi32, #tpu.memory_space<hbm>> -> memref<80x128xi32, #tpu.memory_space<hbm>>
    %dma_wait3A_143 = arith.constant 0 : i32
    %dma_wait3A_144 = arith.constant 0 : i32
    %dma_wait3A_145 = tpu.memref_slice %arg3[%add3A, %dma_wait3A_143, %dma_wait3A_144] : memref<32x80x128xi32, #tpu.memory_space<hbm>> -> memref<1x80x128xi32, #tpu.memory_space<hbm>>
    %dma_wait3A_146 = tpu.memref_squeeze %dma_wait3A_145 : memref<1x80x128xi32, #tpu.memory_space<hbm>> -> memref<80x128xi32, #tpu.memory_space<hbm>>
    tpu.wait_dma2 semaphore(%arg23 : memref<!tpu.dma_semaphore, #tpu.memory_space<semaphore_mem>>) src(%dma_wait3A_146 : memref<80x128xi32, #tpu.memory_space<hbm>>) dst(%arg11 : memref<80x128xi32, #tpu.memory_space<vmem>>)
    %add3A_147 = arith.constant 0 : i32
    %add3A_148 = arith.addi %mul3A_2, %add3A_147 : i32
    %dma_wait3A_149 = arith.constant 0 : i32
    %dma_wait3A_150 = tpu.memref_slice %arg20[%add3A_148, %dma_wait3A_149] : memref<10240x16xf32, #tpu.memory_space<vmem_shared>> -> memref<128x16xf32, #tpu.memory_space<vmem_shared>>
    %dma_wait3A_151 = arith.constant 0 : i32
    %dma_wait3A_152 = tpu.memref_slice %arg20[%add3A_148, %dma_wait3A_151] : memref<10240x16xf32, #tpu.memory_space<vmem_shared>> -> memref<128x16xf32, #tpu.memory_space<vmem_shared>>
    tpu.wait_dma2 semaphore(%arg24 : memref<!tpu.dma_semaphore, #tpu.memory_space<semaphore_mem>>) src(%arg13 : memref<128x16xf32, #tpu.memory_space<vmem>>) dst(%dma_wait3A_152 : memref<128x16xf32, #tpu.memory_space<vmem_shared>>)
    %add3A_153 = arith.constant 128 : i32
    %add3A_154 = arith.addi %mul3A_2, %add3A_153 : i32
    %dma_wait3A_155 = arith.constant 0 : i32
    %dma_wait3A_156 = tpu.memref_slice %arg20[%add3A_154, %dma_wait3A_155] : memref<10240x16xf32, #tpu.memory_space<vmem_shared>> -> memref<128x16xf32, #tpu.memory_space<vmem_shared>>
    %dma_wait3A_157 = arith.constant 0 : i32
    %dma_wait3A_158 = tpu.memref_slice %arg20[%add3A_154, %dma_wait3A_157] : memref<10240x16xf32, #tpu.memory_space<vmem_shared>> -> memref<128x16xf32, #tpu.memory_space<vmem_shared>>
    tpu.wait_dma2 semaphore(%arg24 : memref<!tpu.dma_semaphore, #tpu.memory_space<semaphore_mem>>) src(%arg13 : memref<128x16xf32, #tpu.memory_space<vmem>>) dst(%dma_wait3A_158 : memref<128x16xf32, #tpu.memory_space<vmem_shared>>)
    %add3A_159 = arith.constant 256 : i32
    %add3A_160 = arith.addi %mul3A_2, %add3A_159 : i32
    %dma_wait3A_161 = arith.constant 0 : i32
    %dma_wait3A_162 = tpu.memref_slice %arg20[%add3A_160, %dma_wait3A_161] : memref<10240x16xf32, #tpu.memory_space<vmem_shared>> -> memref<128x16xf32, #tpu.memory_space<vmem_shared>>
    %dma_wait3A_163 = arith.constant 0 : i32
    %dma_wait3A_164 = tpu.memref_slice %arg20[%add3A_160, %dma_wait3A_163] : memref<10240x16xf32, #tpu.memory_space<vmem_shared>> -> memref<128x16xf32, #tpu.memory_space<vmem_shared>>
    tpu.wait_dma2 semaphore(%arg24 : memref<!tpu.dma_semaphore, #tpu.memory_space<semaphore_mem>>) src(%arg13 : memref<128x16xf32, #tpu.memory_space<vmem>>) dst(%dma_wait3A_164 : memref<128x16xf32, #tpu.memory_space<vmem_shared>>)
    %add3A_165 = arith.constant 384 : i32
    %add3A_166 = arith.addi %mul3A_2, %add3A_165 : i32
    %dma_wait3A_167 = arith.constant 0 : i32
    %dma_wait3A_168 = tpu.memref_slice %arg20[%add3A_166, %dma_wait3A_167] : memref<10240x16xf32, #tpu.memory_space<vmem_shared>> -> memref<128x16xf32, #tpu.memory_space<vmem_shared>>
    %dma_wait3A_169 = arith.constant 0 : i32
    %dma_wait3A_170 = tpu.memref_slice %arg20[%add3A_166, %dma_wait3A_169] : memref<10240x16xf32, #tpu.memory_space<vmem_shared>> -> memref<128x16xf32, #tpu.memory_space<vmem_shared>>
    tpu.wait_dma2 semaphore(%arg24 : memref<!tpu.dma_semaphore, #tpu.memory_space<semaphore_mem>>) src(%arg13 : memref<128x16xf32, #tpu.memory_space<vmem>>) dst(%dma_wait3A_170 : memref<128x16xf32, #tpu.memory_space<vmem_shared>>)
    %add3A_171 = arith.constant 512 : i32
    %add3A_172 = arith.addi %mul3A_2, %add3A_171 : i32
    %dma_wait3A_173 = arith.constant 0 : i32
    %dma_wait3A_174 = tpu.memref_slice %arg20[%add3A_172, %dma_wait3A_173] : memref<10240x16xf32, #tpu.memory_space<vmem_shared>> -> memref<128x16xf32, #tpu.memory_space<vmem_shared>>
    %dma_wait3A_175 = arith.constant 0 : i32
    %dma_wait3A_176 = tpu.memref_slice %arg20[%add3A_172, %dma_wait3A_175] : memref<10240x16xf32, #tpu.memory_space<vmem_shared>> -> memref<128x16xf32, #tpu.memory_space<vmem_shared>>
    tpu.wait_dma2 semaphore(%arg24 : memref<!tpu.dma_semaphore, #tpu.memory_space<semaphore_mem>>) src(%arg13 : memref<128x16xf32, #tpu.memory_space<vmem>>) dst(%dma_wait3A_176 : memref<128x16xf32, #tpu.memory_space<vmem_shared>>)
    %barrier3A = arith.constant 0 : index
    tpu.barrier barrier_id(%barrier3A)
    %dma_start3A_177 = arith.constant 0 : i32
    %dma_start3A_178 = arith.constant 0 : i32
    %dma_start3A_179 = arith.constant 0 : i32
    %dma_start3A_180 = arith.constant 0 : i32
    %dma_start3A_181 = arith.constant 0 : i32
    %dma_start3A_182 = tpu.memref_slice %arg12[%dma_start3A_178, %dma_start3A_179, %dma_start3A_180, %dma_start3A_181] : memref<2x4x128x16xf32, #tpu.memory_space<vmem>> -> memref<1x1x128x16xf32, #tpu.memory_space<vmem>>
    %dma_start3A_183 = tpu.memref_squeeze %dma_start3A_182 : memref<1x1x128x16xf32, #tpu.memory_space<vmem>> -> memref<128x16xf32, #tpu.memory_space<vmem>>
    %dma_start3A_184 = arith.constant 0 : i32
    %dma_start3A_185 = tpu.memref_slice %arg10[%dma_start3A_177, %dma_start3A_184] : memref<80x128xi32, #tpu.memory_space<vmem>> -> memref<1x128xi32, #tpu.memory_space<vmem>>
    %dma_start3A_186 = tpu.memref_squeeze %dma_start3A_185 : memref<1x128xi32, #tpu.memory_space<vmem>> -> memref<128xi32, #tpu.memory_space<vmem>>
    %dma_start3A_187 = arith.constant 0 : i32
    %dma_start3A_188 = arith.constant 0 : i32
    %dma_start3A_189 = tpu.memref_slice %arg21[%dma_start3A_187, %dma_start3A_188] : memref<10240x16xf32, #tpu.memory_space<vmem_shared>> -> memref<10240x16xf32, #tpu.memory_space<vmem_shared>>
    tpu.enqueue_indirect_dma source(%dma_start3A_189 : memref<10240x16xf32, #tpu.memory_space<vmem_shared>>) target(%dma_start3A_183 : memref<128x16xf32, #tpu.memory_space<vmem>>) offsets(%dma_start3A_186 : memref<128xi32, #tpu.memory_space<vmem>>) semaphore(%arg22 : memref<!tpu.dma_semaphore, #tpu.memory_space<semaphore_mem>>)
    %dma_start3A_190 = arith.constant 1 : i32
    %dma_start3A_191 = arith.constant 0 : i32
    %dma_start3A_192 = arith.constant 1 : i32
    %dma_start3A_193 = arith.constant 0 : i32
    %dma_start3A_194 = arith.constant 0 : i32
    %dma_start3A_195 = tpu.memref_slice %arg12[%dma_start3A_191, %dma_start3A_192, %dma_start3A_193, %dma_start3A_194] : memref<2x4x128x16xf32, #tpu.memory_space<vmem>> -> memref<1x1x128x16xf32, #tpu.memory_space<vmem>>
    %dma_start3A_196 = tpu.memref_squeeze %dma_start3A_195 : memref<1x1x128x16xf32, #tpu.memory_space<vmem>> -> memref<128x16xf32, #tpu.memory_space<vmem>>
    %dma_start3A_197 = arith.constant 0 : i32
    %dma_start3A_198 = tpu.memref_slice %arg10[%dma_start3A_190, %dma_start3A_197] : memref<80x128xi32, #tpu.memory_space<vmem>> -> memref<1x128xi32, #tpu.memory_space<vmem>>
    %dma_start3A_199 = tpu.memref_squeeze %dma_start3A_198 : memref<1x128xi32, #tpu.memory_space<vmem>> -> memref<128xi32, #tpu.memory_space<vmem>>
    %dma_start3A_200 = arith.constant 0 : i32
    %dma_start3A_201 = arith.constant 0 : i32
    %dma_start3A_202 = tpu.memref_slice %arg21[%dma_start3A_200, %dma_start3A_201] : memref<10240x16xf32, #tpu.memory_space<vmem_shared>> -> memref<10240x16xf32, #tpu.memory_space<vmem_shared>>
    tpu.enqueue_indirect_dma source(%dma_start3A_202 : memref<10240x16xf32, #tpu.memory_space<vmem_shared>>) target(%dma_start3A_196 : memref<128x16xf32, #tpu.memory_space<vmem>>) offsets(%dma_start3A_199 : memref<128xi32, #tpu.memory_space<vmem>>) semaphore(%arg22 : memref<!tpu.dma_semaphore, #tpu.memory_space<semaphore_mem>>)
    %dma_start3A_203 = arith.constant 2 : i32
    %dma_start3A_204 = arith.constant 0 : i32
    %dma_start3A_205 = arith.constant 2 : i32
    %dma_start3A_206 = arith.constant 0 : i32
    %dma_start3A_207 = arith.constant 0 : i32
    %dma_start3A_208 = tpu.memref_slice %arg12[%dma_start3A_204, %dma_start3A_205, %dma_start3A_206, %dma_start3A_207] : memref<2x4x128x16xf32, #tpu.memory_space<vmem>> -> memref<1x1x128x16xf32, #tpu.memory_space<vmem>>
    %dma_start3A_209 = tpu.memref_squeeze %dma_start3A_208 : memref<1x1x128x16xf32, #tpu.memory_space<vmem>> -> memref<128x16xf32, #tpu.memory_space<vmem>>
    %dma_start3A_210 = arith.constant 0 : i32
    %dma_start3A_211 = tpu.memref_slice %arg10[%dma_start3A_203, %dma_start3A_210] : memref<80x128xi32, #tpu.memory_space<vmem>> -> memref<1x128xi32, #tpu.memory_space<vmem>>
    %dma_start3A_212 = tpu.memref_squeeze %dma_start3A_211 : memref<1x128xi32, #tpu.memory_space<vmem>> -> memref<128xi32, #tpu.memory_space<vmem>>
    %dma_start3A_213 = arith.constant 0 : i32
    %dma_start3A_214 = arith.constant 0 : i32
    %dma_start3A_215 = tpu.memref_slice %arg21[%dma_start3A_213, %dma_start3A_214] : memref<10240x16xf32, #tpu.memory_space<vmem_shared>> -> memref<10240x16xf32, #tpu.memory_space<vmem_shared>>
    tpu.enqueue_indirect_dma source(%dma_start3A_215 : memref<10240x16xf32, #tpu.memory_space<vmem_shared>>) target(%dma_start3A_209 : memref<128x16xf32, #tpu.memory_space<vmem>>) offsets(%dma_start3A_212 : memref<128xi32, #tpu.memory_space<vmem>>) semaphore(%arg22 : memref<!tpu.dma_semaphore, #tpu.memory_space<semaphore_mem>>)
    %dma_start3A_216 = arith.constant 3 : i32
    %dma_start3A_217 = arith.constant 0 : i32
    %dma_start3A_218 = arith.constant 3 : i32
    %dma_start3A_219 = arith.constant 0 : i32
    %dma_start3A_220 = arith.constant 0 : i32
    %dma_start3A_221 = tpu.memref_slice %arg12[%dma_start3A_217, %dma_start3A_218, %dma_start3A_219, %dma_start3A_220] : memref<2x4x128x16xf32, #tpu.memory_space<vmem>> -> memref<1x1x128x16xf32, #tpu.memory_space<vmem>>
    %dma_start3A_222 = tpu.memref_squeeze %dma_start3A_221 : memref<1x1x128x16xf32, #tpu.memory_space<vmem>> -> memref<128x16xf32, #tpu.memory_space<vmem>>
    %dma_start3A_223 = arith.constant 0 : i32
    %dma_start3A_224 = tpu.memref_slice %arg10[%dma_start3A_216, %dma_start3A_223] : memref<80x128xi32, #tpu.memory_space<vmem>> -> memref<1x128xi32, #tpu.memory_space<vmem>>
    %dma_start3A_225 = tpu.memref_squeeze %dma_start3A_224 : memref<1x128xi32, #tpu.memory_space<vmem>> -> memref<128xi32, #tpu.memory_space<vmem>>
    %dma_start3A_226 = arith.constant 0 : i32
    %dma_start3A_227 = arith.constant 0 : i32
    %dma_start3A_228 = tpu.memref_slice %arg21[%dma_start3A_226, %dma_start3A_227] : memref<10240x16xf32, #tpu.memory_space<vmem_shared>> -> memref<10240x16xf32, #tpu.memory_space<vmem_shared>>
    tpu.enqueue_indirect_dma source(%dma_start3A_228 : memref<10240x16xf32, #tpu.memory_space<vmem_shared>>) target(%dma_start3A_222 : memref<128x16xf32, #tpu.memory_space<vmem>>) offsets(%dma_start3A_225 : memref<128xi32, #tpu.memory_space<vmem>>) semaphore(%arg22 : memref<!tpu.dma_semaphore, #tpu.memory_space<semaphore_mem>>)
    %scan3A_229 = arith.constant 0 : i32
    %scan3A_230 = arith.constant 0 : i32
    %scan3A_231 = arith.constant 10 : i32
    %scan3A_232 = arith.addi %scan3A_230, %scan3A_231 : i32
    %scan3A_233 = arith.constant 1 : i32
    %scan3A_234 = scf.for %scan3A_289 = %scan3A_230 to %scan3A_232 step %scan3A_233 iter_args(%scan3A_290 = %scan3A_229) -> (i32)  : i32 {
      %mul3A_291 = arith.constant 2 : i32
      %mul3A_292 = arith.muli %mul3A_291, %scan3A_289 : i32
      %add3A_293 = arith.constant 1 : i32
      %add3A_294 = arith.addi %mul3A_292, %add3A_293 : i32
      %gt3A = arith.constant 0 : i32
      %gt3A_295 = arith.cmpi sgt, %scan3A_289, %gt3A : i32
      %convert_element_type3A_296 = arith.extui %gt3A_295 : i1 to i32
      %cond3A_297 = arith.constant 0 : i32
      %cond3A_298 = arith.cmpi ne, %convert_element_type3A_296, %cond3A_297 : i32
      scf.if %cond3A_298 {
        %sub3A = arith.constant 1 : i32
        %sub3A_688 = arith.subi %mul3A_292, %sub3A : i32
        %mul3A_689 = arith.constant 4 : i32
        %mul3A_690 = arith.muli %sub3A_688, %mul3A_689 : i32
        %add3A_691 = arith.constant 0 : i32
        %add3A_692 = arith.addi %mul3A_690, %add3A_691 : i32
        %dma_wait3A_693 = arith.constant 1 : i32
        %dma_wait3A_694 = arith.constant 0 : i32
        %dma_wait3A_695 = arith.constant 0 : i32
        %dma_wait3A_696 = arith.constant 0 : i32
        %dma_wait3A_697 = tpu.memref_slice %arg12[%dma_wait3A_693, %dma_wait3A_694, %dma_wait3A_695, %dma_wait3A_696] : memref<2x4x128x16xf32, #tpu.memory_space<vmem>> -> memref<1x1x128x16xf32, #tpu.memory_space<vmem>>
        %dma_wait3A_698 = tpu.memref_squeeze %dma_wait3A_697 : memref<1x1x128x16xf32, #tpu.memory_space<vmem>> -> memref<128x16xf32, #tpu.memory_space<vmem>>
        %dma_wait3A_699 = arith.constant 0 : i32
        %dma_wait3A_700 = tpu.memref_slice %arg11[%add3A_692, %dma_wait3A_699] : memref<80x128xi32, #tpu.memory_space<vmem>> -> memref<1x128xi32, #tpu.memory_space<vmem>>
        %dma_wait3A_701 = tpu.memref_squeeze %dma_wait3A_700 : memref<1x128xi32, #tpu.memory_space<vmem>> -> memref<128xi32, #tpu.memory_space<vmem>>
        %dma_wait3A_702 = arith.constant 0 : i32
        %dma_wait3A_703 = arith.constant 0 : i32
        %dma_wait3A_704 = tpu.memref_slice %arg20[%dma_wait3A_702, %dma_wait3A_703] : memref<10240x16xf32, #tpu.memory_space<vmem_shared>> -> memref<10240x16xf32, #tpu.memory_space<vmem_shared>>
        tpu.wait_indirect_dma semaphore(%arg25 : memref<!tpu.dma_semaphore, #tpu.memory_space<semaphore_mem>>) src(%dma_wait3A_698 : memref<128x16xf32, #tpu.memory_space<vmem>>) dst(%dma_wait3A_704 : memref<10240x16xf32, #tpu.memory_space<vmem_shared>>)
        %mul3A_705 = arith.constant 4 : i32
        %mul3A_706 = arith.muli %sub3A_688, %mul3A_705 : i32
        %add3A_707 = arith.constant 1 : i32
        %add3A_708 = arith.addi %mul3A_706, %add3A_707 : i32
        %dma_wait3A_709 = arith.constant 1 : i32
        %dma_wait3A_710 = arith.constant 1 : i32
        %dma_wait3A_711 = arith.constant 0 : i32
        %dma_wait3A_712 = arith.constant 0 : i32
        %dma_wait3A_713 = tpu.memref_slice %arg12[%dma_wait3A_709, %dma_wait3A_710, %dma_wait3A_711, %dma_wait3A_712] : memref<2x4x128x16xf32, #tpu.memory_space<vmem>> -> memref<1x1x128x16xf32, #tpu.memory_space<vmem>>
        %dma_wait3A_714 = tpu.memref_squeeze %dma_wait3A_713 : memref<1x1x128x16xf32, #tpu.memory_space<vmem>> -> memref<128x16xf32, #tpu.memory_space<vmem>>
        %dma_wait3A_715 = arith.constant 0 : i32
        %dma_wait3A_716 = tpu.memref_slice %arg11[%add3A_708, %dma_wait3A_715] : memref<80x128xi32, #tpu.memory_space<vmem>> -> memref<1x128xi32, #tpu.memory_space<vmem>>
        %dma_wait3A_717 = tpu.memref_squeeze %dma_wait3A_716 : memref<1x128xi32, #tpu.memory_space<vmem>> -> memref<128xi32, #tpu.memory_space<vmem>>
        %dma_wait3A_718 = arith.constant 0 : i32
        %dma_wait3A_719 = arith.constant 0 : i32
        %dma_wait3A_720 = tpu.memref_slice %arg20[%dma_wait3A_718, %dma_wait3A_719] : memref<10240x16xf32, #tpu.memory_space<vmem_shared>> -> memref<10240x16xf32, #tpu.memory_space<vmem_shared>>
        tpu.wait_indirect_dma semaphore(%arg25 : memref<!tpu.dma_semaphore, #tpu.memory_space<semaphore_mem>>) src(%dma_wait3A_714 : memref<128x16xf32, #tpu.memory_space<vmem>>) dst(%dma_wait3A_720 : memref<10240x16xf32, #tpu.memory_space<vmem_shared>>)
        %mul3A_721 = arith.constant 4 : i32
        %mul3A_722 = arith.muli %sub3A_688, %mul3A_721 : i32
        %add3A_723 = arith.constant 2 : i32
        %add3A_724 = arith.addi %mul3A_722, %add3A_723 : i32
        %dma_wait3A_725 = arith.constant 1 : i32
        %dma_wait3A_726 = arith.constant 2 : i32
        %dma_wait3A_727 = arith.constant 0 : i32
        %dma_wait3A_728 = arith.constant 0 : i32
        %dma_wait3A_729 = tpu.memref_slice %arg12[%dma_wait3A_725, %dma_wait3A_726, %dma_wait3A_727, %dma_wait3A_728] : memref<2x4x128x16xf32, #tpu.memory_space<vmem>> -> memref<1x1x128x16xf32, #tpu.memory_space<vmem>>
        %dma_wait3A_730 = tpu.memref_squeeze %dma_wait3A_729 : memref<1x1x128x16xf32, #tpu.memory_space<vmem>> -> memref<128x16xf32, #tpu.memory_space<vmem>>
        %dma_wait3A_731 = arith.constant 0 : i32
        %dma_wait3A_732 = tpu.memref_slice %arg11[%add3A_724, %dma_wait3A_731] : memref<80x128xi32, #tpu.memory_space<vmem>> -> memref<1x128xi32, #tpu.memory_space<vmem>>
        %dma_wait3A_733 = tpu.memref_squeeze %dma_wait3A_732 : memref<1x128xi32, #tpu.memory_space<vmem>> -> memref<128xi32, #tpu.memory_space<vmem>>
        %dma_wait3A_734 = arith.constant 0 : i32
        %dma_wait3A_735 = arith.constant 0 : i32
        %dma_wait3A_736 = tpu.memref_slice %arg20[%dma_wait3A_734, %dma_wait3A_735] : memref<10240x16xf32, #tpu.memory_space<vmem_shared>> -> memref<10240x16xf32, #tpu.memory_space<vmem_shared>>
        tpu.wait_indirect_dma semaphore(%arg25 : memref<!tpu.dma_semaphore, #tpu.memory_space<semaphore_mem>>) src(%dma_wait3A_730 : memref<128x16xf32, #tpu.memory_space<vmem>>) dst(%dma_wait3A_736 : memref<10240x16xf32, #tpu.memory_space<vmem_shared>>)
        %mul3A_737 = arith.constant 4 : i32
        %mul3A_738 = arith.muli %sub3A_688, %mul3A_737 : i32
        %add3A_739 = arith.constant 3 : i32
        %add3A_740 = arith.addi %mul3A_738, %add3A_739 : i32
        %dma_wait3A_741 = arith.constant 1 : i32
        %dma_wait3A_742 = arith.constant 3 : i32
        %dma_wait3A_743 = arith.constant 0 : i32
        %dma_wait3A_744 = arith.constant 0 : i32
        %dma_wait3A_745 = tpu.memref_slice %arg12[%dma_wait3A_741, %dma_wait3A_742, %dma_wait3A_743, %dma_wait3A_744] : memref<2x4x128x16xf32, #tpu.memory_space<vmem>> -> memref<1x1x128x16xf32, #tpu.memory_space<vmem>>
        %dma_wait3A_746 = tpu.memref_squeeze %dma_wait3A_745 : memref<1x1x128x16xf32, #tpu.memory_space<vmem>> -> memref<128x16xf32, #tpu.memory_space<vmem>>
        %dma_wait3A_747 = arith.constant 0 : i32
        %dma_wait3A_748 = tpu.memref_slice %arg11[%add3A_740, %dma_wait3A_747] : memref<80x128xi32, #tpu.memory_space<vmem>> -> memref<1x128xi32, #tpu.memory_space<vmem>>
        %dma_wait3A_749 = tpu.memref_squeeze %dma_wait3A_748 : memref<1x128xi32, #tpu.memory_space<vmem>> -> memref<128xi32, #tpu.memory_space<vmem>>
        %dma_wait3A_750 = arith.constant 0 : i32
        %dma_wait3A_751 = arith.constant 0 : i32
        %dma_wait3A_752 = tpu.memref_slice %arg20[%dma_wait3A_750, %dma_wait3A_751] : memref<10240x16xf32, #tpu.memory_space<vmem_shared>> -> memref<10240x16xf32, #tpu.memory_space<vmem_shared>>
        tpu.wait_indirect_dma semaphore(%arg25 : memref<!tpu.dma_semaphore, #tpu.memory_space<semaphore_mem>>) src(%dma_wait3A_746 : memref<128x16xf32, #tpu.memory_space<vmem>>) dst(%dma_wait3A_752 : memref<10240x16xf32, #tpu.memory_space<vmem_shared>>)
      } else {
      }
      %mul3A_299 = arith.constant 4 : i32
      %mul3A_300 = arith.muli %add3A_294, %mul3A_299 : i32
      %add3A_301 = arith.constant 0 : i32
      %add3A_302 = arith.addi %mul3A_300, %add3A_301 : i32
      %dma_start3A_303 = arith.constant 1 : i32
      %dma_start3A_304 = arith.constant 0 : i32
      %dma_start3A_305 = arith.constant 0 : i32
      %dma_start3A_306 = arith.constant 0 : i32
      %dma_start3A_307 = tpu.memref_slice %arg12[%dma_start3A_303, %dma_start3A_304, %dma_start3A_305, %dma_start3A_306] : memref<2x4x128x16xf32, #tpu.memory_space<vmem>> -> memref<1x1x128x16xf32, #tpu.memory_space<vmem>>
      %dma_start3A_308 = tpu.memref_squeeze %dma_start3A_307 : memref<1x1x128x16xf32, #tpu.memory_space<vmem>> -> memref<128x16xf32, #tpu.memory_space<vmem>>
      %dma_start3A_309 = arith.constant 0 : i32
      %dma_start3A_310 = tpu.memref_slice %arg10[%add3A_302, %dma_start3A_309] : memref<80x128xi32, #tpu.memory_space<vmem>> -> memref<1x128xi32, #tpu.memory_space<vmem>>
      %dma_start3A_311 = tpu.memref_squeeze %dma_start3A_310 : memref<1x128xi32, #tpu.memory_space<vmem>> -> memref<128xi32, #tpu.memory_space<vmem>>
      %dma_start3A_312 = arith.constant 0 : i32
      %dma_start3A_313 = arith.constant 0 : i32
      %dma_start3A_314 = tpu.memref_slice %arg21[%dma_start3A_312, %dma_start3A_313] : memref<10240x16xf32, #tpu.memory_space<vmem_shared>> -> memref<10240x16xf32, #tpu.memory_space<vmem_shared>>
      tpu.enqueue_indirect_dma source(%dma_start3A_314 : memref<10240x16xf32, #tpu.memory_space<vmem_shared>>) target(%dma_start3A_308 : memref<128x16xf32, #tpu.memory_space<vmem>>) offsets(%dma_start3A_311 : memref<128xi32, #tpu.memory_space<vmem>>) semaphore(%arg23 : memref<!tpu.dma_semaphore, #tpu.memory_space<semaphore_mem>>)
      %mul3A_315 = arith.constant 4 : i32
      %mul3A_316 = arith.muli %add3A_294, %mul3A_315 : i32
      %add3A_317 = arith.constant 1 : i32
      %add3A_318 = arith.addi %mul3A_316, %add3A_317 : i32
      %dma_start3A_319 = arith.constant 1 : i32
      %dma_start3A_320 = arith.constant 1 : i32
      %dma_start3A_321 = arith.constant 0 : i32
      %dma_start3A_322 = arith.constant 0 : i32
      %dma_start3A_323 = tpu.memref_slice %arg12[%dma_start3A_319, %dma_start3A_320, %dma_start3A_321, %dma_start3A_322] : memref<2x4x128x16xf32, #tpu.memory_space<vmem>> -> memref<1x1x128x16xf32, #tpu.memory_space<vmem>>
      %dma_start3A_324 = tpu.memref_squeeze %dma_start3A_323 : memref<1x1x128x16xf32, #tpu.memory_space<vmem>> -> memref<128x16xf32, #tpu.memory_space<vmem>>
      %dma_start3A_325 = arith.constant 0 : i32
      %dma_start3A_326 = tpu.memref_slice %arg10[%add3A_318, %dma_start3A_325] : memref<80x128xi32, #tpu.memory_space<vmem>> -> memref<1x128xi32, #tpu.memory_space<vmem>>
      %dma_start3A_327 = tpu.memref_squeeze %dma_start3A_326 : memref<1x128xi32, #tpu.memory_space<vmem>> -> memref<128xi32, #tpu.memory_space<vmem>>
      %dma_start3A_328 = arith.constant 0 : i32
      %dma_start3A_329 = arith.constant 0 : i32
      %dma_start3A_330 = tpu.memref_slice %arg21[%dma_start3A_328, %dma_start3A_329] : memref<10240x16xf32, #tpu.memory_space<vmem_shared>> -> memref<10240x16xf32, #tpu.memory_space<vmem_shared>>
      tpu.enqueue_indirect_dma source(%dma_start3A_330 : memref<10240x16xf32, #tpu.memory_space<vmem_shared>>) target(%dma_start3A_324 : memref<128x16xf32, #tpu.memory_space<vmem>>) offsets(%dma_start3A_327 : memref<128xi32, #tpu.memory_space<vmem>>) semaphore(%arg23 : memref<!tpu.dma_semaphore, #tpu.memory_space<semaphore_mem>>)
      %mul3A_331 = arith.constant 4 : i32
      %mul3A_332 = arith.muli %add3A_294, %mul3A_331 : i32
      %add3A_333 = arith.constant 2 : i32
      %add3A_334 = arith.addi %mul3A_332, %add3A_333 : i32
      %dma_start3A_335 = arith.constant 1 : i32
      %dma_start3A_336 = arith.constant 2 : i32
      %dma_start3A_337 = arith.constant 0 : i32
      %dma_start3A_338 = arith.constant 0 : i32
      %dma_start3A_339 = tpu.memref_slice %arg12[%dma_start3A_335, %dma_start3A_336, %dma_start3A_337, %dma_start3A_338] : memref<2x4x128x16xf32, #tpu.memory_space<vmem>> -> memref<1x1x128x16xf32, #tpu.memory_space<vmem>>
      %dma_start3A_340 = tpu.memref_squeeze %dma_start3A_339 : memref<1x1x128x16xf32, #tpu.memory_space<vmem>> -> memref<128x16xf32, #tpu.memory_space<vmem>>
      %dma_start3A_341 = arith.constant 0 : i32
      %dma_start3A_342 = tpu.memref_slice %arg10[%add3A_334, %dma_start3A_341] : memref<80x128xi32, #tpu.memory_space<vmem>> -> memref<1x128xi32, #tpu.memory_space<vmem>>
      %dma_start3A_343 = tpu.memref_squeeze %dma_start3A_342 : memref<1x128xi32, #tpu.memory_space<vmem>> -> memref<128xi32, #tpu.memory_space<vmem>>
      %dma_start3A_344 = arith.constant 0 : i32
      %dma_start3A_345 = arith.constant 0 : i32
      %dma_start3A_346 = tpu.memref_slice %arg21[%dma_start3A_344, %dma_start3A_345] : memref<10240x16xf32, #tpu.memory_space<vmem_shared>> -> memref<10240x16xf32, #tpu.memory_space<vmem_shared>>
      tpu.enqueue_indirect_dma source(%dma_start3A_346 : memref<10240x16xf32, #tpu.memory_space<vmem_shared>>) target(%dma_start3A_340 : memref<128x16xf32, #tpu.memory_space<vmem>>) offsets(%dma_start3A_343 : memref<128xi32, #tpu.memory_space<vmem>>) semaphore(%arg23 : memref<!tpu.dma_semaphore, #tpu.memory_space<semaphore_mem>>)
      %mul3A_347 = arith.constant 4 : i32
      %mul3A_348 = arith.muli %add3A_294, %mul3A_347 : i32
      %add3A_349 = arith.constant 3 : i32
      %add3A_350 = arith.addi %mul3A_348, %add3A_349 : i32
      %dma_start3A_351 = arith.constant 1 : i32
      %dma_start3A_352 = arith.constant 3 : i32
      %dma_start3A_353 = arith.constant 0 : i32
      %dma_start3A_354 = arith.constant 0 : i32
      %dma_start3A_355 = tpu.memref_slice %arg12[%dma_start3A_351, %dma_start3A_352, %dma_start3A_353, %dma_start3A_354] : memref<2x4x128x16xf32, #tpu.memory_space<vmem>> -> memref<1x1x128x16xf32, #tpu.memory_space<vmem>>
      %dma_start3A_356 = tpu.memref_squeeze %dma_start3A_355 : memref<1x1x128x16xf32, #tpu.memory_space<vmem>> -> memref<128x16xf32, #tpu.memory_space<vmem>>
      %dma_start3A_357 = arith.constant 0 : i32
      %dma_start3A_358 = tpu.memref_slice %arg10[%add3A_350, %dma_start3A_357] : memref<80x128xi32, #tpu.memory_space<vmem>> -> memref<1x128xi32, #tpu.memory_space<vmem>>
      %dma_start3A_359 = tpu.memref_squeeze %dma_start3A_358 : memref<1x128xi32, #tpu.memory_space<vmem>> -> memref<128xi32, #tpu.memory_space<vmem>>
      %dma_start3A_360 = arith.constant 0 : i32
      %dma_start3A_361 = arith.constant 0 : i32
      %dma_start3A_362 = tpu.memref_slice %arg21[%dma_start3A_360, %dma_start3A_361] : memref<10240x16xf32, #tpu.memory_space<vmem_shared>> -> memref<10240x16xf32, #tpu.memory_space<vmem_shared>>
      tpu.enqueue_indirect_dma source(%dma_start3A_362 : memref<10240x16xf32, #tpu.memory_space<vmem_shared>>) target(%dma_start3A_356 : memref<128x16xf32, #tpu.memory_space<vmem>>) offsets(%dma_start3A_359 : memref<128xi32, #tpu.memory_space<vmem>>) semaphore(%arg23 : memref<!tpu.dma_semaphore, #tpu.memory_space<semaphore_mem>>)
      %mul3A_363 = arith.constant 4 : i32
      %mul3A_364 = arith.muli %mul3A_292, %mul3A_363 : i32
      %add3A_365 = arith.constant 0 : i32
      %add3A_366 = arith.addi %mul3A_364, %add3A_365 : i32
      %dma_wait3A_367 = arith.constant 0 : i32
      %dma_wait3A_368 = arith.constant 0 : i32
      %dma_wait3A_369 = arith.constant 0 : i32
      %dma_wait3A_370 = arith.constant 0 : i32
      %dma_wait3A_371 = tpu.memref_slice %arg12[%dma_wait3A_367, %dma_wait3A_368, %dma_wait3A_369, %dma_wait3A_370] : memref<2x4x128x16xf32, #tpu.memory_space<vmem>> -> memref<1x1x128x16xf32, #tpu.memory_space<vmem>>
      %dma_wait3A_372 = tpu.memref_squeeze %dma_wait3A_371 : memref<1x1x128x16xf32, #tpu.memory_space<vmem>> -> memref<128x16xf32, #tpu.memory_space<vmem>>
      %dma_wait3A_373 = arith.constant 0 : i32
      %dma_wait3A_374 = tpu.memref_slice %arg10[%add3A_366, %dma_wait3A_373] : memref<80x128xi32, #tpu.memory_space<vmem>> -> memref<1x128xi32, #tpu.memory_space<vmem>>
      %dma_wait3A_375 = tpu.memref_squeeze %dma_wait3A_374 : memref<1x128xi32, #tpu.memory_space<vmem>> -> memref<128xi32, #tpu.memory_space<vmem>>
      %dma_wait3A_376 = arith.constant 0 : i32
      %dma_wait3A_377 = arith.constant 0 : i32
      %dma_wait3A_378 = tpu.memref_slice %arg21[%dma_wait3A_376, %dma_wait3A_377] : memref<10240x16xf32, #tpu.memory_space<vmem_shared>> -> memref<10240x16xf32, #tpu.memory_space<vmem_shared>>
      tpu.wait_indirect_dma semaphore(%arg22 : memref<!tpu.dma_semaphore, #tpu.memory_space<semaphore_mem>>) src(%dma_wait3A_378 : memref<10240x16xf32, #tpu.memory_space<vmem_shared>>) dst(%dma_wait3A_372 : memref<128x16xf32, #tpu.memory_space<vmem>>)
      %mul3A_379 = arith.constant 4 : i32
      %mul3A_380 = arith.muli %mul3A_292, %mul3A_379 : i32
      %add3A_381 = arith.constant 1 : i32
      %add3A_382 = arith.addi %mul3A_380, %add3A_381 : i32
      %dma_wait3A_383 = arith.constant 0 : i32
      %dma_wait3A_384 = arith.constant 1 : i32
      %dma_wait3A_385 = arith.constant 0 : i32
      %dma_wait3A_386 = arith.constant 0 : i32
      %dma_wait3A_387 = tpu.memref_slice %arg12[%dma_wait3A_383, %dma_wait3A_384, %dma_wait3A_385, %dma_wait3A_386] : memref<2x4x128x16xf32, #tpu.memory_space<vmem>> -> memref<1x1x128x16xf32, #tpu.memory_space<vmem>>
      %dma_wait3A_388 = tpu.memref_squeeze %dma_wait3A_387 : memref<1x1x128x16xf32, #tpu.memory_space<vmem>> -> memref<128x16xf32, #tpu.memory_space<vmem>>
      %dma_wait3A_389 = arith.constant 0 : i32
      %dma_wait3A_390 = tpu.memref_slice %arg10[%add3A_382, %dma_wait3A_389] : memref<80x128xi32, #tpu.memory_space<vmem>> -> memref<1x128xi32, #tpu.memory_space<vmem>>
      %dma_wait3A_391 = tpu.memref_squeeze %dma_wait3A_390 : memref<1x128xi32, #tpu.memory_space<vmem>> -> memref<128xi32, #tpu.memory_space<vmem>>
      %dma_wait3A_392 = arith.constant 0 : i32
      %dma_wait3A_393 = arith.constant 0 : i32
      %dma_wait3A_394 = tpu.memref_slice %arg21[%dma_wait3A_392, %dma_wait3A_393] : memref<10240x16xf32, #tpu.memory_space<vmem_shared>> -> memref<10240x16xf32, #tpu.memory_space<vmem_shared>>
      tpu.wait_indirect_dma semaphore(%arg22 : memref<!tpu.dma_semaphore, #tpu.memory_space<semaphore_mem>>) src(%dma_wait3A_394 : memref<10240x16xf32, #tpu.memory_space<vmem_shared>>) dst(%dma_wait3A_388 : memref<128x16xf32, #tpu.memory_space<vmem>>)
      %mul3A_395 = arith.constant 4 : i32
      %mul3A_396 = arith.muli %mul3A_292, %mul3A_395 : i32
      %add3A_397 = arith.constant 2 : i32
      %add3A_398 = arith.addi %mul3A_396, %add3A_397 : i32
      %dma_wait3A_399 = arith.constant 0 : i32
      %dma_wait3A_400 = arith.constant 2 : i32
      %dma_wait3A_401 = arith.constant 0 : i32
      %dma_wait3A_402 = arith.constant 0 : i32
      %dma_wait3A_403 = tpu.memref_slice %arg12[%dma_wait3A_399, %dma_wait3A_400, %dma_wait3A_401, %dma_wait3A_402] : memref<2x4x128x16xf32, #tpu.memory_space<vmem>> -> memref<1x1x128x16xf32, #tpu.memory_space<vmem>>
      %dma_wait3A_404 = tpu.memref_squeeze %dma_wait3A_403 : memref<1x1x128x16xf32, #tpu.memory_space<vmem>> -> memref<128x16xf32, #tpu.memory_space<vmem>>
      %dma_wait3A_405 = arith.constant 0 : i32
      %dma_wait3A_406 = tpu.memref_slice %arg10[%add3A_398, %dma_wait3A_405] : memref<80x128xi32, #tpu.memory_space<vmem>> -> memref<1x128xi32, #tpu.memory_space<vmem>>
      %dma_wait3A_407 = tpu.memref_squeeze %dma_wait3A_406 : memref<1x128xi32, #tpu.memory_space<vmem>> -> memref<128xi32, #tpu.memory_space<vmem>>
      %dma_wait3A_408 = arith.constant 0 : i32
      %dma_wait3A_409 = arith.constant 0 : i32
      %dma_wait3A_410 = tpu.memref_slice %arg21[%dma_wait3A_408, %dma_wait3A_409] : memref<10240x16xf32, #tpu.memory_space<vmem_shared>> -> memref<10240x16xf32, #tpu.memory_space<vmem_shared>>
      tpu.wait_indirect_dma semaphore(%arg22 : memref<!tpu.dma_semaphore, #tpu.memory_space<semaphore_mem>>) src(%dma_wait3A_410 : memref<10240x16xf32, #tpu.memory_space<vmem_shared>>) dst(%dma_wait3A_404 : memref<128x16xf32, #tpu.memory_space<vmem>>)
      %mul3A_411 = arith.constant 4 : i32
      %mul3A_412 = arith.muli %mul3A_292, %mul3A_411 : i32
      %add3A_413 = arith.constant 3 : i32
      %add3A_414 = arith.addi %mul3A_412, %add3A_413 : i32
      %dma_wait3A_415 = arith.constant 0 : i32
      %dma_wait3A_416 = arith.constant 3 : i32
      %dma_wait3A_417 = arith.constant 0 : i32
      %dma_wait3A_418 = arith.constant 0 : i32
      %dma_wait3A_419 = tpu.memref_slice %arg12[%dma_wait3A_415, %dma_wait3A_416, %dma_wait3A_417, %dma_wait3A_418] : memref<2x4x128x16xf32, #tpu.memory_space<vmem>> -> memref<1x1x128x16xf32, #tpu.memory_space<vmem>>
      %dma_wait3A_420 = tpu.memref_squeeze %dma_wait3A_419 : memref<1x1x128x16xf32, #tpu.memory_space<vmem>> -> memref<128x16xf32, #tpu.memory_space<vmem>>
      %dma_wait3A_421 = arith.constant 0 : i32
      %dma_wait3A_422 = tpu.memref_slice %arg10[%add3A_414, %dma_wait3A_421] : memref<80x128xi32, #tpu.memory_space<vmem>> -> memref<1x128xi32, #tpu.memory_space<vmem>>
      %dma_wait3A_423 = tpu.memref_squeeze %dma_wait3A_422 : memref<1x128xi32, #tpu.memory_space<vmem>> -> memref<128xi32, #tpu.memory_space<vmem>>
      %dma_wait3A_424 = arith.constant 0 : i32
      %dma_wait3A_425 = arith.constant 0 : i32
      %dma_wait3A_426 = tpu.memref_slice %arg21[%dma_wait3A_424, %dma_wait3A_425] : memref<10240x16xf32, #tpu.memory_space<vmem_shared>> -> memref<10240x16xf32, #tpu.memory_space<vmem_shared>>
      tpu.wait_indirect_dma semaphore(%arg22 : memref<!tpu.dma_semaphore, #tpu.memory_space<semaphore_mem>>) src(%dma_wait3A_426 : memref<10240x16xf32, #tpu.memory_space<vmem_shared>>) dst(%dma_wait3A_420 : memref<128x16xf32, #tpu.memory_space<vmem>>)
      %mul3A_427 = arith.constant 4 : i32
      %mul3A_428 = arith.muli %mul3A_292, %mul3A_427 : i32
      %add3A_429 = arith.constant 0 : i32
      %add3A_430 = arith.addi %mul3A_428, %add3A_429 : i32
      %dma_start3A_431 = arith.constant 0 : i32
      %dma_start3A_432 = arith.constant 0 : i32
      %dma_start3A_433 = arith.constant 0 : i32
      %dma_start3A_434 = arith.constant 0 : i32
      %dma_start3A_435 = tpu.memref_slice %arg12[%dma_start3A_431, %dma_start3A_432, %dma_start3A_433, %dma_start3A_434] : memref<2x4x128x16xf32, #tpu.memory_space<vmem>> -> memref<1x1x128x16xf32, #tpu.memory_space<vmem>>
      %dma_start3A_436 = tpu.memref_squeeze %dma_start3A_435 : memref<1x1x128x16xf32, #tpu.memory_space<vmem>> -> memref<128x16xf32, #tpu.memory_space<vmem>>
      %dma_start3A_437 = arith.constant 0 : i32
      %dma_start3A_438 = tpu.memref_slice %arg11[%add3A_430, %dma_start3A_437] : memref<80x128xi32, #tpu.memory_space<vmem>> -> memref<1x128xi32, #tpu.memory_space<vmem>>
      %dma_start3A_439 = tpu.memref_squeeze %dma_start3A_438 : memref<1x128xi32, #tpu.memory_space<vmem>> -> memref<128xi32, #tpu.memory_space<vmem>>
      %dma_start3A_440 = arith.constant 0 : i32
      %dma_start3A_441 = arith.constant 0 : i32
      %dma_start3A_442 = tpu.memref_slice %arg20[%dma_start3A_440, %dma_start3A_441] : memref<10240x16xf32, #tpu.memory_space<vmem_shared>> -> memref<10240x16xf32, #tpu.memory_space<vmem_shared>>
      tpu.enqueue_indirect_dma source(%dma_start3A_436 : memref<128x16xf32, #tpu.memory_space<vmem>>) target(%dma_start3A_442 : memref<10240x16xf32, #tpu.memory_space<vmem_shared>>) offsets(%dma_start3A_439 : memref<128xi32, #tpu.memory_space<vmem>>) semaphore(%arg24 : memref<!tpu.dma_semaphore, #tpu.memory_space<semaphore_mem>>) {add = true}
      %mul3A_443 = arith.constant 4 : i32
      %mul3A_444 = arith.muli %mul3A_292, %mul3A_443 : i32
      %add3A_445 = arith.constant 1 : i32
      %add3A_446 = arith.addi %mul3A_444, %add3A_445 : i32
      %dma_start3A_447 = arith.constant 0 : i32
      %dma_start3A_448 = arith.constant 1 : i32
      %dma_start3A_449 = arith.constant 0 : i32
      %dma_start3A_450 = arith.constant 0 : i32
      %dma_start3A_451 = tpu.memref_slice %arg12[%dma_start3A_447, %dma_start3A_448, %dma_start3A_449, %dma_start3A_450] : memref<2x4x128x16xf32, #tpu.memory_space<vmem>> -> memref<1x1x128x16xf32, #tpu.memory_space<vmem>>
      %dma_start3A_452 = tpu.memref_squeeze %dma_start3A_451 : memref<1x1x128x16xf32, #tpu.memory_space<vmem>> -> memref<128x16xf32, #tpu.memory_space<vmem>>
      %dma_start3A_453 = arith.constant 0 : i32
      %dma_start3A_454 = tpu.memref_slice %arg11[%add3A_446, %dma_start3A_453] : memref<80x128xi32, #tpu.memory_space<vmem>> -> memref<1x128xi32, #tpu.memory_space<vmem>>
      %dma_start3A_455 = tpu.memref_squeeze %dma_start3A_454 : memref<1x128xi32, #tpu.memory_space<vmem>> -> memref<128xi32, #tpu.memory_space<vmem>>
      %dma_start3A_456 = arith.constant 0 : i32
      %dma_start3A_457 = arith.constant 0 : i32
      %dma_start3A_458 = tpu.memref_slice %arg20[%dma_start3A_456, %dma_start3A_457] : memref<10240x16xf32, #tpu.memory_space<vmem_shared>> -> memref<10240x16xf32, #tpu.memory_space<vmem_shared>>
      tpu.enqueue_indirect_dma source(%dma_start3A_452 : memref<128x16xf32, #tpu.memory_space<vmem>>) target(%dma_start3A_458 : memref<10240x16xf32, #tpu.memory_space<vmem_shared>>) offsets(%dma_start3A_455 : memref<128xi32, #tpu.memory_space<vmem>>) semaphore(%arg24 : memref<!tpu.dma_semaphore, #tpu.memory_space<semaphore_mem>>) {add = true}
      %mul3A_459 = arith.constant 4 : i32
      %mul3A_460 = arith.muli %mul3A_292, %mul3A_459 : i32
      %add3A_461 = arith.constant 2 : i32
      %add3A_462 = arith.addi %mul3A_460, %add3A_461 : i32
      %dma_start3A_463 = arith.constant 0 : i32
      %dma_start3A_464 = arith.constant 2 : i32
      %dma_start3A_465 = arith.constant 0 : i32
      %dma_start3A_466 = arith.constant 0 : i32
      %dma_start3A_467 = tpu.memref_slice %arg12[%dma_start3A_463, %dma_start3A_464, %dma_start3A_465, %dma_start3A_466] : memref<2x4x128x16xf32, #tpu.memory_space<vmem>> -> memref<1x1x128x16xf32, #tpu.memory_space<vmem>>
      %dma_start3A_468 = tpu.memref_squeeze %dma_start3A_467 : memref<1x1x128x16xf32, #tpu.memory_space<vmem>> -> memref<128x16xf32, #tpu.memory_space<vmem>>
      %dma_start3A_469 = arith.constant 0 : i32
      %dma_start3A_470 = tpu.memref_slice %arg11[%add3A_462, %dma_start3A_469] : memref<80x128xi32, #tpu.memory_space<vmem>> -> memref<1x128xi32, #tpu.memory_space<vmem>>
      %dma_start3A_471 = tpu.memref_squeeze %dma_start3A_470 : memref<1x128xi32, #tpu.memory_space<vmem>> -> memref<128xi32, #tpu.memory_space<vmem>>
      %dma_start3A_472 = arith.constant 0 : i32
      %dma_start3A_473 = arith.constant 0 : i32
      %dma_start3A_474 = tpu.memref_slice %arg20[%dma_start3A_472, %dma_start3A_473] : memref<10240x16xf32, #tpu.memory_space<vmem_shared>> -> memref<10240x16xf32, #tpu.memory_space<vmem_shared>>
      tpu.enqueue_indirect_dma source(%dma_start3A_468 : memref<128x16xf32, #tpu.memory_space<vmem>>) target(%dma_start3A_474 : memref<10240x16xf32, #tpu.memory_space<vmem_shared>>) offsets(%dma_start3A_471 : memref<128xi32, #tpu.memory_space<vmem>>) semaphore(%arg24 : memref<!tpu.dma_semaphore, #tpu.memory_space<semaphore_mem>>) {add = true}
      %mul3A_475 = arith.constant 4 : i32
      %mul3A_476 = arith.muli %mul3A_292, %mul3A_475 : i32
      %add3A_477 = arith.constant 3 : i32
      %add3A_478 = arith.addi %mul3A_476, %add3A_477 : i32
      %dma_start3A_479 = arith.constant 0 : i32
      %dma_start3A_480 = arith.constant 3 : i32
      %dma_start3A_481 = arith.constant 0 : i32
      %dma_start3A_482 = arith.constant 0 : i32
      %dma_start3A_483 = tpu.memref_slice %arg12[%dma_start3A_479, %dma_start3A_480, %dma_start3A_481, %dma_start3A_482] : memref<2x4x128x16xf32, #tpu.memory_space<vmem>> -> memref<1x1x128x16xf32, #tpu.memory_space<vmem>>
      %dma_start3A_484 = tpu.memref_squeeze %dma_start3A_483 : memref<1x1x128x16xf32, #tpu.memory_space<vmem>> -> memref<128x16xf32, #tpu.memory_space<vmem>>
      %dma_start3A_485 = arith.constant 0 : i32
      %dma_start3A_486 = tpu.memref_slice %arg11[%add3A_478, %dma_start3A_485] : memref<80x128xi32, #tpu.memory_space<vmem>> -> memref<1x128xi32, #tpu.memory_space<vmem>>
      %dma_start3A_487 = tpu.memref_squeeze %dma_start3A_486 : memref<1x128xi32, #tpu.memory_space<vmem>> -> memref<128xi32, #tpu.memory_space<vmem>>
      %dma_start3A_488 = arith.constant 0 : i32
      %dma_start3A_489 = arith.constant 0 : i32
      %dma_start3A_490 = tpu.memref_slice %arg20[%dma_start3A_488, %dma_start3A_489] : memref<10240x16xf32, #tpu.memory_space<vmem_shared>> -> memref<10240x16xf32, #tpu.memory_space<vmem_shared>>
      tpu.enqueue_indirect_dma source(%dma_start3A_484 : memref<128x16xf32, #tpu.memory_space<vmem>>) target(%dma_start3A_490 : memref<10240x16xf32, #tpu.memory_space<vmem_shared>>) offsets(%dma_start3A_487 : memref<128xi32, #tpu.memory_space<vmem>>) semaphore(%arg24 : memref<!tpu.dma_semaphore, #tpu.memory_space<semaphore_mem>>) {add = true}
      %mul3A_491 = arith.constant 4 : i32
      %mul3A_492 = arith.muli %add3A_294, %mul3A_491 : i32
      %add3A_493 = arith.constant 0 : i32
      %add3A_494 = arith.addi %mul3A_492, %add3A_493 : i32
      %dma_wait3A_495 = arith.constant 1 : i32
      %dma_wait3A_496 = arith.constant 0 : i32
      %dma_wait3A_497 = arith.constant 0 : i32
      %dma_wait3A_498 = arith.constant 0 : i32
      %dma_wait3A_499 = tpu.memref_slice %arg12[%dma_wait3A_495, %dma_wait3A_496, %dma_wait3A_497, %dma_wait3A_498] : memref<2x4x128x16xf32, #tpu.memory_space<vmem>> -> memref<1x1x128x16xf32, #tpu.memory_space<vmem>>
      %dma_wait3A_500 = tpu.memref_squeeze %dma_wait3A_499 : memref<1x1x128x16xf32, #tpu.memory_space<vmem>> -> memref<128x16xf32, #tpu.memory_space<vmem>>
      %dma_wait3A_501 = arith.constant 0 : i32
      %dma_wait3A_502 = tpu.memref_slice %arg10[%add3A_494, %dma_wait3A_501] : memref<80x128xi32, #tpu.memory_space<vmem>> -> memref<1x128xi32, #tpu.memory_space<vmem>>
      %dma_wait3A_503 = tpu.memref_squeeze %dma_wait3A_502 : memref<1x128xi32, #tpu.memory_space<vmem>> -> memref<128xi32, #tpu.memory_space<vmem>>
      %dma_wait3A_504 = arith.constant 0 : i32
      %dma_wait3A_505 = arith.constant 0 : i32
      %dma_wait3A_506 = tpu.memref_slice %arg21[%dma_wait3A_504, %dma_wait3A_505] : memref<10240x16xf32, #tpu.memory_space<vmem_shared>> -> memref<10240x16xf32, #tpu.memory_space<vmem_shared>>
      tpu.wait_indirect_dma semaphore(%arg23 : memref<!tpu.dma_semaphore, #tpu.memory_space<semaphore_mem>>) src(%dma_wait3A_506 : memref<10240x16xf32, #tpu.memory_space<vmem_shared>>) dst(%dma_wait3A_500 : memref<128x16xf32, #tpu.memory_space<vmem>>)
      %mul3A_507 = arith.constant 4 : i32
      %mul3A_508 = arith.muli %add3A_294, %mul3A_507 : i32
      %add3A_509 = arith.constant 1 : i32
      %add3A_510 = arith.addi %mul3A_508, %add3A_509 : i32
      %dma_wait3A_511 = arith.constant 1 : i32
      %dma_wait3A_512 = arith.constant 1 : i32
      %dma_wait3A_513 = arith.constant 0 : i32
      %dma_wait3A_514 = arith.constant 0 : i32
      %dma_wait3A_515 = tpu.memref_slice %arg12[%dma_wait3A_511, %dma_wait3A_512, %dma_wait3A_513, %dma_wait3A_514] : memref<2x4x128x16xf32, #tpu.memory_space<vmem>> -> memref<1x1x128x16xf32, #tpu.memory_space<vmem>>
      %dma_wait3A_516 = tpu.memref_squeeze %dma_wait3A_515 : memref<1x1x128x16xf32, #tpu.memory_space<vmem>> -> memref<128x16xf32, #tpu.memory_space<vmem>>
      %dma_wait3A_517 = arith.constant 0 : i32
      %dma_wait3A_518 = tpu.memref_slice %arg10[%add3A_510, %dma_wait3A_517] : memref<80x128xi32, #tpu.memory_space<vmem>> -> memref<1x128xi32, #tpu.memory_space<vmem>>
      %dma_wait3A_519 = tpu.memref_squeeze %dma_wait3A_518 : memref<1x128xi32, #tpu.memory_space<vmem>> -> memref<128xi32, #tpu.memory_space<vmem>>
      %dma_wait3A_520 = arith.constant 0 : i32
      %dma_wait3A_521 = arith.constant 0 : i32
      %dma_wait3A_522 = tpu.memref_slice %arg21[%dma_wait3A_520, %dma_wait3A_521] : memref<10240x16xf32, #tpu.memory_space<vmem_shared>> -> memref<10240x16xf32, #tpu.memory_space<vmem_shared>>
      tpu.wait_indirect_dma semaphore(%arg23 : memref<!tpu.dma_semaphore, #tpu.memory_space<semaphore_mem>>) src(%dma_wait3A_522 : memref<10240x16xf32, #tpu.memory_space<vmem_shared>>) dst(%dma_wait3A_516 : memref<128x16xf32, #tpu.memory_space<vmem>>)
      %mul3A_523 = arith.constant 4 : i32
      %mul3A_524 = arith.muli %add3A_294, %mul3A_523 : i32
      %add3A_525 = arith.constant 2 : i32
      %add3A_526 = arith.addi %mul3A_524, %add3A_525 : i32
      %dma_wait3A_527 = arith.constant 1 : i32
      %dma_wait3A_528 = arith.constant 2 : i32
      %dma_wait3A_529 = arith.constant 0 : i32
      %dma_wait3A_530 = arith.constant 0 : i32
      %dma_wait3A_531 = tpu.memref_slice %arg12[%dma_wait3A_527, %dma_wait3A_528, %dma_wait3A_529, %dma_wait3A_530] : memref<2x4x128x16xf32, #tpu.memory_space<vmem>> -> memref<1x1x128x16xf32, #tpu.memory_space<vmem>>
      %dma_wait3A_532 = tpu.memref_squeeze %dma_wait3A_531 : memref<1x1x128x16xf32, #tpu.memory_space<vmem>> -> memref<128x16xf32, #tpu.memory_space<vmem>>
      %dma_wait3A_533 = arith.constant 0 : i32
      %dma_wait3A_534 = tpu.memref_slice %arg10[%add3A_526, %dma_wait3A_533] : memref<80x128xi32, #tpu.memory_space<vmem>> -> memref<1x128xi32, #tpu.memory_space<vmem>>
      %dma_wait3A_535 = tpu.memref_squeeze %dma_wait3A_534 : memref<1x128xi32, #tpu.memory_space<vmem>> -> memref<128xi32, #tpu.memory_space<vmem>>
      %dma_wait3A_536 = arith.constant 0 : i32
      %dma_wait3A_537 = arith.constant 0 : i32
      %dma_wait3A_538 = tpu.memref_slice %arg21[%dma_wait3A_536, %dma_wait3A_537] : memref<10240x16xf32, #tpu.memory_space<vmem_shared>> -> memref<10240x16xf32, #tpu.memory_space<vmem_shared>>
      tpu.wait_indirect_dma semaphore(%arg23 : memref<!tpu.dma_semaphore, #tpu.memory_space<semaphore_mem>>) src(%dma_wait3A_538 : memref<10240x16xf32, #tpu.memory_space<vmem_shared>>) dst(%dma_wait3A_532 : memref<128x16xf32, #tpu.memory_space<vmem>>)
      %mul3A_539 = arith.constant 4 : i32
      %mul3A_540 = arith.muli %add3A_294, %mul3A_539 : i32
      %add3A_541 = arith.constant 3 : i32
      %add3A_542 = arith.addi %mul3A_540, %add3A_541 : i32
      %dma_wait3A_543 = arith.constant 1 : i32
      %dma_wait3A_544 = arith.constant 3 : i32
      %dma_wait3A_545 = arith.constant 0 : i32
      %dma_wait3A_546 = arith.constant 0 : i32
      %dma_wait3A_547 = tpu.memref_slice %arg12[%dma_wait3A_543, %dma_wait3A_544, %dma_wait3A_545, %dma_wait3A_546] : memref<2x4x128x16xf32, #tpu.memory_space<vmem>> -> memref<1x1x128x16xf32, #tpu.memory_space<vmem>>
      %dma_wait3A_548 = tpu.memref_squeeze %dma_wait3A_547 : memref<1x1x128x16xf32, #tpu.memory_space<vmem>> -> memref<128x16xf32, #tpu.memory_space<vmem>>
      %dma_wait3A_549 = arith.constant 0 : i32
      %dma_wait3A_550 = tpu.memref_slice %arg10[%add3A_542, %dma_wait3A_549] : memref<80x128xi32, #tpu.memory_space<vmem>> -> memref<1x128xi32, #tpu.memory_space<vmem>>
      %dma_wait3A_551 = tpu.memref_squeeze %dma_wait3A_550 : memref<1x128xi32, #tpu.memory_space<vmem>> -> memref<128xi32, #tpu.memory_space<vmem>>
      %dma_wait3A_552 = arith.constant 0 : i32
      %dma_wait3A_553 = arith.constant 0 : i32
      %dma_wait3A_554 = tpu.memref_slice %arg21[%dma_wait3A_552, %dma_wait3A_553] : memref<10240x16xf32, #tpu.memory_space<vmem_shared>> -> memref<10240x16xf32, #tpu.memory_space<vmem_shared>>
      tpu.wait_indirect_dma semaphore(%arg23 : memref<!tpu.dma_semaphore, #tpu.memory_space<semaphore_mem>>) src(%dma_wait3A_554 : memref<10240x16xf32, #tpu.memory_space<vmem_shared>>) dst(%dma_wait3A_548 : memref<128x16xf32, #tpu.memory_space<vmem>>)
      %mul3A_555 = arith.constant 4 : i32
      %mul3A_556 = arith.muli %add3A_294, %mul3A_555 : i32
      %add3A_557 = arith.constant 0 : i32
      %add3A_558 = arith.addi %mul3A_556, %add3A_557 : i32
      %dma_start3A_559 = arith.constant 1 : i32
      %dma_start3A_560 = arith.constant 0 : i32
      %dma_start3A_561 = arith.constant 0 : i32
      %dma_start3A_562 = arith.constant 0 : i32
      %dma_start3A_563 = tpu.memref_slice %arg12[%dma_start3A_559, %dma_start3A_560, %dma_start3A_561, %dma_start3A_562] : memref<2x4x128x16xf32, #tpu.memory_space<vmem>> -> memref<1x1x128x16xf32, #tpu.memory_space<vmem>>
      %dma_start3A_564 = tpu.memref_squeeze %dma_start3A_563 : memref<1x1x128x16xf32, #tpu.memory_space<vmem>> -> memref<128x16xf32, #tpu.memory_space<vmem>>
      %dma_start3A_565 = arith.constant 0 : i32
      %dma_start3A_566 = tpu.memref_slice %arg11[%add3A_558, %dma_start3A_565] : memref<80x128xi32, #tpu.memory_space<vmem>> -> memref<1x128xi32, #tpu.memory_space<vmem>>
      %dma_start3A_567 = tpu.memref_squeeze %dma_start3A_566 : memref<1x128xi32, #tpu.memory_space<vmem>> -> memref<128xi32, #tpu.memory_space<vmem>>
      %dma_start3A_568 = arith.constant 0 : i32
      %dma_start3A_569 = arith.constant 0 : i32
      %dma_start3A_570 = tpu.memref_slice %arg20[%dma_start3A_568, %dma_start3A_569] : memref<10240x16xf32, #tpu.memory_space<vmem_shared>> -> memref<10240x16xf32, #tpu.memory_space<vmem_shared>>
      tpu.enqueue_indirect_dma source(%dma_start3A_564 : memref<128x16xf32, #tpu.memory_space<vmem>>) target(%dma_start3A_570 : memref<10240x16xf32, #tpu.memory_space<vmem_shared>>) offsets(%dma_start3A_567 : memref<128xi32, #tpu.memory_space<vmem>>) semaphore(%arg25 : memref<!tpu.dma_semaphore, #tpu.memory_space<semaphore_mem>>) {add = true}
      %mul3A_571 = arith.constant 4 : i32
      %mul3A_572 = arith.muli %add3A_294, %mul3A_571 : i32
      %add3A_573 = arith.constant 1 : i32
      %add3A_574 = arith.addi %mul3A_572, %add3A_573 : i32
      %dma_start3A_575 = arith.constant 1 : i32
      %dma_start3A_576 = arith.constant 1 : i32
      %dma_start3A_577 = arith.constant 0 : i32
      %dma_start3A_578 = arith.constant 0 : i32
      %dma_start3A_579 = tpu.memref_slice %arg12[%dma_start3A_575, %dma_start3A_576, %dma_start3A_577, %dma_start3A_578] : memref<2x4x128x16xf32, #tpu.memory_space<vmem>> -> memref<1x1x128x16xf32, #tpu.memory_space<vmem>>
      %dma_start3A_580 = tpu.memref_squeeze %dma_start3A_579 : memref<1x1x128x16xf32, #tpu.memory_space<vmem>> -> memref<128x16xf32, #tpu.memory_space<vmem>>
      %dma_start3A_581 = arith.constant 0 : i32
      %dma_start3A_582 = tpu.memref_slice %arg11[%add3A_574, %dma_start3A_581] : memref<80x128xi32, #tpu.memory_space<vmem>> -> memref<1x128xi32, #tpu.memory_space<vmem>>
      %dma_start3A_583 = tpu.memref_squeeze %dma_start3A_582 : memref<1x128xi32, #tpu.memory_space<vmem>> -> memref<128xi32, #tpu.memory_space<vmem>>
      %dma_start3A_584 = arith.constant 0 : i32
      %dma_start3A_585 = arith.constant 0 : i32
      %dma_start3A_586 = tpu.memref_slice %arg20[%dma_start3A_584, %dma_start3A_585] : memref<10240x16xf32, #tpu.memory_space<vmem_shared>> -> memref<10240x16xf32, #tpu.memory_space<vmem_shared>>
      tpu.enqueue_indirect_dma source(%dma_start3A_580 : memref<128x16xf32, #tpu.memory_space<vmem>>) target(%dma_start3A_586 : memref<10240x16xf32, #tpu.memory_space<vmem_shared>>) offsets(%dma_start3A_583 : memref<128xi32, #tpu.memory_space<vmem>>) semaphore(%arg25 : memref<!tpu.dma_semaphore, #tpu.memory_space<semaphore_mem>>) {add = true}
      %mul3A_587 = arith.constant 4 : i32
      %mul3A_588 = arith.muli %add3A_294, %mul3A_587 : i32
      %add3A_589 = arith.constant 2 : i32
      %add3A_590 = arith.addi %mul3A_588, %add3A_589 : i32
      %dma_start3A_591 = arith.constant 1 : i32
      %dma_start3A_592 = arith.constant 2 : i32
      %dma_start3A_593 = arith.constant 0 : i32
      %dma_start3A_594 = arith.constant 0 : i32
      %dma_start3A_595 = tpu.memref_slice %arg12[%dma_start3A_591, %dma_start3A_592, %dma_start3A_593, %dma_start3A_594] : memref<2x4x128x16xf32, #tpu.memory_space<vmem>> -> memref<1x1x128x16xf32, #tpu.memory_space<vmem>>
      %dma_start3A_596 = tpu.memref_squeeze %dma_start3A_595 : memref<1x1x128x16xf32, #tpu.memory_space<vmem>> -> memref<128x16xf32, #tpu.memory_space<vmem>>
      %dma_start3A_597 = arith.constant 0 : i32
      %dma_start3A_598 = tpu.memref_slice %arg11[%add3A_590, %dma_start3A_597] : memref<80x128xi32, #tpu.memory_space<vmem>> -> memref<1x128xi32, #tpu.memory_space<vmem>>
      %dma_start3A_599 = tpu.memref_squeeze %dma_start3A_598 : memref<1x128xi32, #tpu.memory_space<vmem>> -> memref<128xi32, #tpu.memory_space<vmem>>
      %dma_start3A_600 = arith.constant 0 : i32
      %dma_start3A_601 = arith.constant 0 : i32
      %dma_start3A_602 = tpu.memref_slice %arg20[%dma_start3A_600, %dma_start3A_601] : memref<10240x16xf32, #tpu.memory_space<vmem_shared>> -> memref<10240x16xf32, #tpu.memory_space<vmem_shared>>
      tpu.enqueue_indirect_dma source(%dma_start3A_596 : memref<128x16xf32, #tpu.memory_space<vmem>>) target(%dma_start3A_602 : memref<10240x16xf32, #tpu.memory_space<vmem_shared>>) offsets(%dma_start3A_599 : memref<128xi32, #tpu.memory_space<vmem>>) semaphore(%arg25 : memref<!tpu.dma_semaphore, #tpu.memory_space<semaphore_mem>>) {add = true}
      %mul3A_603 = arith.constant 4 : i32
      %mul3A_604 = arith.muli %add3A_294, %mul3A_603 : i32
      %add3A_605 = arith.constant 3 : i32
      %add3A_606 = arith.addi %mul3A_604, %add3A_605 : i32
      %dma_start3A_607 = arith.constant 1 : i32
      %dma_start3A_608 = arith.constant 3 : i32
      %dma_start3A_609 = arith.constant 0 : i32
      %dma_start3A_610 = arith.constant 0 : i32
      %dma_start3A_611 = tpu.memref_slice %arg12[%dma_start3A_607, %dma_start3A_608, %dma_start3A_609, %dma_start3A_610] : memref<2x4x128x16xf32, #tpu.memory_space<vmem>> -> memref<1x1x128x16xf32, #tpu.memory_space<vmem>>
      %dma_start3A_612 = tpu.memref_squeeze %dma_start3A_611 : memref<1x1x128x16xf32, #tpu.memory_space<vmem>> -> memref<128x16xf32, #tpu.memory_space<vmem>>
      %dma_start3A_613 = arith.constant 0 : i32
      %dma_start3A_614 = tpu.memref_slice %arg11[%add3A_606, %dma_start3A_613] : memref<80x128xi32, #tpu.memory_space<vmem>> -> memref<1x128xi32, #tpu.memory_space<vmem>>
      %dma_start3A_615 = tpu.memref_squeeze %dma_start3A_614 : memref<1x128xi32, #tpu.memory_space<vmem>> -> memref<128xi32, #tpu.memory_space<vmem>>
      %dma_start3A_616 = arith.constant 0 : i32
      %dma_start3A_617 = arith.constant 0 : i32
      %dma_start3A_618 = tpu.memref_slice %arg20[%dma_start3A_616, %dma_start3A_617] : memref<10240x16xf32, #tpu.memory_space<vmem_shared>> -> memref<10240x16xf32, #tpu.memory_space<vmem_shared>>
      tpu.enqueue_indirect_dma source(%dma_start3A_612 : memref<128x16xf32, #tpu.memory_space<vmem>>) target(%dma_start3A_618 : memref<10240x16xf32, #tpu.memory_space<vmem_shared>>) offsets(%dma_start3A_615 : memref<128xi32, #tpu.memory_space<vmem>>) semaphore(%arg25 : memref<!tpu.dma_semaphore, #tpu.memory_space<semaphore_mem>>) {add = true}
      %mul3A_619 = arith.constant 4 : i32
      %mul3A_620 = arith.muli %mul3A_292, %mul3A_619 : i32
      %add3A_621 = arith.constant 0 : i32
      %add3A_622 = arith.addi %mul3A_620, %add3A_621 : i32
      %dma_wait3A_623 = arith.constant 0 : i32
      %dma_wait3A_624 = arith.constant 0 : i32
      %dma_wait3A_625 = arith.constant 0 : i32
      %dma_wait3A_626 = arith.constant 0 : i32
      %dma_wait3A_627 = tpu.memref_slice %arg12[%dma_wait3A_623, %dma_wait3A_624, %dma_wait3A_625, %dma_wait3A_626] : memref<2x4x128x16xf32, #tpu.memory_space<vmem>> -> memref<1x1x128x16xf32, #tpu.memory_space<vmem>>
      %dma_wait3A_628 = tpu.memref_squeeze %dma_wait3A_627 : memref<1x1x128x16xf32, #tpu.memory_space<vmem>> -> memref<128x16xf32, #tpu.memory_space<vmem>>
      %dma_wait3A_629 = arith.constant 0 : i32
      %dma_wait3A_630 = tpu.memref_slice %arg11[%add3A_622, %dma_wait3A_629] : memref<80x128xi32, #tpu.memory_space<vmem>> -> memref<1x128xi32, #tpu.memory_space<vmem>>
      %dma_wait3A_631 = tpu.memref_squeeze %dma_wait3A_630 : memref<1x128xi32, #tpu.memory_space<vmem>> -> memref<128xi32, #tpu.memory_space<vmem>>
      %dma_wait3A_632 = arith.constant 0 : i32
      %dma_wait3A_633 = arith.constant 0 : i32
      %dma_wait3A_634 = tpu.memref_slice %arg20[%dma_wait3A_632, %dma_wait3A_633] : memref<10240x16xf32, #tpu.memory_space<vmem_shared>> -> memref<10240x16xf32, #tpu.memory_space<vmem_shared>>
      tpu.wait_indirect_dma semaphore(%arg24 : memref<!tpu.dma_semaphore, #tpu.memory_space<semaphore_mem>>) src(%dma_wait3A_628 : memref<128x16xf32, #tpu.memory_space<vmem>>) dst(%dma_wait3A_634 : memref<10240x16xf32, #tpu.memory_space<vmem_shared>>)
      %mul3A_635 = arith.constant 4 : i32
      %mul3A_636 = arith.muli %mul3A_292, %mul3A_635 : i32
      %add3A_637 = arith.constant 1 : i32
      %add3A_638 = arith.addi %mul3A_636, %add3A_637 : i32
      %dma_wait3A_639 = arith.constant 0 : i32
      %dma_wait3A_640 = arith.constant 1 : i32
      %dma_wait3A_641 = arith.constant 0 : i32
      %dma_wait3A_642 = arith.constant 0 : i32
      %dma_wait3A_643 = tpu.memref_slice %arg12[%dma_wait3A_639, %dma_wait3A_640, %dma_wait3A_641, %dma_wait3A_642] : memref<2x4x128x16xf32, #tpu.memory_space<vmem>> -> memref<1x1x128x16xf32, #tpu.memory_space<vmem>>
      %dma_wait3A_644 = tpu.memref_squeeze %dma_wait3A_643 : memref<1x1x128x16xf32, #tpu.memory_space<vmem>> -> memref<128x16xf32, #tpu.memory_space<vmem>>
      %dma_wait3A_645 = arith.constant 0 : i32
      %dma_wait3A_646 = tpu.memref_slice %arg11[%add3A_638, %dma_wait3A_645] : memref<80x128xi32, #tpu.memory_space<vmem>> -> memref<1x128xi32, #tpu.memory_space<vmem>>
      %dma_wait3A_647 = tpu.memref_squeeze %dma_wait3A_646 : memref<1x128xi32, #tpu.memory_space<vmem>> -> memref<128xi32, #tpu.memory_space<vmem>>
      %dma_wait3A_648 = arith.constant 0 : i32
      %dma_wait3A_649 = arith.constant 0 : i32
      %dma_wait3A_650 = tpu.memref_slice %arg20[%dma_wait3A_648, %dma_wait3A_649] : memref<10240x16xf32, #tpu.memory_space<vmem_shared>> -> memref<10240x16xf32, #tpu.memory_space<vmem_shared>>
      tpu.wait_indirect_dma semaphore(%arg24 : memref<!tpu.dma_semaphore, #tpu.memory_space<semaphore_mem>>) src(%dma_wait3A_644 : memref<128x16xf32, #tpu.memory_space<vmem>>) dst(%dma_wait3A_650 : memref<10240x16xf32, #tpu.memory_space<vmem_shared>>)
      %mul3A_651 = arith.constant 4 : i32
      %mul3A_652 = arith.muli %mul3A_292, %mul3A_651 : i32
      %add3A_653 = arith.constant 2 : i32
      %add3A_654 = arith.addi %mul3A_652, %add3A_653 : i32
      %dma_wait3A_655 = arith.constant 0 : i32
      %dma_wait3A_656 = arith.constant 2 : i32
      %dma_wait3A_657 = arith.constant 0 : i32
      %dma_wait3A_658 = arith.constant 0 : i32
      %dma_wait3A_659 = tpu.memref_slice %arg12[%dma_wait3A_655, %dma_wait3A_656, %dma_wait3A_657, %dma_wait3A_658] : memref<2x4x128x16xf32, #tpu.memory_space<vmem>> -> memref<1x1x128x16xf32, #tpu.memory_space<vmem>>
      %dma_wait3A_660 = tpu.memref_squeeze %dma_wait3A_659 : memref<1x1x128x16xf32, #tpu.memory_space<vmem>> -> memref<128x16xf32, #tpu.memory_space<vmem>>
      %dma_wait3A_661 = arith.constant 0 : i32
      %dma_wait3A_662 = tpu.memref_slice %arg11[%add3A_654, %dma_wait3A_661] : memref<80x128xi32, #tpu.memory_space<vmem>> -> memref<1x128xi32, #tpu.memory_space<vmem>>
      %dma_wait3A_663 = tpu.memref_squeeze %dma_wait3A_662 : memref<1x128xi32, #tpu.memory_space<vmem>> -> memref<128xi32, #tpu.memory_space<vmem>>
      %dma_wait3A_664 = arith.constant 0 : i32
      %dma_wait3A_665 = arith.constant 0 : i32
      %dma_wait3A_666 = tpu.memref_slice %arg20[%dma_wait3A_664, %dma_wait3A_665] : memref<10240x16xf32, #tpu.memory_space<vmem_shared>> -> memref<10240x16xf32, #tpu.memory_space<vmem_shared>>
      tpu.wait_indirect_dma semaphore(%arg24 : memref<!tpu.dma_semaphore, #tpu.memory_space<semaphore_mem>>) src(%dma_wait3A_660 : memref<128x16xf32, #tpu.memory_space<vmem>>) dst(%dma_wait3A_666 : memref<10240x16xf32, #tpu.memory_space<vmem_shared>>)
      %mul3A_667 = arith.constant 4 : i32
      %mul3A_668 = arith.muli %mul3A_292, %mul3A_667 : i32
      %add3A_669 = arith.constant 3 : i32
      %add3A_670 = arith.addi %mul3A_668, %add3A_669 : i32
      %dma_wait3A_671 = arith.constant 0 : i32
      %dma_wait3A_672 = arith.constant 3 : i32
      %dma_wait3A_673 = arith.constant 0 : i32
      %dma_wait3A_674 = arith.constant 0 : i32
      %dma_wait3A_675 = tpu.memref_slice %arg12[%dma_wait3A_671, %dma_wait3A_672, %dma_wait3A_673, %dma_wait3A_674] : memref<2x4x128x16xf32, #tpu.memory_space<vmem>> -> memref<1x1x128x16xf32, #tpu.memory_space<vmem>>
      %dma_wait3A_676 = tpu.memref_squeeze %dma_wait3A_675 : memref<1x1x128x16xf32, #tpu.memory_space<vmem>> -> memref<128x16xf32, #tpu.memory_space<vmem>>
      %dma_wait3A_677 = arith.constant 0 : i32
      %dma_wait3A_678 = tpu.memref_slice %arg11[%add3A_670, %dma_wait3A_677] : memref<80x128xi32, #tpu.memory_space<vmem>> -> memref<1x128xi32, #tpu.memory_space<vmem>>
      %dma_wait3A_679 = tpu.memref_squeeze %dma_wait3A_678 : memref<1x128xi32, #tpu.memory_space<vmem>> -> memref<128xi32, #tpu.memory_space<vmem>>
      %dma_wait3A_680 = arith.constant 0 : i32
      %dma_wait3A_681 = arith.constant 0 : i32
      %dma_wait3A_682 = tpu.memref_slice %arg20[%dma_wait3A_680, %dma_wait3A_681] : memref<10240x16xf32, #tpu.memory_space<vmem_shared>> -> memref<10240x16xf32, #tpu.memory_space<vmem_shared>>
      tpu.wait_indirect_dma semaphore(%arg24 : memref<!tpu.dma_semaphore, #tpu.memory_space<semaphore_mem>>) src(%dma_wait3A_676 : memref<128x16xf32, #tpu.memory_space<vmem>>) dst(%dma_wait3A_682 : memref<10240x16xf32, #tpu.memory_space<vmem_shared>>)
      %lt3A = arith.constant 9 : i32
      %lt3A_683 = arith.cmpi slt, %scan3A_289, %lt3A : i32
      %convert_element_type3A_684 = arith.extui %lt3A_683 : i1 to i32
      %cond3A_685 = arith.constant 0 : i32
      %cond3A_686 = arith.cmpi ne, %convert_element_type3A_684, %cond3A_685 : i32
      scf.if %cond3A_686 {
        %add3A_688 = arith.constant 2 : i32
        %add3A_689 = arith.addi %mul3A_292, %add3A_688 : i32
        %mul3A_690 = arith.constant 4 : i32
        %mul3A_691 = arith.muli %add3A_689, %mul3A_690 : i32
        %add3A_692 = arith.constant 0 : i32
        %add3A_693 = arith.addi %mul3A_691, %add3A_692 : i32
        %dma_start3A_694 = arith.constant 0 : i32
        %dma_start3A_695 = arith.constant 0 : i32
        %dma_start3A_696 = arith.constant 0 : i32
        %dma_start3A_697 = arith.constant 0 : i32
        %dma_start3A_698 = tpu.memref_slice %arg12[%dma_start3A_694, %dma_start3A_695, %dma_start3A_696, %dma_start3A_697] : memref<2x4x128x16xf32, #tpu.memory_space<vmem>> -> memref<1x1x128x16xf32, #tpu.memory_space<vmem>>
        %dma_start3A_699 = tpu.memref_squeeze %dma_start3A_698 : memref<1x1x128x16xf32, #tpu.memory_space<vmem>> -> memref<128x16xf32, #tpu.memory_space<vmem>>
        %dma_start3A_700 = arith.constant 0 : i32
        %dma_start3A_701 = tpu.memref_slice %arg10[%add3A_693, %dma_start3A_700] : memref<80x128xi32, #tpu.memory_space<vmem>> -> memref<1x128xi32, #tpu.memory_space<vmem>>
        %dma_start3A_702 = tpu.memref_squeeze %dma_start3A_701 : memref<1x128xi32, #tpu.memory_space<vmem>> -> memref<128xi32, #tpu.memory_space<vmem>>
        %dma_start3A_703 = arith.constant 0 : i32
        %dma_start3A_704 = arith.constant 0 : i32
        %dma_start3A_705 = tpu.memref_slice %arg21[%dma_start3A_703, %dma_start3A_704] : memref<10240x16xf32, #tpu.memory_space<vmem_shared>> -> memref<10240x16xf32, #tpu.memory_space<vmem_shared>>
        tpu.enqueue_indirect_dma source(%dma_start3A_705 : memref<10240x16xf32, #tpu.memory_space<vmem_shared>>) target(%dma_start3A_699 : memref<128x16xf32, #tpu.memory_space<vmem>>) offsets(%dma_start3A_702 : memref<128xi32, #tpu.memory_space<vmem>>) semaphore(%arg22 : memref<!tpu.dma_semaphore, #tpu.memory_space<semaphore_mem>>)
        %mul3A_706 = arith.constant 4 : i32
        %mul3A_707 = arith.muli %add3A_689, %mul3A_706 : i32
        %add3A_708 = arith.constant 1 : i32
        %add3A_709 = arith.addi %mul3A_707, %add3A_708 : i32
        %dma_start3A_710 = arith.constant 0 : i32
        %dma_start3A_711 = arith.constant 1 : i32
        %dma_start3A_712 = arith.constant 0 : i32
        %dma_start3A_713 = arith.constant 0 : i32
        %dma_start3A_714 = tpu.memref_slice %arg12[%dma_start3A_710, %dma_start3A_711, %dma_start3A_712, %dma_start3A_713] : memref<2x4x128x16xf32, #tpu.memory_space<vmem>> -> memref<1x1x128x16xf32, #tpu.memory_space<vmem>>
        %dma_start3A_715 = tpu.memref_squeeze %dma_start3A_714 : memref<1x1x128x16xf32, #tpu.memory_space<vmem>> -> memref<128x16xf32, #tpu.memory_space<vmem>>
        %dma_start3A_716 = arith.constant 0 : i32
        %dma_start3A_717 = tpu.memref_slice %arg10[%add3A_709, %dma_start3A_716] : memref<80x128xi32, #tpu.memory_space<vmem>> -> memref<1x128xi32, #tpu.memory_space<vmem>>
        %dma_start3A_718 = tpu.memref_squeeze %dma_start3A_717 : memref<1x128xi32, #tpu.memory_space<vmem>> -> memref<128xi32, #tpu.memory_space<vmem>>
        %dma_start3A_719 = arith.constant 0 : i32
        %dma_start3A_720 = arith.constant 0 : i32
        %dma_start3A_721 = tpu.memref_slice %arg21[%dma_start3A_719, %dma_start3A_720] : memref<10240x16xf32, #tpu.memory_space<vmem_shared>> -> memref<10240x16xf32, #tpu.memory_space<vmem_shared>>
        tpu.enqueue_indirect_dma source(%dma_start3A_721 : memref<10240x16xf32, #tpu.memory_space<vmem_shared>>) target(%dma_start3A_715 : memref<128x16xf32, #tpu.memory_space<vmem>>) offsets(%dma_start3A_718 : memref<128xi32, #tpu.memory_space<vmem>>) semaphore(%arg22 : memref<!tpu.dma_semaphore, #tpu.memory_space<semaphore_mem>>)
        %mul3A_722 = arith.constant 4 : i32
        %mul3A_723 = arith.muli %add3A_689, %mul3A_722 : i32
        %add3A_724 = arith.constant 2 : i32
        %add3A_725 = arith.addi %mul3A_723, %add3A_724 : i32
        %dma_start3A_726 = arith.constant 0 : i32
        %dma_start3A_727 = arith.constant 2 : i32
        %dma_start3A_728 = arith.constant 0 : i32
        %dma_start3A_729 = arith.constant 0 : i32
        %dma_start3A_730 = tpu.memref_slice %arg12[%dma_start3A_726, %dma_start3A_727, %dma_start3A_728, %dma_start3A_729] : memref<2x4x128x16xf32, #tpu.memory_space<vmem>> -> memref<1x1x128x16xf32, #tpu.memory_space<vmem>>
        %dma_start3A_731 = tpu.memref_squeeze %dma_start3A_730 : memref<1x1x128x16xf32, #tpu.memory_space<vmem>> -> memref<128x16xf32, #tpu.memory_space<vmem>>
        %dma_start3A_732 = arith.constant 0 : i32
        %dma_start3A_733 = tpu.memref_slice %arg10[%add3A_725, %dma_start3A_732] : memref<80x128xi32, #tpu.memory_space<vmem>> -> memref<1x128xi32, #tpu.memory_space<vmem>>
        %dma_start3A_734 = tpu.memref_squeeze %dma_start3A_733 : memref<1x128xi32, #tpu.memory_space<vmem>> -> memref<128xi32, #tpu.memory_space<vmem>>
        %dma_start3A_735 = arith.constant 0 : i32
        %dma_start3A_736 = arith.constant 0 : i32
        %dma_start3A_737 = tpu.memref_slice %arg21[%dma_start3A_735, %dma_start3A_736] : memref<10240x16xf32, #tpu.memory_space<vmem_shared>> -> memref<10240x16xf32, #tpu.memory_space<vmem_shared>>
        tpu.enqueue_indirect_dma source(%dma_start3A_737 : memref<10240x16xf32, #tpu.memory_space<vmem_shared>>) target(%dma_start3A_731 : memref<128x16xf32, #tpu.memory_space<vmem>>) offsets(%dma_start3A_734 : memref<128xi32, #tpu.memory_space<vmem>>) semaphore(%arg22 : memref<!tpu.dma_semaphore, #tpu.memory_space<semaphore_mem>>)
        %mul3A_738 = arith.constant 4 : i32
        %mul3A_739 = arith.muli %add3A_689, %mul3A_738 : i32
        %add3A_740 = arith.constant 3 : i32
        %add3A_741 = arith.addi %mul3A_739, %add3A_740 : i32
        %dma_start3A_742 = arith.constant 0 : i32
        %dma_start3A_743 = arith.constant 3 : i32
        %dma_start3A_744 = arith.constant 0 : i32
        %dma_start3A_745 = arith.constant 0 : i32
        %dma_start3A_746 = tpu.memref_slice %arg12[%dma_start3A_742, %dma_start3A_743, %dma_start3A_744, %dma_start3A_745] : memref<2x4x128x16xf32, #tpu.memory_space<vmem>> -> memref<1x1x128x16xf32, #tpu.memory_space<vmem>>
        %dma_start3A_747 = tpu.memref_squeeze %dma_start3A_746 : memref<1x1x128x16xf32, #tpu.memory_space<vmem>> -> memref<128x16xf32, #tpu.memory_space<vmem>>
        %dma_start3A_748 = arith.constant 0 : i32
        %dma_start3A_749 = tpu.memref_slice %arg10[%add3A_741, %dma_start3A_748] : memref<80x128xi32, #tpu.memory_space<vmem>> -> memref<1x128xi32, #tpu.memory_space<vmem>>
        %dma_start3A_750 = tpu.memref_squeeze %dma_start3A_749 : memref<1x128xi32, #tpu.memory_space<vmem>> -> memref<128xi32, #tpu.memory_space<vmem>>
        %dma_start3A_751 = arith.constant 0 : i32
        %dma_start3A_752 = arith.constant 0 : i32
        %dma_start3A_753 = tpu.memref_slice %arg21[%dma_start3A_751, %dma_start3A_752] : memref<10240x16xf32, #tpu.memory_space<vmem_shared>> -> memref<10240x16xf32, #tpu.memory_space<vmem_shared>>
        tpu.enqueue_indirect_dma source(%dma_start3A_753 : memref<10240x16xf32, #tpu.memory_space<vmem_shared>>) target(%dma_start3A_747 : memref<128x16xf32, #tpu.memory_space<vmem>>) offsets(%dma_start3A_750 : memref<128xi32, #tpu.memory_space<vmem>>) semaphore(%arg22 : memref<!tpu.dma_semaphore, #tpu.memory_space<semaphore_mem>>)
      } else {
      }
      %scan3A_687 = arith.constant 0 : i32
      scf.yield %scan3A_687 : i32
    }
    %scan3A_235 = arith.constant 10 : i32
    %dma_wait3A_236 = arith.constant 1 : i32
    %dma_wait3A_237 = arith.constant 0 : i32
    %dma_wait3A_238 = arith.constant 76 : i32
    %dma_wait3A_239 = arith.constant 0 : i32
    %dma_wait3A_240 = arith.constant 0 : i32
    %dma_wait3A_241 = tpu.memref_slice %arg12[%dma_wait3A_236, %dma_wait3A_237, %dma_wait3A_239, %dma_wait3A_240] : memref<2x4x128x16xf32, #tpu.memory_space<vmem>> -> memref<1x1x128x16xf32, #tpu.memory_space<vmem>>
    %dma_wait3A_242 = tpu.memref_squeeze %dma_wait3A_241 : memref<1x1x128x16xf32, #tpu.memory_space<vmem>> -> memref<128x16xf32, #tpu.memory_space<vmem>>
    %dma_wait3A_243 = arith.constant 0 : i32
    %dma_wait3A_244 = tpu.memref_slice %arg11[%dma_wait3A_238, %dma_wait3A_243] : memref<80x128xi32, #tpu.memory_space<vmem>> -> memref<1x128xi32, #tpu.memory_space<vmem>>
    %dma_wait3A_245 = tpu.memref_squeeze %dma_wait3A_244 : memref<1x128xi32, #tpu.memory_space<vmem>> -> memref<128xi32, #tpu.memory_space<vmem>>
    %dma_wait3A_246 = arith.constant 0 : i32
    %dma_wait3A_247 = arith.constant 0 : i32
    %dma_wait3A_248 = tpu.memref_slice %arg20[%dma_wait3A_246, %dma_wait3A_247] : memref<10240x16xf32, #tpu.memory_space<vmem_shared>> -> memref<10240x16xf32, #tpu.memory_space<vmem_shared>>
    tpu.wait_indirect_dma semaphore(%arg25 : memref<!tpu.dma_semaphore, #tpu.memory_space<semaphore_mem>>) src(%dma_wait3A_242 : memref<128x16xf32, #tpu.memory_space<vmem>>) dst(%dma_wait3A_248 : memref<10240x16xf32, #tpu.memory_space<vmem_shared>>)
    %dma_wait3A_249 = arith.constant 1 : i32
    %dma_wait3A_250 = arith.constant 1 : i32
    %dma_wait3A_251 = arith.constant 77 : i32
    %dma_wait3A_252 = arith.constant 0 : i32
    %dma_wait3A_253 = arith.constant 0 : i32
    %dma_wait3A_254 = tpu.memref_slice %arg12[%dma_wait3A_249, %dma_wait3A_250, %dma_wait3A_252, %dma_wait3A_253] : memref<2x4x128x16xf32, #tpu.memory_space<vmem>> -> memref<1x1x128x16xf32, #tpu.memory_space<vmem>>
    %dma_wait3A_255 = tpu.memref_squeeze %dma_wait3A_254 : memref<1x1x128x16xf32, #tpu.memory_space<vmem>> -> memref<128x16xf32, #tpu.memory_space<vmem>>
    %dma_wait3A_256 = arith.constant 0 : i32
    %dma_wait3A_257 = tpu.memref_slice %arg11[%dma_wait3A_251, %dma_wait3A_256] : memref<80x128xi32, #tpu.memory_space<vmem>> -> memref<1x128xi32, #tpu.memory_space<vmem>>
    %dma_wait3A_258 = tpu.memref_squeeze %dma_wait3A_257 : memref<1x128xi32, #tpu.memory_space<vmem>> -> memref<128xi32, #tpu.memory_space<vmem>>
    %dma_wait3A_259 = arith.constant 0 : i32
    %dma_wait3A_260 = arith.constant 0 : i32
    %dma_wait3A_261 = tpu.memref_slice %arg20[%dma_wait3A_259, %dma_wait3A_260] : memref<10240x16xf32, #tpu.memory_space<vmem_shared>> -> memref<10240x16xf32, #tpu.memory_space<vmem_shared>>
    tpu.wait_indirect_dma semaphore(%arg25 : memref<!tpu.dma_semaphore, #tpu.memory_space<semaphore_mem>>) src(%dma_wait3A_255 : memref<128x16xf32, #tpu.memory_space<vmem>>) dst(%dma_wait3A_261 : memref<10240x16xf32, #tpu.memory_space<vmem_shared>>)
    %dma_wait3A_262 = arith.constant 1 : i32
    %dma_wait3A_263 = arith.constant 2 : i32
    %dma_wait3A_264 = arith.constant 78 : i32
    %dma_wait3A_265 = arith.constant 0 : i32
    %dma_wait3A_266 = arith.constant 0 : i32
    %dma_wait3A_267 = tpu.memref_slice %arg12[%dma_wait3A_262, %dma_wait3A_263, %dma_wait3A_265, %dma_wait3A_266] : memref<2x4x128x16xf32, #tpu.memory_space<vmem>> -> memref<1x1x128x16xf32, #tpu.memory_space<vmem>>
    %dma_wait3A_268 = tpu.memref_squeeze %dma_wait3A_267 : memref<1x1x128x16xf32, #tpu.memory_space<vmem>> -> memref<128x16xf32, #tpu.memory_space<vmem>>
    %dma_wait3A_269 = arith.constant 0 : i32
    %dma_wait3A_270 = tpu.memref_slice %arg11[%dma_wait3A_264, %dma_wait3A_269] : memref<80x128xi32, #tpu.memory_space<vmem>> -> memref<1x128xi32, #tpu.memory_space<vmem>>
    %dma_wait3A_271 = tpu.memref_squeeze %dma_wait3A_270 : memref<1x128xi32, #tpu.memory_space<vmem>> -> memref<128xi32, #tpu.memory_space<vmem>>
    %dma_wait3A_272 = arith.constant 0 : i32
    %dma_wait3A_273 = arith.constant 0 : i32
    %dma_wait3A_274 = tpu.memref_slice %arg20[%dma_wait3A_272, %dma_wait3A_273] : memref<10240x16xf32, #tpu.memory_space<vmem_shared>> -> memref<10240x16xf32, #tpu.memory_space<vmem_shared>>
    tpu.wait_indirect_dma semaphore(%arg25 : memref<!tpu.dma_semaphore, #tpu.memory_space<semaphore_mem>>) src(%dma_wait3A_268 : memref<128x16xf32, #tpu.memory_space<vmem>>) dst(%dma_wait3A_274 : memref<10240x16xf32, #tpu.memory_space<vmem_shared>>)
    %dma_wait3A_275 = arith.constant 1 : i32
    %dma_wait3A_276 = arith.constant 3 : i32
    %dma_wait3A_277 = arith.constant 79 : i32
    %dma_wait3A_278 = arith.constant 0 : i32
    %dma_wait3A_279 = arith.constant 0 : i32
    %dma_wait3A_280 = tpu.memref_slice %arg12[%dma_wait3A_275, %dma_wait3A_276, %dma_wait3A_278, %dma_wait3A_279] : memref<2x4x128x16xf32, #tpu.memory_space<vmem>> -> memref<1x1x128x16xf32, #tpu.memory_space<vmem>>
    %dma_wait3A_281 = tpu.memref_squeeze %dma_wait3A_280 : memref<1x1x128x16xf32, #tpu.memory_space<vmem>> -> memref<128x16xf32, #tpu.memory_space<vmem>>
    %dma_wait3A_282 = arith.constant 0 : i32
    %dma_wait3A_283 = tpu.memref_slice %arg11[%dma_wait3A_277, %dma_wait3A_282] : memref<80x128xi32, #tpu.memory_space<vmem>> -> memref<1x128xi32, #tpu.memory_space<vmem>>
    %dma_wait3A_284 = tpu.memref_squeeze %dma_wait3A_283 : memref<1x128xi32, #tpu.memory_space<vmem>> -> memref<128xi32, #tpu.memory_space<vmem>>
    %dma_wait3A_285 = arith.constant 0 : i32
    %dma_wait3A_286 = arith.constant 0 : i32
    %dma_wait3A_287 = tpu.memref_slice %arg20[%dma_wait3A_285, %dma_wait3A_286] : memref<10240x16xf32, #tpu.memory_space<vmem_shared>> -> memref<10240x16xf32, #tpu.memory_space<vmem_shared>>
    tpu.wait_indirect_dma semaphore(%arg25 : memref<!tpu.dma_semaphore, #tpu.memory_space<semaphore_mem>>) src(%dma_wait3A_281 : memref<128x16xf32, #tpu.memory_space<vmem>>) dst(%dma_wait3A_287 : memref<10240x16xf32, #tpu.memory_space<vmem_shared>>)
    %barrier3A_288 = arith.constant 0 : index
    tpu.barrier barrier_id(%barrier3A_288)
    "tpu.region"() ({
      %run_scoped3A = tpu.sem_alloc : memref<!tpu.dma_semaphore, #tpu.memory_space<semaphore_mem>>
      %dma_start3A_289 = arith.constant 0 : i32
      %dma_start3A_290 = tpu.memref_slice %arg8[%arg0, %mul3A_2, %dma_start3A_289] : memref<2x10240x16xf32, #tpu.memory_space<hbm>> -> memref<1x640x16xf32, #tpu.memory_space<hbm>>
      %dma_start3A_291 = tpu.memref_squeeze %dma_start3A_290 : memref<1x640x16xf32, #tpu.memory_space<hbm>> -> memref<640x16xf32, #tpu.memory_space<hbm>>
      %dma_start3A_292 = arith.constant 0 : i32
      %dma_start3A_293 = tpu.memref_slice %arg20[%mul3A_2, %dma_start3A_292] : memref<10240x16xf32, #tpu.memory_space<vmem_shared>> -> memref<640x16xf32, #tpu.memory_space<vmem_shared>>
      tpu.enqueue_dma source(%dma_start3A_293 : memref<640x16xf32, #tpu.memory_space<vmem_shared>>) target(%dma_start3A_291 : memref<640x16xf32, #tpu.memory_space<hbm>>) target_semaphore(%run_scoped3A : memref<!tpu.dma_semaphore, #tpu.memory_space<semaphore_mem>>)
      %dma_wait3A_294 = arith.constant 0 : i32
      %dma_wait3A_295 = tpu.memref_slice %arg8[%arg0, %mul3A_2, %dma_wait3A_294] : memref<2x10240x16xf32, #tpu.memory_space<hbm>> -> memref<1x640x16xf32, #tpu.memory_space<hbm>>
      %dma_wait3A_296 = tpu.memref_squeeze %dma_wait3A_295 : memref<1x640x16xf32, #tpu.memory_space<hbm>> -> memref<640x16xf32, #tpu.memory_space<hbm>>
      %dma_wait3A_297 = arith.constant 0 : i32
      %dma_wait3A_298 = tpu.memref_slice %arg20[%mul3A_2, %dma_wait3A_297] : memref<10240x16xf32, #tpu.memory_space<vmem_shared>> -> memref<640x16xf32, #tpu.memory_space<vmem_shared>>
      tpu.wait_dma2 semaphore(%run_scoped3A : memref<!tpu.dma_semaphore, #tpu.memory_space<semaphore_mem>>) src(%dma_wait3A_298 : memref<640x16xf32, #tpu.memory_space<vmem_shared>>) dst(%dma_wait3A_296 : memref<640x16xf32, #tpu.memory_space<hbm>>)
      tpu.yield
    }) : () -> ()
    return
  }
}

#map = affine_map<(d0, d1) -> (0, 0, 0)>
#map1 = affine_map<(d0, d1) -> (0, 0)>
module attributes {stable_mosaic.version = 14 : i64} {
  func.func @_agg1_kernel(%arg0: i32, %arg1: i32, %arg2: memref<32x80x128xi32, #tpu.memory_space<hbm>>, %arg3: memref<32x80x128xi32, #tpu.memory_space<hbm>>, %arg4: memref<2x10240x16xf32, #tpu.memory_space<hbm>>, %arg5: memref<10240x16xf32, #tpu.memory_space<hbm>>, %arg6: memref<2x10240x16xf32, #tpu.memory_space<hbm>>, %arg7: memref<10240x16xf32, #tpu.memory_space<hbm>>, %arg8: memref<80x128xi32, #tpu.memory_space<vmem>>, %arg9: memref<80x128xi32, #tpu.memory_space<vmem>>, %arg10: memref<2x4x128x16xf32, #tpu.memory_space<vmem>>, %arg11: memref<128x16xf32, #tpu.memory_space<vmem>>, %arg12: memref<640x16xf32, #tpu.memory_space<vmem>>, %arg13: memref<640x16xf32, #tpu.memory_space<vmem>>, %arg14: memref<640x16xf32, #tpu.memory_space<vmem>>, %arg15: memref<10240x16xf32, #tpu.memory_space<vmem_shared>>, %arg16: memref<10240x16xf32, #tpu.memory_space<vmem_shared>>, %arg17: memref<!tpu.dma_semaphore, #tpu.memory_space<semaphore_mem>>, %arg18: memref<!tpu.dma_semaphore, #tpu.memory_space<semaphore_mem>>, %arg19: memref<!tpu.dma_semaphore, #tpu.memory_space<semaphore_mem>>, %arg20: memref<!tpu.dma_semaphore, #tpu.memory_space<semaphore_mem>>) attributes {dimension_semantics = [#tpu.dimension_semantics<core_parallel>, #tpu.dimension_semantics<subcore_parallel>], iteration_bounds = array<i64: 2, 16>, scalar_prefetch = 0 : i64, scratch_operands = 13 : i64, tpu.core_type = #tpu.core_type<sc_vector_subcore>, window_params = [{transform_indices = #map}, {transform_indices = #map}, {transform_indices = #map}, {transform_indices = #map1}, {transform_indices = #map}, {transform_indices = #map1}]} {
    %mul3A = arith.constant 16 : i32
    %mul3A_0 = arith.muli %arg0, %mul3A : i32
    %add3A = arith.addi %mul3A_0, %arg1 : i32
    %mul3A_1 = arith.constant 640 : i32
    %mul3A_2 = arith.muli %arg1, %mul3A_1 : i32
    %dma_start3A = arith.constant 0 : i32
    %dma_start3A_3 = arith.constant 0 : i32
    %dma_start3A_4 = tpu.memref_slice %arg4[%dma_start3A, %mul3A_2, %dma_start3A_3] : memref<2x10240x16xf32, #tpu.memory_space<hbm>> -> memref<1x640x16xf32, #tpu.memory_space<hbm>>
    %dma_start3A_5 = tpu.memref_squeeze %dma_start3A_4 : memref<1x640x16xf32, #tpu.memory_space<hbm>> -> memref<640x16xf32, #tpu.memory_space<hbm>>
    %dma_start3A_6 = arith.constant 0 : i32
    %dma_start3A_7 = tpu.memref_slice %arg4[%dma_start3A, %mul3A_2, %dma_start3A_6] : memref<2x10240x16xf32, #tpu.memory_space<hbm>> -> memref<1x640x16xf32, #tpu.memory_space<hbm>>
    %dma_start3A_8 = tpu.memref_squeeze %dma_start3A_7 : memref<1x640x16xf32, #tpu.memory_space<hbm>> -> memref<640x16xf32, #tpu.memory_space<hbm>>
    tpu.enqueue_dma source(%dma_start3A_8 : memref<640x16xf32, #tpu.memory_space<hbm>>) target(%arg12 : memref<640x16xf32, #tpu.memory_space<vmem>>) target_semaphore(%arg17 : memref<!tpu.dma_semaphore, #tpu.memory_space<semaphore_mem>>)
    %dma_start3A_9 = arith.constant 1 : i32
    %dma_start3A_10 = arith.constant 0 : i32
    %dma_start3A_11 = tpu.memref_slice %arg4[%dma_start3A_9, %mul3A_2, %dma_start3A_10] : memref<2x10240x16xf32, #tpu.memory_space<hbm>> -> memref<1x640x16xf32, #tpu.memory_space<hbm>>
    %dma_start3A_12 = tpu.memref_squeeze %dma_start3A_11 : memref<1x640x16xf32, #tpu.memory_space<hbm>> -> memref<640x16xf32, #tpu.memory_space<hbm>>
    %dma_start3A_13 = arith.constant 0 : i32
    %dma_start3A_14 = tpu.memref_slice %arg4[%dma_start3A_9, %mul3A_2, %dma_start3A_13] : memref<2x10240x16xf32, #tpu.memory_space<hbm>> -> memref<1x640x16xf32, #tpu.memory_space<hbm>>
    %dma_start3A_15 = tpu.memref_squeeze %dma_start3A_14 : memref<1x640x16xf32, #tpu.memory_space<hbm>> -> memref<640x16xf32, #tpu.memory_space<hbm>>
    tpu.enqueue_dma source(%dma_start3A_15 : memref<640x16xf32, #tpu.memory_space<hbm>>) target(%arg13 : memref<640x16xf32, #tpu.memory_space<vmem>>) target_semaphore(%arg17 : memref<!tpu.dma_semaphore, #tpu.memory_space<semaphore_mem>>)
    %dma_start3A_16 = arith.constant 0 : i32
    %dma_start3A_17 = tpu.memref_slice %arg5[%mul3A_2, %dma_start3A_16] : memref<10240x16xf32, #tpu.memory_space<hbm>> -> memref<640x16xf32, #tpu.memory_space<hbm>>
    %dma_start3A_18 = arith.constant 0 : i32
    %dma_start3A_19 = tpu.memref_slice %arg5[%mul3A_2, %dma_start3A_18] : memref<10240x16xf32, #tpu.memory_space<hbm>> -> memref<640x16xf32, #tpu.memory_space<hbm>>
    tpu.enqueue_dma source(%dma_start3A_19 : memref<640x16xf32, #tpu.memory_space<hbm>>) target(%arg14 : memref<640x16xf32, #tpu.memory_space<vmem>>) target_semaphore(%arg17 : memref<!tpu.dma_semaphore, #tpu.memory_space<semaphore_mem>>)
    %dma_start3A_20 = arith.constant 0 : i32
    %dma_start3A_21 = arith.constant 0 : i32
    %dma_start3A_22 = tpu.memref_slice %arg2[%add3A, %dma_start3A_20, %dma_start3A_21] : memref<32x80x128xi32, #tpu.memory_space<hbm>> -> memref<1x80x128xi32, #tpu.memory_space<hbm>>
    %dma_start3A_23 = tpu.memref_squeeze %dma_start3A_22 : memref<1x80x128xi32, #tpu.memory_space<hbm>> -> memref<80x128xi32, #tpu.memory_space<hbm>>
    %dma_start3A_24 = arith.constant 0 : i32
    %dma_start3A_25 = arith.constant 0 : i32
    %dma_start3A_26 = tpu.memref_slice %arg2[%add3A, %dma_start3A_24, %dma_start3A_25] : memref<32x80x128xi32, #tpu.memory_space<hbm>> -> memref<1x80x128xi32, #tpu.memory_space<hbm>>
    %dma_start3A_27 = tpu.memref_squeeze %dma_start3A_26 : memref<1x80x128xi32, #tpu.memory_space<hbm>> -> memref<80x128xi32, #tpu.memory_space<hbm>>
    tpu.enqueue_dma source(%dma_start3A_27 : memref<80x128xi32, #tpu.memory_space<hbm>>) target(%arg8 : memref<80x128xi32, #tpu.memory_space<vmem>>) target_semaphore(%arg18 : memref<!tpu.dma_semaphore, #tpu.memory_space<semaphore_mem>>)
    %dma_start3A_28 = arith.constant 0 : i32
    %dma_start3A_29 = arith.constant 0 : i32
    %dma_start3A_30 = tpu.memref_slice %arg3[%add3A, %dma_start3A_28, %dma_start3A_29] : memref<32x80x128xi32, #tpu.memory_space<hbm>> -> memref<1x80x128xi32, #tpu.memory_space<hbm>>
    %dma_start3A_31 = tpu.memref_squeeze %dma_start3A_30 : memref<1x80x128xi32, #tpu.memory_space<hbm>> -> memref<80x128xi32, #tpu.memory_space<hbm>>
    %dma_start3A_32 = arith.constant 0 : i32
    %dma_start3A_33 = arith.constant 0 : i32
    %dma_start3A_34 = tpu.memref_slice %arg3[%add3A, %dma_start3A_32, %dma_start3A_33] : memref<32x80x128xi32, #tpu.memory_space<hbm>> -> memref<1x80x128xi32, #tpu.memory_space<hbm>>
    %dma_start3A_35 = tpu.memref_squeeze %dma_start3A_34 : memref<1x80x128xi32, #tpu.memory_space<hbm>> -> memref<80x128xi32, #tpu.memory_space<hbm>>
    tpu.enqueue_dma source(%dma_start3A_35 : memref<80x128xi32, #tpu.memory_space<hbm>>) target(%arg9 : memref<80x128xi32, #tpu.memory_space<vmem>>) target_semaphore(%arg18 : memref<!tpu.dma_semaphore, #tpu.memory_space<semaphore_mem>>)
    %broadcast_in_dim3A = arith.constant 0.000000e+00 : f32
    %broadcast_in_dim3A_36 = vector.broadcast %broadcast_in_dim3A : f32 to vector<16xf32>
    %scan3A = arith.constant 0 : i32
    %scan3A_37 = arith.constant 0 : i32
    %scan3A_38 = arith.constant 128 : i32
    %scan3A_39 = arith.addi %scan3A_37, %scan3A_38 : i32
    %scan3A_40 = arith.constant 1 : i32
    %scan3A_41 = scf.for %scan3A_257 = %scan3A_37 to %scan3A_39 step %scan3A_40 iter_args(%scan3A_258 = %scan3A) -> (i32)  : i32 {
      %swap3A = arith.index_cast %scan3A_257 : i32 to index
      %swap3A_259 = arith.constant 0 : index
      %swap3A_260 = tpu.vector_load %arg11[%swap3A, %swap3A_259] {strides = array<i32>} : memref<128x16xf32, #tpu.memory_space<vmem>>, vector<1x16xf32>,
      %swap3A_261 = vector.shape_cast %swap3A_260 : vector<1x16xf32> to vector<16xf32>
      %swap3A_262 = vector.shape_cast %broadcast_in_dim3A_36 : vector<16xf32> to vector<1x16xf32>
      tpu.vector_store %arg11[%swap3A, %swap3A_259], %swap3A_262 {strides = array<i32>} : memref<128x16xf32, #tpu.memory_space<vmem>>, vector<1x16xf32>,
      %scan3A_263 = arith.constant 0 : i32
      scf.yield %scan3A_263 : i32
    }
    %scan3A_42 = arith.constant 128 : i32
    %add3A_43 = arith.constant 0 : i32
    %add3A_44 = arith.addi %mul3A_2, %add3A_43 : i32
    %dma_start3A_45 = arith.constant 0 : i32
    %dma_start3A_46 = tpu.memref_slice %arg15[%add3A_44, %dma_start3A_45] : memref<10240x16xf32, #tpu.memory_space<vmem_shared>> -> memref<128x16xf32, #tpu.memory_space<vmem_shared>>
    %dma_start3A_47 = arith.constant 0 : i32
    %dma_start3A_48 = tpu.memref_slice %arg15[%add3A_44, %dma_start3A_47] : memref<10240x16xf32, #tpu.memory_space<vmem_shared>> -> memref<128x16xf32, #tpu.memory_space<vmem_shared>>
    tpu.enqueue_dma source(%arg11 : memref<128x16xf32, #tpu.memory_space<vmem>>) target(%dma_start3A_48 : memref<128x16xf32, #tpu.memory_space<vmem_shared>>) target_semaphore(%arg19 : memref<!tpu.dma_semaphore, #tpu.memory_space<semaphore_mem>>)
    %add3A_49 = arith.constant 128 : i32
    %add3A_50 = arith.addi %mul3A_2, %add3A_49 : i32
    %dma_start3A_51 = arith.constant 0 : i32
    %dma_start3A_52 = tpu.memref_slice %arg15[%add3A_50, %dma_start3A_51] : memref<10240x16xf32, #tpu.memory_space<vmem_shared>> -> memref<128x16xf32, #tpu.memory_space<vmem_shared>>
    %dma_start3A_53 = arith.constant 0 : i32
    %dma_start3A_54 = tpu.memref_slice %arg15[%add3A_50, %dma_start3A_53] : memref<10240x16xf32, #tpu.memory_space<vmem_shared>> -> memref<128x16xf32, #tpu.memory_space<vmem_shared>>
    tpu.enqueue_dma source(%arg11 : memref<128x16xf32, #tpu.memory_space<vmem>>) target(%dma_start3A_54 : memref<128x16xf32, #tpu.memory_space<vmem_shared>>) target_semaphore(%arg19 : memref<!tpu.dma_semaphore, #tpu.memory_space<semaphore_mem>>)
    %add3A_55 = arith.constant 256 : i32
    %add3A_56 = arith.addi %mul3A_2, %add3A_55 : i32
    %dma_start3A_57 = arith.constant 0 : i32
    %dma_start3A_58 = tpu.memref_slice %arg15[%add3A_56, %dma_start3A_57] : memref<10240x16xf32, #tpu.memory_space<vmem_shared>> -> memref<128x16xf32, #tpu.memory_space<vmem_shared>>
    %dma_start3A_59 = arith.constant 0 : i32
    %dma_start3A_60 = tpu.memref_slice %arg15[%add3A_56, %dma_start3A_59] : memref<10240x16xf32, #tpu.memory_space<vmem_shared>> -> memref<128x16xf32, #tpu.memory_space<vmem_shared>>
    tpu.enqueue_dma source(%arg11 : memref<128x16xf32, #tpu.memory_space<vmem>>) target(%dma_start3A_60 : memref<128x16xf32, #tpu.memory_space<vmem_shared>>) target_semaphore(%arg19 : memref<!tpu.dma_semaphore, #tpu.memory_space<semaphore_mem>>)
    %add3A_61 = arith.constant 384 : i32
    %add3A_62 = arith.addi %mul3A_2, %add3A_61 : i32
    %dma_start3A_63 = arith.constant 0 : i32
    %dma_start3A_64 = tpu.memref_slice %arg15[%add3A_62, %dma_start3A_63] : memref<10240x16xf32, #tpu.memory_space<vmem_shared>> -> memref<128x16xf32, #tpu.memory_space<vmem_shared>>
    %dma_start3A_65 = arith.constant 0 : i32
    %dma_start3A_66 = tpu.memref_slice %arg15[%add3A_62, %dma_start3A_65] : memref<10240x16xf32, #tpu.memory_space<vmem_shared>> -> memref<128x16xf32, #tpu.memory_space<vmem_shared>>
    tpu.enqueue_dma source(%arg11 : memref<128x16xf32, #tpu.memory_space<vmem>>) target(%dma_start3A_66 : memref<128x16xf32, #tpu.memory_space<vmem_shared>>) target_semaphore(%arg19 : memref<!tpu.dma_semaphore, #tpu.memory_space<semaphore_mem>>)
    %add3A_67 = arith.constant 512 : i32
    %add3A_68 = arith.addi %mul3A_2, %add3A_67 : i32
    %dma_start3A_69 = arith.constant 0 : i32
    %dma_start3A_70 = tpu.memref_slice %arg15[%add3A_68, %dma_start3A_69] : memref<10240x16xf32, #tpu.memory_space<vmem_shared>> -> memref<128x16xf32, #tpu.memory_space<vmem_shared>>
    %dma_start3A_71 = arith.constant 0 : i32
    %dma_start3A_72 = tpu.memref_slice %arg15[%add3A_68, %dma_start3A_71] : memref<10240x16xf32, #tpu.memory_space<vmem_shared>> -> memref<128x16xf32, #tpu.memory_space<vmem_shared>>
    tpu.enqueue_dma source(%arg11 : memref<128x16xf32, #tpu.memory_space<vmem>>) target(%dma_start3A_72 : memref<128x16xf32, #tpu.memory_space<vmem_shared>>) target_semaphore(%arg19 : memref<!tpu.dma_semaphore, #tpu.memory_space<semaphore_mem>>)
    %dma_wait3A = arith.constant 0 : i32
    %dma_wait3A_73 = arith.constant 0 : i32
    %dma_wait3A_74 = tpu.memref_slice %arg4[%dma_wait3A, %mul3A_2, %dma_wait3A_73] : memref<2x10240x16xf32, #tpu.memory_space<hbm>> -> memref<1x640x16xf32, #tpu.memory_space<hbm>>
    %dma_wait3A_75 = tpu.memref_squeeze %dma_wait3A_74 : memref<1x640x16xf32, #tpu.memory_space<hbm>> -> memref<640x16xf32, #tpu.memory_space<hbm>>
    %dma_wait3A_76 = arith.constant 0 : i32
    %dma_wait3A_77 = tpu.memref_slice %arg4[%dma_wait3A, %mul3A_2, %dma_wait3A_76] : memref<2x10240x16xf32, #tpu.memory_space<hbm>> -> memref<1x640x16xf32, #tpu.memory_space<hbm>>
    %dma_wait3A_78 = tpu.memref_squeeze %dma_wait3A_77 : memref<1x640x16xf32, #tpu.memory_space<hbm>> -> memref<640x16xf32, #tpu.memory_space<hbm>>
    tpu.wait_dma2 semaphore(%arg17 : memref<!tpu.dma_semaphore, #tpu.memory_space<semaphore_mem>>) src(%dma_wait3A_78 : memref<640x16xf32, #tpu.memory_space<hbm>>) dst(%arg12 : memref<640x16xf32, #tpu.memory_space<vmem>>)
    %dma_wait3A_79 = arith.constant 1 : i32
    %dma_wait3A_80 = arith.constant 0 : i32
    %dma_wait3A_81 = tpu.memref_slice %arg4[%dma_wait3A_79, %mul3A_2, %dma_wait3A_80] : memref<2x10240x16xf32, #tpu.memory_space<hbm>> -> memref<1x640x16xf32, #tpu.memory_space<hbm>>
    %dma_wait3A_82 = tpu.memref_squeeze %dma_wait3A_81 : memref<1x640x16xf32, #tpu.memory_space<hbm>> -> memref<640x16xf32, #tpu.memory_space<hbm>>
    %dma_wait3A_83 = arith.constant 0 : i32
    %dma_wait3A_84 = tpu.memref_slice %arg4[%dma_wait3A_79, %mul3A_2, %dma_wait3A_83] : memref<2x10240x16xf32, #tpu.memory_space<hbm>> -> memref<1x640x16xf32, #tpu.memory_space<hbm>>
    %dma_wait3A_85 = tpu.memref_squeeze %dma_wait3A_84 : memref<1x640x16xf32, #tpu.memory_space<hbm>> -> memref<640x16xf32, #tpu.memory_space<hbm>>
    tpu.wait_dma2 semaphore(%arg17 : memref<!tpu.dma_semaphore, #tpu.memory_space<semaphore_mem>>) src(%dma_wait3A_85 : memref<640x16xf32, #tpu.memory_space<hbm>>) dst(%arg13 : memref<640x16xf32, #tpu.memory_space<vmem>>)
    %dma_wait3A_86 = arith.constant 0 : i32
    %dma_wait3A_87 = tpu.memref_slice %arg5[%mul3A_2, %dma_wait3A_86] : memref<10240x16xf32, #tpu.memory_space<hbm>> -> memref<640x16xf32, #tpu.memory_space<hbm>>
    %dma_wait3A_88 = arith.constant 0 : i32
    %dma_wait3A_89 = tpu.memref_slice %arg5[%mul3A_2, %dma_wait3A_88] : memref<10240x16xf32, #tpu.memory_space<hbm>> -> memref<640x16xf32, #tpu.memory_space<hbm>>
    tpu.wait_dma2 semaphore(%arg17 : memref<!tpu.dma_semaphore, #tpu.memory_space<semaphore_mem>>) src(%dma_wait3A_89 : memref<640x16xf32, #tpu.memory_space<hbm>>) dst(%arg14 : memref<640x16xf32, #tpu.memory_space<vmem>>)
    %scan3A_90 = arith.constant 0 : i32
    %scan3A_91 = arith.constant 0 : i32
    %scan3A_92 = arith.constant 640 : i32
    %scan3A_93 = arith.addi %scan3A_91, %scan3A_92 : i32
    %scan3A_94 = arith.constant 1 : i32
    %scan3A_95 = scf.for %scan3A_257 = %scan3A_91 to %scan3A_93 step %scan3A_94 iter_args(%scan3A_258 = %scan3A_90) -> (i32)  : i32 {
      %get3A = arith.index_cast %scan3A_257 : i32 to index
      %get3A_259 = arith.constant 0 : index
      %get3A_260 = tpu.vector_load %arg12[%get3A, %get3A_259] {strides = array<i32>} : memref<640x16xf32, #tpu.memory_space<vmem>>, vector<1x16xf32>,
      %get3A_261 = vector.shape_cast %get3A_260 : vector<1x16xf32> to vector<16xf32>
      %get3A_262 = arith.index_cast %scan3A_257 : i32 to index
      %get3A_263 = arith.constant 0 : index
      %get3A_264 = tpu.vector_load %arg13[%get3A_262, %get3A_263] {strides = array<i32>} : memref<640x16xf32, #tpu.memory_space<vmem>>, vector<1x16xf32>,
      %get3A_265 = vector.shape_cast %get3A_264 : vector<1x16xf32> to vector<16xf32>
      %add3A_266 = arith.addf %get3A_261, %get3A_265 : vector<16xf32>
      %add3A_267 = arith.constant 1.000000e+00 : f32
      %add3A_268 = vector.broadcast %add3A_267 : f32 to vector<16xf32>
      %add3A_269 = arith.addf %add3A_266, %add3A_268 : vector<16xf32>
      %bitcast_convert_type3A = tpu.bitcast %add3A_269 : vector<16xf32> -> vector<16xi32>
      %shift_right_logical3A = arith.constant 1 : i32
      %shift_right_logical3A_270 = vector.broadcast %shift_right_logical3A : i32 to vector<16xi32>
      %shift_right_logical3A_271 = arith.shrui %bitcast_convert_type3A, %shift_right_logical3A_270 : vector<16xi32>
      %sub3A = arith.constant 1597463007 : i32
      %sub3A_272 = vector.broadcast %sub3A : i32 to vector<16xi32>
      %sub3A_273 = arith.subi %sub3A_272, %shift_right_logical3A_271 : vector<16xi32>
      %bitcast_convert_type3A_274 = tpu.bitcast %sub3A_273 : vector<16xi32> -> vector<16xf32>
      %mul3A_275 = arith.constant 5.000000e-01 : f32
      %mul3A_276 = vector.broadcast %mul3A_275 : f32 to vector<16xf32>
      %mul3A_277 = arith.mulf %mul3A_276, %add3A_269 : vector<16xf32>
      %mul3A_278 = arith.mulf %mul3A_277, %bitcast_convert_type3A_274 : vector<16xf32>
      %mul3A_279 = arith.mulf %mul3A_278, %bitcast_convert_type3A_274 : vector<16xf32>
      %sub3A_280 = arith.constant 1.500000e+00 : f32
      %sub3A_281 = vector.broadcast %sub3A_280 : f32 to vector<16xf32>
      %sub3A_282 = arith.subf %sub3A_281, %mul3A_279 : vector<16xf32>
      %mul3A_283 = arith.mulf %bitcast_convert_type3A_274, %sub3A_282 : vector<16xf32>
      %mul3A_284 = arith.constant 5.000000e-01 : f32
      %mul3A_285 = vector.broadcast %mul3A_284 : f32 to vector<16xf32>
      %mul3A_286 = arith.mulf %mul3A_285, %add3A_269 : vector<16xf32>
      %mul3A_287 = arith.mulf %mul3A_286, %mul3A_283 : vector<16xf32>
      %mul3A_288 = arith.mulf %mul3A_287, %mul3A_283 : vector<16xf32>
      %sub3A_289 = arith.constant 1.500000e+00 : f32
      %sub3A_290 = vector.broadcast %sub3A_289 : f32 to vector<16xf32>
      %sub3A_291 = arith.subf %sub3A_290, %mul3A_288 : vector<16xf32>
      %mul3A_292 = arith.mulf %mul3A_283, %sub3A_291 : vector<16xf32>
      %mul3A_293 = arith.constant 5.000000e-01 : f32
      %mul3A_294 = vector.broadcast %mul3A_293 : f32 to vector<16xf32>
      %mul3A_295 = arith.mulf %mul3A_294, %add3A_269 : vector<16xf32>
      %mul3A_296 = arith.mulf %mul3A_295, %mul3A_292 : vector<16xf32>
      %mul3A_297 = arith.mulf %mul3A_296, %mul3A_292 : vector<16xf32>
      %sub3A_298 = arith.constant 1.500000e+00 : f32
      %sub3A_299 = vector.broadcast %sub3A_298 : f32 to vector<16xf32>
      %sub3A_300 = arith.subf %sub3A_299, %mul3A_297 : vector<16xf32>
      %mul3A_301 = arith.mulf %mul3A_292, %sub3A_300 : vector<16xf32>
      %get3A_302 = arith.index_cast %scan3A_257 : i32 to index
      %get3A_303 = arith.constant 0 : index
      %get3A_304 = tpu.vector_load %arg14[%get3A_302, %get3A_303] {strides = array<i32>} : memref<640x16xf32, #tpu.memory_space<vmem>>, vector<1x16xf32>,
      %get3A_305 = vector.shape_cast %get3A_304 : vector<1x16xf32> to vector<16xf32>
      %mul3A_306 = arith.mulf %mul3A_301, %get3A_305 : vector<16xf32>
      %swap3A = arith.index_cast %scan3A_257 : i32 to index
      %swap3A_307 = arith.constant 0 : index
      %swap3A_308 = tpu.vector_load %arg14[%swap3A, %swap3A_307] {strides = array<i32>} : memref<640x16xf32, #tpu.memory_space<vmem>>, vector<1x16xf32>,
      %swap3A_309 = vector.shape_cast %swap3A_308 : vector<1x16xf32> to vector<16xf32>
      %swap3A_310 = vector.shape_cast %mul3A_306 : vector<16xf32> to vector<1x16xf32>
      tpu.vector_store %arg14[%swap3A, %swap3A_307], %swap3A_310 {strides = array<i32>} : memref<640x16xf32, #tpu.memory_space<vmem>>, vector<1x16xf32>,
      %scan3A_311 = arith.constant 0 : i32
      scf.yield %scan3A_311 : i32
    }
    %scan3A_96 = arith.constant 640 : i32
    "tpu.region"() ({
      %run_scoped3A = tpu.sem_alloc : memref<!tpu.dma_semaphore, #tpu.memory_space<semaphore_mem>>
      %dma_start3A_257 = arith.constant 0 : i32
      %dma_start3A_258 = tpu.memref_slice %arg16[%mul3A_2, %dma_start3A_257] : memref<10240x16xf32, #tpu.memory_space<vmem_shared>> -> memref<640x16xf32, #tpu.memory_space<vmem_shared>>
      %dma_start3A_259 = arith.constant 0 : i32
      %dma_start3A_260 = tpu.memref_slice %arg16[%mul3A_2, %dma_start3A_259] : memref<10240x16xf32, #tpu.memory_space<vmem_shared>> -> memref<640x16xf32, #tpu.memory_space<vmem_shared>>
      tpu.enqueue_dma source(%arg14 : memref<640x16xf32, #tpu.memory_space<vmem>>) target(%dma_start3A_260 : memref<640x16xf32, #tpu.memory_space<vmem_shared>>) target_semaphore(%run_scoped3A : memref<!tpu.dma_semaphore, #tpu.memory_space<semaphore_mem>>)
      %dma_wait3A_261 = arith.constant 0 : i32
      %dma_wait3A_262 = tpu.memref_slice %arg16[%mul3A_2, %dma_wait3A_261] : memref<10240x16xf32, #tpu.memory_space<vmem_shared>> -> memref<640x16xf32, #tpu.memory_space<vmem_shared>>
      %dma_wait3A_263 = arith.constant 0 : i32
      %dma_wait3A_264 = tpu.memref_slice %arg16[%mul3A_2, %dma_wait3A_263] : memref<10240x16xf32, #tpu.memory_space<vmem_shared>> -> memref<640x16xf32, #tpu.memory_space<vmem_shared>>
      tpu.wait_dma2 semaphore(%run_scoped3A : memref<!tpu.dma_semaphore, #tpu.memory_space<semaphore_mem>>) src(%arg14 : memref<640x16xf32, #tpu.memory_space<vmem>>) dst(%dma_wait3A_264 : memref<640x16xf32, #tpu.memory_space<vmem_shared>>)
      tpu.yield
    }) : () -> ()
    %eq3A = arith.constant 0 : i32
    %eq3A_97 = arith.cmpi eq, %arg0, %eq3A : i32
    %convert_element_type3A = arith.extui %eq3A_97 : i1 to i32
    %cond3A = arith.constant 0 : i32
    %cond3A_98 = arith.cmpi ne, %convert_element_type3A, %cond3A : i32
    scf.if %cond3A_98 {
      "tpu.region"() ({
        %run_scoped3A = tpu.sem_alloc : memref<!tpu.dma_semaphore, #tpu.memory_space<semaphore_mem>>
        %dma_start3A_257 = arith.constant 0 : i32
        %dma_start3A_258 = tpu.memref_slice %arg7[%mul3A_2, %dma_start3A_257] : memref<10240x16xf32, #tpu.memory_space<hbm>> -> memref<640x16xf32, #tpu.memory_space<hbm>>
        %dma_start3A_259 = arith.constant 0 : i32
        %dma_start3A_260 = tpu.memref_slice %arg7[%mul3A_2, %dma_start3A_259] : memref<10240x16xf32, #tpu.memory_space<hbm>> -> memref<640x16xf32, #tpu.memory_space<hbm>>
        tpu.enqueue_dma source(%arg14 : memref<640x16xf32, #tpu.memory_space<vmem>>) target(%dma_start3A_260 : memref<640x16xf32, #tpu.memory_space<hbm>>) target_semaphore(%run_scoped3A : memref<!tpu.dma_semaphore, #tpu.memory_space<semaphore_mem>>)
        %dma_wait3A_261 = arith.constant 0 : i32
        %dma_wait3A_262 = tpu.memref_slice %arg7[%mul3A_2, %dma_wait3A_261] : memref<10240x16xf32, #tpu.memory_space<hbm>> -> memref<640x16xf32, #tpu.memory_space<hbm>>
        %dma_wait3A_263 = arith.constant 0 : i32
        %dma_wait3A_264 = tpu.memref_slice %arg7[%mul3A_2, %dma_wait3A_263] : memref<10240x16xf32, #tpu.memory_space<hbm>> -> memref<640x16xf32, #tpu.memory_space<hbm>>
        tpu.wait_dma2 semaphore(%run_scoped3A : memref<!tpu.dma_semaphore, #tpu.memory_space<semaphore_mem>>) src(%arg14 : memref<640x16xf32, #tpu.memory_space<vmem>>) dst(%dma_wait3A_264 : memref<640x16xf32, #tpu.memory_space<hbm>>)
        tpu.yield
      }) : () -> ()
    } else {
    }
    %dma_wait3A_99 = arith.constant 0 : i32
    %dma_wait3A_100 = arith.constant 0 : i32
    %dma_wait3A_101 = tpu.memref_slice %arg2[%add3A, %dma_wait3A_99, %dma_wait3A_100] : memref<32x80x128xi32, #tpu.memory_space<hbm>> -> memref<1x80x128xi32, #tpu.memory_space<hbm>>
    %dma_wait3A_102 = tpu.memref_squeeze %dma_wait3A_101 : memref<1x80x128xi32, #tpu.memory_space<hbm>> -> memref<80x128xi32, #tpu.memory_space<hbm>>
    %dma_wait3A_103 = arith.constant 0 : i32
    %dma_wait3A_104 = arith.constant 0 : i32
    %dma_wait3A_105 = tpu.memref_slice %arg2[%add3A, %dma_wait3A_103, %dma_wait3A_104] : memref<32x80x128xi32, #tpu.memory_space<hbm>> -> memref<1x80x128xi32, #tpu.memory_space<hbm>>
    %dma_wait3A_106 = tpu.memref_squeeze %dma_wait3A_105 : memref<1x80x128xi32, #tpu.memory_space<hbm>> -> memref<80x128xi32, #tpu.memory_space<hbm>>
    tpu.wait_dma2 semaphore(%arg18 : memref<!tpu.dma_semaphore, #tpu.memory_space<semaphore_mem>>) src(%dma_wait3A_106 : memref<80x128xi32, #tpu.memory_space<hbm>>) dst(%arg8 : memref<80x128xi32, #tpu.memory_space<vmem>>)
    %dma_wait3A_107 = arith.constant 0 : i32
    %dma_wait3A_108 = arith.constant 0 : i32
    %dma_wait3A_109 = tpu.memref_slice %arg3[%add3A, %dma_wait3A_107, %dma_wait3A_108] : memref<32x80x128xi32, #tpu.memory_space<hbm>> -> memref<1x80x128xi32, #tpu.memory_space<hbm>>
    %dma_wait3A_110 = tpu.memref_squeeze %dma_wait3A_109 : memref<1x80x128xi32, #tpu.memory_space<hbm>> -> memref<80x128xi32, #tpu.memory_space<hbm>>
    %dma_wait3A_111 = arith.constant 0 : i32
    %dma_wait3A_112 = arith.constant 0 : i32
    %dma_wait3A_113 = tpu.memref_slice %arg3[%add3A, %dma_wait3A_111, %dma_wait3A_112] : memref<32x80x128xi32, #tpu.memory_space<hbm>> -> memref<1x80x128xi32, #tpu.memory_space<hbm>>
    %dma_wait3A_114 = tpu.memref_squeeze %dma_wait3A_113 : memref<1x80x128xi32, #tpu.memory_space<hbm>> -> memref<80x128xi32, #tpu.memory_space<hbm>>
    tpu.wait_dma2 semaphore(%arg18 : memref<!tpu.dma_semaphore, #tpu.memory_space<semaphore_mem>>) src(%dma_wait3A_114 : memref<80x128xi32, #tpu.memory_space<hbm>>) dst(%arg9 : memref<80x128xi32, #tpu.memory_space<vmem>>)
    %add3A_115 = arith.constant 0 : i32
    %add3A_116 = arith.addi %mul3A_2, %add3A_115 : i32
    %dma_wait3A_117 = arith.constant 0 : i32
    %dma_wait3A_118 = tpu.memref_slice %arg15[%add3A_116, %dma_wait3A_117] : memref<10240x16xf32, #tpu.memory_space<vmem_shared>> -> memref<128x16xf32, #tpu.memory_space<vmem_shared>>
    %dma_wait3A_119 = arith.constant 0 : i32
    %dma_wait3A_120 = tpu.memref_slice %arg15[%add3A_116, %dma_wait3A_119] : memref<10240x16xf32, #tpu.memory_space<vmem_shared>> -> memref<128x16xf32, #tpu.memory_space<vmem_shared>>
    tpu.wait_dma2 semaphore(%arg19 : memref<!tpu.dma_semaphore, #tpu.memory_space<semaphore_mem>>) src(%arg11 : memref<128x16xf32, #tpu.memory_space<vmem>>) dst(%dma_wait3A_120 : memref<128x16xf32, #tpu.memory_space<vmem_shared>>)
    %add3A_121 = arith.constant 128 : i32
    %add3A_122 = arith.addi %mul3A_2, %add3A_121 : i32
    %dma_wait3A_123 = arith.constant 0 : i32
    %dma_wait3A_124 = tpu.memref_slice %arg15[%add3A_122, %dma_wait3A_123] : memref<10240x16xf32, #tpu.memory_space<vmem_shared>> -> memref<128x16xf32, #tpu.memory_space<vmem_shared>>
    %dma_wait3A_125 = arith.constant 0 : i32
    %dma_wait3A_126 = tpu.memref_slice %arg15[%add3A_122, %dma_wait3A_125] : memref<10240x16xf32, #tpu.memory_space<vmem_shared>> -> memref<128x16xf32, #tpu.memory_space<vmem_shared>>
    tpu.wait_dma2 semaphore(%arg19 : memref<!tpu.dma_semaphore, #tpu.memory_space<semaphore_mem>>) src(%arg11 : memref<128x16xf32, #tpu.memory_space<vmem>>) dst(%dma_wait3A_126 : memref<128x16xf32, #tpu.memory_space<vmem_shared>>)
    %add3A_127 = arith.constant 256 : i32
    %add3A_128 = arith.addi %mul3A_2, %add3A_127 : i32
    %dma_wait3A_129 = arith.constant 0 : i32
    %dma_wait3A_130 = tpu.memref_slice %arg15[%add3A_128, %dma_wait3A_129] : memref<10240x16xf32, #tpu.memory_space<vmem_shared>> -> memref<128x16xf32, #tpu.memory_space<vmem_shared>>
    %dma_wait3A_131 = arith.constant 0 : i32
    %dma_wait3A_132 = tpu.memref_slice %arg15[%add3A_128, %dma_wait3A_131] : memref<10240x16xf32, #tpu.memory_space<vmem_shared>> -> memref<128x16xf32, #tpu.memory_space<vmem_shared>>
    tpu.wait_dma2 semaphore(%arg19 : memref<!tpu.dma_semaphore, #tpu.memory_space<semaphore_mem>>) src(%arg11 : memref<128x16xf32, #tpu.memory_space<vmem>>) dst(%dma_wait3A_132 : memref<128x16xf32, #tpu.memory_space<vmem_shared>>)
    %add3A_133 = arith.constant 384 : i32
    %add3A_134 = arith.addi %mul3A_2, %add3A_133 : i32
    %dma_wait3A_135 = arith.constant 0 : i32
    %dma_wait3A_136 = tpu.memref_slice %arg15[%add3A_134, %dma_wait3A_135] : memref<10240x16xf32, #tpu.memory_space<vmem_shared>> -> memref<128x16xf32, #tpu.memory_space<vmem_shared>>
    %dma_wait3A_137 = arith.constant 0 : i32
    %dma_wait3A_138 = tpu.memref_slice %arg15[%add3A_134, %dma_wait3A_137] : memref<10240x16xf32, #tpu.memory_space<vmem_shared>> -> memref<128x16xf32, #tpu.memory_space<vmem_shared>>
    tpu.wait_dma2 semaphore(%arg19 : memref<!tpu.dma_semaphore, #tpu.memory_space<semaphore_mem>>) src(%arg11 : memref<128x16xf32, #tpu.memory_space<vmem>>) dst(%dma_wait3A_138 : memref<128x16xf32, #tpu.memory_space<vmem_shared>>)
    %add3A_139 = arith.constant 512 : i32
    %add3A_140 = arith.addi %mul3A_2, %add3A_139 : i32
    %dma_wait3A_141 = arith.constant 0 : i32
    %dma_wait3A_142 = tpu.memref_slice %arg15[%add3A_140, %dma_wait3A_141] : memref<10240x16xf32, #tpu.memory_space<vmem_shared>> -> memref<128x16xf32, #tpu.memory_space<vmem_shared>>
    %dma_wait3A_143 = arith.constant 0 : i32
    %dma_wait3A_144 = tpu.memref_slice %arg15[%add3A_140, %dma_wait3A_143] : memref<10240x16xf32, #tpu.memory_space<vmem_shared>> -> memref<128x16xf32, #tpu.memory_space<vmem_shared>>
    tpu.wait_dma2 semaphore(%arg19 : memref<!tpu.dma_semaphore, #tpu.memory_space<semaphore_mem>>) src(%arg11 : memref<128x16xf32, #tpu.memory_space<vmem>>) dst(%dma_wait3A_144 : memref<128x16xf32, #tpu.memory_space<vmem_shared>>)
    %barrier3A = arith.constant 0 : index
    tpu.barrier barrier_id(%barrier3A)
    %dma_start3A_145 = arith.constant 0 : i32
    %dma_start3A_146 = arith.constant 0 : i32
    %dma_start3A_147 = arith.constant 0 : i32
    %dma_start3A_148 = arith.constant 0 : i32
    %dma_start3A_149 = arith.constant 0 : i32
    %dma_start3A_150 = tpu.memref_slice %arg10[%dma_start3A_146, %dma_start3A_147, %dma_start3A_148, %dma_start3A_149] : memref<2x4x128x16xf32, #tpu.memory_space<vmem>> -> memref<1x1x128x16xf32, #tpu.memory_space<vmem>>
    %dma_start3A_151 = tpu.memref_squeeze %dma_start3A_150 : memref<1x1x128x16xf32, #tpu.memory_space<vmem>> -> memref<128x16xf32, #tpu.memory_space<vmem>>
    %dma_start3A_152 = arith.constant 0 : i32
    %dma_start3A_153 = tpu.memref_slice %arg8[%dma_start3A_145, %dma_start3A_152] : memref<80x128xi32, #tpu.memory_space<vmem>> -> memref<1x128xi32, #tpu.memory_space<vmem>>
    %dma_start3A_154 = tpu.memref_squeeze %dma_start3A_153 : memref<1x128xi32, #tpu.memory_space<vmem>> -> memref<128xi32, #tpu.memory_space<vmem>>
    %dma_start3A_155 = arith.constant 0 : i32
    %dma_start3A_156 = arith.constant 0 : i32
    %dma_start3A_157 = tpu.memref_slice %arg16[%dma_start3A_155, %dma_start3A_156] : memref<10240x16xf32, #tpu.memory_space<vmem_shared>> -> memref<10240x16xf32, #tpu.memory_space<vmem_shared>>
    tpu.enqueue_indirect_dma source(%dma_start3A_157 : memref<10240x16xf32, #tpu.memory_space<vmem_shared>>) target(%dma_start3A_151 : memref<128x16xf32, #tpu.memory_space<vmem>>) offsets(%dma_start3A_154 : memref<128xi32, #tpu.memory_space<vmem>>) semaphore(%arg17 : memref<!tpu.dma_semaphore, #tpu.memory_space<semaphore_mem>>)
    %dma_start3A_158 = arith.constant 1 : i32
    %dma_start3A_159 = arith.constant 0 : i32
    %dma_start3A_160 = arith.constant 1 : i32
    %dma_start3A_161 = arith.constant 0 : i32
    %dma_start3A_162 = arith.constant 0 : i32
    %dma_start3A_163 = tpu.memref_slice %arg10[%dma_start3A_159, %dma_start3A_160, %dma_start3A_161, %dma_start3A_162] : memref<2x4x128x16xf32, #tpu.memory_space<vmem>> -> memref<1x1x128x16xf32, #tpu.memory_space<vmem>>
    %dma_start3A_164 = tpu.memref_squeeze %dma_start3A_163 : memref<1x1x128x16xf32, #tpu.memory_space<vmem>> -> memref<128x16xf32, #tpu.memory_space<vmem>>
    %dma_start3A_165 = arith.constant 0 : i32
    %dma_start3A_166 = tpu.memref_slice %arg8[%dma_start3A_158, %dma_start3A_165] : memref<80x128xi32, #tpu.memory_space<vmem>> -> memref<1x128xi32, #tpu.memory_space<vmem>>
    %dma_start3A_167 = tpu.memref_squeeze %dma_start3A_166 : memref<1x128xi32, #tpu.memory_space<vmem>> -> memref<128xi32, #tpu.memory_space<vmem>>
    %dma_start3A_168 = arith.constant 0 : i32
    %dma_start3A_169 = arith.constant 0 : i32
    %dma_start3A_170 = tpu.memref_slice %arg16[%dma_start3A_168, %dma_start3A_169] : memref<10240x16xf32, #tpu.memory_space<vmem_shared>> -> memref<10240x16xf32, #tpu.memory_space<vmem_shared>>
    tpu.enqueue_indirect_dma source(%dma_start3A_170 : memref<10240x16xf32, #tpu.memory_space<vmem_shared>>) target(%dma_start3A_164 : memref<128x16xf32, #tpu.memory_space<vmem>>) offsets(%dma_start3A_167 : memref<128xi32, #tpu.memory_space<vmem>>) semaphore(%arg17 : memref<!tpu.dma_semaphore, #tpu.memory_space<semaphore_mem>>)
    %dma_start3A_171 = arith.constant 2 : i32
    %dma_start3A_172 = arith.constant 0 : i32
    %dma_start3A_173 = arith.constant 2 : i32
    %dma_start3A_174 = arith.constant 0 : i32
    %dma_start3A_175 = arith.constant 0 : i32
    %dma_start3A_176 = tpu.memref_slice %arg10[%dma_start3A_172, %dma_start3A_173, %dma_start3A_174, %dma_start3A_175] : memref<2x4x128x16xf32, #tpu.memory_space<vmem>> -> memref<1x1x128x16xf32, #tpu.memory_space<vmem>>
    %dma_start3A_177 = tpu.memref_squeeze %dma_start3A_176 : memref<1x1x128x16xf32, #tpu.memory_space<vmem>> -> memref<128x16xf32, #tpu.memory_space<vmem>>
    %dma_start3A_178 = arith.constant 0 : i32
    %dma_start3A_179 = tpu.memref_slice %arg8[%dma_start3A_171, %dma_start3A_178] : memref<80x128xi32, #tpu.memory_space<vmem>> -> memref<1x128xi32, #tpu.memory_space<vmem>>
    %dma_start3A_180 = tpu.memref_squeeze %dma_start3A_179 : memref<1x128xi32, #tpu.memory_space<vmem>> -> memref<128xi32, #tpu.memory_space<vmem>>
    %dma_start3A_181 = arith.constant 0 : i32
    %dma_start3A_182 = arith.constant 0 : i32
    %dma_start3A_183 = tpu.memref_slice %arg16[%dma_start3A_181, %dma_start3A_182] : memref<10240x16xf32, #tpu.memory_space<vmem_shared>> -> memref<10240x16xf32, #tpu.memory_space<vmem_shared>>
    tpu.enqueue_indirect_dma source(%dma_start3A_183 : memref<10240x16xf32, #tpu.memory_space<vmem_shared>>) target(%dma_start3A_177 : memref<128x16xf32, #tpu.memory_space<vmem>>) offsets(%dma_start3A_180 : memref<128xi32, #tpu.memory_space<vmem>>) semaphore(%arg17 : memref<!tpu.dma_semaphore, #tpu.memory_space<semaphore_mem>>)
    %dma_start3A_184 = arith.constant 3 : i32
    %dma_start3A_185 = arith.constant 0 : i32
    %dma_start3A_186 = arith.constant 3 : i32
    %dma_start3A_187 = arith.constant 0 : i32
    %dma_start3A_188 = arith.constant 0 : i32
    %dma_start3A_189 = tpu.memref_slice %arg10[%dma_start3A_185, %dma_start3A_186, %dma_start3A_187, %dma_start3A_188] : memref<2x4x128x16xf32, #tpu.memory_space<vmem>> -> memref<1x1x128x16xf32, #tpu.memory_space<vmem>>
    %dma_start3A_190 = tpu.memref_squeeze %dma_start3A_189 : memref<1x1x128x16xf32, #tpu.memory_space<vmem>> -> memref<128x16xf32, #tpu.memory_space<vmem>>
    %dma_start3A_191 = arith.constant 0 : i32
    %dma_start3A_192 = tpu.memref_slice %arg8[%dma_start3A_184, %dma_start3A_191] : memref<80x128xi32, #tpu.memory_space<vmem>> -> memref<1x128xi32, #tpu.memory_space<vmem>>
    %dma_start3A_193 = tpu.memref_squeeze %dma_start3A_192 : memref<1x128xi32, #tpu.memory_space<vmem>> -> memref<128xi32, #tpu.memory_space<vmem>>
    %dma_start3A_194 = arith.constant 0 : i32
    %dma_start3A_195 = arith.constant 0 : i32
    %dma_start3A_196 = tpu.memref_slice %arg16[%dma_start3A_194, %dma_start3A_195] : memref<10240x16xf32, #tpu.memory_space<vmem_shared>> -> memref<10240x16xf32, #tpu.memory_space<vmem_shared>>
    tpu.enqueue_indirect_dma source(%dma_start3A_196 : memref<10240x16xf32, #tpu.memory_space<vmem_shared>>) target(%dma_start3A_190 : memref<128x16xf32, #tpu.memory_space<vmem>>) offsets(%dma_start3A_193 : memref<128xi32, #tpu.memory_space<vmem>>) semaphore(%arg17 : memref<!tpu.dma_semaphore, #tpu.memory_space<semaphore_mem>>)
    %scan3A_197 = arith.constant 0 : i32
    %scan3A_198 = arith.constant 0 : i32
    %scan3A_199 = arith.constant 10 : i32
    %scan3A_200 = arith.addi %scan3A_198, %scan3A_199 : i32
    %scan3A_201 = arith.constant 1 : i32
    %scan3A_202 = scf.for %scan3A_257 = %scan3A_198 to %scan3A_200 step %scan3A_201 iter_args(%scan3A_258 = %scan3A_197) -> (i32)  : i32 {
      %mul3A_259 = arith.constant 2 : i32
      %mul3A_260 = arith.muli %mul3A_259, %scan3A_257 : i32
      %add3A_261 = arith.constant 1 : i32
      %add3A_262 = arith.addi %mul3A_260, %add3A_261 : i32
      %gt3A = arith.constant 0 : i32
      %gt3A_263 = arith.cmpi sgt, %scan3A_257, %gt3A : i32
      %convert_element_type3A_264 = arith.extui %gt3A_263 : i1 to i32
      %cond3A_265 = arith.constant 0 : i32
      %cond3A_266 = arith.cmpi ne, %convert_element_type3A_264, %cond3A_265 : i32
      scf.if %cond3A_266 {
        %sub3A = arith.constant 1 : i32
        %sub3A_656 = arith.subi %mul3A_260, %sub3A : i32
        %mul3A_657 = arith.constant 4 : i32
        %mul3A_658 = arith.muli %sub3A_656, %mul3A_657 : i32
        %add3A_659 = arith.constant 0 : i32
        %add3A_660 = arith.addi %mul3A_658, %add3A_659 : i32
        %dma_wait3A_661 = arith.constant 1 : i32
        %dma_wait3A_662 = arith.constant 0 : i32
        %dma_wait3A_663 = arith.constant 0 : i32
        %dma_wait3A_664 = arith.constant 0 : i32
        %dma_wait3A_665 = tpu.memref_slice %arg10[%dma_wait3A_661, %dma_wait3A_662, %dma_wait3A_663, %dma_wait3A_664] : memref<2x4x128x16xf32, #tpu.memory_space<vmem>> -> memref<1x1x128x16xf32, #tpu.memory_space<vmem>>
        %dma_wait3A_666 = tpu.memref_squeeze %dma_wait3A_665 : memref<1x1x128x16xf32, #tpu.memory_space<vmem>> -> memref<128x16xf32, #tpu.memory_space<vmem>>
        %dma_wait3A_667 = arith.constant 0 : i32
        %dma_wait3A_668 = tpu.memref_slice %arg9[%add3A_660, %dma_wait3A_667] : memref<80x128xi32, #tpu.memory_space<vmem>> -> memref<1x128xi32, #tpu.memory_space<vmem>>
        %dma_wait3A_669 = tpu.memref_squeeze %dma_wait3A_668 : memref<1x128xi32, #tpu.memory_space<vmem>> -> memref<128xi32, #tpu.memory_space<vmem>>
        %dma_wait3A_670 = arith.constant 0 : i32
        %dma_wait3A_671 = arith.constant 0 : i32
        %dma_wait3A_672 = tpu.memref_slice %arg15[%dma_wait3A_670, %dma_wait3A_671] : memref<10240x16xf32, #tpu.memory_space<vmem_shared>> -> memref<10240x16xf32, #tpu.memory_space<vmem_shared>>
        tpu.wait_indirect_dma semaphore(%arg20 : memref<!tpu.dma_semaphore, #tpu.memory_space<semaphore_mem>>) src(%dma_wait3A_666 : memref<128x16xf32, #tpu.memory_space<vmem>>) dst(%dma_wait3A_672 : memref<10240x16xf32, #tpu.memory_space<vmem_shared>>)
        %mul3A_673 = arith.constant 4 : i32
        %mul3A_674 = arith.muli %sub3A_656, %mul3A_673 : i32
        %add3A_675 = arith.constant 1 : i32
        %add3A_676 = arith.addi %mul3A_674, %add3A_675 : i32
        %dma_wait3A_677 = arith.constant 1 : i32
        %dma_wait3A_678 = arith.constant 1 : i32
        %dma_wait3A_679 = arith.constant 0 : i32
        %dma_wait3A_680 = arith.constant 0 : i32
        %dma_wait3A_681 = tpu.memref_slice %arg10[%dma_wait3A_677, %dma_wait3A_678, %dma_wait3A_679, %dma_wait3A_680] : memref<2x4x128x16xf32, #tpu.memory_space<vmem>> -> memref<1x1x128x16xf32, #tpu.memory_space<vmem>>
        %dma_wait3A_682 = tpu.memref_squeeze %dma_wait3A_681 : memref<1x1x128x16xf32, #tpu.memory_space<vmem>> -> memref<128x16xf32, #tpu.memory_space<vmem>>
        %dma_wait3A_683 = arith.constant 0 : i32
        %dma_wait3A_684 = tpu.memref_slice %arg9[%add3A_676, %dma_wait3A_683] : memref<80x128xi32, #tpu.memory_space<vmem>> -> memref<1x128xi32, #tpu.memory_space<vmem>>
        %dma_wait3A_685 = tpu.memref_squeeze %dma_wait3A_684 : memref<1x128xi32, #tpu.memory_space<vmem>> -> memref<128xi32, #tpu.memory_space<vmem>>
        %dma_wait3A_686 = arith.constant 0 : i32
        %dma_wait3A_687 = arith.constant 0 : i32
        %dma_wait3A_688 = tpu.memref_slice %arg15[%dma_wait3A_686, %dma_wait3A_687] : memref<10240x16xf32, #tpu.memory_space<vmem_shared>> -> memref<10240x16xf32, #tpu.memory_space<vmem_shared>>
        tpu.wait_indirect_dma semaphore(%arg20 : memref<!tpu.dma_semaphore, #tpu.memory_space<semaphore_mem>>) src(%dma_wait3A_682 : memref<128x16xf32, #tpu.memory_space<vmem>>) dst(%dma_wait3A_688 : memref<10240x16xf32, #tpu.memory_space<vmem_shared>>)
        %mul3A_689 = arith.constant 4 : i32
        %mul3A_690 = arith.muli %sub3A_656, %mul3A_689 : i32
        %add3A_691 = arith.constant 2 : i32
        %add3A_692 = arith.addi %mul3A_690, %add3A_691 : i32
        %dma_wait3A_693 = arith.constant 1 : i32
        %dma_wait3A_694 = arith.constant 2 : i32
        %dma_wait3A_695 = arith.constant 0 : i32
        %dma_wait3A_696 = arith.constant 0 : i32
        %dma_wait3A_697 = tpu.memref_slice %arg10[%dma_wait3A_693, %dma_wait3A_694, %dma_wait3A_695, %dma_wait3A_696] : memref<2x4x128x16xf32, #tpu.memory_space<vmem>> -> memref<1x1x128x16xf32, #tpu.memory_space<vmem>>
        %dma_wait3A_698 = tpu.memref_squeeze %dma_wait3A_697 : memref<1x1x128x16xf32, #tpu.memory_space<vmem>> -> memref<128x16xf32, #tpu.memory_space<vmem>>
        %dma_wait3A_699 = arith.constant 0 : i32
        %dma_wait3A_700 = tpu.memref_slice %arg9[%add3A_692, %dma_wait3A_699] : memref<80x128xi32, #tpu.memory_space<vmem>> -> memref<1x128xi32, #tpu.memory_space<vmem>>
        %dma_wait3A_701 = tpu.memref_squeeze %dma_wait3A_700 : memref<1x128xi32, #tpu.memory_space<vmem>> -> memref<128xi32, #tpu.memory_space<vmem>>
        %dma_wait3A_702 = arith.constant 0 : i32
        %dma_wait3A_703 = arith.constant 0 : i32
        %dma_wait3A_704 = tpu.memref_slice %arg15[%dma_wait3A_702, %dma_wait3A_703] : memref<10240x16xf32, #tpu.memory_space<vmem_shared>> -> memref<10240x16xf32, #tpu.memory_space<vmem_shared>>
        tpu.wait_indirect_dma semaphore(%arg20 : memref<!tpu.dma_semaphore, #tpu.memory_space<semaphore_mem>>) src(%dma_wait3A_698 : memref<128x16xf32, #tpu.memory_space<vmem>>) dst(%dma_wait3A_704 : memref<10240x16xf32, #tpu.memory_space<vmem_shared>>)
        %mul3A_705 = arith.constant 4 : i32
        %mul3A_706 = arith.muli %sub3A_656, %mul3A_705 : i32
        %add3A_707 = arith.constant 3 : i32
        %add3A_708 = arith.addi %mul3A_706, %add3A_707 : i32
        %dma_wait3A_709 = arith.constant 1 : i32
        %dma_wait3A_710 = arith.constant 3 : i32
        %dma_wait3A_711 = arith.constant 0 : i32
        %dma_wait3A_712 = arith.constant 0 : i32
        %dma_wait3A_713 = tpu.memref_slice %arg10[%dma_wait3A_709, %dma_wait3A_710, %dma_wait3A_711, %dma_wait3A_712] : memref<2x4x128x16xf32, #tpu.memory_space<vmem>> -> memref<1x1x128x16xf32, #tpu.memory_space<vmem>>
        %dma_wait3A_714 = tpu.memref_squeeze %dma_wait3A_713 : memref<1x1x128x16xf32, #tpu.memory_space<vmem>> -> memref<128x16xf32, #tpu.memory_space<vmem>>
        %dma_wait3A_715 = arith.constant 0 : i32
        %dma_wait3A_716 = tpu.memref_slice %arg9[%add3A_708, %dma_wait3A_715] : memref<80x128xi32, #tpu.memory_space<vmem>> -> memref<1x128xi32, #tpu.memory_space<vmem>>
        %dma_wait3A_717 = tpu.memref_squeeze %dma_wait3A_716 : memref<1x128xi32, #tpu.memory_space<vmem>> -> memref<128xi32, #tpu.memory_space<vmem>>
        %dma_wait3A_718 = arith.constant 0 : i32
        %dma_wait3A_719 = arith.constant 0 : i32
        %dma_wait3A_720 = tpu.memref_slice %arg15[%dma_wait3A_718, %dma_wait3A_719] : memref<10240x16xf32, #tpu.memory_space<vmem_shared>> -> memref<10240x16xf32, #tpu.memory_space<vmem_shared>>
        tpu.wait_indirect_dma semaphore(%arg20 : memref<!tpu.dma_semaphore, #tpu.memory_space<semaphore_mem>>) src(%dma_wait3A_714 : memref<128x16xf32, #tpu.memory_space<vmem>>) dst(%dma_wait3A_720 : memref<10240x16xf32, #tpu.memory_space<vmem_shared>>)
      } else {
      }
      %mul3A_267 = arith.constant 4 : i32
      %mul3A_268 = arith.muli %add3A_262, %mul3A_267 : i32
      %add3A_269 = arith.constant 0 : i32
      %add3A_270 = arith.addi %mul3A_268, %add3A_269 : i32
      %dma_start3A_271 = arith.constant 1 : i32
      %dma_start3A_272 = arith.constant 0 : i32
      %dma_start3A_273 = arith.constant 0 : i32
      %dma_start3A_274 = arith.constant 0 : i32
      %dma_start3A_275 = tpu.memref_slice %arg10[%dma_start3A_271, %dma_start3A_272, %dma_start3A_273, %dma_start3A_274] : memref<2x4x128x16xf32, #tpu.memory_space<vmem>> -> memref<1x1x128x16xf32, #tpu.memory_space<vmem>>
      %dma_start3A_276 = tpu.memref_squeeze %dma_start3A_275 : memref<1x1x128x16xf32, #tpu.memory_space<vmem>> -> memref<128x16xf32, #tpu.memory_space<vmem>>
      %dma_start3A_277 = arith.constant 0 : i32
      %dma_start3A_278 = tpu.memref_slice %arg8[%add3A_270, %dma_start3A_277] : memref<80x128xi32, #tpu.memory_space<vmem>> -> memref<1x128xi32, #tpu.memory_space<vmem>>
      %dma_start3A_279 = tpu.memref_squeeze %dma_start3A_278 : memref<1x128xi32, #tpu.memory_space<vmem>> -> memref<128xi32, #tpu.memory_space<vmem>>
      %dma_start3A_280 = arith.constant 0 : i32
      %dma_start3A_281 = arith.constant 0 : i32
      %dma_start3A_282 = tpu.memref_slice %arg16[%dma_start3A_280, %dma_start3A_281] : memref<10240x16xf32, #tpu.memory_space<vmem_shared>> -> memref<10240x16xf32, #tpu.memory_space<vmem_shared>>
      tpu.enqueue_indirect_dma source(%dma_start3A_282 : memref<10240x16xf32, #tpu.memory_space<vmem_shared>>) target(%dma_start3A_276 : memref<128x16xf32, #tpu.memory_space<vmem>>) offsets(%dma_start3A_279 : memref<128xi32, #tpu.memory_space<vmem>>) semaphore(%arg18 : memref<!tpu.dma_semaphore, #tpu.memory_space<semaphore_mem>>)
      %mul3A_283 = arith.constant 4 : i32
      %mul3A_284 = arith.muli %add3A_262, %mul3A_283 : i32
      %add3A_285 = arith.constant 1 : i32
      %add3A_286 = arith.addi %mul3A_284, %add3A_285 : i32
      %dma_start3A_287 = arith.constant 1 : i32
      %dma_start3A_288 = arith.constant 1 : i32
      %dma_start3A_289 = arith.constant 0 : i32
      %dma_start3A_290 = arith.constant 0 : i32
      %dma_start3A_291 = tpu.memref_slice %arg10[%dma_start3A_287, %dma_start3A_288, %dma_start3A_289, %dma_start3A_290] : memref<2x4x128x16xf32, #tpu.memory_space<vmem>> -> memref<1x1x128x16xf32, #tpu.memory_space<vmem>>
      %dma_start3A_292 = tpu.memref_squeeze %dma_start3A_291 : memref<1x1x128x16xf32, #tpu.memory_space<vmem>> -> memref<128x16xf32, #tpu.memory_space<vmem>>
      %dma_start3A_293 = arith.constant 0 : i32
      %dma_start3A_294 = tpu.memref_slice %arg8[%add3A_286, %dma_start3A_293] : memref<80x128xi32, #tpu.memory_space<vmem>> -> memref<1x128xi32, #tpu.memory_space<vmem>>
      %dma_start3A_295 = tpu.memref_squeeze %dma_start3A_294 : memref<1x128xi32, #tpu.memory_space<vmem>> -> memref<128xi32, #tpu.memory_space<vmem>>
      %dma_start3A_296 = arith.constant 0 : i32
      %dma_start3A_297 = arith.constant 0 : i32
      %dma_start3A_298 = tpu.memref_slice %arg16[%dma_start3A_296, %dma_start3A_297] : memref<10240x16xf32, #tpu.memory_space<vmem_shared>> -> memref<10240x16xf32, #tpu.memory_space<vmem_shared>>
      tpu.enqueue_indirect_dma source(%dma_start3A_298 : memref<10240x16xf32, #tpu.memory_space<vmem_shared>>) target(%dma_start3A_292 : memref<128x16xf32, #tpu.memory_space<vmem>>) offsets(%dma_start3A_295 : memref<128xi32, #tpu.memory_space<vmem>>) semaphore(%arg18 : memref<!tpu.dma_semaphore, #tpu.memory_space<semaphore_mem>>)
      %mul3A_299 = arith.constant 4 : i32
      %mul3A_300 = arith.muli %add3A_262, %mul3A_299 : i32
      %add3A_301 = arith.constant 2 : i32
      %add3A_302 = arith.addi %mul3A_300, %add3A_301 : i32
      %dma_start3A_303 = arith.constant 1 : i32
      %dma_start3A_304 = arith.constant 2 : i32
      %dma_start3A_305 = arith.constant 0 : i32
      %dma_start3A_306 = arith.constant 0 : i32
      %dma_start3A_307 = tpu.memref_slice %arg10[%dma_start3A_303, %dma_start3A_304, %dma_start3A_305, %dma_start3A_306] : memref<2x4x128x16xf32, #tpu.memory_space<vmem>> -> memref<1x1x128x16xf32, #tpu.memory_space<vmem>>
      %dma_start3A_308 = tpu.memref_squeeze %dma_start3A_307 : memref<1x1x128x16xf32, #tpu.memory_space<vmem>> -> memref<128x16xf32, #tpu.memory_space<vmem>>
      %dma_start3A_309 = arith.constant 0 : i32
      %dma_start3A_310 = tpu.memref_slice %arg8[%add3A_302, %dma_start3A_309] : memref<80x128xi32, #tpu.memory_space<vmem>> -> memref<1x128xi32, #tpu.memory_space<vmem>>
      %dma_start3A_311 = tpu.memref_squeeze %dma_start3A_310 : memref<1x128xi32, #tpu.memory_space<vmem>> -> memref<128xi32, #tpu.memory_space<vmem>>
      %dma_start3A_312 = arith.constant 0 : i32
      %dma_start3A_313 = arith.constant 0 : i32
      %dma_start3A_314 = tpu.memref_slice %arg16[%dma_start3A_312, %dma_start3A_313] : memref<10240x16xf32, #tpu.memory_space<vmem_shared>> -> memref<10240x16xf32, #tpu.memory_space<vmem_shared>>
      tpu.enqueue_indirect_dma source(%dma_start3A_314 : memref<10240x16xf32, #tpu.memory_space<vmem_shared>>) target(%dma_start3A_308 : memref<128x16xf32, #tpu.memory_space<vmem>>) offsets(%dma_start3A_311 : memref<128xi32, #tpu.memory_space<vmem>>) semaphore(%arg18 : memref<!tpu.dma_semaphore, #tpu.memory_space<semaphore_mem>>)
      %mul3A_315 = arith.constant 4 : i32
      %mul3A_316 = arith.muli %add3A_262, %mul3A_315 : i32
      %add3A_317 = arith.constant 3 : i32
      %add3A_318 = arith.addi %mul3A_316, %add3A_317 : i32
      %dma_start3A_319 = arith.constant 1 : i32
      %dma_start3A_320 = arith.constant 3 : i32
      %dma_start3A_321 = arith.constant 0 : i32
      %dma_start3A_322 = arith.constant 0 : i32
      %dma_start3A_323 = tpu.memref_slice %arg10[%dma_start3A_319, %dma_start3A_320, %dma_start3A_321, %dma_start3A_322] : memref<2x4x128x16xf32, #tpu.memory_space<vmem>> -> memref<1x1x128x16xf32, #tpu.memory_space<vmem>>
      %dma_start3A_324 = tpu.memref_squeeze %dma_start3A_323 : memref<1x1x128x16xf32, #tpu.memory_space<vmem>> -> memref<128x16xf32, #tpu.memory_space<vmem>>
      %dma_start3A_325 = arith.constant 0 : i32
      %dma_start3A_326 = tpu.memref_slice %arg8[%add3A_318, %dma_start3A_325] : memref<80x128xi32, #tpu.memory_space<vmem>> -> memref<1x128xi32, #tpu.memory_space<vmem>>
      %dma_start3A_327 = tpu.memref_squeeze %dma_start3A_326 : memref<1x128xi32, #tpu.memory_space<vmem>> -> memref<128xi32, #tpu.memory_space<vmem>>
      %dma_start3A_328 = arith.constant 0 : i32
      %dma_start3A_329 = arith.constant 0 : i32
      %dma_start3A_330 = tpu.memref_slice %arg16[%dma_start3A_328, %dma_start3A_329] : memref<10240x16xf32, #tpu.memory_space<vmem_shared>> -> memref<10240x16xf32, #tpu.memory_space<vmem_shared>>
      tpu.enqueue_indirect_dma source(%dma_start3A_330 : memref<10240x16xf32, #tpu.memory_space<vmem_shared>>) target(%dma_start3A_324 : memref<128x16xf32, #tpu.memory_space<vmem>>) offsets(%dma_start3A_327 : memref<128xi32, #tpu.memory_space<vmem>>) semaphore(%arg18 : memref<!tpu.dma_semaphore, #tpu.memory_space<semaphore_mem>>)
      %mul3A_331 = arith.constant 4 : i32
      %mul3A_332 = arith.muli %mul3A_260, %mul3A_331 : i32
      %add3A_333 = arith.constant 0 : i32
      %add3A_334 = arith.addi %mul3A_332, %add3A_333 : i32
      %dma_wait3A_335 = arith.constant 0 : i32
      %dma_wait3A_336 = arith.constant 0 : i32
      %dma_wait3A_337 = arith.constant 0 : i32
      %dma_wait3A_338 = arith.constant 0 : i32
      %dma_wait3A_339 = tpu.memref_slice %arg10[%dma_wait3A_335, %dma_wait3A_336, %dma_wait3A_337, %dma_wait3A_338] : memref<2x4x128x16xf32, #tpu.memory_space<vmem>> -> memref<1x1x128x16xf32, #tpu.memory_space<vmem>>
      %dma_wait3A_340 = tpu.memref_squeeze %dma_wait3A_339 : memref<1x1x128x16xf32, #tpu.memory_space<vmem>> -> memref<128x16xf32, #tpu.memory_space<vmem>>
      %dma_wait3A_341 = arith.constant 0 : i32
      %dma_wait3A_342 = tpu.memref_slice %arg8[%add3A_334, %dma_wait3A_341] : memref<80x128xi32, #tpu.memory_space<vmem>> -> memref<1x128xi32, #tpu.memory_space<vmem>>
      %dma_wait3A_343 = tpu.memref_squeeze %dma_wait3A_342 : memref<1x128xi32, #tpu.memory_space<vmem>> -> memref<128xi32, #tpu.memory_space<vmem>>
      %dma_wait3A_344 = arith.constant 0 : i32
      %dma_wait3A_345 = arith.constant 0 : i32
      %dma_wait3A_346 = tpu.memref_slice %arg16[%dma_wait3A_344, %dma_wait3A_345] : memref<10240x16xf32, #tpu.memory_space<vmem_shared>> -> memref<10240x16xf32, #tpu.memory_space<vmem_shared>>
      tpu.wait_indirect_dma semaphore(%arg17 : memref<!tpu.dma_semaphore, #tpu.memory_space<semaphore_mem>>) src(%dma_wait3A_346 : memref<10240x16xf32, #tpu.memory_space<vmem_shared>>) dst(%dma_wait3A_340 : memref<128x16xf32, #tpu.memory_space<vmem>>)
      %mul3A_347 = arith.constant 4 : i32
      %mul3A_348 = arith.muli %mul3A_260, %mul3A_347 : i32
      %add3A_349 = arith.constant 1 : i32
      %add3A_350 = arith.addi %mul3A_348, %add3A_349 : i32
      %dma_wait3A_351 = arith.constant 0 : i32
      %dma_wait3A_352 = arith.constant 1 : i32
      %dma_wait3A_353 = arith.constant 0 : i32
      %dma_wait3A_354 = arith.constant 0 : i32
      %dma_wait3A_355 = tpu.memref_slice %arg10[%dma_wait3A_351, %dma_wait3A_352, %dma_wait3A_353, %dma_wait3A_354] : memref<2x4x128x16xf32, #tpu.memory_space<vmem>> -> memref<1x1x128x16xf32, #tpu.memory_space<vmem>>
      %dma_wait3A_356 = tpu.memref_squeeze %dma_wait3A_355 : memref<1x1x128x16xf32, #tpu.memory_space<vmem>> -> memref<128x16xf32, #tpu.memory_space<vmem>>
      %dma_wait3A_357 = arith.constant 0 : i32
      %dma_wait3A_358 = tpu.memref_slice %arg8[%add3A_350, %dma_wait3A_357] : memref<80x128xi32, #tpu.memory_space<vmem>> -> memref<1x128xi32, #tpu.memory_space<vmem>>
      %dma_wait3A_359 = tpu.memref_squeeze %dma_wait3A_358 : memref<1x128xi32, #tpu.memory_space<vmem>> -> memref<128xi32, #tpu.memory_space<vmem>>
      %dma_wait3A_360 = arith.constant 0 : i32
      %dma_wait3A_361 = arith.constant 0 : i32
      %dma_wait3A_362 = tpu.memref_slice %arg16[%dma_wait3A_360, %dma_wait3A_361] : memref<10240x16xf32, #tpu.memory_space<vmem_shared>> -> memref<10240x16xf32, #tpu.memory_space<vmem_shared>>
      tpu.wait_indirect_dma semaphore(%arg17 : memref<!tpu.dma_semaphore, #tpu.memory_space<semaphore_mem>>) src(%dma_wait3A_362 : memref<10240x16xf32, #tpu.memory_space<vmem_shared>>) dst(%dma_wait3A_356 : memref<128x16xf32, #tpu.memory_space<vmem>>)
      %mul3A_363 = arith.constant 4 : i32
      %mul3A_364 = arith.muli %mul3A_260, %mul3A_363 : i32
      %add3A_365 = arith.constant 2 : i32
      %add3A_366 = arith.addi %mul3A_364, %add3A_365 : i32
      %dma_wait3A_367 = arith.constant 0 : i32
      %dma_wait3A_368 = arith.constant 2 : i32
      %dma_wait3A_369 = arith.constant 0 : i32
      %dma_wait3A_370 = arith.constant 0 : i32
      %dma_wait3A_371 = tpu.memref_slice %arg10[%dma_wait3A_367, %dma_wait3A_368, %dma_wait3A_369, %dma_wait3A_370] : memref<2x4x128x16xf32, #tpu.memory_space<vmem>> -> memref<1x1x128x16xf32, #tpu.memory_space<vmem>>
      %dma_wait3A_372 = tpu.memref_squeeze %dma_wait3A_371 : memref<1x1x128x16xf32, #tpu.memory_space<vmem>> -> memref<128x16xf32, #tpu.memory_space<vmem>>
      %dma_wait3A_373 = arith.constant 0 : i32
      %dma_wait3A_374 = tpu.memref_slice %arg8[%add3A_366, %dma_wait3A_373] : memref<80x128xi32, #tpu.memory_space<vmem>> -> memref<1x128xi32, #tpu.memory_space<vmem>>
      %dma_wait3A_375 = tpu.memref_squeeze %dma_wait3A_374 : memref<1x128xi32, #tpu.memory_space<vmem>> -> memref<128xi32, #tpu.memory_space<vmem>>
      %dma_wait3A_376 = arith.constant 0 : i32
      %dma_wait3A_377 = arith.constant 0 : i32
      %dma_wait3A_378 = tpu.memref_slice %arg16[%dma_wait3A_376, %dma_wait3A_377] : memref<10240x16xf32, #tpu.memory_space<vmem_shared>> -> memref<10240x16xf32, #tpu.memory_space<vmem_shared>>
      tpu.wait_indirect_dma semaphore(%arg17 : memref<!tpu.dma_semaphore, #tpu.memory_space<semaphore_mem>>) src(%dma_wait3A_378 : memref<10240x16xf32, #tpu.memory_space<vmem_shared>>) dst(%dma_wait3A_372 : memref<128x16xf32, #tpu.memory_space<vmem>>)
      %mul3A_379 = arith.constant 4 : i32
      %mul3A_380 = arith.muli %mul3A_260, %mul3A_379 : i32
      %add3A_381 = arith.constant 3 : i32
      %add3A_382 = arith.addi %mul3A_380, %add3A_381 : i32
      %dma_wait3A_383 = arith.constant 0 : i32
      %dma_wait3A_384 = arith.constant 3 : i32
      %dma_wait3A_385 = arith.constant 0 : i32
      %dma_wait3A_386 = arith.constant 0 : i32
      %dma_wait3A_387 = tpu.memref_slice %arg10[%dma_wait3A_383, %dma_wait3A_384, %dma_wait3A_385, %dma_wait3A_386] : memref<2x4x128x16xf32, #tpu.memory_space<vmem>> -> memref<1x1x128x16xf32, #tpu.memory_space<vmem>>
      %dma_wait3A_388 = tpu.memref_squeeze %dma_wait3A_387 : memref<1x1x128x16xf32, #tpu.memory_space<vmem>> -> memref<128x16xf32, #tpu.memory_space<vmem>>
      %dma_wait3A_389 = arith.constant 0 : i32
      %dma_wait3A_390 = tpu.memref_slice %arg8[%add3A_382, %dma_wait3A_389] : memref<80x128xi32, #tpu.memory_space<vmem>> -> memref<1x128xi32, #tpu.memory_space<vmem>>
      %dma_wait3A_391 = tpu.memref_squeeze %dma_wait3A_390 : memref<1x128xi32, #tpu.memory_space<vmem>> -> memref<128xi32, #tpu.memory_space<vmem>>
      %dma_wait3A_392 = arith.constant 0 : i32
      %dma_wait3A_393 = arith.constant 0 : i32
      %dma_wait3A_394 = tpu.memref_slice %arg16[%dma_wait3A_392, %dma_wait3A_393] : memref<10240x16xf32, #tpu.memory_space<vmem_shared>> -> memref<10240x16xf32, #tpu.memory_space<vmem_shared>>
      tpu.wait_indirect_dma semaphore(%arg17 : memref<!tpu.dma_semaphore, #tpu.memory_space<semaphore_mem>>) src(%dma_wait3A_394 : memref<10240x16xf32, #tpu.memory_space<vmem_shared>>) dst(%dma_wait3A_388 : memref<128x16xf32, #tpu.memory_space<vmem>>)
      %mul3A_395 = arith.constant 4 : i32
      %mul3A_396 = arith.muli %mul3A_260, %mul3A_395 : i32
      %add3A_397 = arith.constant 0 : i32
      %add3A_398 = arith.addi %mul3A_396, %add3A_397 : i32
      %dma_start3A_399 = arith.constant 0 : i32
      %dma_start3A_400 = arith.constant 0 : i32
      %dma_start3A_401 = arith.constant 0 : i32
      %dma_start3A_402 = arith.constant 0 : i32
      %dma_start3A_403 = tpu.memref_slice %arg10[%dma_start3A_399, %dma_start3A_400, %dma_start3A_401, %dma_start3A_402] : memref<2x4x128x16xf32, #tpu.memory_space<vmem>> -> memref<1x1x128x16xf32, #tpu.memory_space<vmem>>
      %dma_start3A_404 = tpu.memref_squeeze %dma_start3A_403 : memref<1x1x128x16xf32, #tpu.memory_space<vmem>> -> memref<128x16xf32, #tpu.memory_space<vmem>>
      %dma_start3A_405 = arith.constant 0 : i32
      %dma_start3A_406 = tpu.memref_slice %arg9[%add3A_398, %dma_start3A_405] : memref<80x128xi32, #tpu.memory_space<vmem>> -> memref<1x128xi32, #tpu.memory_space<vmem>>
      %dma_start3A_407 = tpu.memref_squeeze %dma_start3A_406 : memref<1x128xi32, #tpu.memory_space<vmem>> -> memref<128xi32, #tpu.memory_space<vmem>>
      %dma_start3A_408 = arith.constant 0 : i32
      %dma_start3A_409 = arith.constant 0 : i32
      %dma_start3A_410 = tpu.memref_slice %arg15[%dma_start3A_408, %dma_start3A_409] : memref<10240x16xf32, #tpu.memory_space<vmem_shared>> -> memref<10240x16xf32, #tpu.memory_space<vmem_shared>>
      tpu.enqueue_indirect_dma source(%dma_start3A_404 : memref<128x16xf32, #tpu.memory_space<vmem>>) target(%dma_start3A_410 : memref<10240x16xf32, #tpu.memory_space<vmem_shared>>) offsets(%dma_start3A_407 : memref<128xi32, #tpu.memory_space<vmem>>) semaphore(%arg19 : memref<!tpu.dma_semaphore, #tpu.memory_space<semaphore_mem>>) {add = true}
      %mul3A_411 = arith.constant 4 : i32
      %mul3A_412 = arith.muli %mul3A_260, %mul3A_411 : i32
      %add3A_413 = arith.constant 1 : i32
      %add3A_414 = arith.addi %mul3A_412, %add3A_413 : i32
      %dma_start3A_415 = arith.constant 0 : i32
      %dma_start3A_416 = arith.constant 1 : i32
      %dma_start3A_417 = arith.constant 0 : i32
      %dma_start3A_418 = arith.constant 0 : i32
      %dma_start3A_419 = tpu.memref_slice %arg10[%dma_start3A_415, %dma_start3A_416, %dma_start3A_417, %dma_start3A_418] : memref<2x4x128x16xf32, #tpu.memory_space<vmem>> -> memref<1x1x128x16xf32, #tpu.memory_space<vmem>>
      %dma_start3A_420 = tpu.memref_squeeze %dma_start3A_419 : memref<1x1x128x16xf32, #tpu.memory_space<vmem>> -> memref<128x16xf32, #tpu.memory_space<vmem>>
      %dma_start3A_421 = arith.constant 0 : i32
      %dma_start3A_422 = tpu.memref_slice %arg9[%add3A_414, %dma_start3A_421] : memref<80x128xi32, #tpu.memory_space<vmem>> -> memref<1x128xi32, #tpu.memory_space<vmem>>
      %dma_start3A_423 = tpu.memref_squeeze %dma_start3A_422 : memref<1x128xi32, #tpu.memory_space<vmem>> -> memref<128xi32, #tpu.memory_space<vmem>>
      %dma_start3A_424 = arith.constant 0 : i32
      %dma_start3A_425 = arith.constant 0 : i32
      %dma_start3A_426 = tpu.memref_slice %arg15[%dma_start3A_424, %dma_start3A_425] : memref<10240x16xf32, #tpu.memory_space<vmem_shared>> -> memref<10240x16xf32, #tpu.memory_space<vmem_shared>>
      tpu.enqueue_indirect_dma source(%dma_start3A_420 : memref<128x16xf32, #tpu.memory_space<vmem>>) target(%dma_start3A_426 : memref<10240x16xf32, #tpu.memory_space<vmem_shared>>) offsets(%dma_start3A_423 : memref<128xi32, #tpu.memory_space<vmem>>) semaphore(%arg19 : memref<!tpu.dma_semaphore, #tpu.memory_space<semaphore_mem>>) {add = true}
      %mul3A_427 = arith.constant 4 : i32
      %mul3A_428 = arith.muli %mul3A_260, %mul3A_427 : i32
      %add3A_429 = arith.constant 2 : i32
      %add3A_430 = arith.addi %mul3A_428, %add3A_429 : i32
      %dma_start3A_431 = arith.constant 0 : i32
      %dma_start3A_432 = arith.constant 2 : i32
      %dma_start3A_433 = arith.constant 0 : i32
      %dma_start3A_434 = arith.constant 0 : i32
      %dma_start3A_435 = tpu.memref_slice %arg10[%dma_start3A_431, %dma_start3A_432, %dma_start3A_433, %dma_start3A_434] : memref<2x4x128x16xf32, #tpu.memory_space<vmem>> -> memref<1x1x128x16xf32, #tpu.memory_space<vmem>>
      %dma_start3A_436 = tpu.memref_squeeze %dma_start3A_435 : memref<1x1x128x16xf32, #tpu.memory_space<vmem>> -> memref<128x16xf32, #tpu.memory_space<vmem>>
      %dma_start3A_437 = arith.constant 0 : i32
      %dma_start3A_438 = tpu.memref_slice %arg9[%add3A_430, %dma_start3A_437] : memref<80x128xi32, #tpu.memory_space<vmem>> -> memref<1x128xi32, #tpu.memory_space<vmem>>
      %dma_start3A_439 = tpu.memref_squeeze %dma_start3A_438 : memref<1x128xi32, #tpu.memory_space<vmem>> -> memref<128xi32, #tpu.memory_space<vmem>>
      %dma_start3A_440 = arith.constant 0 : i32
      %dma_start3A_441 = arith.constant 0 : i32
      %dma_start3A_442 = tpu.memref_slice %arg15[%dma_start3A_440, %dma_start3A_441] : memref<10240x16xf32, #tpu.memory_space<vmem_shared>> -> memref<10240x16xf32, #tpu.memory_space<vmem_shared>>
      tpu.enqueue_indirect_dma source(%dma_start3A_436 : memref<128x16xf32, #tpu.memory_space<vmem>>) target(%dma_start3A_442 : memref<10240x16xf32, #tpu.memory_space<vmem_shared>>) offsets(%dma_start3A_439 : memref<128xi32, #tpu.memory_space<vmem>>) semaphore(%arg19 : memref<!tpu.dma_semaphore, #tpu.memory_space<semaphore_mem>>) {add = true}
      %mul3A_443 = arith.constant 4 : i32
      %mul3A_444 = arith.muli %mul3A_260, %mul3A_443 : i32
      %add3A_445 = arith.constant 3 : i32
      %add3A_446 = arith.addi %mul3A_444, %add3A_445 : i32
      %dma_start3A_447 = arith.constant 0 : i32
      %dma_start3A_448 = arith.constant 3 : i32
      %dma_start3A_449 = arith.constant 0 : i32
      %dma_start3A_450 = arith.constant 0 : i32
      %dma_start3A_451 = tpu.memref_slice %arg10[%dma_start3A_447, %dma_start3A_448, %dma_start3A_449, %dma_start3A_450] : memref<2x4x128x16xf32, #tpu.memory_space<vmem>> -> memref<1x1x128x16xf32, #tpu.memory_space<vmem>>
      %dma_start3A_452 = tpu.memref_squeeze %dma_start3A_451 : memref<1x1x128x16xf32, #tpu.memory_space<vmem>> -> memref<128x16xf32, #tpu.memory_space<vmem>>
      %dma_start3A_453 = arith.constant 0 : i32
      %dma_start3A_454 = tpu.memref_slice %arg9[%add3A_446, %dma_start3A_453] : memref<80x128xi32, #tpu.memory_space<vmem>> -> memref<1x128xi32, #tpu.memory_space<vmem>>
      %dma_start3A_455 = tpu.memref_squeeze %dma_start3A_454 : memref<1x128xi32, #tpu.memory_space<vmem>> -> memref<128xi32, #tpu.memory_space<vmem>>
      %dma_start3A_456 = arith.constant 0 : i32
      %dma_start3A_457 = arith.constant 0 : i32
      %dma_start3A_458 = tpu.memref_slice %arg15[%dma_start3A_456, %dma_start3A_457] : memref<10240x16xf32, #tpu.memory_space<vmem_shared>> -> memref<10240x16xf32, #tpu.memory_space<vmem_shared>>
      tpu.enqueue_indirect_dma source(%dma_start3A_452 : memref<128x16xf32, #tpu.memory_space<vmem>>) target(%dma_start3A_458 : memref<10240x16xf32, #tpu.memory_space<vmem_shared>>) offsets(%dma_start3A_455 : memref<128xi32, #tpu.memory_space<vmem>>) semaphore(%arg19 : memref<!tpu.dma_semaphore, #tpu.memory_space<semaphore_mem>>) {add = true}
      %mul3A_459 = arith.constant 4 : i32
      %mul3A_460 = arith.muli %add3A_262, %mul3A_459 : i32
      %add3A_461 = arith.constant 0 : i32
      %add3A_462 = arith.addi %mul3A_460, %add3A_461 : i32
      %dma_wait3A_463 = arith.constant 1 : i32
      %dma_wait3A_464 = arith.constant 0 : i32
      %dma_wait3A_465 = arith.constant 0 : i32
      %dma_wait3A_466 = arith.constant 0 : i32
      %dma_wait3A_467 = tpu.memref_slice %arg10[%dma_wait3A_463, %dma_wait3A_464, %dma_wait3A_465, %dma_wait3A_466] : memref<2x4x128x16xf32, #tpu.memory_space<vmem>> -> memref<1x1x128x16xf32, #tpu.memory_space<vmem>>
      %dma_wait3A_468 = tpu.memref_squeeze %dma_wait3A_467 : memref<1x1x128x16xf32, #tpu.memory_space<vmem>> -> memref<128x16xf32, #tpu.memory_space<vmem>>
      %dma_wait3A_469 = arith.constant 0 : i32
      %dma_wait3A_470 = tpu.memref_slice %arg8[%add3A_462, %dma_wait3A_469] : memref<80x128xi32, #tpu.memory_space<vmem>> -> memref<1x128xi32, #tpu.memory_space<vmem>>
      %dma_wait3A_471 = tpu.memref_squeeze %dma_wait3A_470 : memref<1x128xi32, #tpu.memory_space<vmem>> -> memref<128xi32, #tpu.memory_space<vmem>>
      %dma_wait3A_472 = arith.constant 0 : i32
      %dma_wait3A_473 = arith.constant 0 : i32
      %dma_wait3A_474 = tpu.memref_slice %arg16[%dma_wait3A_472, %dma_wait3A_473] : memref<10240x16xf32, #tpu.memory_space<vmem_shared>> -> memref<10240x16xf32, #tpu.memory_space<vmem_shared>>
      tpu.wait_indirect_dma semaphore(%arg18 : memref<!tpu.dma_semaphore, #tpu.memory_space<semaphore_mem>>) src(%dma_wait3A_474 : memref<10240x16xf32, #tpu.memory_space<vmem_shared>>) dst(%dma_wait3A_468 : memref<128x16xf32, #tpu.memory_space<vmem>>)
      %mul3A_475 = arith.constant 4 : i32
      %mul3A_476 = arith.muli %add3A_262, %mul3A_475 : i32
      %add3A_477 = arith.constant 1 : i32
      %add3A_478 = arith.addi %mul3A_476, %add3A_477 : i32
      %dma_wait3A_479 = arith.constant 1 : i32
      %dma_wait3A_480 = arith.constant 1 : i32
      %dma_wait3A_481 = arith.constant 0 : i32
      %dma_wait3A_482 = arith.constant 0 : i32
      %dma_wait3A_483 = tpu.memref_slice %arg10[%dma_wait3A_479, %dma_wait3A_480, %dma_wait3A_481, %dma_wait3A_482] : memref<2x4x128x16xf32, #tpu.memory_space<vmem>> -> memref<1x1x128x16xf32, #tpu.memory_space<vmem>>
      %dma_wait3A_484 = tpu.memref_squeeze %dma_wait3A_483 : memref<1x1x128x16xf32, #tpu.memory_space<vmem>> -> memref<128x16xf32, #tpu.memory_space<vmem>>
      %dma_wait3A_485 = arith.constant 0 : i32
      %dma_wait3A_486 = tpu.memref_slice %arg8[%add3A_478, %dma_wait3A_485] : memref<80x128xi32, #tpu.memory_space<vmem>> -> memref<1x128xi32, #tpu.memory_space<vmem>>
      %dma_wait3A_487 = tpu.memref_squeeze %dma_wait3A_486 : memref<1x128xi32, #tpu.memory_space<vmem>> -> memref<128xi32, #tpu.memory_space<vmem>>
      %dma_wait3A_488 = arith.constant 0 : i32
      %dma_wait3A_489 = arith.constant 0 : i32
      %dma_wait3A_490 = tpu.memref_slice %arg16[%dma_wait3A_488, %dma_wait3A_489] : memref<10240x16xf32, #tpu.memory_space<vmem_shared>> -> memref<10240x16xf32, #tpu.memory_space<vmem_shared>>
      tpu.wait_indirect_dma semaphore(%arg18 : memref<!tpu.dma_semaphore, #tpu.memory_space<semaphore_mem>>) src(%dma_wait3A_490 : memref<10240x16xf32, #tpu.memory_space<vmem_shared>>) dst(%dma_wait3A_484 : memref<128x16xf32, #tpu.memory_space<vmem>>)
      %mul3A_491 = arith.constant 4 : i32
      %mul3A_492 = arith.muli %add3A_262, %mul3A_491 : i32
      %add3A_493 = arith.constant 2 : i32
      %add3A_494 = arith.addi %mul3A_492, %add3A_493 : i32
      %dma_wait3A_495 = arith.constant 1 : i32
      %dma_wait3A_496 = arith.constant 2 : i32
      %dma_wait3A_497 = arith.constant 0 : i32
      %dma_wait3A_498 = arith.constant 0 : i32
      %dma_wait3A_499 = tpu.memref_slice %arg10[%dma_wait3A_495, %dma_wait3A_496, %dma_wait3A_497, %dma_wait3A_498] : memref<2x4x128x16xf32, #tpu.memory_space<vmem>> -> memref<1x1x128x16xf32, #tpu.memory_space<vmem>>
      %dma_wait3A_500 = tpu.memref_squeeze %dma_wait3A_499 : memref<1x1x128x16xf32, #tpu.memory_space<vmem>> -> memref<128x16xf32, #tpu.memory_space<vmem>>
      %dma_wait3A_501 = arith.constant 0 : i32
      %dma_wait3A_502 = tpu.memref_slice %arg8[%add3A_494, %dma_wait3A_501] : memref<80x128xi32, #tpu.memory_space<vmem>> -> memref<1x128xi32, #tpu.memory_space<vmem>>
      %dma_wait3A_503 = tpu.memref_squeeze %dma_wait3A_502 : memref<1x128xi32, #tpu.memory_space<vmem>> -> memref<128xi32, #tpu.memory_space<vmem>>
      %dma_wait3A_504 = arith.constant 0 : i32
      %dma_wait3A_505 = arith.constant 0 : i32
      %dma_wait3A_506 = tpu.memref_slice %arg16[%dma_wait3A_504, %dma_wait3A_505] : memref<10240x16xf32, #tpu.memory_space<vmem_shared>> -> memref<10240x16xf32, #tpu.memory_space<vmem_shared>>
      tpu.wait_indirect_dma semaphore(%arg18 : memref<!tpu.dma_semaphore, #tpu.memory_space<semaphore_mem>>) src(%dma_wait3A_506 : memref<10240x16xf32, #tpu.memory_space<vmem_shared>>) dst(%dma_wait3A_500 : memref<128x16xf32, #tpu.memory_space<vmem>>)
      %mul3A_507 = arith.constant 4 : i32
      %mul3A_508 = arith.muli %add3A_262, %mul3A_507 : i32
      %add3A_509 = arith.constant 3 : i32
      %add3A_510 = arith.addi %mul3A_508, %add3A_509 : i32
      %dma_wait3A_511 = arith.constant 1 : i32
      %dma_wait3A_512 = arith.constant 3 : i32
      %dma_wait3A_513 = arith.constant 0 : i32
      %dma_wait3A_514 = arith.constant 0 : i32
      %dma_wait3A_515 = tpu.memref_slice %arg10[%dma_wait3A_511, %dma_wait3A_512, %dma_wait3A_513, %dma_wait3A_514] : memref<2x4x128x16xf32, #tpu.memory_space<vmem>> -> memref<1x1x128x16xf32, #tpu.memory_space<vmem>>
      %dma_wait3A_516 = tpu.memref_squeeze %dma_wait3A_515 : memref<1x1x128x16xf32, #tpu.memory_space<vmem>> -> memref<128x16xf32, #tpu.memory_space<vmem>>
      %dma_wait3A_517 = arith.constant 0 : i32
      %dma_wait3A_518 = tpu.memref_slice %arg8[%add3A_510, %dma_wait3A_517] : memref<80x128xi32, #tpu.memory_space<vmem>> -> memref<1x128xi32, #tpu.memory_space<vmem>>
      %dma_wait3A_519 = tpu.memref_squeeze %dma_wait3A_518 : memref<1x128xi32, #tpu.memory_space<vmem>> -> memref<128xi32, #tpu.memory_space<vmem>>
      %dma_wait3A_520 = arith.constant 0 : i32
      %dma_wait3A_521 = arith.constant 0 : i32
      %dma_wait3A_522 = tpu.memref_slice %arg16[%dma_wait3A_520, %dma_wait3A_521] : memref<10240x16xf32, #tpu.memory_space<vmem_shared>> -> memref<10240x16xf32, #tpu.memory_space<vmem_shared>>
      tpu.wait_indirect_dma semaphore(%arg18 : memref<!tpu.dma_semaphore, #tpu.memory_space<semaphore_mem>>) src(%dma_wait3A_522 : memref<10240x16xf32, #tpu.memory_space<vmem_shared>>) dst(%dma_wait3A_516 : memref<128x16xf32, #tpu.memory_space<vmem>>)
      %mul3A_523 = arith.constant 4 : i32
      %mul3A_524 = arith.muli %add3A_262, %mul3A_523 : i32
      %add3A_525 = arith.constant 0 : i32
      %add3A_526 = arith.addi %mul3A_524, %add3A_525 : i32
      %dma_start3A_527 = arith.constant 1 : i32
      %dma_start3A_528 = arith.constant 0 : i32
      %dma_start3A_529 = arith.constant 0 : i32
      %dma_start3A_530 = arith.constant 0 : i32
      %dma_start3A_531 = tpu.memref_slice %arg10[%dma_start3A_527, %dma_start3A_528, %dma_start3A_529, %dma_start3A_530] : memref<2x4x128x16xf32, #tpu.memory_space<vmem>> -> memref<1x1x128x16xf32, #tpu.memory_space<vmem>>
      %dma_start3A_532 = tpu.memref_squeeze %dma_start3A_531 : memref<1x1x128x16xf32, #tpu.memory_space<vmem>> -> memref<128x16xf32, #tpu.memory_space<vmem>>
      %dma_start3A_533 = arith.constant 0 : i32
      %dma_start3A_534 = tpu.memref_slice %arg9[%add3A_526, %dma_start3A_533] : memref<80x128xi32, #tpu.memory_space<vmem>> -> memref<1x128xi32, #tpu.memory_space<vmem>>
      %dma_start3A_535 = tpu.memref_squeeze %dma_start3A_534 : memref<1x128xi32, #tpu.memory_space<vmem>> -> memref<128xi32, #tpu.memory_space<vmem>>
      %dma_start3A_536 = arith.constant 0 : i32
      %dma_start3A_537 = arith.constant 0 : i32
      %dma_start3A_538 = tpu.memref_slice %arg15[%dma_start3A_536, %dma_start3A_537] : memref<10240x16xf32, #tpu.memory_space<vmem_shared>> -> memref<10240x16xf32, #tpu.memory_space<vmem_shared>>
      tpu.enqueue_indirect_dma source(%dma_start3A_532 : memref<128x16xf32, #tpu.memory_space<vmem>>) target(%dma_start3A_538 : memref<10240x16xf32, #tpu.memory_space<vmem_shared>>) offsets(%dma_start3A_535 : memref<128xi32, #tpu.memory_space<vmem>>) semaphore(%arg20 : memref<!tpu.dma_semaphore, #tpu.memory_space<semaphore_mem>>) {add = true}
      %mul3A_539 = arith.constant 4 : i32
      %mul3A_540 = arith.muli %add3A_262, %mul3A_539 : i32
      %add3A_541 = arith.constant 1 : i32
      %add3A_542 = arith.addi %mul3A_540, %add3A_541 : i32
      %dma_start3A_543 = arith.constant 1 : i32
      %dma_start3A_544 = arith.constant 1 : i32
      %dma_start3A_545 = arith.constant 0 : i32
      %dma_start3A_546 = arith.constant 0 : i32
      %dma_start3A_547 = tpu.memref_slice %arg10[%dma_start3A_543, %dma_start3A_544, %dma_start3A_545, %dma_start3A_546] : memref<2x4x128x16xf32, #tpu.memory_space<vmem>> -> memref<1x1x128x16xf32, #tpu.memory_space<vmem>>
      %dma_start3A_548 = tpu.memref_squeeze %dma_start3A_547 : memref<1x1x128x16xf32, #tpu.memory_space<vmem>> -> memref<128x16xf32, #tpu.memory_space<vmem>>
      %dma_start3A_549 = arith.constant 0 : i32
      %dma_start3A_550 = tpu.memref_slice %arg9[%add3A_542, %dma_start3A_549] : memref<80x128xi32, #tpu.memory_space<vmem>> -> memref<1x128xi32, #tpu.memory_space<vmem>>
      %dma_start3A_551 = tpu.memref_squeeze %dma_start3A_550 : memref<1x128xi32, #tpu.memory_space<vmem>> -> memref<128xi32, #tpu.memory_space<vmem>>
      %dma_start3A_552 = arith.constant 0 : i32
      %dma_start3A_553 = arith.constant 0 : i32
      %dma_start3A_554 = tpu.memref_slice %arg15[%dma_start3A_552, %dma_start3A_553] : memref<10240x16xf32, #tpu.memory_space<vmem_shared>> -> memref<10240x16xf32, #tpu.memory_space<vmem_shared>>
      tpu.enqueue_indirect_dma source(%dma_start3A_548 : memref<128x16xf32, #tpu.memory_space<vmem>>) target(%dma_start3A_554 : memref<10240x16xf32, #tpu.memory_space<vmem_shared>>) offsets(%dma_start3A_551 : memref<128xi32, #tpu.memory_space<vmem>>) semaphore(%arg20 : memref<!tpu.dma_semaphore, #tpu.memory_space<semaphore_mem>>) {add = true}
      %mul3A_555 = arith.constant 4 : i32
      %mul3A_556 = arith.muli %add3A_262, %mul3A_555 : i32
      %add3A_557 = arith.constant 2 : i32
      %add3A_558 = arith.addi %mul3A_556, %add3A_557 : i32
      %dma_start3A_559 = arith.constant 1 : i32
      %dma_start3A_560 = arith.constant 2 : i32
      %dma_start3A_561 = arith.constant 0 : i32
      %dma_start3A_562 = arith.constant 0 : i32
      %dma_start3A_563 = tpu.memref_slice %arg10[%dma_start3A_559, %dma_start3A_560, %dma_start3A_561, %dma_start3A_562] : memref<2x4x128x16xf32, #tpu.memory_space<vmem>> -> memref<1x1x128x16xf32, #tpu.memory_space<vmem>>
      %dma_start3A_564 = tpu.memref_squeeze %dma_start3A_563 : memref<1x1x128x16xf32, #tpu.memory_space<vmem>> -> memref<128x16xf32, #tpu.memory_space<vmem>>
      %dma_start3A_565 = arith.constant 0 : i32
      %dma_start3A_566 = tpu.memref_slice %arg9[%add3A_558, %dma_start3A_565] : memref<80x128xi32, #tpu.memory_space<vmem>> -> memref<1x128xi32, #tpu.memory_space<vmem>>
      %dma_start3A_567 = tpu.memref_squeeze %dma_start3A_566 : memref<1x128xi32, #tpu.memory_space<vmem>> -> memref<128xi32, #tpu.memory_space<vmem>>
      %dma_start3A_568 = arith.constant 0 : i32
      %dma_start3A_569 = arith.constant 0 : i32
      %dma_start3A_570 = tpu.memref_slice %arg15[%dma_start3A_568, %dma_start3A_569] : memref<10240x16xf32, #tpu.memory_space<vmem_shared>> -> memref<10240x16xf32, #tpu.memory_space<vmem_shared>>
      tpu.enqueue_indirect_dma source(%dma_start3A_564 : memref<128x16xf32, #tpu.memory_space<vmem>>) target(%dma_start3A_570 : memref<10240x16xf32, #tpu.memory_space<vmem_shared>>) offsets(%dma_start3A_567 : memref<128xi32, #tpu.memory_space<vmem>>) semaphore(%arg20 : memref<!tpu.dma_semaphore, #tpu.memory_space<semaphore_mem>>) {add = true}
      %mul3A_571 = arith.constant 4 : i32
      %mul3A_572 = arith.muli %add3A_262, %mul3A_571 : i32
      %add3A_573 = arith.constant 3 : i32
      %add3A_574 = arith.addi %mul3A_572, %add3A_573 : i32
      %dma_start3A_575 = arith.constant 1 : i32
      %dma_start3A_576 = arith.constant 3 : i32
      %dma_start3A_577 = arith.constant 0 : i32
      %dma_start3A_578 = arith.constant 0 : i32
      %dma_start3A_579 = tpu.memref_slice %arg10[%dma_start3A_575, %dma_start3A_576, %dma_start3A_577, %dma_start3A_578] : memref<2x4x128x16xf32, #tpu.memory_space<vmem>> -> memref<1x1x128x16xf32, #tpu.memory_space<vmem>>
      %dma_start3A_580 = tpu.memref_squeeze %dma_start3A_579 : memref<1x1x128x16xf32, #tpu.memory_space<vmem>> -> memref<128x16xf32, #tpu.memory_space<vmem>>
      %dma_start3A_581 = arith.constant 0 : i32
      %dma_start3A_582 = tpu.memref_slice %arg9[%add3A_574, %dma_start3A_581] : memref<80x128xi32, #tpu.memory_space<vmem>> -> memref<1x128xi32, #tpu.memory_space<vmem>>
      %dma_start3A_583 = tpu.memref_squeeze %dma_start3A_582 : memref<1x128xi32, #tpu.memory_space<vmem>> -> memref<128xi32, #tpu.memory_space<vmem>>
      %dma_start3A_584 = arith.constant 0 : i32
      %dma_start3A_585 = arith.constant 0 : i32
      %dma_start3A_586 = tpu.memref_slice %arg15[%dma_start3A_584, %dma_start3A_585] : memref<10240x16xf32, #tpu.memory_space<vmem_shared>> -> memref<10240x16xf32, #tpu.memory_space<vmem_shared>>
      tpu.enqueue_indirect_dma source(%dma_start3A_580 : memref<128x16xf32, #tpu.memory_space<vmem>>) target(%dma_start3A_586 : memref<10240x16xf32, #tpu.memory_space<vmem_shared>>) offsets(%dma_start3A_583 : memref<128xi32, #tpu.memory_space<vmem>>) semaphore(%arg20 : memref<!tpu.dma_semaphore, #tpu.memory_space<semaphore_mem>>) {add = true}
      %mul3A_587 = arith.constant 4 : i32
      %mul3A_588 = arith.muli %mul3A_260, %mul3A_587 : i32
      %add3A_589 = arith.constant 0 : i32
      %add3A_590 = arith.addi %mul3A_588, %add3A_589 : i32
      %dma_wait3A_591 = arith.constant 0 : i32
      %dma_wait3A_592 = arith.constant 0 : i32
      %dma_wait3A_593 = arith.constant 0 : i32
      %dma_wait3A_594 = arith.constant 0 : i32
      %dma_wait3A_595 = tpu.memref_slice %arg10[%dma_wait3A_591, %dma_wait3A_592, %dma_wait3A_593, %dma_wait3A_594] : memref<2x4x128x16xf32, #tpu.memory_space<vmem>> -> memref<1x1x128x16xf32, #tpu.memory_space<vmem>>
      %dma_wait3A_596 = tpu.memref_squeeze %dma_wait3A_595 : memref<1x1x128x16xf32, #tpu.memory_space<vmem>> -> memref<128x16xf32, #tpu.memory_space<vmem>>
      %dma_wait3A_597 = arith.constant 0 : i32
      %dma_wait3A_598 = tpu.memref_slice %arg9[%add3A_590, %dma_wait3A_597] : memref<80x128xi32, #tpu.memory_space<vmem>> -> memref<1x128xi32, #tpu.memory_space<vmem>>
      %dma_wait3A_599 = tpu.memref_squeeze %dma_wait3A_598 : memref<1x128xi32, #tpu.memory_space<vmem>> -> memref<128xi32, #tpu.memory_space<vmem>>
      %dma_wait3A_600 = arith.constant 0 : i32
      %dma_wait3A_601 = arith.constant 0 : i32
      %dma_wait3A_602 = tpu.memref_slice %arg15[%dma_wait3A_600, %dma_wait3A_601] : memref<10240x16xf32, #tpu.memory_space<vmem_shared>> -> memref<10240x16xf32, #tpu.memory_space<vmem_shared>>
      tpu.wait_indirect_dma semaphore(%arg19 : memref<!tpu.dma_semaphore, #tpu.memory_space<semaphore_mem>>) src(%dma_wait3A_596 : memref<128x16xf32, #tpu.memory_space<vmem>>) dst(%dma_wait3A_602 : memref<10240x16xf32, #tpu.memory_space<vmem_shared>>)
      %mul3A_603 = arith.constant 4 : i32
      %mul3A_604 = arith.muli %mul3A_260, %mul3A_603 : i32
      %add3A_605 = arith.constant 1 : i32
      %add3A_606 = arith.addi %mul3A_604, %add3A_605 : i32
      %dma_wait3A_607 = arith.constant 0 : i32
      %dma_wait3A_608 = arith.constant 1 : i32
      %dma_wait3A_609 = arith.constant 0 : i32
      %dma_wait3A_610 = arith.constant 0 : i32
      %dma_wait3A_611 = tpu.memref_slice %arg10[%dma_wait3A_607, %dma_wait3A_608, %dma_wait3A_609, %dma_wait3A_610] : memref<2x4x128x16xf32, #tpu.memory_space<vmem>> -> memref<1x1x128x16xf32, #tpu.memory_space<vmem>>
      %dma_wait3A_612 = tpu.memref_squeeze %dma_wait3A_611 : memref<1x1x128x16xf32, #tpu.memory_space<vmem>> -> memref<128x16xf32, #tpu.memory_space<vmem>>
      %dma_wait3A_613 = arith.constant 0 : i32
      %dma_wait3A_614 = tpu.memref_slice %arg9[%add3A_606, %dma_wait3A_613] : memref<80x128xi32, #tpu.memory_space<vmem>> -> memref<1x128xi32, #tpu.memory_space<vmem>>
      %dma_wait3A_615 = tpu.memref_squeeze %dma_wait3A_614 : memref<1x128xi32, #tpu.memory_space<vmem>> -> memref<128xi32, #tpu.memory_space<vmem>>
      %dma_wait3A_616 = arith.constant 0 : i32
      %dma_wait3A_617 = arith.constant 0 : i32
      %dma_wait3A_618 = tpu.memref_slice %arg15[%dma_wait3A_616, %dma_wait3A_617] : memref<10240x16xf32, #tpu.memory_space<vmem_shared>> -> memref<10240x16xf32, #tpu.memory_space<vmem_shared>>
      tpu.wait_indirect_dma semaphore(%arg19 : memref<!tpu.dma_semaphore, #tpu.memory_space<semaphore_mem>>) src(%dma_wait3A_612 : memref<128x16xf32, #tpu.memory_space<vmem>>) dst(%dma_wait3A_618 : memref<10240x16xf32, #tpu.memory_space<vmem_shared>>)
      %mul3A_619 = arith.constant 4 : i32
      %mul3A_620 = arith.muli %mul3A_260, %mul3A_619 : i32
      %add3A_621 = arith.constant 2 : i32
      %add3A_622 = arith.addi %mul3A_620, %add3A_621 : i32
      %dma_wait3A_623 = arith.constant 0 : i32
      %dma_wait3A_624 = arith.constant 2 : i32
      %dma_wait3A_625 = arith.constant 0 : i32
      %dma_wait3A_626 = arith.constant 0 : i32
      %dma_wait3A_627 = tpu.memref_slice %arg10[%dma_wait3A_623, %dma_wait3A_624, %dma_wait3A_625, %dma_wait3A_626] : memref<2x4x128x16xf32, #tpu.memory_space<vmem>> -> memref<1x1x128x16xf32, #tpu.memory_space<vmem>>
      %dma_wait3A_628 = tpu.memref_squeeze %dma_wait3A_627 : memref<1x1x128x16xf32, #tpu.memory_space<vmem>> -> memref<128x16xf32, #tpu.memory_space<vmem>>
      %dma_wait3A_629 = arith.constant 0 : i32
      %dma_wait3A_630 = tpu.memref_slice %arg9[%add3A_622, %dma_wait3A_629] : memref<80x128xi32, #tpu.memory_space<vmem>> -> memref<1x128xi32, #tpu.memory_space<vmem>>
      %dma_wait3A_631 = tpu.memref_squeeze %dma_wait3A_630 : memref<1x128xi32, #tpu.memory_space<vmem>> -> memref<128xi32, #tpu.memory_space<vmem>>
      %dma_wait3A_632 = arith.constant 0 : i32
      %dma_wait3A_633 = arith.constant 0 : i32
      %dma_wait3A_634 = tpu.memref_slice %arg15[%dma_wait3A_632, %dma_wait3A_633] : memref<10240x16xf32, #tpu.memory_space<vmem_shared>> -> memref<10240x16xf32, #tpu.memory_space<vmem_shared>>
      tpu.wait_indirect_dma semaphore(%arg19 : memref<!tpu.dma_semaphore, #tpu.memory_space<semaphore_mem>>) src(%dma_wait3A_628 : memref<128x16xf32, #tpu.memory_space<vmem>>) dst(%dma_wait3A_634 : memref<10240x16xf32, #tpu.memory_space<vmem_shared>>)
      %mul3A_635 = arith.constant 4 : i32
      %mul3A_636 = arith.muli %mul3A_260, %mul3A_635 : i32
      %add3A_637 = arith.constant 3 : i32
      %add3A_638 = arith.addi %mul3A_636, %add3A_637 : i32
      %dma_wait3A_639 = arith.constant 0 : i32
      %dma_wait3A_640 = arith.constant 3 : i32
      %dma_wait3A_641 = arith.constant 0 : i32
      %dma_wait3A_642 = arith.constant 0 : i32
      %dma_wait3A_643 = tpu.memref_slice %arg10[%dma_wait3A_639, %dma_wait3A_640, %dma_wait3A_641, %dma_wait3A_642] : memref<2x4x128x16xf32, #tpu.memory_space<vmem>> -> memref<1x1x128x16xf32, #tpu.memory_space<vmem>>
      %dma_wait3A_644 = tpu.memref_squeeze %dma_wait3A_643 : memref<1x1x128x16xf32, #tpu.memory_space<vmem>> -> memref<128x16xf32, #tpu.memory_space<vmem>>
      %dma_wait3A_645 = arith.constant 0 : i32
      %dma_wait3A_646 = tpu.memref_slice %arg9[%add3A_638, %dma_wait3A_645] : memref<80x128xi32, #tpu.memory_space<vmem>> -> memref<1x128xi32, #tpu.memory_space<vmem>>
      %dma_wait3A_647 = tpu.memref_squeeze %dma_wait3A_646 : memref<1x128xi32, #tpu.memory_space<vmem>> -> memref<128xi32, #tpu.memory_space<vmem>>
      %dma_wait3A_648 = arith.constant 0 : i32
      %dma_wait3A_649 = arith.constant 0 : i32
      %dma_wait3A_650 = tpu.memref_slice %arg15[%dma_wait3A_648, %dma_wait3A_649] : memref<10240x16xf32, #tpu.memory_space<vmem_shared>> -> memref<10240x16xf32, #tpu.memory_space<vmem_shared>>
      tpu.wait_indirect_dma semaphore(%arg19 : memref<!tpu.dma_semaphore, #tpu.memory_space<semaphore_mem>>) src(%dma_wait3A_644 : memref<128x16xf32, #tpu.memory_space<vmem>>) dst(%dma_wait3A_650 : memref<10240x16xf32, #tpu.memory_space<vmem_shared>>)
      %lt3A = arith.constant 9 : i32
      %lt3A_651 = arith.cmpi slt, %scan3A_257, %lt3A : i32
      %convert_element_type3A_652 = arith.extui %lt3A_651 : i1 to i32
      %cond3A_653 = arith.constant 0 : i32
      %cond3A_654 = arith.cmpi ne, %convert_element_type3A_652, %cond3A_653 : i32
      scf.if %cond3A_654 {
        %add3A_656 = arith.constant 2 : i32
        %add3A_657 = arith.addi %mul3A_260, %add3A_656 : i32
        %mul3A_658 = arith.constant 4 : i32
        %mul3A_659 = arith.muli %add3A_657, %mul3A_658 : i32
        %add3A_660 = arith.constant 0 : i32
        %add3A_661 = arith.addi %mul3A_659, %add3A_660 : i32
        %dma_start3A_662 = arith.constant 0 : i32
        %dma_start3A_663 = arith.constant 0 : i32
        %dma_start3A_664 = arith.constant 0 : i32
        %dma_start3A_665 = arith.constant 0 : i32
        %dma_start3A_666 = tpu.memref_slice %arg10[%dma_start3A_662, %dma_start3A_663, %dma_start3A_664, %dma_start3A_665] : memref<2x4x128x16xf32, #tpu.memory_space<vmem>> -> memref<1x1x128x16xf32, #tpu.memory_space<vmem>>
        %dma_start3A_667 = tpu.memref_squeeze %dma_start3A_666 : memref<1x1x128x16xf32, #tpu.memory_space<vmem>> -> memref<128x16xf32, #tpu.memory_space<vmem>>
        %dma_start3A_668 = arith.constant 0 : i32
        %dma_start3A_669 = tpu.memref_slice %arg8[%add3A_661, %dma_start3A_668] : memref<80x128xi32, #tpu.memory_space<vmem>> -> memref<1x128xi32, #tpu.memory_space<vmem>>
        %dma_start3A_670 = tpu.memref_squeeze %dma_start3A_669 : memref<1x128xi32, #tpu.memory_space<vmem>> -> memref<128xi32, #tpu.memory_space<vmem>>
        %dma_start3A_671 = arith.constant 0 : i32
        %dma_start3A_672 = arith.constant 0 : i32
        %dma_start3A_673 = tpu.memref_slice %arg16[%dma_start3A_671, %dma_start3A_672] : memref<10240x16xf32, #tpu.memory_space<vmem_shared>> -> memref<10240x16xf32, #tpu.memory_space<vmem_shared>>
        tpu.enqueue_indirect_dma source(%dma_start3A_673 : memref<10240x16xf32, #tpu.memory_space<vmem_shared>>) target(%dma_start3A_667 : memref<128x16xf32, #tpu.memory_space<vmem>>) offsets(%dma_start3A_670 : memref<128xi32, #tpu.memory_space<vmem>>) semaphore(%arg17 : memref<!tpu.dma_semaphore, #tpu.memory_space<semaphore_mem>>)
        %mul3A_674 = arith.constant 4 : i32
        %mul3A_675 = arith.muli %add3A_657, %mul3A_674 : i32
        %add3A_676 = arith.constant 1 : i32
        %add3A_677 = arith.addi %mul3A_675, %add3A_676 : i32
        %dma_start3A_678 = arith.constant 0 : i32
        %dma_start3A_679 = arith.constant 1 : i32
        %dma_start3A_680 = arith.constant 0 : i32
        %dma_start3A_681 = arith.constant 0 : i32
        %dma_start3A_682 = tpu.memref_slice %arg10[%dma_start3A_678, %dma_start3A_679, %dma_start3A_680, %dma_start3A_681] : memref<2x4x128x16xf32, #tpu.memory_space<vmem>> -> memref<1x1x128x16xf32, #tpu.memory_space<vmem>>
        %dma_start3A_683 = tpu.memref_squeeze %dma_start3A_682 : memref<1x1x128x16xf32, #tpu.memory_space<vmem>> -> memref<128x16xf32, #tpu.memory_space<vmem>>
        %dma_start3A_684 = arith.constant 0 : i32
        %dma_start3A_685 = tpu.memref_slice %arg8[%add3A_677, %dma_start3A_684] : memref<80x128xi32, #tpu.memory_space<vmem>> -> memref<1x128xi32, #tpu.memory_space<vmem>>
        %dma_start3A_686 = tpu.memref_squeeze %dma_start3A_685 : memref<1x128xi32, #tpu.memory_space<vmem>> -> memref<128xi32, #tpu.memory_space<vmem>>
        %dma_start3A_687 = arith.constant 0 : i32
        %dma_start3A_688 = arith.constant 0 : i32
        %dma_start3A_689 = tpu.memref_slice %arg16[%dma_start3A_687, %dma_start3A_688] : memref<10240x16xf32, #tpu.memory_space<vmem_shared>> -> memref<10240x16xf32, #tpu.memory_space<vmem_shared>>
        tpu.enqueue_indirect_dma source(%dma_start3A_689 : memref<10240x16xf32, #tpu.memory_space<vmem_shared>>) target(%dma_start3A_683 : memref<128x16xf32, #tpu.memory_space<vmem>>) offsets(%dma_start3A_686 : memref<128xi32, #tpu.memory_space<vmem>>) semaphore(%arg17 : memref<!tpu.dma_semaphore, #tpu.memory_space<semaphore_mem>>)
        %mul3A_690 = arith.constant 4 : i32
        %mul3A_691 = arith.muli %add3A_657, %mul3A_690 : i32
        %add3A_692 = arith.constant 2 : i32
        %add3A_693 = arith.addi %mul3A_691, %add3A_692 : i32
        %dma_start3A_694 = arith.constant 0 : i32
        %dma_start3A_695 = arith.constant 2 : i32
        %dma_start3A_696 = arith.constant 0 : i32
        %dma_start3A_697 = arith.constant 0 : i32
        %dma_start3A_698 = tpu.memref_slice %arg10[%dma_start3A_694, %dma_start3A_695, %dma_start3A_696, %dma_start3A_697] : memref<2x4x128x16xf32, #tpu.memory_space<vmem>> -> memref<1x1x128x16xf32, #tpu.memory_space<vmem>>
        %dma_start3A_699 = tpu.memref_squeeze %dma_start3A_698 : memref<1x1x128x16xf32, #tpu.memory_space<vmem>> -> memref<128x16xf32, #tpu.memory_space<vmem>>
        %dma_start3A_700 = arith.constant 0 : i32
        %dma_start3A_701 = tpu.memref_slice %arg8[%add3A_693, %dma_start3A_700] : memref<80x128xi32, #tpu.memory_space<vmem>> -> memref<1x128xi32, #tpu.memory_space<vmem>>
        %dma_start3A_702 = tpu.memref_squeeze %dma_start3A_701 : memref<1x128xi32, #tpu.memory_space<vmem>> -> memref<128xi32, #tpu.memory_space<vmem>>
        %dma_start3A_703 = arith.constant 0 : i32
        %dma_start3A_704 = arith.constant 0 : i32
        %dma_start3A_705 = tpu.memref_slice %arg16[%dma_start3A_703, %dma_start3A_704] : memref<10240x16xf32, #tpu.memory_space<vmem_shared>> -> memref<10240x16xf32, #tpu.memory_space<vmem_shared>>
        tpu.enqueue_indirect_dma source(%dma_start3A_705 : memref<10240x16xf32, #tpu.memory_space<vmem_shared>>) target(%dma_start3A_699 : memref<128x16xf32, #tpu.memory_space<vmem>>) offsets(%dma_start3A_702 : memref<128xi32, #tpu.memory_space<vmem>>) semaphore(%arg17 : memref<!tpu.dma_semaphore, #tpu.memory_space<semaphore_mem>>)
        %mul3A_706 = arith.constant 4 : i32
        %mul3A_707 = arith.muli %add3A_657, %mul3A_706 : i32
        %add3A_708 = arith.constant 3 : i32
        %add3A_709 = arith.addi %mul3A_707, %add3A_708 : i32
        %dma_start3A_710 = arith.constant 0 : i32
        %dma_start3A_711 = arith.constant 3 : i32
        %dma_start3A_712 = arith.constant 0 : i32
        %dma_start3A_713 = arith.constant 0 : i32
        %dma_start3A_714 = tpu.memref_slice %arg10[%dma_start3A_710, %dma_start3A_711, %dma_start3A_712, %dma_start3A_713] : memref<2x4x128x16xf32, #tpu.memory_space<vmem>> -> memref<1x1x128x16xf32, #tpu.memory_space<vmem>>
        %dma_start3A_715 = tpu.memref_squeeze %dma_start3A_714 : memref<1x1x128x16xf32, #tpu.memory_space<vmem>> -> memref<128x16xf32, #tpu.memory_space<vmem>>
        %dma_start3A_716 = arith.constant 0 : i32
        %dma_start3A_717 = tpu.memref_slice %arg8[%add3A_709, %dma_start3A_716] : memref<80x128xi32, #tpu.memory_space<vmem>> -> memref<1x128xi32, #tpu.memory_space<vmem>>
        %dma_start3A_718 = tpu.memref_squeeze %dma_start3A_717 : memref<1x128xi32, #tpu.memory_space<vmem>> -> memref<128xi32, #tpu.memory_space<vmem>>
        %dma_start3A_719 = arith.constant 0 : i32
        %dma_start3A_720 = arith.constant 0 : i32
        %dma_start3A_721 = tpu.memref_slice %arg16[%dma_start3A_719, %dma_start3A_720] : memref<10240x16xf32, #tpu.memory_space<vmem_shared>> -> memref<10240x16xf32, #tpu.memory_space<vmem_shared>>
        tpu.enqueue_indirect_dma source(%dma_start3A_721 : memref<10240x16xf32, #tpu.memory_space<vmem_shared>>) target(%dma_start3A_715 : memref<128x16xf32, #tpu.memory_space<vmem>>) offsets(%dma_start3A_718 : memref<128xi32, #tpu.memory_space<vmem>>) semaphore(%arg17 : memref<!tpu.dma_semaphore, #tpu.memory_space<semaphore_mem>>)
      } else {
      }
      %scan3A_655 = arith.constant 0 : i32
      scf.yield %scan3A_655 : i32
    }
    %scan3A_203 = arith.constant 10 : i32
    %dma_wait3A_204 = arith.constant 1 : i32
    %dma_wait3A_205 = arith.constant 0 : i32
    %dma_wait3A_206 = arith.constant 76 : i32
    %dma_wait3A_207 = arith.constant 0 : i32
    %dma_wait3A_208 = arith.constant 0 : i32
    %dma_wait3A_209 = tpu.memref_slice %arg10[%dma_wait3A_204, %dma_wait3A_205, %dma_wait3A_207, %dma_wait3A_208] : memref<2x4x128x16xf32, #tpu.memory_space<vmem>> -> memref<1x1x128x16xf32, #tpu.memory_space<vmem>>
    %dma_wait3A_210 = tpu.memref_squeeze %dma_wait3A_209 : memref<1x1x128x16xf32, #tpu.memory_space<vmem>> -> memref<128x16xf32, #tpu.memory_space<vmem>>
    %dma_wait3A_211 = arith.constant 0 : i32
    %dma_wait3A_212 = tpu.memref_slice %arg9[%dma_wait3A_206, %dma_wait3A_211] : memref<80x128xi32, #tpu.memory_space<vmem>> -> memref<1x128xi32, #tpu.memory_space<vmem>>
    %dma_wait3A_213 = tpu.memref_squeeze %dma_wait3A_212 : memref<1x128xi32, #tpu.memory_space<vmem>> -> memref<128xi32, #tpu.memory_space<vmem>>
    %dma_wait3A_214 = arith.constant 0 : i32
    %dma_wait3A_215 = arith.constant 0 : i32
    %dma_wait3A_216 = tpu.memref_slice %arg15[%dma_wait3A_214, %dma_wait3A_215] : memref<10240x16xf32, #tpu.memory_space<vmem_shared>> -> memref<10240x16xf32, #tpu.memory_space<vmem_shared>>
    tpu.wait_indirect_dma semaphore(%arg20 : memref<!tpu.dma_semaphore, #tpu.memory_space<semaphore_mem>>) src(%dma_wait3A_210 : memref<128x16xf32, #tpu.memory_space<vmem>>) dst(%dma_wait3A_216 : memref<10240x16xf32, #tpu.memory_space<vmem_shared>>)
    %dma_wait3A_217 = arith.constant 1 : i32
    %dma_wait3A_218 = arith.constant 1 : i32
    %dma_wait3A_219 = arith.constant 77 : i32
    %dma_wait3A_220 = arith.constant 0 : i32
    %dma_wait3A_221 = arith.constant 0 : i32
    %dma_wait3A_222 = tpu.memref_slice %arg10[%dma_wait3A_217, %dma_wait3A_218, %dma_wait3A_220, %dma_wait3A_221] : memref<2x4x128x16xf32, #tpu.memory_space<vmem>> -> memref<1x1x128x16xf32, #tpu.memory_space<vmem>>
    %dma_wait3A_223 = tpu.memref_squeeze %dma_wait3A_222 : memref<1x1x128x16xf32, #tpu.memory_space<vmem>> -> memref<128x16xf32, #tpu.memory_space<vmem>>
    %dma_wait3A_224 = arith.constant 0 : i32
    %dma_wait3A_225 = tpu.memref_slice %arg9[%dma_wait3A_219, %dma_wait3A_224] : memref<80x128xi32, #tpu.memory_space<vmem>> -> memref<1x128xi32, #tpu.memory_space<vmem>>
    %dma_wait3A_226 = tpu.memref_squeeze %dma_wait3A_225 : memref<1x128xi32, #tpu.memory_space<vmem>> -> memref<128xi32, #tpu.memory_space<vmem>>
    %dma_wait3A_227 = arith.constant 0 : i32
    %dma_wait3A_228 = arith.constant 0 : i32
    %dma_wait3A_229 = tpu.memref_slice %arg15[%dma_wait3A_227, %dma_wait3A_228] : memref<10240x16xf32, #tpu.memory_space<vmem_shared>> -> memref<10240x16xf32, #tpu.memory_space<vmem_shared>>
    tpu.wait_indirect_dma semaphore(%arg20 : memref<!tpu.dma_semaphore, #tpu.memory_space<semaphore_mem>>) src(%dma_wait3A_223 : memref<128x16xf32, #tpu.memory_space<vmem>>) dst(%dma_wait3A_229 : memref<10240x16xf32, #tpu.memory_space<vmem_shared>>)
    %dma_wait3A_230 = arith.constant 1 : i32
    %dma_wait3A_231 = arith.constant 2 : i32
    %dma_wait3A_232 = arith.constant 78 : i32
    %dma_wait3A_233 = arith.constant 0 : i32
    %dma_wait3A_234 = arith.constant 0 : i32
    %dma_wait3A_235 = tpu.memref_slice %arg10[%dma_wait3A_230, %dma_wait3A_231, %dma_wait3A_233, %dma_wait3A_234] : memref<2x4x128x16xf32, #tpu.memory_space<vmem>> -> memref<1x1x128x16xf32, #tpu.memory_space<vmem>>
    %dma_wait3A_236 = tpu.memref_squeeze %dma_wait3A_235 : memref<1x1x128x16xf32, #tpu.memory_space<vmem>> -> memref<128x16xf32, #tpu.memory_space<vmem>>
    %dma_wait3A_237 = arith.constant 0 : i32
    %dma_wait3A_238 = tpu.memref_slice %arg9[%dma_wait3A_232, %dma_wait3A_237] : memref<80x128xi32, #tpu.memory_space<vmem>> -> memref<1x128xi32, #tpu.memory_space<vmem>>
    %dma_wait3A_239 = tpu.memref_squeeze %dma_wait3A_238 : memref<1x128xi32, #tpu.memory_space<vmem>> -> memref<128xi32, #tpu.memory_space<vmem>>
    %dma_wait3A_240 = arith.constant 0 : i32
    %dma_wait3A_241 = arith.constant 0 : i32
    %dma_wait3A_242 = tpu.memref_slice %arg15[%dma_wait3A_240, %dma_wait3A_241] : memref<10240x16xf32, #tpu.memory_space<vmem_shared>> -> memref<10240x16xf32, #tpu.memory_space<vmem_shared>>
    tpu.wait_indirect_dma semaphore(%arg20 : memref<!tpu.dma_semaphore, #tpu.memory_space<semaphore_mem>>) src(%dma_wait3A_236 : memref<128x16xf32, #tpu.memory_space<vmem>>) dst(%dma_wait3A_242 : memref<10240x16xf32, #tpu.memory_space<vmem_shared>>)
    %dma_wait3A_243 = arith.constant 1 : i32
    %dma_wait3A_244 = arith.constant 3 : i32
    %dma_wait3A_245 = arith.constant 79 : i32
    %dma_wait3A_246 = arith.constant 0 : i32
    %dma_wait3A_247 = arith.constant 0 : i32
    %dma_wait3A_248 = tpu.memref_slice %arg10[%dma_wait3A_243, %dma_wait3A_244, %dma_wait3A_246, %dma_wait3A_247] : memref<2x4x128x16xf32, #tpu.memory_space<vmem>> -> memref<1x1x128x16xf32, #tpu.memory_space<vmem>>
    %dma_wait3A_249 = tpu.memref_squeeze %dma_wait3A_248 : memref<1x1x128x16xf32, #tpu.memory_space<vmem>> -> memref<128x16xf32, #tpu.memory_space<vmem>>
    %dma_wait3A_250 = arith.constant 0 : i32
    %dma_wait3A_251 = tpu.memref_slice %arg9[%dma_wait3A_245, %dma_wait3A_250] : memref<80x128xi32, #tpu.memory_space<vmem>> -> memref<1x128xi32, #tpu.memory_space<vmem>>
    %dma_wait3A_252 = tpu.memref_squeeze %dma_wait3A_251 : memref<1x128xi32, #tpu.memory_space<vmem>> -> memref<128xi32, #tpu.memory_space<vmem>>
    %dma_wait3A_253 = arith.constant 0 : i32
    %dma_wait3A_254 = arith.constant 0 : i32
    %dma_wait3A_255 = tpu.memref_slice %arg15[%dma_wait3A_253, %dma_wait3A_254] : memref<10240x16xf32, #tpu.memory_space<vmem_shared>> -> memref<10240x16xf32, #tpu.memory_space<vmem_shared>>
    tpu.wait_indirect_dma semaphore(%arg20 : memref<!tpu.dma_semaphore, #tpu.memory_space<semaphore_mem>>) src(%dma_wait3A_249 : memref<128x16xf32, #tpu.memory_space<vmem>>) dst(%dma_wait3A_255 : memref<10240x16xf32, #tpu.memory_space<vmem_shared>>)
    %barrier3A_256 = arith.constant 0 : index
    tpu.barrier barrier_id(%barrier3A_256)
    "tpu.region"() ({
      %run_scoped3A = tpu.sem_alloc : memref<!tpu.dma_semaphore, #tpu.memory_space<semaphore_mem>>
      %dma_start3A_257 = arith.constant 0 : i32
      %dma_start3A_258 = tpu.memref_slice %arg6[%arg0, %mul3A_2, %dma_start3A_257] : memref<2x10240x16xf32, #tpu.memory_space<hbm>> -> memref<1x640x16xf32, #tpu.memory_space<hbm>>
      %dma_start3A_259 = tpu.memref_squeeze %dma_start3A_258 : memref<1x640x16xf32, #tpu.memory_space<hbm>> -> memref<640x16xf32, #tpu.memory_space<hbm>>
      %dma_start3A_260 = arith.constant 0 : i32
      %dma_start3A_261 = tpu.memref_slice %arg15[%mul3A_2, %dma_start3A_260] : memref<10240x16xf32, #tpu.memory_space<vmem_shared>> -> memref<640x16xf32, #tpu.memory_space<vmem_shared>>
      tpu.enqueue_dma source(%dma_start3A_261 : memref<640x16xf32, #tpu.memory_space<vmem_shared>>) target(%dma_start3A_259 : memref<640x16xf32, #tpu.memory_space<hbm>>) target_semaphore(%run_scoped3A : memref<!tpu.dma_semaphore, #tpu.memory_space<semaphore_mem>>)
      %dma_wait3A_262 = arith.constant 0 : i32
      %dma_wait3A_263 = tpu.memref_slice %arg6[%arg0, %mul3A_2, %dma_wait3A_262] : memref<2x10240x16xf32, #tpu.memory_space<hbm>> -> memref<1x640x16xf32, #tpu.memory_space<hbm>>
      %dma_wait3A_264 = tpu.memref_squeeze %dma_wait3A_263 : memref<1x640x16xf32, #tpu.memory_space<hbm>> -> memref<640x16xf32, #tpu.memory_space<hbm>>
      %dma_wait3A_265 = arith.constant 0 : i32
      %dma_wait3A_266 = tpu.memref_slice %arg15[%mul3A_2, %dma_wait3A_265] : memref<10240x16xf32, #tpu.memory_space<vmem_shared>> -> memref<640x16xf32, #tpu.memory_space<vmem_shared>>
      tpu.wait_dma2 semaphore(%run_scoped3A : memref<!tpu.dma_semaphore, #tpu.memory_space<semaphore_mem>>) src(%dma_wait3A_266 : memref<640x16xf32, #tpu.memory_space<vmem_shared>>) dst(%dma_wait3A_264 : memref<640x16xf32, #tpu.memory_space<hbm>>)
      tpu.yield
    }) : () -> ()
    return
  }
}

module attributes {stable_mosaic.version = 14 : i64} {
  func.func @_tc_mm_body(%arg0: i32, %arg1: memref<2048x128xf32, #tpu.memory_space<vmem>>, %arg2: memref<128x16xf32, #tpu.memory_space<vmem>>, %arg3: memref<2048x16xf32, #tpu.memory_space<vmem>>) attributes {dimension_semantics = [#tpu.dimension_semantics<arbitrary>], iteration_bounds = array<i64: 5>, scalar_prefetch = 0 : i64, scratch_operands = 0 : i64, tpu.core_type = #tpu.core_type<tc>, window_params = [{transform_indices = @transform_0, window_bounds = array<i64: 2048, 128>}, {pipeline_mode = #tpu.pipeline_mode<synchronous>, transform_indices = @transform_1, window_bounds = array<i64: 128, 16>}, {transform_indices = @transform_2, window_bounds = array<i64: 2048, 16>}]} {
    %get3A = arith.constant 0 : index
    %get3A_0 = arith.constant 0 : index
    %get3A_1 = vector.load %arg1[%get3A, %get3A_0] : memref<2048x128xf32, #tpu.memory_space<vmem>>, vector<2048x128xf32>
    %get3A_2 = arith.constant 0 : index
    %get3A_3 = arith.constant 0 : index
    %get3A_4 = vector.load %arg2[%get3A_2, %get3A_3] : memref<128x16xf32, #tpu.memory_space<vmem>>, vector<128x16xf32>
    %dot_general3A = arith.constant dense<0.000000e+00> : vector<2048x16xf32>
    %dot_general3A_5 = tpu.matmul %get3A_1, %get3A_4, %dot_general3A {dimension_numbers = #tpu.dot_dimension_numbers<[1], [0], [0], [1], [0, 0, 1, 1], [], []>, transpose_lhs_hint = false} : vector<2048x128xf32>, vector<128x16xf32>, vector<2048x16xf32> -> vector<2048x16xf32>
    %swap3A = arith.constant 0 : index
    %swap3A_6 = arith.constant 0 : index
    %swap3A_7 = vector.load %arg3[%swap3A, %swap3A_6] : memref<2048x16xf32, #tpu.memory_space<vmem>>, vector<2048x16xf32>
    tpu.vector_store %arg3[%swap3A, %swap3A_6], %dot_general3A_5 {strides = array<i32>} : memref<2048x16xf32, #tpu.memory_space<vmem>>, vector<2048x16xf32>,
    return
  }
  func.func @transform_0(%arg0: i32) -> (i32, i32) {
    %c0_i32 = arith.constant 0 : i32
    %c0_i32_0 = arith.constant 0 : i32
    return %arg0, %c0_i32 : i32, i32
  }
  func.func @transform_1(%arg0: i32) -> (i32, i32) {
    %c0_i32 = arith.constant 0 : i32
    %c0_i32_0 = arith.constant 0 : i32
    %c0_i32_1 = arith.constant 0 : i32
    return %c0_i32, %c0_i32_0 : i32, i32
  }
  func.func @transform_2(%arg0: i32) -> (i32, i32) {
    %c0_i32 = arith.constant 0 : i32
    %c0_i32_0 = arith.constant 0 : i32
    return %arg0, %c0_i32 : i32, i32
  }
}

module attributes {stable_mosaic.version = 14 : i64} {
  func.func @_tc3_body(%arg0: i32, %arg1: memref<2000x16xf32, #tpu.memory_space<vmem>>, %arg2: memref<2000x16xf32, #tpu.memory_space<vmem>>, %arg3: memref<2000x16xf32, #tpu.memory_space<vmem>>, %arg4: memref<2000x16xf32, #tpu.memory_space<vmem>>, %arg5: memref<2000x16xf32, #tpu.memory_space<vmem>>, %arg6: memref<16x128xf32, #tpu.memory_space<vmem>>, %arg7: memref<1x128xf32, #tpu.memory_space<vmem>>, %arg8: memref<2000x128xf32, #tpu.memory_space<vmem>>) attributes {dimension_semantics = [#tpu.dimension_semantics<arbitrary>], iteration_bounds = array<i64: 5>, scalar_prefetch = 0 : i64, scratch_operands = 0 : i64, tpu.core_type = #tpu.core_type<tc>, window_params = [{transform_indices = @transform_0, window_bounds = array<i64: 2000, 16>}, {transform_indices = @transform_1, window_bounds = array<i64: 2000, 16>}, {transform_indices = @transform_2, window_bounds = array<i64: 2000, 16>}, {transform_indices = @transform_3, window_bounds = array<i64: 2000, 16>}, {transform_indices = @transform_4, window_bounds = array<i64: 2000, 16>}, {pipeline_mode = #tpu.pipeline_mode<synchronous>, transform_indices = @transform_5, window_bounds = array<i64: 16, 128>}, {pipeline_mode = #tpu.pipeline_mode<synchronous>, transform_indices = @transform_6, window_bounds = array<i64: 1, 128>}, {transform_indices = @transform_7, window_bounds = array<i64: 2000, 128>}]} {
    %get3A = arith.constant 0 : index
    %get3A_0 = arith.constant 0 : index
    %get3A_1 = vector.load %arg4[%get3A, %get3A_0] : memref<2000x16xf32, #tpu.memory_space<vmem>>, vector<2000x16xf32>
    %get3A_2 = arith.constant 0 : index
    %get3A_3 = arith.constant 0 : index
    %get3A_4 = vector.load %arg5[%get3A_2, %get3A_3] : memref<2000x16xf32, #tpu.memory_space<vmem>>, vector<2000x16xf32>
    %add3A = arith.addf %get3A_1, %get3A_4 : vector<2000x16xf32>
    %add3A_5 = arith.constant 1.000000e+00 : f32
    %add3A_6 = vector.broadcast %add3A_5 : f32 to vector<2000x16xf32>
    %add3A_7 = arith.addf %add3A, %add3A_6 : vector<2000x16xf32>
    %rsqrt3A = math.rsqrt %add3A_7 : vector<2000x16xf32>
    %get3A_8 = arith.constant 0 : index
    %get3A_9 = arith.constant 0 : index
    %get3A_10 = vector.load %arg1[%get3A_8, %get3A_9] : memref<2000x16xf32, #tpu.memory_space<vmem>>, vector<2000x16xf32>
    %get3A_11 = arith.constant 0 : index
    %get3A_12 = arith.constant 0 : index
    %get3A_13 = vector.load %arg2[%get3A_11, %get3A_12] : memref<2000x16xf32, #tpu.memory_space<vmem>>, vector<2000x16xf32>
    %add3A_14 = arith.addf %get3A_10, %get3A_13 : vector<2000x16xf32>
    %get3A_15 = arith.constant 0 : index
    %get3A_16 = arith.constant 0 : index
    %get3A_17 = vector.load %arg3[%get3A_15, %get3A_16] : memref<2000x16xf32, #tpu.memory_space<vmem>>, vector<2000x16xf32>
    %add3A_18 = arith.addf %add3A_14, %get3A_17 : vector<2000x16xf32>
    %mul3A = arith.mulf %rsqrt3A, %add3A_18 : vector<2000x16xf32>
    %get3A_19 = arith.constant 0 : index
    %get3A_20 = arith.constant 0 : index
    %get3A_21 = vector.load %arg6[%get3A_19, %get3A_20] : memref<16x128xf32, #tpu.memory_space<vmem>>, vector<16x128xf32>
    %dot_general3A = arith.constant dense<0.000000e+00> : vector<2000x128xf32>
    %dot_general3A_22 = tpu.matmul %mul3A, %get3A_21, %dot_general3A {dimension_numbers = #tpu.dot_dimension_numbers<[1], [0], [0], [1], [0, 0, 1, 1], [], []>, transpose_lhs_hint = false} : vector<2000x16xf32>, vector<16x128xf32>, vector<2000x128xf32> -> vector<2000x128xf32>
    %get3A_23 = arith.constant 0 : index
    %get3A_24 = arith.constant 0 : index
    %get3A_25 = vector.load %arg7[%get3A_23, %get3A_24] : memref<1x128xf32, #tpu.memory_space<vmem>>, vector<1x128xf32>
    %add3A_26 = vector.broadcast %get3A_25 : vector<1x128xf32> to vector<2000x128xf32>
    %add3A_27 = arith.addf %dot_general3A_22, %add3A_26 : vector<2000x128xf32>
    %reduce_max3A = arith.constant dense<0xFF800000> : vector<2000xf32>
    %reduce_max3A_28 = vector.multi_reduction <maximumf>, %add3A_27, %reduce_max3A [1] : vector<2000x128xf32> to vector<2000xf32>
    %broadcast_in_dim3A = vector.shape_cast %reduce_max3A_28 : vector<2000xf32> to vector<2000x1xf32>
    %sub3A = vector.broadcast %broadcast_in_dim3A : vector<2000x1xf32> to vector<2000x128xf32>
    %sub3A_29 = arith.subf %add3A_27, %sub3A : vector<2000x128xf32>
    %exp3A = math.exp %sub3A_29 : vector<2000x128xf32>
    %reduce_sum3A = arith.constant dense<0.000000e+00> : vector<2000xf32>
    %reduce_sum3A_30 = vector.multi_reduction <add>, %exp3A, %reduce_sum3A [1] : vector<2000x128xf32> to vector<2000xf32>
    %broadcast_in_dim3A_31 = vector.shape_cast %reduce_sum3A_30 : vector<2000xf32> to vector<2000x1xf32>
    %log3A = math.log %broadcast_in_dim3A_31 : vector<2000x1xf32>
    %add3A_32 = arith.addf %broadcast_in_dim3A, %log3A : vector<2000x1xf32>
    %sub3A_33 = vector.broadcast %add3A_32 : vector<2000x1xf32> to vector<2000x128xf32>
    %sub3A_34 = arith.subf %add3A_27, %sub3A_33 : vector<2000x128xf32>
    %swap3A = arith.constant 0 : index
    %swap3A_35 = arith.constant 0 : index
    %swap3A_36 = vector.load %arg8[%swap3A, %swap3A_35] : memref<2000x128xf32, #tpu.memory_space<vmem>>, vector<2000x128xf32>
    tpu.vector_store %arg8[%swap3A, %swap3A_35], %sub3A_34 {strides = array<i32>} : memref<2000x128xf32, #tpu.memory_space<vmem>>, vector<2000x128xf32>,
    return
  }
  func.func @transform_0(%arg0: i32) -> (i32, i32) {
    %c0_i32 = arith.constant 0 : i32
    %c0_i32_0 = arith.constant 0 : i32
    return %arg0, %c0_i32 : i32, i32
  }
  func.func @transform_1(%arg0: i32) -> (i32, i32) {
    %c0_i32 = arith.constant 0 : i32
    %c0_i32_0 = arith.constant 0 : i32
    return %arg0, %c0_i32 : i32, i32
  }
  func.func @transform_2(%arg0: i32) -> (i32, i32) {
    %c0_i32 = arith.constant 0 : i32
    %c0_i32_0 = arith.constant 0 : i32
    return %arg0, %c0_i32 : i32, i32
  }
  func.func @transform_3(%arg0: i32) -> (i32, i32) {
    %c0_i32 = arith.constant 0 : i32
    %c0_i32_0 = arith.constant 0 : i32
    return %arg0, %c0_i32 : i32, i32
  }
  func.func @transform_4(%arg0: i32) -> (i32, i32) {
    %c0_i32 = arith.constant 0 : i32
    %c0_i32_0 = arith.constant 0 : i32
    return %arg0, %c0_i32 : i32, i32
  }
  func.func @transform_5(%arg0: i32) -> (i32, i32) {
    %c0_i32 = arith.constant 0 : i32
    %c0_i32_0 = arith.constant 0 : i32
    %c0_i32_1 = arith.constant 0 : i32
    return %c0_i32, %c0_i32_0 : i32, i32
  }
  func.func @transform_6(%arg0: i32) -> (i32, i32) {
    %c0_i32 = arith.constant 0 : i32
    %c0_i32_0 = arith.constant 0 : i32
    %c0_i32_1 = arith.constant 0 : i32
    return %c0_i32, %c0_i32_0 : i32, i32
  }
  func.func @transform_7(%arg0: i32) -> (i32, i32) {
    %c0_i32 = arith.constant 0 : i32
    %c0_i32_0 = arith.constant 0 : i32
    return %arg0, %c0_i32 : i32, i32
  }
}

</mosaic_0001>

<sc_bundles>
// kernel: kernel.10.cloned.1.call-start
scs
__scs_entry_jumppad:
0x0: {  	(pc) =	sbr.rel $0x88, $3  }
0x1: {  	(tag) =	ssettag $0x0;
	lr =	simm.s32 $0x1  }
0x2: {  	[smem:$0x3F9B] =	sst lr;
	_ =	strace $0xD0000000  }
0x3: {  	_ = 	snop  }
0x4: {  	_ = 	snop  }
0x5: {  	_ = 	snop  }
0x6: {  	_ = 	snop  }
0x7: {  	_ = 	snop  }
__scs_overlays_trampoline_lowered:
0x8: {  	[smem:$0x3FAA] =	sst s0  }
0x9: {  	[smem:$0x3FAB] =	sst s1  }
0xa: {  	[smem:$0x3FAC] =	sst s2  }
0xb: {  	[smem:$0x3FAD] =	sst s3  }
0xc: {  	[smem:$0x3FAE] =	sst s4  }
0xd: {  	[smem:$0x3FAF] =	sst s5  }
0xe: {  	[smem:$0x3FB0] =	sst s6  }
0xf: {  	[smem:$0x3FB1] =	sst s7  }
0x10: {  	[smem:$0x3FB2] =	sst s8  }
0x11: {  	[smem:$0x3FB3] =	sst s9;
	s0 =	simm.s32 @!p0 $0x0  }
0x12: {  	s1 =	sld [smem:$0x3F99];
	s0 =	simm.s32 @p0 $0x1  }
0x13: {  	[smem:$0x3FB4] =	sst s0;
	s0 =	simm.s32 @!p1 $0x0  }
0x14: {  	s2 =	sld [smem:$0x3F98];
	s0 =	simm.s32 @p1 $0x1  }
0x15: {  	[smem:$0x3FB5] =	sst s0;
	s0 =	simm.s32 @!p2 $0x0  }
0x16: {  	s3 =	sld [smem:$0x3FDB];
	s0 =	simm.s32 @p2 $0x1  }
0x17: {  	s4 =	simm.s32 $0x1BF5;
	[smem:$0x3FB7] =	sst s0  }
0x18: {  	s0 =	sld [smem:$0x3F9A];
	_ =	swait.ge [sflag:s4], $0x0  }
0x19: {  	s7 =	sld [smem:$0x3F9B]  }
0x1a: {  	s8 =	sadd.s32 $0xFFFFE003, lr  }
0x1b: {  	s9 =	sadd.s32 $0xFFFFFEF7, lr;
	s5 =	simm.s32 $0xFFFFFFFF;
	p2 =	slt.u32 s8, $0xFFFFF086  }
0x1c: {  	p1 =	slt.u32 s9, $0xF7A;
	s5 =	simm.s32 @!p2 $0x0  }
0x1d: {  	s5 =	simm.s32 @p1 $0x1;
	p0 =	seq.s32 s7, s2  }
0x1e: {  	s7 =	smul.u32 @!p0 $0xF7A, s2;
	p2 =	seq.s32 @!p0 s5, $0x0  }
0x1f: {  	s9 =	smul.u32 $0xF7A, s1;
	s8 =	simm.s32 @!p0 $0x1BF5;
	p2 =	por !p2, p0  }
0x20: {  	[sflag:s8] =	ssyncset.s32 @!p0 $0xFFFFF086;
	s6 =	sadd.s32 @!p0 s3, s7;
	s7 =	simm.s32 @!p0 $0x108  }
0x21: {  	s3 =	sadd.s32 s3, s9;
	s6 =	sadd.s32 @!p0 $0x88, s6;
	s7 =	simm.s32 @p2 $0x1082  }
0x22: {  	[simem:s7], [sflag:s8] =	dma.local @!p0 [hbm:s6], $0xF7A  }
0x23: {  	s9 =	sor.u32 $0xD0000000, s2;
	s6 =	simm.s32 $0x108;
	_ =	swait.ge @!p0 [sflag:s8], $0x0  }
0x24: {  	s3 =	sadd.s32 $0x88, s3;
	s6 =	simm.s32 @!p1 $0x1082;
	[sflag:s4] =	ssyncset.s32 $0xFFFFF086  }
0x25: {  	[simem:s6], [sflag:s4] =	dma.local [hbm:s3], $0xF7A  }
0x26: {  	[smem:$0x3F9B] =	sst s1;
	(tag) =	ssettag s2;
	_ =	strace s9  }
0x27: {  	s1 =	sld [smem:$0x3FAB]  }
0x28: {  	s2 =	sld [smem:$0x3FAC]  }
0x29: {  	s4 =	sld [smem:$0x3FAE]  }
0x2a: {  	p0 =	seq.s32 s5, $0x0;
	s5 =	sld [smem:$0x3FAF]  }
0x2b: {  	s6 =	sld [smem:$0x3FB0]  }
0x2c: {  	s7 =	sld [smem:$0x3FB1]  }
0x2d: {  	s3 =	simm.s32 $0x108;
	s8 =	sld [smem:$0x3FB2]  }
0x2e: {  	s3 =	simm.s32 @!p0 $0x1082;
	s9 =	sld [smem:$0x3FB3]  }
0x2f: {  	lr =	sadd.s32 s0, s3;
	s0 =	sld [smem:$0x3FAA]  }
0x30: {  	s3 =	sld [smem:$0x3FAD]  }
0x31: {  	[smem:$0x3FB6] =	sst s10  }
0x32: {  	s10 =	sld [smem:$0x3FB4];
	_ =	sdelay $0x3  }
0x33: {  	p0 =	seq.s32 s10, $0x1;
	s10 =	sld [smem:$0x3FB6];
	_ =	sdelay $0x3  }
0x34: {  	[smem:$0x3FB6] =	sst s10  }
0x35: {  	s10 =	sld [smem:$0x3FB5];
	_ =	sdelay $0x3  }
0x36: {  	p1 =	seq.s32 s10, $0x1;
	s10 =	sld [smem:$0x3FB6];
	_ =	sdelay $0x3  }
0x37: {  	[smem:$0x3FB6] =	sst s10  }
0x38: {  	s10 =	sld [smem:$0x3FB7]  }
0x39: {  	_ = 	snop;
	(pc) =	sbr.ind lr, $3  }
0x3a: {  	_ = 	snop  }
0x3b: {  	_ = 	snop  }
0x3c: {  	p2 =	seq.s32 s10, $0x1;
	s10 =	sld [smem:$0x3FB6]  }
0x3d: {  	_ =	shalt  }
0x3e: {  	_ =	shalt  }
0x3f: {  	_ =	shalt  }
0x40: {  	_ =	shalt  }
0x41: {  	_ =	shalt  }
0x42: {  	_ =	shalt  }
0x43: {  	_ =	shalt  }
0x44: {  	_ =	shalt  }
0x45: {  	_ =	shalt  }
0x46: {  	_ =	shalt  }
0x47: {  	_ =	shalt  }
0x48: {  	_ =	shalt  }
0x49: {  	_ =	shalt  }
0x4a: {  	_ =	shalt  }
0x4b: {  	_ =	shalt  }
0x4c: {  	_ =	shalt  }
0x4d: {  	_ =	shalt  }
0x4e: {  	_ =	shalt  }
0x4f: {  	_ =	shalt  }
0x50: {  	_ =	shalt  }
0x51: {  	_ =	shalt  }
0x52: {  	_ =	shalt  }
0x53: {  	_ =	shalt  }
0x54: {  	_ =	shalt  }
0x55: {  	_ =	shalt  }
0x56: {  	_ =	shalt  }
0x57: {  	_ =	shalt  }
0x58: {  	_ =	shalt  }
0x59: {  	_ =	shalt  }
0x5a: {  	_ =	shalt  }
0x5b: {  	_ =	shalt  }
0x5c: {  	_ =	shalt  }
0x5d: {  	_ =	shalt  }
0x5e: {  	_ =	shalt  }
0x5f: {  	_ =	shalt  }
0x60: {  	_ =	shalt  }
0x61: {  	_ =	shalt  }
0x62: {  	_ =	shalt  }
0x63: {  	_ =	shalt  }
0x64: {  	_ =	shalt  }
0x65: {  	_ =	shalt  }
0x66: {  	_ =	shalt  }
0x67: {  	_ =	shalt  }
0x68: {  	_ =	shalt  }
0x69: {  	_ =	shalt  }
0x6a: {  	_ =	shalt  }
0x6b: {  	_ =	shalt  }
0x6c: {  	_ =	shalt  }
0x6d: {  	_ =	shalt  }
0x6e: {  	_ =	shalt  }
0x6f: {  	_ =	shalt  }
0x70: {  	_ =	shalt  }
0x71: {  	_ =	shalt  }
0x72: {  	_ =	shalt  }
0x73: {  	_ =	shalt  }
0x74: {  	_ =	shalt  }
0x75: {  	_ =	shalt  }
0x76: {  	_ =	shalt  }
0x77: {  	_ =	shalt  }
0x78: {  	_ =	shalt  }
0x79: {  	_ =	shalt  }
0x7a: {  	_ =	shalt  }
0x7b: {  	_ =	shalt  }
0x7c: {  	_ =	shalt  }
0x7d: {  	_ =	shalt  }
0x7e: {  	_ =	shalt  }
0x7f: {  	_ =	shalt  }
0x80: {  	_ =	shalt  }
0x81: {  	_ =	shalt  }
0x82: {  	_ =	shalt  }
0x83: {  	_ =	shalt  }
0x84: {  	_ =	shalt  }
0x85: {  	_ =	shalt  }
0x86: {  	_ =	shalt  }
0x87: {  	_ =	shalt  }
.Lfunc_end0:
.L_simem_size_0:
called_computation.1_lowered:
.L_overlay_start_0:
0x88: {  	s2 =	sld [smem:$0x3FD9]  }
0x89: {  	s3 =	sld [smem:$0x3FFE];
	_ =	sdelay $0x1  }
0x8a: {  	s1 =	srdreg.scid  }
0x8b: {  	s0 =	sand.u32 $0x1, s1  }
0x8c: {  	s17 =	sshll.u32 s0, $0xA;
	s2 =	sadd.s32 s3, s2  }
0x8d: {  	s2 =	sadd.s32 s2, s17  }
0x8e: {  	[smem:$0x3FC2] =	sst s2  }
0x8f: {  	_ = 	snop  }
0x90: {  	s2 =	sld [smem:$0x3FD0];
	(tm) =	ssettm $0x1  }
0x91: {  	s18 =	sld [smem:$0x3FFB];
	_ =	sdelay $0x3  }
0x92: {  	_ =	strace s18  }
0x93: {  	s3 =	sld [smem:$0x3FFC];
	_ =	sdelay $0x3  }
0x94: {  	_ =	strace s3  }
0x95: {  	s3 =	sld [smem:$0x3FFD];
	_ =	sdelay $0x3  }
0x96: {  	_ =	strace s3  }
0x97: {  	_ =	strace $0x8FFFFFFF  }
0x98: {  	s19 =	sld [smem:$0x3FDB];
	_ =	sdelay $0x1  }
0x99: {  	s4 =	simm.s32 $_scs_section_size  }
0x9a: {  	s5 =	simm.s32 $_size__tile_overlayer_lowered;
	s6 =	simm.s32 $_tile_overlayer_lowered  }
0x9b: {  	s22 =	simm.s32 $0x1BFF;
	s21 =	sshll.u32 s6, $0x1;
	s3 =	sadd.s32 s4, s19  }
0x9c: {  	s7 =	simm.s32 $0x0;
	s20 =	sshll.u32 s5, $0x1;
	s5 =	sadd.s32 s21, s3  }
0x9d: {  	[timem:s7], [sflag:s22] =	dma.local [hbm:s5], s20  }
0x9e: {  	_ =	swait.ge [sflag:s22], s20  }
0x9f: {  	s4 =	ssub.s32 $0x0, s20;
	[sflag:s22] =	ssyncset.done $0x0  }
0xa0: {  	[sflag:s22] =	ssyncadd.s32 s4;
	_ =	sdelay $0x1  }
0xa1: {  	s23 =	simm.s32 $0x1B8B  }
0xa2: {  	_ =	swait.ge [sflag:s23], $0x1  }
0xa3: {  	[sflag:s23] =	ssyncset.done $0x0  }
0xa4: {  	s25 =	simm.s32 $0x1B8E;
	s24 =	sld [smem:$0x3FFE];
	[sflag:s23] =	ssyncadd.s32 $0xFFFFFFFF  }
0xa5: {  	s26 =	simm.s32 $execute0_lowered;
	[smem:$0x3FD2] =	sst s25  }
0xa6: {  	s5 =	sshll.u32 s26, $0x1;
	_ =	strace $0x80000049;
	[dreg:$0x1] =	wrdreg $0xFFFFFFFF  }
0xa7: {  	s28 =	simm.s32 $_size_execute0_lowered;
	s3 =	sadd.s32 s3, s5;
	[dreg:$0x0] =	wrdreg $0x0  }
0xa8: {  	s5 =	sshll.u32 s28, $0x1;
	[dreg:$0x2] =	wrdreg s3  }
0xa9: {  	[dreg:$0x3] =	wrdreg s5  }
0xaa: {  	[dreg:$0x4] =	wrdreg $0xC0  }
0xab: {  	_ =	task [dreg:s7], $0x5FFFF  }
0xac: {  	[dreg:$0x1] =	wrdreg $0xFFFFFFFF  }
0xad: {  	[dreg:$0x0] =	wrdreg $0x60  }
0xae: {  	[dreg:$0x2] =	wrdreg s24  }
0xaf: {  	[dreg:$0x3] =	wrdreg s2  }
0xb0: {  	[dreg:$0x4] =	wrdreg $0x110000  }
0xb1: {  	[dreg:$0x5] =	wrdreg $0x138000  }
0xb2: {  	[dreg:$0x6] =	wrdreg $0x9  }
0xb3: {  	_ =	task.clear_ibuf [dreg:s7], $0x7FFFF;
	_ =	strace $0x90000049  }
0xb4: {  	s29 =	simm.s32 $0x9;
	_ =	strace $0x8000004B  }
0xb5: {  	_ =	swait.ge [sflag:s29], $0x1  }
0xb6: {  	[sflag:s29] =	ssyncadd.s32 $0xFFFFFFFF  }
0xb7: {  	_ =	strace $0x9000004B  }
0xb8: {  	_ =	sfence  }
0xb9: {  	s30 =	sld [smem:$0x0];
	_ =	sdelay $0x2  }
0xba: {  	s31 =	sshll.u32 s1, $0xD;
	s1 =	sshrl.u32 s1, $0x2  }
0xbb: {  	s3 =	sand.u32 $0x4000, s31;
	s1 =	sadd.s32 s1, s30  }
0xbc: {  	s0 =	sor.u32 s3, s0;
	s1 =	sshll.u32 s1, $0x11  }
0xbd: {  	s0 =	sor.u32 s1, s0  }
0xbe: {  	s0 =	sadd.s32 $0x8F2B, s0  }
0xbf: {  	[sflag:s0] =	ssyncadd.remote.s32 $0x1  }
0xc0: {  	_ =	sfence.sel $0xFFFF  }
0xc1: {  	[dreg:$0x0] =	wrdreg $0xFFFFFFFF;
	(pc) =	sbr.abs _section_cstart, $3  }
0xc2: {  	[dreg:$0x1] =	wrdreg $0xFFFFFFFF  }
0xc3: {  	_ =	task.clear_ibuf [dreg:s7], $0x2FFFF;
	_ =	strace $0x9FFFFFFF  }
0xc4: {  	(tm) =	ssettm $0x7FFFFFFF  }
0xc5: {  	_ =	shalt  }
tec
execute0_lowered:
.L_overlay_start_1:
0x0: {  	(tag) =	ssettag $0x1  }
0x1: {  	s0 =	rddreg [dreg:$0x0]  }
0x2: {  	s1 =	rddreg [dreg:$0x1]  }
0x3: {  	s2 =	rddreg [dreg:$0x2];
	s4 =	srdreg.scid  }
0x4: {  	s3 =	rddreg [dreg:$0x3];
	s13 =	stileid.u32  }
0x5: {  	s28 =	simm.s32 $0x3;
	s29 =	simm.s32 $0x80;
	s30 =	simm.s32 $0x5000  }
0x6: {  	s31 =	simm.s32 $0x5800;
	s5 =	sand.u32 $0x1, s4;
	s7 =	smul.u32 $0x2800, s13  }
0x7: {  	s4 =	simm.s32 $0x0;
	s6 =	sshll.u32 s5, $0x4;
	s8 =	smul.u32 $0x28000, s5  }
0x8: {  	[smem:$0x7FF] =	sst s4;
	s10 =	ssub.s32 $0x2, s5;
	p0 =	sne.s32 s5, $0x0  }
0x9: {  	s5 =	simm.s32 $0x8800;
	s6 =	sor.u32 s13, s6;
	_ =	strace $0x8000004A  }
0xa: {  	s11 =	sshrl.u32 s7, $0x3;
	s12 =	sshrl.u32 s10, $0x1;
	s13 =	smul.u32 $0xA000, s13  }
0xb: {  	s15 =	sadd.s32 s7, s3;
	s6 =	smul.u32 $0x500, s6;
	s8 =	sadd.s32 s7, s8  }
0xc: {  	s14 =	ssub.s32 s10, s12;
	s10 =	sadd.s32 s7, s2;
	s12 =	simm.s32 $0xE800  }
0xd: {  	s7 =	simm.s32 $0x0;
	s8 =	sshrl.u32 s8, $0x3;
	s9 =	sadd.s32 s6, s0  }
0xe: {  	s8 =	sadd.s32 s8, s0;
	s0 =	sadd.s32 s11, s0;
	s1 =	sadd.s32 s1, s6  }
0xf: {  	s20 =	sshrl.u32 s13, $0x2;
	s18 =	sadd.s32 $0x2000, s0;
	[dreg:$0x9] =	wrdreg s1  }
0x10: {  	s22 =	sadd.s32 s20, s2;
	s19 =	sadd.s32 $0x7000, s0;
	[dreg:$0x5] =	wrdreg s18  }
0x11: {  	s20 =	simm.s32 $0x8000;
	s21 =	sadd.s32 $0x16000, s0;
	[dreg:$0x6] =	wrdreg s19  }
0x12: {  	s6 =	simm.s32 $0x4;
	s9 =	sadd.s32 $0xC000, s9;
	[dreg:$0x7] =	wrdreg s21  }
0x13: {  	s23 =	sadd.s32 $0x800, s22;
	s24 =	sadd.s32 $0x1000, s22;
	[dreg:$0x8] =	wrdreg s9  }
0x14: {  	s25 =	sadd.s32 $0x1800, s22;
	s26 =	sadd.s32 $0x2000, s22;
	[dreg:$0xa] =	wrdreg s23  }
.Ltmp0:
0x15: {  	s16 =	sadd.s32 $0x25000, s0;
	[dreg:$0xb] =	wrdreg s24;
	(pc) =	sbr.rel .LBB2_1-.Ltmp0, $4  }
0x16: {  	s17 =	sadd.s32 $0x1B000, s8;
	s22 =	simm.s32 $0x6800;
	[dreg:$0xc] =	wrdreg s25  }
0x17: {  	s1 =	simm.s32 $0x7000;
	s0 =	simm.s32 $0x7800;
	[dreg:$0xd] =	wrdreg s26  }
0x18: {  	s18 =	smax.u32 s14, $0x1;
	s23 =	simm.s32 $0x9000;
	s24 =	simm.s32 $0x1  }
0x19: {  	v0 =	vimm.f32 $0.0e+00;
	s25 =	simm.s32 $0x5;
	s26 =	simm.s32 $0x2;
	s19 =	simm.s32 $0x6000  }
.LBB2_8:
0x1a: {  	_ =	swait.ge [sflag:s6], $0x800  }
0x1b: {  	[sflag:s6] =	ssyncset.done $0x0  }
0x1c: {  	[sflag:s6] =	ssyncadd.s32 $0xFFFFF800  }
0x1d: {  	_ =	swait.ge [sflag:s6], $0x800  }
0x1e: {  	[sflag:s6] =	ssyncset.done $0x0  }
0x1f: {  	[sflag:s6] =	ssyncadd.s32 $0xFFFFF800  }
0x20: {  	_ =	swait.ge [sflag:s6], $0x800  }
0x21: {  	[sflag:s6] =	ssyncset.done $0x0  }
0x22: {  	[sflag:s6] =	ssyncadd.s32 $0xFFFFF800  }
0x23: {  	s8 =	stileid.u32;
	_ =	swait.ge [sflag:s6], $0x800  }
0x24: {  	s9 =	sshrl.u32 s10, $0x3;
	s7 =	sadd.s32 $0x1, s7;
	[sflag:s6] =	ssyncset.done $0x0  }
0x25: {  	s8 =	sshll.u32 s8, $0x6;
	p1 =	sne.s32 s7, s18;
	[sflag:s6] =	ssyncadd.s32 $0xFFFFF800  }
.Ltmp1:
0x26: {  	s8 =	sor.u32 $0x1C05, s8;
	[bflag:$0x0] =	sbarrier.arrive $0xFFFF;
	(pc) =	sbr.rel @!p1 .LBB2_9-.Ltmp1, $4  }
0x27: {  	[hbm:s17], [sflag:s8] =	dma.local [spmem:s9], $0x500  }
0x28: {  	_ =	swait.ge [sflag:s25], $0x500  }
0x29: {  	[sflag:s25] =	ssyncset.done $0x0  }
0x2a: {  	[sflag:s25] =	ssyncadd.s32 $0xFFFFFB00  }
.LBB2_1:
0x2b: {  	s8 =	rddreg [dreg:$0x5];
	s9 =	simm.s32 $0x9800  }
0x2c: {  	[tilespmem:s9], [sflag:$0x1] =	stream.linear.gather [hbm4b:s8+s4], $0x2800, $0x38;
	[tilespmem:$0x16000] =	vst v63  }
0x2d: {  	s14 =	rddreg [dreg:$0x6];
	s21 =	simm.s32 $0xC000  }
0x2e: {  	[tilespmem:s21], [sflag:$0x1] =	stream.linear.gather [hbm4b:s14+s4], $0x2800, $0x38;
	[tilespmem:$0x16000] =	vst v63  }
0x2f: {  	s11 =	rddreg [dreg:$0x7]  }
0x30: {  	[tilespmem:s12], [sflag:$0x1] =	stream.linear.gather [hbm4b:s11+s4], $0x2800, $0x38;
	[tilespmem:$0x16000] =	vst v63  }
0x31: {  	s13 =	rddreg [dreg:$0x8];
	s8 =	simm.s32 $0x40  }
0x32: {  	[tilespmem:s4], [sflag:$0x2] =	stream.linear.gather [hbm4b:s13+s4], $0x2800, $0x38;
	[tilespmem:$0x16000] =	vst v63  }
0x33: {  	s9 =	simm.s32 $0x0;
	s14 =	rddreg [dreg:$0x9];
	s21 =	simm.s32 $0x2800  }
0x34: {  	[tilespmem:s21], [sflag:$0x2] =	stream.linear.gather [hbm4b:s14+s4], $0x2800, $0x38;
	[tilespmem:$0x16000] =	vst v63  }
.LBB2_2:
0x35: {  	p1 =	sne.s32 s8, $0x1FC0;
	[tilespmem:s9+$0x9000] =	vst v0;
	s9 =	smov.u32 s8;
	s8 =	sadd.s32 $0x40, s8  }
.Ltmp2:
0x36: {  	(pc) =	sbr.rel @p1 .LBB2_2-.Ltmp2, $2  }
0x37: {  	_ =	sdelay $0x2  }
0x38: {  	s9 =	sshra.s32 s9, $0x2  }
0x39: {  	[tilespmem:s9+$0x9000] =	vst v0  }
0x3a: {  	[spmem:s10] =	stream.linear.scatter [tilespmem:s23], [sflag:$0x3], $0x800, $0x38;
	[tilespmem:$0x16000] =	vst v63  }
0x3b: {  	s8 =	rddreg [dreg:$0xa]  }
0x3c: {  	[spmem:s8] =	stream.linear.scatter [tilespmem:s23], [sflag:$0x3], $0x800, $0x38;
	[tilespmem:$0x16000] =	vst v63  }
0x3d: {  	s13 =	rddreg [dreg:$0xb]  }
0x3e: {  	[spmem:s13] =	stream.linear.scatter [tilespmem:s23], [sflag:$0x3], $0x800, $0x38;
	[tilespmem:$0x16000] =	vst v63  }
0x3f: {  	s14 =	rddreg [dreg:$0xc]  }
0x40: {  	[spmem:s14] =	stream.linear.scatter [tilespmem:s23], [sflag:$0x3], $0x800, $0x38;
	[tilespmem:$0x16000] =	vst v63  }
0x41: {  	s21 =	rddreg [dreg:$0xd]  }
0x42: {  	[spmem:s21] =	stream.linear.scatter [tilespmem:s23], [sflag:$0x3], $0x800, $0x38;
	[tilespmem:$0x16000] =	vst v63  }
0x43: {  	_ =	swait.ge [sflag:s24], $0x2800  }
0x44: {  	[sflag:s24] =	ssyncset.done $0x0  }
0x45: {  	[sflag:s24] =	ssyncadd.s32 $0xFFFFD800  }
0x46: {  	_ =	swait.ge [sflag:s24], $0x2800  }
0x47: {  	[sflag:s24] =	ssyncset.done $0x0  }
0x48: {  	[sflag:s24] =	ssyncadd.s32 $0xFFFFD800  }
0x49: {  	_ =	swait.ge [sflag:s24], $0x2800  }
0x4a: {  	[sflag:s24] =	ssyncset.done $0x0  }
0x4b: {  	s13 =	simm.s32 $0x0;
	[sflag:s24] =	ssyncadd.s32 $0xFFFFD800  }
0x4c: {  	v1 =	vld [tilespmem:s13+$0x9800]  }
0x4d: {  	v2 =	vld [tilespmem:s13+$0xC000];
	_ =	sdelay $0x4  }
0x4e: {  	v1 =	vadd.f32 v2, v1  }
0x4f: {  	s9 =	simm.s32 $0x10  }
0x50: {  	v3 =	vld [tilespmem:s9+$0xC000];
	v1 =	vadd.f32 $1.000000000e+00, v1  }
0x51: {  	v2 =	vld [tilespmem:s9+$0x9800]  }
0x52: {  	v4 =	vshrl.u32 v1, $0x1;
	v6 =	vmul.f32 $5.000000000e-01, v1  }
0x53: {  	v1 =	vsub.s32 $0x5F3759DF, v4  }
0x54: {  	v4 =	vmul.f32 v1, v6;
	_ =	sdelay $0x1  }
0x55: {  	s8 =	simm.s32 $0x20;
	v2 =	vadd.f32 v3, v2;
	v3 =	vmul.f32 v1, v4  }
0x56: {  	v5 =	vld [tilespmem:s8+$0xC000]  }
0x57: {  	v2 =	vadd.f32 $1.000000000e+00, v2;
	v4 =	vld [tilespmem:s8+$0x9800];
	v3 =	vsub.f32 $1.500000000e+00, v3;
	_ =	sdelay $0x1  }
0x58: {  	v7 =	vshrl.u32 v2, $0x1;
	v2 =	vmul.f32 $5.000000000e-01, v2;
	v3 =	vmul.f32 v1, v3  }
0x59: {  	v7 =	vsub.s32 $0x5F3759DF, v7  }
0x5a: {  	v1 =	vmul.f32 v7, v2;
	v8 =	vmul.f32 v3, v6  }
0x5b: {  	v4 =	vadd.f32 v5, v4  }
0x5c: {  	s11 =	simm.s32 $0x30;
	v1 =	vmul.f32 v7, v1;
	v5 =	vmul.f32 v8, v3  }
0x5d: {  	v10 =	vld [tilespmem:s11+$0xC000];
	v4 =	vadd.f32 $1.000000000e+00, v4  }
0x5e: {  	v8 =	vld [tilespmem:s11+$0x9800];
	v9 =	vsub.f32 $1.500000000e+00, v1;
	v11 =	vsub.f32 $1.500000000e+00, v5  }
0x5f: {  	v1 =	vmul.f32 $5.000000000e-01, v4;
	v5 =	vshrl.u32 v4, $0x1  }
0x60: {  	v4 =	vmul.f32 v7, v9;
	v5 =	vsub.s32 $0x5F3759DF, v5;
	v3 =	vmul.f32 v11, v3  }
0x61: {  	v7 =	vmul.f32 v5, v1  }
0x62: {  	v9 =	vmul.f32 v4, v2;
	v11 =	vmul.f32 v3, v6  }
0x63: {  	s12 =	simm.s32 $0x40;
	v8 =	vadd.f32 v10, v8;
	v7 =	vmul.f32 v5, v7  }
0x64: {  	v6 =	vld [tilespmem:s12+$0x9800];
	v12 =	vmul.f32 v9, v4;
	v13 =	vmul.f32 v11, v3  }
0x65: {  	v9 =	vadd.f32 $1.000000000e+00, v8;
	v8 =	vld [tilespmem:s13+$0xE800];
	v10 =	vsub.f32 $1.500000000e+00, v7  }
0x66: {  	s14 =	simm.s32 $0x140;
	v7 =	vld [tilespmem:s12+$0xC000];
	v11 =	vsub.f32 $1.500000000e+00, v12;
	v12 =	vsub.f32 $1.500000000e+00, v13  }
.LBB2_4:
0x67: {  	p1 =	sne.s32 s14, $0x9FC0;
	v13 =	vshrl.u32 v9, $0x1;
	v9 =	vmul.f32 $5.000000000e-01, v9;
	v10 =	vmul.f32 v5, v10  }
0x68: {  	v5 =	vsub.s32 $0x5F3759DF, v13;
	v12 =	vmul.f32 v12, v3;
	v3 =	vmul.f32 v11, v4  }
0x69: {  	v11 =	vmul.f32 v5, v9;
	v13 =	vmul.f32 v10, v1;
	v4 =	vmov v10  }
.Ltmp3:
0x6a: {  	v10 =	vmul.f32 v3, v2;
	v8 =	vmul.f32 v12, v8;
	v2 =	vmovc v1;
	v1 =	vmov v9;
	(pc) =	sbr.rel @p1 .LBB2_4-.Ltmp3, $4  }
0x6b: {  	s21 =	sshra.s32 s14, $0x2;
	v7 =	vadd.f32 v7, v6;
	v11 =	vmul.f32 v5, v11  }
0x6c: {  	v12 =	vmul.f32 v13, v4;
	v6 =	vld [tilespmem:s21+$0x9800];
	v13 =	vmul.f32 v10, v3;
	[tilespmem:s13+$0xE800] =	vst v8;
	s13 =	smov.u32 s9;
	s9 =	smov.u32 s8;
	s8 =	smov.u32 s11  }
0x6d: {  	s11 =	smov.u32 s12;
	s12 =	smov.u32 s21;
	v9 =	vadd.f32 $1.000000000e+00, v7;
	v10 =	vsub.f32 $1.500000000e+00, v11;
	v8 =	vld [tilespmem:s13+$0xE800]  }
0x6e: {  	s14 =	sadd.s32 $0x40, s14;
	v11 =	vsub.f32 $1.500000000e+00, v12;
	v7 =	vld [tilespmem:s12+$0xC000];
	v12 =	vsub.f32 $1.500000000e+00, v13  }
0x6f: {  	v13 =	vshrl.u32 v9, $0x1;
	v46 =	vmul.f32 $5.000000000e-01, v9;
	v5 =	vmul.f32 v5, v10  }
0x70: {  	v47 =	vsub.s32 $0x5F3759DF, v13;
	v4 =	vmul.f32 v11, v4;
	v3 =	vmul.f32 v12, v3  }
0x71: {  	v48 =	vmul.f32 v47, v46;
	v49 =	vmul.f32 v5, v1  }
0x72: {  	v2 =	vmul.f32 v4, v2;
	v3 =	vmul.f32 v3, v8  }
0x73: {  	v6 =	vadd.f32 v7, v6;
	v50 =	vmul.f32 v47, v48  }
0x74: {  	v51 =	vmul.f32 v49, v5;
	v2 =	vmul.f32 v2, v4;
	[tilespmem:s13+$0xE800] =	vst v3  }
0x75: {  	v3 =	vadd.f32 $1.000000000e+00, v6;
	v52 =	vsub.f32 $1.500000000e+00, v50;
	v53 =	vld [tilespmem:s9+$0xE800]  }
0x76: {  	v8 =	vsub.f32 $1.500000000e+00, v51;
	v2 =	vsub.f32 $1.500000000e+00, v2  }
0x77: {  	v54 =	vshrl.u32 v3, $0x1;
	v3 =	vmul.f32 $5.000000000e-01, v3;
	v6 =	vmul.f32 v47, v52  }
0x78: {  	v5 =	vmul.f32 v8, v5;
	v55 =	vsub.s32 $0x5F3759DF, v54;
	v2 =	vmul.f32 v2, v4  }
0x79: {  	v56 =	vmul.f32 v55, v3;
	v57 =	vmul.f32 v6, v46  }
0x7a: {  	v1 =	vmul.f32 v5, v1;
	v2 =	vmul.f32 v2, v53  }
0x7b: {  	v4 =	vmul.f32 v55, v56  }
0x7c: {  	v58 =	vmul.f32 v57, v6;
	v1 =	vmul.f32 v1, v5;
	[tilespmem:s9+$0xE800] =	vst v2  }
0x7d: {  	v2 =	vsub.f32 $1.500000000e+00, v4;
	v59 =	vld [tilespmem:s8+$0xE800]  }
0x7e: {  	v7 =	vsub.f32 $1.500000000e+00, v58;
	v1 =	vsub.f32 $1.500000000e+00, v1  }
0x7f: {  	v2 =	vmul.f32 v55, v2  }
0x80: {  	v6 =	vmul.f32 v7, v6;
	v1 =	vmul.f32 v1, v5  }
0x81: {  	v60 =	vmul.f32 v2, v3  }
0x82: {  	v7 =	vmul.f32 v6, v46;
	v1 =	vmul.f32 v1, v59;
	_ =	sdelay $0x1  }
0x83: {  	v61 =	vmul.f32 v60, v2;
	v62 =	vmul.f32 v7, v6;
	[tilespmem:s8+$0xE800] =	vst v1  }
0x84: {  	v1 =	vld [tilespmem:s11+$0xE800]  }
0x85: {  	v4 =	vsub.f32 $1.500000000e+00, v61;
	v5 =	vsub.f32 $1.500000000e+00, v62;
	_ =	sdelay $0x1  }
0x86: {  	v2 =	vmul.f32 v4, v2;
	v63 =	vmul.f32 v5, v6;
	_ =	sdelay $0x1  }
0x87: {  	v3 =	vmul.f32 v2, v3;
	v1 =	vmul.f32 v63, v1;
	_ =	sdelay $0x1  }
0x88: {  	v3 =	vmul.f32 v3, v2;
	[tilespmem:s11+$0xE800] =	vst v1  }
0x89: {  	v1 =	vld [tilespmem:s12+$0xE800]  }
0x8a: {  	v3 =	vsub.f32 $1.500000000e+00, v3;
	_ =	sdelay $0x1  }
0x8b: {  	v2 =	vmul.f32 v3, v2;
	_ =	sdelay $0x1  }
0x8c: {  	v1 =	vmul.f32 v2, v1;
	_ =	sdelay $0x1  }
0x8d: {  	[tilespmem:s12+$0xE800] =	vst v1;
	s12 =	simm.s32 $0xE800  }
0x8e: {  	[spmem:s15] =	stream.linear.scatter [tilespmem:s12], [sflag:$0x5], $0x2800, $0x38;
	[tilespmem:$0x16000] =	vst v63  }
0x8f: {  	_ =	swait.ge [sflag:s25], $0x2800  }
0x90: {  	[sflag:s25] =	ssyncset.done $0x0  }
0x91: {  	s9 =	simm.s32 @!p0 $0xE800;
	s8 =	simm.s32 @!p0 $0x0;
	[sflag:s25] =	ssyncadd.s32 $0xFFFFD800  }
0x92: {  	[hbm4b:s16+s8] =	stream.linear.scatter @!p0 [tilespmem:s9], [sflag:$0x5], $0x2800, $0x38;
	[tilespmem:$0x16000] =	vst v63  }
0x93: {  	s8 =	simm.s32 @!p0 $0x5  }
0x94: {  	_ =	swait.ge @!p0 [sflag:s8], $0x2800  }
0x95: {  	[sflag:s8] =	ssyncset.done @!p0 $0x0  }
0x96: {  	[sflag:s8] =	ssyncadd.s32 @!p0 $0xFFFFD800  }
0x97: {  	_ =	swait.ge [sflag:s26], $0x2800  }
0x98: {  	[sflag:s26] =	ssyncset.done $0x0  }
0x99: {  	[sflag:s26] =	ssyncadd.s32 $0xFFFFD800  }
0x9a: {  	_ =	swait.ge [sflag:s26], $0x2800  }
0x9b: {  	[sflag:s26] =	ssyncset.done $0x0  }
0x9c: {  	[sflag:s26] =	ssyncadd.s32 $0xFFFFD800  }
0x9d: {  	_ =	swait.ge [sflag:s28], $0x800  }
0x9e: {  	[sflag:s28] =	ssyncset.done $0x0  }
0x9f: {  	[sflag:s28] =	ssyncadd.s32 $0xFFFFF800  }
0xa0: {  	_ =	swait.ge [sflag:s28], $0x800  }
0xa1: {  	[sflag:s28] =	ssyncset.done $0x0  }
0xa2: {  	[sflag:s28] =	ssyncadd.s32 $0xFFFFF800  }
0xa3: {  	_ =	swait.ge [sflag:s28], $0x800  }
0xa4: {  	[sflag:s28] =	ssyncset.done $0x0  }
0xa5: {  	[sflag:s28] =	ssyncadd.s32 $0xFFFFF800  }
0xa6: {  	_ =	swait.ge [sflag:s28], $0x800  }
0xa7: {  	[sflag:s28] =	ssyncset.done $0x0  }
0xa8: {  	[sflag:s28] =	ssyncadd.s32 $0xFFFFF800  }
0xa9: {  	_ =	swait.ge [sflag:s28], $0x800  }
0xaa: {  	[sflag:s28] =	ssyncset.done $0x0  }
0xab: {  	[sflag:s28] =	ssyncadd.s32 $0xFFFFF800  }
0xac: {  	s8 =	simm.s32 $0x0;
	[bflag:$0x0] =	sbarrier.arrive $0xFFFF  }
0xad: {  	[tilespmem:s30], [sflag:$0x1] =	stream.indirect.gather [spmem:s3], $0x10, s8, s29, $0xb8;
	[tilespmem:$0x16000] =	vst v63  }
0xae: {  	_ = 	snop  }
0xaf: {  	[tilespmem:s31], [sflag:$0x1] =	stream.indirect.gather [spmem:s3], $0x10, s29, s29, $0xb8;
	[tilespmem:$0x16000] =	vst v63  }
0xb0: {  	s14 =	simm.s32 $0x100  }
0xb1: {  	[tilespmem:s19], [sflag:$0x1] =	stream.indirect.gather [spmem:s3], $0x10, s14, s29, $0xb8;
	[tilespmem:$0x16000] =	vst v63  }
0xb2: {  	s21 =	simm.s32 $0x180  }
0xb3: {  	[tilespmem:s22], [sflag:$0x1] =	stream.indirect.gather [spmem:s3], $0x10, s21, s29, $0xb8;
	[tilespmem:$0x16000] =	vst v63  }
.LBB2_6:
0xb4: {  	p1 =	seq.s32 s8, $0x0  }
0xb5: {  	s11 =	simm.s32 @!p1 $0x4  }
0xb6: {  	_ =	swait.ge @!p1 [sflag:s11], $0x800  }
0xb7: {  	[sflag:s11] =	ssyncset.done @!p1 $0x0  }
0xb8: {  	[sflag:s11] =	ssyncadd.s32 @!p1 $0xFFFFF800  }
0xb9: {  	_ =	swait.ge @!p1 [sflag:s11], $0x800  }
0xba: {  	[sflag:s11] =	ssyncset.done @!p1 $0x0  }
0xbb: {  	[sflag:s11] =	ssyncadd.s32 @!p1 $0xFFFFF800  }
0xbc: {  	_ =	swait.ge @!p1 [sflag:s11], $0x800  }
0xbd: {  	[sflag:s11] =	ssyncset.done @!p1 $0x0  }
0xbe: {  	[sflag:s11] =	ssyncadd.s32 @!p1 $0xFFFFF800  }
0xbf: {  	_ =	swait.ge @!p1 [sflag:s11], $0x800  }
0xc0: {  	s9 =	sshra.s32 s8, $0x2;
	[sflag:s11] =	ssyncset.done @!p1 $0x0  }
0xc1: {  	s13 =	sadd.s32 $0x200, s9;
	[sflag:s11] =	ssyncadd.s32 @!p1 $0xFFFFF800  }
0xc2: {  	[tilespmem:s1], [sflag:$0x2] =	stream.indirect.gather [spmem:s3], $0x10, s13, s29, $0xb8;
	[tilespmem:$0x16000] =	vst v63  }
0xc3: {  	s14 =	sadd.s32 $0x280, s9  }
0xc4: {  	[tilespmem:s0], [sflag:$0x2] =	stream.indirect.gather [spmem:s3], $0x10, s14, s29, $0xb8;
	[tilespmem:$0x16000] =	vst v63  }
0xc5: {  	s21 =	sadd.s32 $0x300, s9  }
0xc6: {  	[tilespmem:s20], [sflag:$0x2] =	stream.indirect.gather [spmem:s3], $0x10, s21, s29, $0xb8;
	[tilespmem:$0x16000] =	vst v63  }
0xc7: {  	s13 =	sadd.s32 $0x380, s9  }
0xc8: {  	[tilespmem:s5], [sflag:$0x2] =	stream.indirect.gather [spmem:s3], $0x10, s13, s29, $0xb8;
	[tilespmem:$0x16000] =	vst v63  }
0xc9: {  	_ =	swait.ge [sflag:s24], $0x800  }
0xca: {  	[sflag:s24] =	ssyncset.done $0x0  }
0xcb: {  	[sflag:s24] =	ssyncadd.s32 $0xFFFFF800  }
0xcc: {  	_ =	swait.ge [sflag:s24], $0x800  }
0xcd: {  	[sflag:s24] =	ssyncset.done $0x0  }
0xce: {  	[sflag:s24] =	ssyncadd.s32 $0xFFFFF800  }
0xcf: {  	_ =	swait.ge [sflag:s24], $0x800  }
0xd0: {  	[sflag:s24] =	ssyncset.done $0x0  }
0xd1: {  	[sflag:s24] =	ssyncadd.s32 $0xFFFFF800  }
0xd2: {  	_ =	swait.ge [sflag:s24], $0x800  }
0xd3: {  	[sflag:s24] =	ssyncset.done $0x0  }
0xd4: {  	s14 =	sadd.s32 $0x2800, s9;
	[sflag:s24] =	ssyncadd.s32 $0xFFFFF800  }
0xd5: {  	[spmem:s2] =	stream.indirect.scatter.add.f32 [tilespmem:s30], [sflag:$0x3], $0x10, s14, s29, $0xb8;
	[tilespmem:$0x16000] =	vst v63  }
0xd6: {  	s21 =	sadd.s32 $0x2880, s9  }
0xd7: {  	[spmem:s2] =	stream.indirect.scatter.add.f32 [tilespmem:s31], [sflag:$0x3], $0x10, s21, s29, $0xb8;
	[tilespmem:$0x16000] =	vst v63  }
0xd8: {  	s13 =	sadd.s32 $0x2900, s9  }
0xd9: {  	[spmem:s2] =	stream.indirect.scatter.add.f32 [tilespmem:s19], [sflag:$0x3], $0x10, s13, s29, $0xb8;
	[tilespmem:$0x16000] =	vst v63  }
0xda: {  	s14 =	sadd.s32 $0x2980, s9  }
0xdb: {  	[spmem:s2] =	stream.indirect.scatter.add.f32 [tilespmem:s22], [sflag:$0x3], $0x10, s14, s29, $0xb8;
	[tilespmem:$0x16000] =	vst v63  }
0xdc: {  	_ =	swait.ge [sflag:s26], $0x800  }
0xdd: {  	[sflag:s26] =	ssyncset.done $0x0  }
0xde: {  	[sflag:s26] =	ssyncadd.s32 $0xFFFFF800  }
0xdf: {  	_ =	swait.ge [sflag:s26], $0x800  }
0xe0: {  	[sflag:s26] =	ssyncset.done $0x0  }
0xe1: {  	[sflag:s26] =	ssyncadd.s32 $0xFFFFF800  }
0xe2: {  	_ =	swait.ge [sflag:s26], $0x800  }
0xe3: {  	[sflag:s26] =	ssyncset.done $0x0  }
0xe4: {  	[sflag:s26] =	ssyncadd.s32 $0xFFFFF800  }
0xe5: {  	_ =	swait.ge [sflag:s26], $0x800  }
0xe6: {  	[sflag:s26] =	ssyncset.done $0x0  }
0xe7: {  	s21 =	sadd.s32 $0x2A00, s9;
	[sflag:s26] =	ssyncadd.s32 $0xFFFFF800  }
0xe8: {  	[spmem:s2] =	stream.indirect.scatter.add.f32 [tilespmem:s1], [sflag:$0x4], $0x10, s21, s29, $0xb8;
	[tilespmem:$0x16000] =	vst v63  }
0xe9: {  	s13 =	sadd.s32 $0x2A80, s9  }
0xea: {  	[spmem:s2] =	stream.indirect.scatter.add.f32 [tilespmem:s0], [sflag:$0x4], $0x10, s13, s29, $0xb8;
	[tilespmem:$0x16000] =	vst v63  }
0xeb: {  	s14 =	sadd.s32 $0x2B00, s9  }
0xec: {  	[spmem:s2] =	stream.indirect.scatter.add.f32 [tilespmem:s20], [sflag:$0x4], $0x10, s14, s29, $0xb8;
	[tilespmem:$0x16000] =	vst v63  }
0xed: {  	s21 =	sadd.s32 $0x2B80, s9  }
0xee: {  	[spmem:s2] =	stream.indirect.scatter.add.f32 [tilespmem:s5], [sflag:$0x4], $0x10, s21, s29, $0xb8;
	[tilespmem:$0x16000] =	vst v63  }
0xef: {  	_ =	swait.ge [sflag:s28], $0x800  }
0xf0: {  	[sflag:s28] =	ssyncset.done $0x0  }
0xf1: {  	[sflag:s28] =	ssyncadd.s32 $0xFFFFF800  }
0xf2: {  	_ =	swait.ge [sflag:s28], $0x800  }
0xf3: {  	[sflag:s28] =	ssyncset.done $0x0  }
0xf4: {  	[sflag:s28] =	ssyncadd.s32 $0xFFFFF800  }
0xf5: {  	p1 =	seq.s32 s8, $0x9000;
	_ =	swait.ge [sflag:s28], $0x800  }
.Ltmp4:
0xf6: {  	[sflag:s28] =	ssyncset.done $0x0;
	(pc) =	sbr.rel @p1 .LBB2_8-.Ltmp4, $4  }
0xf7: {  	[sflag:s28] =	ssyncadd.s32 $0xFFFFF800  }
0xf8: {  	_ =	swait.ge [sflag:s28], $0x800  }
0xf9: {  	[sflag:s28] =	ssyncset.done $0x0  }
0xfa: {  	[sflag:s28] =	ssyncadd.s32 $0xFFFFF800  }
0xfb: {  	s11 =	sadd.s32 $0x400, s9  }
0xfc: {  	[tilespmem:s30], [sflag:$0x1] =	stream.indirect.gather [spmem:s3], $0x10, s11, s29, $0xb8;
	[tilespmem:$0x16000] =	vst v63  }
0xfd: {  	s13 =	sadd.s32 $0x480, s9  }
0xfe: {  	[tilespmem:s31], [sflag:$0x1] =	stream.indirect.gather [spmem:s3], $0x10, s13, s29, $0xb8;
	[tilespmem:$0x16000] =	vst v63  }
.Ltmp5:
0xff: {  	_ = 	snop;
	(pc) =	sbr.rel .LBB2_6-.Ltmp5, $4  }
0x100: {  	s14 =	sadd.s32 $0x500, s9  }
0x101: {  	[tilespmem:s19], [sflag:$0x1] =	stream.indirect.gather [spmem:s3], $0x10, s14, s29, $0xb8;
	[tilespmem:$0x16000] =	vst v63  }
0x102: {  	s21 =	sadd.s32 $0x580, s9;
	s8 =	sadd.s32 $0x1000, s8  }
0x103: {  	[tilespmem:s22], [sflag:$0x1] =	stream.indirect.gather [spmem:s3], $0x10, s21, s29, $0xb8;
	[tilespmem:$0x16000] =	vst v63  }
.LBB2_9:
0x104: {  	_ =	sfence.sel $0x180000  }
0x105: {  	[bflag:$0x0] =	sbarrier.arrive $0xFFFF  }
0x106: {  	_ =	strace $0x9000004A  }
0x107: {  	s0 =	stileid.u32;
	[bflag:$0x2] =	sbarrier.arrive $0xFFFF  }
0x108: {  	p0 =	sne.s32 s0, $0x0;
	s0 =	rddreg [dreg:$0x4]  }
0x109: {  	s0 =	sadd.s32 @!p0 $0x100000, s0  }
0x10a: {  	[sflag:s0] =	ssyncadd.tile.s32 @!p0 $0x1;
	_ =	shalt  }
.Lfunc_end2:
_tile_overlayer_lowered:
.L_overlay_start_2:
0x10b: {  	(tag) =	ssettag $0x2  }
0x10c: {  	s0 =	rddreg [dreg:$0x0];
	s2 =	stileid.u32  }
0x10d: {  	s1 =	rddreg [dreg:$0x1];
	p0 =	sne.s32 s2, $0x0  }
0x10e: {  	s3 =	rddreg [dreg:$0x2];
	[bflag:$0x3] =	sbarrier.arrive $0xFFFF;
	s2 =	simm.s32 @!p0 $0x1C05  }
0x10f: {  	[timem:s3], [sflag:s2] =	dma.local @!p0 [hbm:s0], s1  }
0x110: {  	s0 =	simm.s32 @!p0 $0x5  }
0x111: {  	_ =	swait.ge @!p0 [sflag:s0], s1  }
0x112: {  	s1 =	ssub.s32 @!p0 $0x0, s1;
	[sflag:s0] =	ssyncset.done @!p0 $0x0  }
0x113: {  	[sflag:s0] =	ssyncadd.s32 @!p0 s1  }
0x114: {  	[bflag:$0x3] =	sbarrier.arrive $0xFFFF  }
0x115: {  	_ =	shalt  }

// kernel: kernel.13.cloned.1.call-start
scs
__scs_entry_jumppad:
0x0: {  	(pc) =	sbr.rel $0x88, $3  }
0x1: {  	(tag) =	ssettag $0x0;
	lr =	simm.s32 $0x1  }
0x2: {  	[smem:$0x3F9B] =	sst lr;
	_ =	strace $0xD0000000  }
0x3: {  	_ = 	snop  }
0x4: {  	_ = 	snop  }
0x5: {  	_ = 	snop  }
0x6: {  	_ = 	snop  }
0x7: {  	_ = 	snop  }
__scs_overlays_trampoline_lowered:
0x8: {  	[smem:$0x3FAA] =	sst s0  }
0x9: {  	[smem:$0x3FAB] =	sst s1  }
0xa: {  	[smem:$0x3FAC] =	sst s2  }
0xb: {  	[smem:$0x3FAD] =	sst s3  }
0xc: {  	[smem:$0x3FAE] =	sst s4  }
0xd: {  	[smem:$0x3FAF] =	sst s5  }
0xe: {  	[smem:$0x3FB0] =	sst s6  }
0xf: {  	[smem:$0x3FB1] =	sst s7  }
0x10: {  	[smem:$0x3FB2] =	sst s8  }
0x11: {  	[smem:$0x3FB3] =	sst s9;
	s0 =	simm.s32 @!p0 $0x0  }
0x12: {  	s1 =	sld [smem:$0x3F99];
	s0 =	simm.s32 @p0 $0x1  }
0x13: {  	[smem:$0x3FB4] =	sst s0;
	s0 =	simm.s32 @!p1 $0x0  }
0x14: {  	s2 =	sld [smem:$0x3F98];
	s0 =	simm.s32 @p1 $0x1  }
0x15: {  	[smem:$0x3FB5] =	sst s0;
	s0 =	simm.s32 @!p2 $0x0  }
0x16: {  	s3 =	sld [smem:$0x3FDB];
	s0 =	simm.s32 @p2 $0x1  }
0x17: {  	s4 =	simm.s32 $0x1BF5;
	[smem:$0x3FB7] =	sst s0  }
0x18: {  	s0 =	sld [smem:$0x3F9A];
	_ =	swait.ge [sflag:s4], $0x0  }
0x19: {  	s7 =	sld [smem:$0x3F9B]  }
0x1a: {  	s8 =	sadd.s32 $0xFFFFE003, lr  }
0x1b: {  	s9 =	sadd.s32 $0xFFFFFEF7, lr;
	s5 =	simm.s32 $0xFFFFFFFF;
	p2 =	slt.u32 s8, $0xFFFFF086  }
0x1c: {  	p1 =	slt.u32 s9, $0xF7A;
	s5 =	simm.s32 @!p2 $0x0  }
0x1d: {  	s5 =	simm.s32 @p1 $0x1;
	p0 =	seq.s32 s7, s2  }
0x1e: {  	s7 =	smul.u32 @!p0 $0xF7A, s2;
	p2 =	seq.s32 @!p0 s5, $0x0  }
0x1f: {  	s9 =	smul.u32 $0xF7A, s1;
	s8 =	simm.s32 @!p0 $0x1BF5;
	p2 =	por !p2, p0  }
0x20: {  	[sflag:s8] =	ssyncset.s32 @!p0 $0xFFFFF086;
	s6 =	sadd.s32 @!p0 s3, s7;
	s7 =	simm.s32 @!p0 $0x108  }
0x21: {  	s3 =	sadd.s32 s3, s9;
	s6 =	sadd.s32 @!p0 $0x88, s6;
	s7 =	simm.s32 @p2 $0x1082  }
0x22: {  	[simem:s7], [sflag:s8] =	dma.local @!p0 [hbm:s6], $0xF7A  }
0x23: {  	s9 =	sor.u32 $0xD0000000, s2;
	s6 =	simm.s32 $0x108;
	_ =	swait.ge @!p0 [sflag:s8], $0x0  }
0x24: {  	s3 =	sadd.s32 $0x88, s3;
	s6 =	simm.s32 @!p1 $0x1082;
	[sflag:s4] =	ssyncset.s32 $0xFFFFF086  }
0x25: {  	[simem:s6], [sflag:s4] =	dma.local [hbm:s3], $0xF7A  }
0x26: {  	[smem:$0x3F9B] =	sst s1;
	(tag) =	ssettag s2;
	_ =	strace s9  }
0x27: {  	s1 =	sld [smem:$0x3FAB]  }
0x28: {  	s2 =	sld [smem:$0x3FAC]  }
0x29: {  	s4 =	sld [smem:$0x3FAE]  }
0x2a: {  	p0 =	seq.s32 s5, $0x0;
	s5 =	sld [smem:$0x3FAF]  }
0x2b: {  	s6 =	sld [smem:$0x3FB0]  }
0x2c: {  	s7 =	sld [smem:$0x3FB1]  }
0x2d: {  	s3 =	simm.s32 $0x108;
	s8 =	sld [smem:$0x3FB2]  }
0x2e: {  	s3 =	simm.s32 @!p0 $0x1082;
	s9 =	sld [smem:$0x3FB3]  }
0x2f: {  	lr =	sadd.s32 s0, s3;
	s0 =	sld [smem:$0x3FAA]  }
0x30: {  	s3 =	sld [smem:$0x3FAD]  }
0x31: {  	[smem:$0x3FB6] =	sst s10  }
0x32: {  	s10 =	sld [smem:$0x3FB4];
	_ =	sdelay $0x3  }
0x33: {  	p0 =	seq.s32 s10, $0x1;
	s10 =	sld [smem:$0x3FB6];
	_ =	sdelay $0x3  }
0x34: {  	[smem:$0x3FB6] =	sst s10  }
0x35: {  	s10 =	sld [smem:$0x3FB5];
	_ =	sdelay $0x3  }
0x36: {  	p1 =	seq.s32 s10, $0x1;
	s10 =	sld [smem:$0x3FB6];
	_ =	sdelay $0x3  }
0x37: {  	[smem:$0x3FB6] =	sst s10  }
0x38: {  	s10 =	sld [smem:$0x3FB7]  }
0x39: {  	_ = 	snop;
	(pc) =	sbr.ind lr, $3  }
0x3a: {  	_ = 	snop  }
0x3b: {  	_ = 	snop  }
0x3c: {  	p2 =	seq.s32 s10, $0x1;
	s10 =	sld [smem:$0x3FB6]  }
0x3d: {  	_ =	shalt  }
0x3e: {  	_ =	shalt  }
0x3f: {  	_ =	shalt  }
0x40: {  	_ =	shalt  }
0x41: {  	_ =	shalt  }
0x42: {  	_ =	shalt  }
0x43: {  	_ =	shalt  }
0x44: {  	_ =	shalt  }
0x45: {  	_ =	shalt  }
0x46: {  	_ =	shalt  }
0x47: {  	_ =	shalt  }
0x48: {  	_ =	shalt  }
0x49: {  	_ =	shalt  }
0x4a: {  	_ =	shalt  }
0x4b: {  	_ =	shalt  }
0x4c: {  	_ =	shalt  }
0x4d: {  	_ =	shalt  }
0x4e: {  	_ =	shalt  }
0x4f: {  	_ =	shalt  }
0x50: {  	_ =	shalt  }
0x51: {  	_ =	shalt  }
0x52: {  	_ =	shalt  }
0x53: {  	_ =	shalt  }
0x54: {  	_ =	shalt  }
0x55: {  	_ =	shalt  }
0x56: {  	_ =	shalt  }
0x57: {  	_ =	shalt  }
0x58: {  	_ =	shalt  }
0x59: {  	_ =	shalt  }
0x5a: {  	_ =	shalt  }
0x5b: {  	_ =	shalt  }
0x5c: {  	_ =	shalt  }
0x5d: {  	_ =	shalt  }
0x5e: {  	_ =	shalt  }
0x5f: {  	_ =	shalt  }
0x60: {  	_ =	shalt  }
0x61: {  	_ =	shalt  }
0x62: {  	_ =	shalt  }
0x63: {  	_ =	shalt  }
0x64: {  	_ =	shalt  }
0x65: {  	_ =	shalt  }
0x66: {  	_ =	shalt  }
0x67: {  	_ =	shalt  }
0x68: {  	_ =	shalt  }
0x69: {  	_ =	shalt  }
0x6a: {  	_ =	shalt  }
0x6b: {  	_ =	shalt  }
0x6c: {  	_ =	shalt  }
0x6d: {  	_ =	shalt  }
0x6e: {  	_ =	shalt  }
0x6f: {  	_ =	shalt  }
0x70: {  	_ =	shalt  }
0x71: {  	_ =	shalt  }
0x72: {  	_ =	shalt  }
0x73: {  	_ =	shalt  }
0x74: {  	_ =	shalt  }
0x75: {  	_ =	shalt  }
0x76: {  	_ =	shalt  }
0x77: {  	_ =	shalt  }
0x78: {  	_ =	shalt  }
0x79: {  	_ =	shalt  }
0x7a: {  	_ =	shalt  }
0x7b: {  	_ =	shalt  }
0x7c: {  	_ =	shalt  }
0x7d: {  	_ =	shalt  }
0x7e: {  	_ =	shalt  }
0x7f: {  	_ =	shalt  }
0x80: {  	_ =	shalt  }
0x81: {  	_ =	shalt  }
0x82: {  	_ =	shalt  }
0x83: {  	_ =	shalt  }
0x84: {  	_ =	shalt  }
0x85: {  	_ =	shalt  }
0x86: {  	_ =	shalt  }
0x87: {  	_ =	shalt  }
.Lfunc_end0:
.L_simem_size_0:
called_computation.2_lowered:
.L_overlay_start_0:
0x88: {  	s2 =	sld [smem:$0x3FD9]  }
0x89: {  	s3 =	sld [smem:$0x3FFE];
	_ =	sdelay $0x1  }
0x8a: {  	s1 =	srdreg.scid  }
0x8b: {  	s0 =	sand.u32 $0x1, s1  }
0x8c: {  	s17 =	sshll.u32 s0, $0xA;
	s2 =	sadd.s32 s3, s2  }
0x8d: {  	s2 =	sadd.s32 s2, s17  }
0x8e: {  	[smem:$0x3FC2] =	sst s2  }
0x8f: {  	_ = 	snop  }
0x90: {  	s2 =	sld [smem:$0x3FC6]  }
0x91: {  	s18 =	sld [smem:$0x3FD0];
	(tm) =	ssettm $0x1  }
0x92: {  	s4 =	sld [smem:$0x3FFB];
	_ =	sdelay $0x3  }
0x93: {  	_ =	strace s4  }
0x94: {  	s4 =	sld [smem:$0x3FFC];
	_ =	sdelay $0x3  }
0x95: {  	_ =	strace s4  }
0x96: {  	s4 =	sld [smem:$0x3FFD];
	_ =	sdelay $0x3  }
0x97: {  	_ =	strace s4  }
0x98: {  	_ =	strace $0x8FFFFFFF  }
0x99: {  	s19 =	sld [smem:$0x3FDB];
	_ =	sdelay $0x1  }
0x9a: {  	s5 =	simm.s32 $_scs_section_size  }
0x9b: {  	s6 =	simm.s32 $_size__tile_overlayer_lowered;
	s7 =	simm.s32 $_tile_overlayer_lowered  }
0x9c: {  	s22 =	simm.s32 $0x1BFF;
	s21 =	sshll.u32 s7, $0x1;
	s4 =	sadd.s32 s5, s19  }
0x9d: {  	s8 =	simm.s32 $0x0;
	s20 =	sshll.u32 s6, $0x1;
	s6 =	sadd.s32 s21, s4  }
0x9e: {  	[timem:s8], [sflag:s22] =	dma.local [hbm:s6], s20  }
0x9f: {  	_ =	swait.ge [sflag:s22], s20  }
0xa0: {  	s5 =	ssub.s32 $0x0, s20;
	[sflag:s22] =	ssyncset.done $0x0  }
0xa1: {  	[sflag:s22] =	ssyncadd.s32 s5;
	_ =	sdelay $0x1  }
0xa2: {  	s23 =	simm.s32 $0x1B8B  }
0xa3: {  	_ =	swait.ge [sflag:s23], $0x1  }
0xa4: {  	[sflag:s23] =	ssyncset.done $0x0  }
0xa5: {  	s25 =	simm.s32 $0x1B8E;
	s24 =	sld [smem:$0x3FFE];
	[sflag:s23] =	ssyncadd.s32 $0xFFFFFFFF  }
0xa6: {  	s26 =	simm.s32 $execute0_lowered;
	[smem:$0x3FD2] =	sst s25  }
0xa7: {  	s6 =	sshll.u32 s26, $0x1;
	_ =	strace $0x8000004C;
	[dreg:$0x1] =	wrdreg $0xFFFFFFFF  }
0xa8: {  	s28 =	simm.s32 $_size_execute0_lowered;
	s4 =	sadd.s32 s4, s6;
	[dreg:$0x0] =	wrdreg $0x0  }
0xa9: {  	s6 =	sshll.u32 s28, $0x1;
	[dreg:$0x2] =	wrdreg s4  }
0xaa: {  	[dreg:$0x3] =	wrdreg s6  }
0xab: {  	[dreg:$0x4] =	wrdreg $0xC0  }
0xac: {  	_ =	task [dreg:s8], $0x5FFFF  }
0xad: {  	[dreg:$0x1] =	wrdreg $0xFFFFFFFF  }
0xae: {  	[dreg:$0x0] =	wrdreg $0x60  }
0xaf: {  	[dreg:$0x2] =	wrdreg s24  }
0xb0: {  	[dreg:$0x3] =	wrdreg s18  }
0xb1: {  	[dreg:$0x4] =	wrdreg s2  }
0xb2: {  	[dreg:$0x5] =	wrdreg $0x160100  }
0xb3: {  	[dreg:$0x6] =	wrdreg $0x188100  }
0xb4: {  	[dreg:$0x7] =	wrdreg $0x9  }
0xb5: {  	_ =	task.clear_ibuf [dreg:s8], $0x8FFFF;
	_ =	strace $0x9000004C  }
0xb6: {  	s29 =	simm.s32 $0x9;
	_ =	strace $0x8000004E  }
0xb7: {  	_ =	swait.ge [sflag:s29], $0x1  }
0xb8: {  	[sflag:s29] =	ssyncadd.s32 $0xFFFFFFFF  }
0xb9: {  	_ =	strace $0x9000004E  }
0xba: {  	_ =	sfence  }
0xbb: {  	s30 =	sld [smem:$0x0];
	_ =	sdelay $0x2  }
0xbc: {  	s31 =	sshll.u32 s1, $0xD;
	s1 =	sshrl.u32 s1, $0x2  }
0xbd: {  	s3 =	sand.u32 $0x4000, s31;
	s1 =	sadd.s32 s1, s30  }
0xbe: {  	s0 =	sor.u32 s3, s0;
	s1 =	sshll.u32 s1, $0x11  }
0xbf: {  	s0 =	sor.u32 s1, s0  }
0xc0: {  	s0 =	sadd.s32 $0x8F2B, s0  }
0xc1: {  	[sflag:s0] =	ssyncadd.remote.s32 $0x1  }
0xc2: {  	_ =	sfence.sel $0xFFFF  }
0xc3: {  	[dreg:$0x0] =	wrdreg $0xFFFFFFFF;
	(pc) =	sbr.abs _section_cstart, $3  }
0xc4: {  	[dreg:$0x1] =	wrdreg $0xFFFFFFFF  }
0xc5: {  	_ =	task.clear_ibuf [dreg:s8], $0x2FFFF;
	_ =	strace $0x9FFFFFFF  }
0xc6: {  	(tm) =	ssettm $0x7FFFFFFF  }
0xc7: {  	_ =	shalt  }
tec
execute0_lowered:
.L_overlay_start_1:
0x0: {  	(tag) =	ssettag $0x1  }
0x1: {  	s0 =	rddreg [dreg:$0x0]  }
0x2: {  	s1 =	srdreg.scid;
	s2 =	rddreg [dreg:$0x1]  }
0x3: {  	s16 =	stileid.u32;
	s3 =	rddreg [dreg:$0x3]  }
0x4: {  	s30 =	simm.s32 $0x9000;
	s31 =	simm.s32 $0x1;
	s28 =	simm.s32 $0x6000  }
0x5: {  	s29 =	simm.s32 $0x7000;
	s1 =	sand.u32 $0x1, s1;
	s7 =	smul.u32 $0x2800, s16  }
0x6: {  	s10 =	sadd.s32 $0x2000, s0;
	s11 =	sadd.s32 $0x1B000, s0;
	s4 =	sshll.u32 s1, $0x4  }
0x7: {  	s8 =	smul.u32 $0x28000, s1;
	s13 =	ssub.s32 $0x2, s1;
	p0 =	sne.s32 s1, $0x0  }
0x8: {  	s1 =	simm.s32 $0x2;
	s5 =	sor.u32 s16, s4;
	s4 =	rddreg [dreg:$0x4]  }
0x9: {  	s12 =	sshrl.u32 s7, $0x3;
	s14 =	sshrl.u32 s13, $0x1;
	s16 =	smul.u32 $0xA000, s16  }
0xa: {  	s6 =	smul.u32 $0x500, s5;
	s5 =	simm.s32 $0x0;
	s8 =	sadd.s32 s7, s8  }
0xb: {  	s15 =	sadd.s32 $0x5000, s12;
	s14 =	ssub.s32 s13, s14;
	s19 =	sadd.s32 s10, s12  }
0xc: {  	s20 =	sadd.s32 s11, s12;
	s13 =	sadd.s32 s7, s3;
	s18 =	sadd.s32 s7, s4  }
0xd: {  	s7 =	simm.s32 $0x8000;
	[smem:$0x7FF] =	sst s5;
	s8 =	sshrl.u32 s8, $0x3  }
0xe: {  	s10 =	sadd.s32 s10, s15;
	_ =	strace $0x8000004D;
	[dreg:$0x6] =	wrdreg s19  }
0xf: {  	s21 =	sadd.s32 s11, s15;
	s22 =	sshrl.u32 s16, $0x2;
	[dreg:$0x7] =	wrdreg s10  }
0x10: {  	s9 =	sadd.s32 s6, s0;
	s8 =	sadd.s32 s8, s0;
	[dreg:$0x8] =	wrdreg s20  }
0x11: {  	s0 =	sadd.s32 s12, s0;
	[dreg:$0x9] =	wrdreg s21;
	s24 =	sadd.s32 s22, s3  }
0x12: {  	s2 =	sadd.s32 s2, s6;
	s21 =	smax.u32 s14, $0x1;
	s22 =	simm.s32 $0x3  }
0x13: {  	s6 =	simm.s32 $0x7800;
	s10 =	simm.s32 $0x0;
	s23 =	sadd.s32 $0x25000, s0  }
0x14: {  	s9 =	sadd.s32 $0xC000, s9;
	[dreg:$0xc] =	wrdreg s2;
	s25 =	sadd.s32 $0x800, s24  }
0x15: {  	s26 =	sadd.s32 $0x1000, s24;
	s16 =	sadd.s32 $0x1800, s24;
	s17 =	sadd.s32 $0x2000, s24  }
.Ltmp0:
0x16: {  	s19 =	sadd.s32 $0x16000, s0;
	[dreg:$0xa] =	wrdreg s23;
	(pc) =	sbr.rel .LBB2_1-.Ltmp0, $4  }
0x17: {  	s20 =	sadd.s32 $0x2A000, s8;
	s2 =	simm.s32 $0x5;
	[dreg:$0xb] =	wrdreg s9  }
0x18: {  	s0 =	simm.s32 $0x5000;
	s24 =	simm.s32 $0x5800;
	[dreg:$0xd] =	wrdreg s25  }
0x19: {  	s8 =	simm.s32 $0x8800;
	[dreg:$0xe] =	wrdreg s26;
	s26 =	simm.s32 $0x13800  }
0x1a: {  	v0 =	vimm.f32 $0.0e+00;
	s23 =	simm.s32 $0x80;
	s25 =	simm.s32 $0x6800;
	s9 =	simm.s32 $0x4  }
.LBB2_8:
0x1b: {  	_ =	swait.ge [sflag:s9], $0x800  }
0x1c: {  	[sflag:s9] =	ssyncset.done $0x0  }
0x1d: {  	[sflag:s9] =	ssyncadd.s32 $0xFFFFF800  }
0x1e: {  	_ =	swait.ge [sflag:s9], $0x800  }
0x1f: {  	[sflag:s9] =	ssyncset.done $0x0  }
0x20: {  	[sflag:s9] =	ssyncadd.s32 $0xFFFFF800  }
0x21: {  	_ =	swait.ge [sflag:s9], $0x800  }
0x22: {  	[sflag:s9] =	ssyncset.done $0x0  }
0x23: {  	[sflag:s9] =	ssyncadd.s32 $0xFFFFF800  }
0x24: {  	s11 =	stileid.u32;
	_ =	swait.ge [sflag:s9], $0x800  }
0x25: {  	s12 =	sshrl.u32 s13, $0x3;
	s10 =	sadd.s32 $0x1, s10;
	[sflag:s9] =	ssyncset.done $0x0  }
0x26: {  	s11 =	sshll.u32 s11, $0x6;
	p1 =	sne.s32 s10, s21;
	[sflag:s9] =	ssyncadd.s32 $0xFFFFF800  }
.Ltmp1:
0x27: {  	s11 =	sor.u32 $0x1C05, s11;
	[bflag:$0x0] =	sbarrier.arrive $0xFFFF;
	(pc) =	sbr.rel @!p1 .LBB2_9-.Ltmp1, $4  }
0x28: {  	[hbm:s20], [sflag:s11] =	dma.local [spmem:s12], $0x500  }
0x29: {  	_ =	swait.ge [sflag:s2], $0x500  }
0x2a: {  	[sflag:s2] =	ssyncset.done $0x0  }
0x2b: {  	[sflag:s2] =	ssyncadd.s32 $0xFFFFFB00  }
.LBB2_1:
0x2c: {  	s11 =	rddreg [dreg:$0x6];
	s12 =	simm.s32 $0x9800  }
0x2d: {  	[tilespmem:s12], [sflag:$0x1] =	stream.linear.gather [hbm4b:s11+s5], $0x2800, $0x38;
	[tilespmem:$0x1B010] =	vst v63  }
0x2e: {  	s14 =	rddreg [dreg:$0x7];
	s15 =	simm.s32 $0xC000  }
0x2f: {  	[tilespmem:s15], [sflag:$0x1] =	stream.linear.gather [hbm4b:s14+s5], $0x2800, $0x38;
	[tilespmem:$0x1B010] =	vst v63  }
0x30: {  	s14 =	rddreg [dreg:$0x8];
	s15 =	simm.s32 $0xE800  }
0x31: {  	[tilespmem:s15], [sflag:$0x1] =	stream.linear.gather [hbm4b:s14+s5], $0x2800, $0x38;
	[tilespmem:$0x1B010] =	vst v63  }
0x32: {  	s14 =	rddreg [dreg:$0x9];
	s15 =	simm.s32 $0x11000  }
0x33: {  	[tilespmem:s15], [sflag:$0x1] =	stream.linear.gather [hbm4b:s14+s5], $0x2800, $0x38;
	[tilespmem:$0x1B010] =	vst v63  }
0x34: {  	s12 =	rddreg [dreg:$0xa]  }
0x35: {  	[tilespmem:s26], [sflag:$0x1] =	stream.linear.gather [hbm4b:s12+s5], $0x2800, $0x38;
	[tilespmem:$0x1B010] =	vst v63  }
0x36: {  	s14 =	rddreg [dreg:$0x2];
	s15 =	simm.s32 $0x16000  }
0x37: {  	[tilespmem:s15], [sflag:$0x1] =	stream.linear.gather [hbm4b:s14+s5], $0x10, $0x38;
	[tilespmem:$0x1B010] =	vst v63  }
0x38: {  	s11 =	simm.s32 $0x40;
	s12 =	rddreg [dreg:$0xb]  }
0x39: {  	[tilespmem:s5], [sflag:$0x2] =	stream.linear.gather [hbm4b:s12+s5], $0x2800, $0x38;
	[tilespmem:$0x1B010] =	vst v63  }
0x3a: {  	s14 =	rddreg [dreg:$0xc];
	s15 =	simm.s32 $0x2800;
	s12 =	simm.s32 $0x0  }
0x3b: {  	[tilespmem:s15], [sflag:$0x2] =	stream.linear.gather [hbm4b:s14+s5], $0x2800, $0x38;
	[tilespmem:$0x1B010] =	vst v63  }
.LBB2_2:
0x3c: {  	p1 =	sne.s32 s11, $0x1FC0;
	[tilespmem:s12+$0x9000] =	vst v0;
	s12 =	smov.u32 s11;
	s11 =	sadd.s32 $0x40, s11  }
.Ltmp2:
0x3d: {  	(pc) =	sbr.rel @p1 .LBB2_2-.Ltmp2, $2  }
0x3e: {  	_ =	sdelay $0x2  }
0x3f: {  	s12 =	sshra.s32 s12, $0x2  }
0x40: {  	[tilespmem:s12+$0x9000] =	vst v0  }
0x41: {  	[spmem:s13] =	stream.linear.scatter [tilespmem:s30], [sflag:$0x3], $0x800, $0x38;
	[tilespmem:$0x1B010] =	vst v63  }
0x42: {  	s11 =	rddreg [dreg:$0xd]  }
0x43: {  	[spmem:s11] =	stream.linear.scatter [tilespmem:s30], [sflag:$0x3], $0x800, $0x38;
	[tilespmem:$0x1B010] =	vst v63  }
0x44: {  	s15 =	rddreg [dreg:$0xe]  }
0x45: {  	[spmem:s15] =	stream.linear.scatter [tilespmem:s30], [sflag:$0x3], $0x800, $0x38;
	[tilespmem:$0x1B010] =	vst v63  }
0x46: {  	_ = 	snop  }
0x47: {  	[spmem:s16] =	stream.linear.scatter [tilespmem:s30], [sflag:$0x3], $0x800, $0x38;
	[tilespmem:$0x1B010] =	vst v63  }
0x48: {  	_ = 	snop  }
0x49: {  	[spmem:s17] =	stream.linear.scatter [tilespmem:s30], [sflag:$0x3], $0x800, $0x38;
	[tilespmem:$0x1B010] =	vst v63  }
0x4a: {  	_ =	swait.ge [sflag:s31], $0x2800  }
0x4b: {  	[sflag:s31] =	ssyncset.done $0x0  }
0x4c: {  	[sflag:s31] =	ssyncadd.s32 $0xFFFFD800  }
0x4d: {  	_ =	swait.ge [sflag:s31], $0x2800  }
0x4e: {  	[sflag:s31] =	ssyncset.done $0x0  }
0x4f: {  	[sflag:s31] =	ssyncadd.s32 $0xFFFFD800  }
0x50: {  	_ =	swait.ge [sflag:s31], $0x2800  }
0x51: {  	[sflag:s31] =	ssyncset.done $0x0  }
0x52: {  	[sflag:s31] =	ssyncadd.s32 $0xFFFFD800  }
0x53: {  	_ =	swait.ge [sflag:s31], $0x2800  }
0x54: {  	[sflag:s31] =	ssyncset.done $0x0  }
0x55: {  	[sflag:s31] =	ssyncadd.s32 $0xFFFFD800  }
0x56: {  	_ =	swait.ge [sflag:s31], $0x2800  }
0x57: {  	[sflag:s31] =	ssyncset.done $0x0  }
0x58: {  	[sflag:s31] =	ssyncadd.s32 $0xFFFFD800  }
0x59: {  	_ =	swait.ge [sflag:s31], $0x10  }
0x5a: {  	[sflag:s31] =	ssyncset.done $0x0  }
0x5b: {  	s14 =	simm.s32 $0x0;
	[sflag:s31] =	ssyncadd.s32 $0xFFFFFFF0  }
0x5c: {  	v1 =	vld [tilespmem:s14+$0x9800]  }
0x5d: {  	v2 =	vld [tilespmem:s14+$0xC000];
	_ =	sdelay $0x4  }
0x5e: {  	v1 =	vadd.f32 v2, v1;
	_ =	sdelay $0x1  }
0x5f: {  	v1 =	vadd.f32 $1.000000000e+00, v1;
	_ =	sdelay $0x1  }
0x60: {  	v2 =	vshrl.u32 v1, $0x1;
	v7 =	vmul.f32 $5.000000000e-01, v1  }
0x61: {  	v1 =	vsub.s32 $0x5F3759DF, v2  }
0x62: {  	v2 =	vmul.f32 v1, v7;
	_ =	sdelay $0x1  }
0x63: {  	s11 =	simm.s32 $0x10;
	v2 =	vmul.f32 v1, v2  }
0x64: {  	v3 =	vld [tilespmem:s11+$0x9800]  }
0x65: {  	v4 =	vld [tilespmem:s11+$0xC000];
	v2 =	vsub.f32 $1.500000000e+00, v2;
	_ =	sdelay $0x1  }
0x66: {  	v5 =	vmul.f32 v1, v2;
	_ =	sdelay $0x1  }
0x67: {  	v1 =	vmul.f32 v5, v7  }
0x68: {  	v2 =	vadd.f32 v4, v3  }
0x69: {  	v1 =	vmul.f32 v1, v5  }
0x6a: {  	v2 =	vadd.f32 $1.000000000e+00, v2  }
0x6b: {  	v3 =	vsub.f32 $1.500000000e+00, v1  }
0x6c: {  	v4 =	vshrl.u32 v2, $0x1;
	v2 =	vmul.f32 $5.000000000e-01, v2  }
0x6d: {  	v6 =	vld [tilespmem:s14+$0x11000];
	v4 =	vsub.s32 $0x5F3759DF, v4;
	v3 =	vmul.f32 v3, v5  }
0x6e: {  	v9 =	vmul.f32 v4, v2;
	v5 =	vld [tilespmem:s14+$0xE800]  }
0x6f: {  	v8 =	vld [tilespmem:s14+$0x13800];
	v10 =	vmul.f32 v3, v7  }
0x70: {  	s12 =	simm.s32 $0x20;
	v1 =	vld [tilespmem:$0x16000];
	v9 =	vmul.f32 v4, v9  }
0x71: {  	s15 =	simm.s32 $0xC0;
	v7 =	vld [tilespmem:s12+$0x9800];
	v10 =	vmul.f32 v10, v3  }
.LBB2_4:
0x72: {  	p1 =	sne.s32 s15, $0x9FC0;
	v11 =	vld [tilespmem:s12+$0xC000];
	v9 =	vsub.f32 $1.500000000e+00, v9  }
0x73: {  	v10 =	vsub.f32 $1.500000000e+00, v10;
	v5 =	vadd.f32 v6, v5  }
0x74: {  	v6 =	vmul.f32 v4, v9  }
0x75: {  	v9 =	vmul.f32 v10, v3;
	v3 =	vadd.f32 v8, v5  }
0x76: {  	v4 =	vmul.f32 v6, v2  }
0x77: {  	v5 =	vadd.f32 v11, v7;
	v3 =	vmul.f32 v9, v3  }
0x78: {  	v4 =	vmul.f32 v4, v6  }
0x79: {  	v5 =	vadd.f32 $1.000000000e+00, v5;
	v3 =	vadd.f32 v3, v1  }
0x7a: {  	v7 =	vsub.f32 $1.500000000e+00, v4  }
0x7b: {  	v4 =	vshrl.u32 v5, $0x1;
	v8 =	vmul.f32 $5.000000000e-01, v5;
	v10 =	vmax.f32 v3, $0.0e+00  }
.Ltmp3:
0x7c: {  	v4 =	vsub.s32 $0x5F3759DF, v4;
	v3 =	vmul.f32 v7, v6;
	v5 =	vld [tilespmem:s11+$0xE800];
	v7 =	vmul.f32 v10, v9;
	(pc) =	sbr.rel @p1 .LBB2_4-.Ltmp3, $4  }
0x7d: {  	v9 =	vmul.f32 v4, v8;
	v6 =	vld [tilespmem:s11+$0x11000]  }
0x7e: {  	v10 =	vmul.f32 v3, v2;
	[tilespmem:s14+$0x13800] =	vst v7;
	v2 =	vmov v8;
	s14 =	smov.u32 s11;
	s11 =	smov.u32 s12  }
0x7f: {  	s12 =	sshra.s32 s15, $0x2;
	v9 =	vmul.f32 v4, v9;
	v8 =	vld [tilespmem:s14+$0x13800]  }
0x80: {  	s15 =	sadd.s32 $0x40, s15;
	v7 =	vld [tilespmem:s12+$0x9800];
	v10 =	vmul.f32 v10, v3  }
0x81: {  	v11 =	vld [tilespmem:s12+$0xC000];
	v9 =	vsub.f32 $1.500000000e+00, v9  }
0x82: {  	v10 =	vsub.f32 $1.500000000e+00, v10;
	v5 =	vadd.f32 v6, v5  }
0x83: {  	v4 =	vmul.f32 v4, v9  }
0x84: {  	v3 =	vmul.f32 v10, v3;
	v5 =	vadd.f32 v8, v5  }
0x85: {  	v53 =	vmul.f32 v4, v2  }
0x86: {  	v7 =	vadd.f32 v11, v7;
	v5 =	vmul.f32 v3, v5  }
0x87: {  	v6 =	vmul.f32 v53, v4  }
0x88: {  	v7 =	vadd.f32 $1.000000000e+00, v7;
	v5 =	vadd.f32 v5, v1  }
0x89: {  	v6 =	vsub.f32 $1.500000000e+00, v6  }
0x8a: {  	v54 =	vshrl.u32 v7, $0x1;
	v7 =	vmul.f32 $5.000000000e-01, v7;
	v5 =	vmax.f32 v5, $0.0e+00  }
0x8b: {  	v55 =	vld [tilespmem:s11+$0xE800];
	v8 =	vsub.s32 $0x5F3759DF, v54;
	v4 =	vmul.f32 v6, v4;
	v3 =	vmul.f32 v5, v3  }
0x8c: {  	v57 =	vld [tilespmem:s11+$0x11000];
	v56 =	vmul.f32 v8, v7  }
0x8d: {  	v2 =	vmul.f32 v4, v2;
	[tilespmem:s14+$0x13800] =	vst v3  }
0x8e: {  	v3 =	vmul.f32 v8, v56;
	v58 =	vld [tilespmem:s11+$0x13800]  }
0x8f: {  	v2 =	vmul.f32 v2, v4  }
0x90: {  	v3 =	vsub.f32 $1.500000000e+00, v3  }
0x91: {  	v6 =	vadd.f32 v57, v55;
	v2 =	vsub.f32 $1.500000000e+00, v2  }
0x92: {  	v3 =	vmul.f32 v8, v3  }
0x93: {  	v2 =	vmul.f32 v2, v4;
	v59 =	vadd.f32 v58, v6  }
0x94: {  	v60 =	vmul.f32 v3, v7  }
0x95: {  	v4 =	vmul.f32 v2, v59  }
0x96: {  	v5 =	vmul.f32 v60, v3  }
0x97: {  	v4 =	vadd.f32 v4, v1  }
0x98: {  	v5 =	vsub.f32 $1.500000000e+00, v5  }
0x99: {  	v4 =	vmax.f32 v4, $0.0e+00  }
0x9a: {  	v61 =	vld [tilespmem:s12+$0xE800];
	v3 =	vmul.f32 v5, v3;
	v2 =	vmul.f32 v4, v2  }
0x9b: {  	v62 =	vld [tilespmem:s12+$0x11000]  }
0x9c: {  	v63 =	vmul.f32 v3, v7;
	[tilespmem:s11+$0x13800] =	vst v2  }
0x9d: {  	v2 =	vld [tilespmem:s12+$0x13800]  }
0x9e: {  	v6 =	vmul.f32 v63, v3;
	_ =	sdelay $0x1  }
0x9f: {  	v4 =	vadd.f32 v62, v61;
	v6 =	vsub.f32 $1.500000000e+00, v6;
	_ =	sdelay $0x1  }
0xa0: {  	v3 =	vmul.f32 v6, v3;
	v2 =	vadd.f32 v2, v4;
	_ =	sdelay $0x1  }
0xa1: {  	v2 =	vmul.f32 v3, v2;
	_ =	sdelay $0x1  }
0xa2: {  	v1 =	vadd.f32 v2, v1;
	_ =	sdelay $0x1  }
0xa3: {  	v1 =	vmax.f32 v1, $0.0e+00  }
0xa4: {  	v1 =	vmul.f32 v1, v3;
	_ =	sdelay $0x1  }
0xa5: {  	[tilespmem:s12+$0x13800] =	vst v1  }
0xa6: {  	[spmem:s18] =	stream.linear.scatter [tilespmem:s26], [sflag:$0x5], $0x2800, $0x38;
	[tilespmem:$0x1B010] =	vst v63  }
0xa7: {  	_ =	swait.ge [sflag:s2], $0x2800  }
0xa8: {  	[sflag:s2] =	ssyncset.done $0x0  }
0xa9: {  	s11 =	simm.s32 @!p0 $0x0;
	s12 =	simm.s32 @!p0 $0x13800;
	[sflag:s2] =	ssyncadd.s32 $0xFFFFD800  }
0xaa: {  	[hbm4b:s19+s11] =	stream.linear.scatter @!p0 [tilespmem:s12], [sflag:$0x5], $0x2800, $0x38;
	[tilespmem:$0x1B010] =	vst v63  }
0xab: {  	s11 =	simm.s32 @!p0 $0x5  }
0xac: {  	_ =	swait.ge @!p0 [sflag:s11], $0x2800  }
0xad: {  	[sflag:s11] =	ssyncset.done @!p0 $0x0  }
0xae: {  	[sflag:s11] =	ssyncadd.s32 @!p0 $0xFFFFD800  }
0xaf: {  	_ =	swait.ge [sflag:s1], $0x2800  }
0xb0: {  	[sflag:s1] =	ssyncset.done $0x0  }
0xb1: {  	[sflag:s1] =	ssyncadd.s32 $0xFFFFD800  }
0xb2: {  	_ =	swait.ge [sflag:s1], $0x2800  }
0xb3: {  	[sflag:s1] =	ssyncset.done $0x0  }
0xb4: {  	[sflag:s1] =	ssyncadd.s32 $0xFFFFD800  }
0xb5: {  	_ =	swait.ge [sflag:s22], $0x800  }
0xb6: {  	[sflag:s22] =	ssyncset.done $0x0  }
0xb7: {  	[sflag:s22] =	ssyncadd.s32 $0xFFFFF800  }
0xb8: {  	_ =	swait.ge [sflag:s22], $0x800  }
0xb9: {  	[sflag:s22] =	ssyncset.done $0x0  }
0xba: {  	[sflag:s22] =	ssyncadd.s32 $0xFFFFF800  }
0xbb: {  	_ =	swait.ge [sflag:s22], $0x800  }
0xbc: {  	[sflag:s22] =	ssyncset.done $0x0  }
0xbd: {  	[sflag:s22] =	ssyncadd.s32 $0xFFFFF800  }
0xbe: {  	_ =	swait.ge [sflag:s22], $0x800  }
0xbf: {  	[sflag:s22] =	ssyncset.done $0x0  }
0xc0: {  	[sflag:s22] =	ssyncadd.s32 $0xFFFFF800  }
0xc1: {  	_ =	swait.ge [sflag:s22], $0x800  }
0xc2: {  	[sflag:s22] =	ssyncset.done $0x0  }
0xc3: {  	[sflag:s22] =	ssyncadd.s32 $0xFFFFF800  }
0xc4: {  	s11 =	simm.s32 $0x0;
	[bflag:$0x0] =	sbarrier.arrive $0xFFFF  }
0xc5: {  	[tilespmem:s0], [sflag:$0x1] =	stream.indirect.gather [spmem:s4], $0x10, s11, s23, $0xb8;
	[tilespmem:$0x1B010] =	vst v63  }
0xc6: {  	_ = 	snop  }
0xc7: {  	[tilespmem:s24], [sflag:$0x1] =	stream.indirect.gather [spmem:s4], $0x10, s23, s23, $0xb8;
	[tilespmem:$0x1B010] =	vst v63  }
0xc8: {  	s14 =	simm.s32 $0x100  }
0xc9: {  	[tilespmem:s28], [sflag:$0x1] =	stream.indirect.gather [spmem:s4], $0x10, s14, s23, $0xb8;
	[tilespmem:$0x1B010] =	vst v63  }
0xca: {  	s15 =	simm.s32 $0x180  }
0xcb: {  	[tilespmem:s25], [sflag:$0x1] =	stream.indirect.gather [spmem:s4], $0x10, s15, s23, $0xb8;
	[tilespmem:$0x1B010] =	vst v63  }
.LBB2_6:
0xcc: {  	p1 =	seq.s32 s11, $0x0  }
0xcd: {  	s14 =	simm.s32 @!p1 $0x4  }
0xce: {  	_ =	swait.ge @!p1 [sflag:s14], $0x800  }
0xcf: {  	[sflag:s14] =	ssyncset.done @!p1 $0x0  }
0xd0: {  	[sflag:s14] =	ssyncadd.s32 @!p1 $0xFFFFF800  }
0xd1: {  	_ =	swait.ge @!p1 [sflag:s14], $0x800  }
0xd2: {  	[sflag:s14] =	ssyncset.done @!p1 $0x0  }
0xd3: {  	[sflag:s14] =	ssyncadd.s32 @!p1 $0xFFFFF800  }
0xd4: {  	_ =	swait.ge @!p1 [sflag:s14], $0x800  }
0xd5: {  	[sflag:s14] =	ssyncset.done @!p1 $0x0  }
0xd6: {  	[sflag:s14] =	ssyncadd.s32 @!p1 $0xFFFFF800  }
0xd7: {  	_ =	swait.ge @!p1 [sflag:s14], $0x800  }
0xd8: {  	s12 =	sshra.s32 s11, $0x2;
	[sflag:s14] =	ssyncset.done @!p1 $0x0  }
0xd9: {  	s15 =	sadd.s32 $0x200, s12;
	[sflag:s14] =	ssyncadd.s32 @!p1 $0xFFFFF800  }
0xda: {  	[tilespmem:s29], [sflag:$0x2] =	stream.indirect.gather [spmem:s4], $0x10, s15, s23, $0xb8;
	[tilespmem:$0x1B010] =	vst v63  }
0xdb: {  	s15 =	sadd.s32 $0x280, s12  }
0xdc: {  	[tilespmem:s6], [sflag:$0x2] =	stream.indirect.gather [spmem:s4], $0x10, s15, s23, $0xb8;
	[tilespmem:$0x1B010] =	vst v63  }
0xdd: {  	s15 =	sadd.s32 $0x300, s12  }
0xde: {  	[tilespmem:s7], [sflag:$0x2] =	stream.indirect.gather [spmem:s4], $0x10, s15, s23, $0xb8;
	[tilespmem:$0x1B010] =	vst v63  }
0xdf: {  	s15 =	sadd.s32 $0x380, s12  }
0xe0: {  	[tilespmem:s8], [sflag:$0x2] =	stream.indirect.gather [spmem:s4], $0x10, s15, s23, $0xb8;
	[tilespmem:$0x1B010] =	vst v63  }
0xe1: {  	_ =	swait.ge [sflag:s31], $0x800  }
0xe2: {  	[sflag:s31] =	ssyncset.done $0x0  }
0xe3: {  	[sflag:s31] =	ssyncadd.s32 $0xFFFFF800  }
0xe4: {  	_ =	swait.ge [sflag:s31], $0x800  }
0xe5: {  	[sflag:s31] =	ssyncset.done $0x0  }
0xe6: {  	[sflag:s31] =	ssyncadd.s32 $0xFFFFF800  }
0xe7: {  	_ =	swait.ge [sflag:s31], $0x800  }
0xe8: {  	[sflag:s31] =	ssyncset.done $0x0  }
0xe9: {  	[sflag:s31] =	ssyncadd.s32 $0xFFFFF800  }
0xea: {  	_ =	swait.ge [sflag:s31], $0x800  }
0xeb: {  	[sflag:s31] =	ssyncset.done $0x0  }
0xec: {  	s15 =	sadd.s32 $0x2800, s12;
	[sflag:s31] =	ssyncadd.s32 $0xFFFFF800  }
0xed: {  	[spmem:s3] =	stream.indirect.scatter.add.f32 [tilespmem:s0], [sflag:$0x3], $0x10, s15, s23, $0xb8;
	[tilespmem:$0x1B010] =	vst v63  }
0xee: {  	s15 =	sadd.s32 $0x2880, s12  }
0xef: {  	[spmem:s3] =	stream.indirect.scatter.add.f32 [tilespmem:s24], [sflag:$0x3], $0x10, s15, s23, $0xb8;
	[tilespmem:$0x1B010] =	vst v63  }
0xf0: {  	s15 =	sadd.s32 $0x2900, s12  }
0xf1: {  	[spmem:s3] =	stream.indirect.scatter.add.f32 [tilespmem:s28], [sflag:$0x3], $0x10, s15, s23, $0xb8;
	[tilespmem:$0x1B010] =	vst v63  }
0xf2: {  	s15 =	sadd.s32 $0x2980, s12  }
0xf3: {  	[spmem:s3] =	stream.indirect.scatter.add.f32 [tilespmem:s25], [sflag:$0x3], $0x10, s15, s23, $0xb8;
	[tilespmem:$0x1B010] =	vst v63  }
0xf4: {  	_ =	swait.ge [sflag:s1], $0x800  }
0xf5: {  	[sflag:s1] =	ssyncset.done $0x0  }
0xf6: {  	[sflag:s1] =	ssyncadd.s32 $0xFFFFF800  }
0xf7: {  	_ =	swait.ge [sflag:s1], $0x800  }
0xf8: {  	[sflag:s1] =	ssyncset.done $0x0  }
0xf9: {  	[sflag:s1] =	ssyncadd.s32 $0xFFFFF800  }
0xfa: {  	_ =	swait.ge [sflag:s1], $0x800  }
0xfb: {  	[sflag:s1] =	ssyncset.done $0x0  }
0xfc: {  	[sflag:s1] =	ssyncadd.s32 $0xFFFFF800  }
0xfd: {  	_ =	swait.ge [sflag:s1], $0x800  }
0xfe: {  	[sflag:s1] =	ssyncset.done $0x0  }
0xff: {  	s15 =	sadd.s32 $0x2A00, s12;
	[sflag:s1] =	ssyncadd.s32 $0xFFFFF800  }
0x100: {  	[spmem:s3] =	stream.indirect.scatter.add.f32 [tilespmem:s29], [sflag:$0x4], $0x10, s15, s23, $0xb8;
	[tilespmem:$0x1B010] =	vst v63  }
0x101: {  	s15 =	sadd.s32 $0x2A80, s12  }
0x102: {  	[spmem:s3] =	stream.indirect.scatter.add.f32 [tilespmem:s6], [sflag:$0x4], $0x10, s15, s23, $0xb8;
	[tilespmem:$0x1B010] =	vst v63  }
0x103: {  	s15 =	sadd.s32 $0x2B00, s12  }
0x104: {  	[spmem:s3] =	stream.indirect.scatter.add.f32 [tilespmem:s7], [sflag:$0x4], $0x10, s15, s23, $0xb8;
	[tilespmem:$0x1B010] =	vst v63  }
0x105: {  	s15 =	sadd.s32 $0x2B80, s12  }
0x106: {  	[spmem:s3] =	stream.indirect.scatter.add.f32 [tilespmem:s8], [sflag:$0x4], $0x10, s15, s23, $0xb8;
	[tilespmem:$0x1B010] =	vst v63  }
0x107: {  	_ =	swait.ge [sflag:s22], $0x800  }
0x108: {  	[sflag:s22] =	ssyncset.done $0x0  }
0x109: {  	[sflag:s22] =	ssyncadd.s32 $0xFFFFF800  }
0x10a: {  	_ =	swait.ge [sflag:s22], $0x800  }
0x10b: {  	[sflag:s22] =	ssyncset.done $0x0  }
0x10c: {  	[sflag:s22] =	ssyncadd.s32 $0xFFFFF800  }
0x10d: {  	p1 =	seq.s32 s11, $0x9000;
	_ =	swait.ge [sflag:s22], $0x800  }
.Ltmp4:
0x10e: {  	[sflag:s22] =	ssyncset.done $0x0;
	(pc) =	sbr.rel @p1 .LBB2_8-.Ltmp4, $4  }
0x10f: {  	[sflag:s22] =	ssyncadd.s32 $0xFFFFF800  }
0x110: {  	_ =	swait.ge [sflag:s22], $0x800  }
0x111: {  	[sflag:s22] =	ssyncset.done $0x0  }
0x112: {  	[sflag:s22] =	ssyncadd.s32 $0xFFFFF800  }
0x113: {  	s14 =	sadd.s32 $0x400, s12  }
0x114: {  	[tilespmem:s0], [sflag:$0x1] =	stream.indirect.gather [spmem:s4], $0x10, s14, s23, $0xb8;
	[tilespmem:$0x1B010] =	vst v63  }
0x115: {  	s15 =	sadd.s32 $0x480, s12  }
0x116: {  	[tilespmem:s24], [sflag:$0x1] =	stream.indirect.gather [spmem:s4], $0x10, s15, s23, $0xb8;
	[tilespmem:$0x1B010] =	vst v63  }
.Ltmp5:
0x117: {  	_ = 	snop;
	(pc) =	sbr.rel .LBB2_6-.Ltmp5, $4  }
0x118: {  	s15 =	sadd.s32 $0x500, s12  }
0x119: {  	[tilespmem:s28], [sflag:$0x1] =	stream.indirect.gather [spmem:s4], $0x10, s15, s23, $0xb8;
	[tilespmem:$0x1B010] =	vst v63  }
0x11a: {  	s11 =	sadd.s32 $0x1000, s11;
	s15 =	sadd.s32 $0x580, s12  }
0x11b: {  	[tilespmem:s25], [sflag:$0x1] =	stream.indirect.gather [spmem:s4], $0x10, s15, s23, $0xb8;
	[tilespmem:$0x1B010] =	vst v63  }
.LBB2_9:
0x11c: {  	_ =	sfence.sel $0x180000  }
0x11d: {  	[bflag:$0x0] =	sbarrier.arrive $0xFFFF  }
0x11e: {  	_ =	strace $0x9000004D  }
0x11f: {  	s0 =	stileid.u32;
	[bflag:$0x2] =	sbarrier.arrive $0xFFFF  }
0x120: {  	p0 =	sne.s32 s0, $0x0;
	s0 =	rddreg [dreg:$0x5]  }
0x121: {  	s0 =	sadd.s32 @!p0 $0x100000, s0  }
0x122: {  	[sflag:s0] =	ssyncadd.tile.s32 @!p0 $0x1;
	_ =	shalt  }
.Lfunc_end2:
_tile_overlayer_lowered:
.L_overlay_start_2:
0x123: {  	(tag) =	ssettag $0x2  }
0x124: {  	s0 =	rddreg [dreg:$0x0];
	s2 =	stileid.u32  }
0x125: {  	s1 =	rddreg [dreg:$0x1];
	p0 =	sne.s32 s2, $0x0  }
0x126: {  	s3 =	rddreg [dreg:$0x2];
	[bflag:$0x3] =	sbarrier.arrive $0xFFFF;
	s2 =	simm.s32 @!p0 $0x1C05  }
0x127: {  	[timem:s3], [sflag:s2] =	dma.local @!p0 [hbm:s0], s1  }
0x128: {  	s0 =	simm.s32 @!p0 $0x5  }
0x129: {  	_ =	swait.ge @!p0 [sflag:s0], s1  }
0x12a: {  	s1 =	ssub.s32 @!p0 $0x0, s1;
	[sflag:s0] =	ssyncset.done @!p0 $0x0  }
0x12b: {  	[sflag:s0] =	ssyncadd.s32 @!p0 s1  }
0x12c: {  	[bflag:$0x3] =	sbarrier.arrive $0xFFFF  }
0x12d: {  	_ =	shalt  }

// kernel: kernel.7.cloned.1.call-start
scs
__scs_entry_jumppad:
0x0: {  	(pc) =	sbr.rel $0x88, $3  }
0x1: {  	(tag) =	ssettag $0x0;
	lr =	simm.s32 $0x1  }
0x2: {  	[smem:$0x3F9B] =	sst lr;
	_ =	strace $0xD0000000  }
0x3: {  	_ = 	snop  }
0x4: {  	_ = 	snop  }
0x5: {  	_ = 	snop  }
0x6: {  	_ = 	snop  }
0x7: {  	_ = 	snop  }
__scs_overlays_trampoline_lowered:
0x8: {  	[smem:$0x3FAA] =	sst s0  }
0x9: {  	[smem:$0x3FAB] =	sst s1  }
0xa: {  	[smem:$0x3FAC] =	sst s2  }
0xb: {  	[smem:$0x3FAD] =	sst s3  }
0xc: {  	[smem:$0x3FAE] =	sst s4  }
0xd: {  	[smem:$0x3FAF] =	sst s5  }
0xe: {  	[smem:$0x3FB0] =	sst s6  }
0xf: {  	[smem:$0x3FB1] =	sst s7  }
0x10: {  	[smem:$0x3FB2] =	sst s8  }
0x11: {  	[smem:$0x3FB3] =	sst s9;
	s0 =	simm.s32 @!p0 $0x0  }
0x12: {  	s1 =	sld [smem:$0x3F99];
	s0 =	simm.s32 @p0 $0x1  }
0x13: {  	[smem:$0x3FB4] =	sst s0;
	s0 =	simm.s32 @!p1 $0x0  }
0x14: {  	s2 =	sld [smem:$0x3F98];
	s0 =	simm.s32 @p1 $0x1  }
0x15: {  	[smem:$0x3FB5] =	sst s0;
	s0 =	simm.s32 @!p2 $0x0  }
0x16: {  	s3 =	sld [smem:$0x3FDB];
	s0 =	simm.s32 @p2 $0x1  }
0x17: {  	s4 =	simm.s32 $0x1BF5;
	[smem:$0x3FB7] =	sst s0  }
0x18: {  	s0 =	sld [smem:$0x3F9A];
	_ =	swait.ge [sflag:s4], $0x0  }
0x19: {  	s7 =	sld [smem:$0x3F9B]  }
0x1a: {  	s8 =	sadd.s32 $0xFFFFE003, lr  }
0x1b: {  	s9 =	sadd.s32 $0xFFFFFEF7, lr;
	s5 =	simm.s32 $0xFFFFFFFF;
	p2 =	slt.u32 s8, $0xFFFFF086  }
0x1c: {  	p1 =	slt.u32 s9, $0xF7A;
	s5 =	simm.s32 @!p2 $0x0  }
0x1d: {  	s5 =	simm.s32 @p1 $0x1;
	p0 =	seq.s32 s7, s2  }
0x1e: {  	s7 =	smul.u32 @!p0 $0xF7A, s2;
	p2 =	seq.s32 @!p0 s5, $0x0  }
0x1f: {  	s9 =	smul.u32 $0xF7A, s1;
	s8 =	simm.s32 @!p0 $0x1BF5;
	p2 =	por !p2, p0  }
0x20: {  	[sflag:s8] =	ssyncset.s32 @!p0 $0xFFFFF086;
	s6 =	sadd.s32 @!p0 s3, s7;
	s7 =	simm.s32 @!p0 $0x108  }
0x21: {  	s3 =	sadd.s32 s3, s9;
	s6 =	sadd.s32 @!p0 $0x88, s6;
	s7 =	simm.s32 @p2 $0x1082  }
0x22: {  	[simem:s7], [sflag:s8] =	dma.local @!p0 [hbm:s6], $0xF7A  }
0x23: {  	s9 =	sor.u32 $0xD0000000, s2;
	s6 =	simm.s32 $0x108;
	_ =	swait.ge @!p0 [sflag:s8], $0x0  }
0x24: {  	s3 =	sadd.s32 $0x88, s3;
	s6 =	simm.s32 @!p1 $0x1082;
	[sflag:s4] =	ssyncset.s32 $0xFFFFF086  }
0x25: {  	[simem:s6], [sflag:s4] =	dma.local [hbm:s3], $0xF7A  }
0x26: {  	[smem:$0x3F9B] =	sst s1;
	(tag) =	ssettag s2;
	_ =	strace s9  }
0x27: {  	s1 =	sld [smem:$0x3FAB]  }
0x28: {  	s2 =	sld [smem:$0x3FAC]  }
0x29: {  	s4 =	sld [smem:$0x3FAE]  }
0x2a: {  	p0 =	seq.s32 s5, $0x0;
	s5 =	sld [smem:$0x3FAF]  }
0x2b: {  	s6 =	sld [smem:$0x3FB0]  }
0x2c: {  	s7 =	sld [smem:$0x3FB1]  }
0x2d: {  	s3 =	simm.s32 $0x108;
	s8 =	sld [smem:$0x3FB2]  }
0x2e: {  	s3 =	simm.s32 @!p0 $0x1082;
	s9 =	sld [smem:$0x3FB3]  }
0x2f: {  	lr =	sadd.s32 s0, s3;
	s0 =	sld [smem:$0x3FAA]  }
0x30: {  	s3 =	sld [smem:$0x3FAD]  }
0x31: {  	[smem:$0x3FB6] =	sst s10  }
0x32: {  	s10 =	sld [smem:$0x3FB4];
	_ =	sdelay $0x3  }
0x33: {  	p0 =	seq.s32 s10, $0x1;
	s10 =	sld [smem:$0x3FB6];
	_ =	sdelay $0x3  }
0x34: {  	[smem:$0x3FB6] =	sst s10  }
0x35: {  	s10 =	sld [smem:$0x3FB5];
	_ =	sdelay $0x3  }
0x36: {  	p1 =	seq.s32 s10, $0x1;
	s10 =	sld [smem:$0x3FB6];
	_ =	sdelay $0x3  }
0x37: {  	[smem:$0x3FB6] =	sst s10  }
0x38: {  	s10 =	sld [smem:$0x3FB7]  }
0x39: {  	_ = 	snop;
	(pc) =	sbr.ind lr, $3  }
0x3a: {  	_ = 	snop  }
0x3b: {  	_ = 	snop  }
0x3c: {  	p2 =	seq.s32 s10, $0x1;
	s10 =	sld [smem:$0x3FB6]  }
0x3d: {  	_ =	shalt  }
0x3e: {  	_ =	shalt  }
0x3f: {  	_ =	shalt  }
0x40: {  	_ =	shalt  }
0x41: {  	_ =	shalt  }
0x42: {  	_ =	shalt  }
0x43: {  	_ =	shalt  }
0x44: {  	_ =	shalt  }
0x45: {  	_ =	shalt  }
0x46: {  	_ =	shalt  }
0x47: {  	_ =	shalt  }
0x48: {  	_ =	shalt  }
0x49: {  	_ =	shalt  }
0x4a: {  	_ =	shalt  }
0x4b: {  	_ =	shalt  }
0x4c: {  	_ =	shalt  }
0x4d: {  	_ =	shalt  }
0x4e: {  	_ =	shalt  }
0x4f: {  	_ =	shalt  }
0x50: {  	_ =	shalt  }
0x51: {  	_ =	shalt  }
0x52: {  	_ =	shalt  }
0x53: {  	_ =	shalt  }
0x54: {  	_ =	shalt  }
0x55: {  	_ =	shalt  }
0x56: {  	_ =	shalt  }
0x57: {  	_ =	shalt  }
0x58: {  	_ =	shalt  }
0x59: {  	_ =	shalt  }
0x5a: {  	_ =	shalt  }
0x5b: {  	_ =	shalt  }
0x5c: {  	_ =	shalt  }
0x5d: {  	_ =	shalt  }
0x5e: {  	_ =	shalt  }
0x5f: {  	_ =	shalt  }
0x60: {  	_ =	shalt  }
0x61: {  	_ =	shalt  }
0x62: {  	_ =	shalt  }
0x63: {  	_ =	shalt  }
0x64: {  	_ =	shalt  }
0x65: {  	_ =	shalt  }
0x66: {  	_ =	shalt  }
0x67: {  	_ =	shalt  }
0x68: {  	_ =	shalt  }
0x69: {  	_ =	shalt  }
0x6a: {  	_ =	shalt  }
0x6b: {  	_ =	shalt  }
0x6c: {  	_ =	shalt  }
0x6d: {  	_ =	shalt  }
0x6e: {  	_ =	shalt  }
0x6f: {  	_ =	shalt  }
0x70: {  	_ =	shalt  }
0x71: {  	_ =	shalt  }
0x72: {  	_ =	shalt  }
0x73: {  	_ =	shalt  }
0x74: {  	_ =	shalt  }
0x75: {  	_ =	shalt  }
0x76: {  	_ =	shalt  }
0x77: {  	_ =	shalt  }
0x78: {  	_ =	shalt  }
0x79: {  	_ =	shalt  }
0x7a: {  	_ =	shalt  }
0x7b: {  	_ =	shalt  }
0x7c: {  	_ =	shalt  }
0x7d: {  	_ =	shalt  }
0x7e: {  	_ =	shalt  }
0x7f: {  	_ =	shalt  }
0x80: {  	_ =	shalt  }
0x81: {  	_ =	shalt  }
0x82: {  	_ =	shalt  }
0x83: {  	_ =	shalt  }
0x84: {  	_ =	shalt  }
0x85: {  	_ =	shalt  }
0x86: {  	_ =	shalt  }
0x87: {  	_ =	shalt  }
.Lfunc_end0:
.L_simem_size_0:
called_computation_lowered:
.L_overlay_start_0:
0x88: {  	s2 =	sld [smem:$0x3FD9]  }
0x89: {  	s3 =	sld [smem:$0x3FFE];
	_ =	sdelay $0x1  }
0x8a: {  	s1 =	srdreg.scid  }
0x8b: {  	s0 =	sand.u32 $0x1, s1  }
0x8c: {  	s17 =	sshll.u32 s0, $0xA;
	s2 =	sadd.s32 s3, s2  }
0x8d: {  	s2 =	sadd.s32 s2, s17  }
0x8e: {  	[smem:$0x3FC2] =	sst s2  }
0x8f: {  	_ = 	snop  }
0x90: {  	s2 =	sld [smem:$0x3FD0];
	(tm) =	ssettm $0x1  }
0x91: {  	s18 =	sld [smem:$0x3FFB];
	_ =	sdelay $0x3  }
0x92: {  	_ =	strace s18  }
0x93: {  	s3 =	sld [smem:$0x3FFC];
	_ =	sdelay $0x3  }
0x94: {  	_ =	strace s3  }
0x95: {  	s3 =	sld [smem:$0x3FFD];
	_ =	sdelay $0x3  }
0x96: {  	_ =	strace s3  }
0x97: {  	_ =	strace $0x8FFFFFFF  }
0x98: {  	s19 =	sld [smem:$0x3FDB];
	_ =	sdelay $0x1  }
0x99: {  	s4 =	simm.s32 $_scs_section_size  }
0x9a: {  	s5 =	simm.s32 $_size__tile_overlayer_lowered;
	s6 =	simm.s32 $_tile_overlayer_lowered  }
0x9b: {  	s22 =	simm.s32 $0x1BFF;
	s21 =	sshll.u32 s6, $0x1;
	s3 =	sadd.s32 s4, s19  }
0x9c: {  	s7 =	simm.s32 $0x0;
	s20 =	sshll.u32 s5, $0x1;
	s5 =	sadd.s32 s21, s3  }
0x9d: {  	[timem:s7], [sflag:s22] =	dma.local [hbm:s5], s20  }
0x9e: {  	_ =	swait.ge [sflag:s22], s20  }
0x9f: {  	s4 =	ssub.s32 $0x0, s20;
	[sflag:s22] =	ssyncset.done $0x0  }
0xa0: {  	[sflag:s22] =	ssyncadd.s32 s4;
	_ =	sdelay $0x1  }
0xa1: {  	s23 =	simm.s32 $0x1B8B  }
0xa2: {  	_ =	swait.ge [sflag:s23], $0x1  }
0xa3: {  	[sflag:s23] =	ssyncset.done $0x0  }
0xa4: {  	s25 =	simm.s32 $0x1B8E;
	s24 =	sld [smem:$0x3FFE];
	[sflag:s23] =	ssyncadd.s32 $0xFFFFFFFF  }
0xa5: {  	s26 =	simm.s32 $execute0_lowered;
	[smem:$0x3FD2] =	sst s25  }
0xa6: {  	s5 =	sshll.u32 s26, $0x1;
	_ =	strace $0x80000046;
	[dreg:$0x1] =	wrdreg $0xFFFFFFFF  }
0xa7: {  	s28 =	simm.s32 $_size_execute0_lowered;
	s3 =	sadd.s32 s3, s5;
	[dreg:$0x0] =	wrdreg $0x0  }
0xa8: {  	s5 =	sshll.u32 s28, $0x1;
	[dreg:$0x2] =	wrdreg s3  }
0xa9: {  	[dreg:$0x3] =	wrdreg s5  }
0xaa: {  	[dreg:$0x4] =	wrdreg $0xC0  }
0xab: {  	_ =	task [dreg:s7], $0x5FFFF  }
0xac: {  	[dreg:$0x1] =	wrdreg $0xFFFFFFFF  }
0xad: {  	[dreg:$0x0] =	wrdreg $0x60  }
0xae: {  	[dreg:$0x2] =	wrdreg s2  }
0xaf: {  	[dreg:$0x3] =	wrdreg s24  }
0xb0: {  	[dreg:$0x4] =	wrdreg $0x38000  }
0xb1: {  	[dreg:$0x5] =	wrdreg $0x9  }
0xb2: {  	_ =	task.clear_ibuf [dreg:s7], $0x6FFFF;
	_ =	strace $0x90000046  }
0xb3: {  	s29 =	simm.s32 $0x9;
	_ =	strace $0x80000048  }
0xb4: {  	_ =	swait.ge [sflag:s29], $0x1  }
0xb5: {  	[sflag:s29] =	ssyncadd.s32 $0xFFFFFFFF  }
0xb6: {  	_ =	strace $0x90000048  }
0xb7: {  	_ =	sfence  }
0xb8: {  	s30 =	sld [smem:$0x0];
	_ =	sdelay $0x2  }
0xb9: {  	s31 =	sshll.u32 s1, $0xD;
	s1 =	sshrl.u32 s1, $0x2  }
0xba: {  	s3 =	sand.u32 $0x4000, s31;
	s1 =	sadd.s32 s1, s30  }
0xbb: {  	s0 =	sor.u32 s3, s0;
	s1 =	sshll.u32 s1, $0x11  }
0xbc: {  	s0 =	sor.u32 s1, s0  }
0xbd: {  	s0 =	sadd.s32 $0x8F2B, s0  }
0xbe: {  	[sflag:s0] =	ssyncadd.remote.s32 $0x1  }
0xbf: {  	_ =	sfence.sel $0xFFFF  }
0xc0: {  	[dreg:$0x0] =	wrdreg $0xFFFFFFFF;
	(pc) =	sbr.abs _section_cstart, $3  }
0xc1: {  	[dreg:$0x1] =	wrdreg $0xFFFFFFFF  }
0xc2: {  	_ =	task.clear_ibuf [dreg:s7], $0x2FFFF;
	_ =	strace $0x9FFFFFFF  }
0xc3: {  	(tm) =	ssettm $0x7FFFFFFF  }
tec
execute0_lowered:
.L_overlay_start_1:
0x0: {  	(tag) =	ssettag $0x1  }
0x1: {  	s4 =	rddreg [dreg:$0x0]  }
0x2: {  	s5 =	rddreg [dreg:$0x1]  }
0x3: {  	s2 =	rddreg [dreg:$0x2]  }
0x4: {  	s0 =	rddreg [dreg:$0x3]  }
0x5: {  	s6 =	srdreg.scid;
	s1 =	stileid.u32  }
0x6: {  	s3 =	simm.s32 $0x0;
	s13 =	simm.s32 $0x1;
	s14 =	simm.s32 $0x2  }
0x7: {  	s15 =	simm.s32 $0x80;
	s16 =	simm.s32 $0x2800;
	s19 =	simm.s32 $0x3  }
0x8: {  	s20 =	simm.s32 $0x0;
	s6 =	sand.u32 $0x1, s6;
	s7 =	smul.u32 $0x2800, s1  }
0x9: {  	[smem:$0x7FF] =	sst s3;
	s10 =	smul.u32 $0xA000, s1;
	s17 =	sshll.u32 s1, $0x6  }
0xa: {  	s8 =	smul.u32 $0x28000, s6;
	_ =	strace $0x80000047;
	s9 =	sshll.u32 s6, $0x4  }
0xb: {  	s6 =	ssub.s32 $0x2, s6;
	s17 =	sor.u32 $0x1C03, s17;
	s9 =	sor.u32 s1, s9  }
0xc: {  	s11 =	sshrl.u32 s6, $0x1;
	s10 =	sshrl.u32 s10, $0x2;
	s8 =	sadd.s32 s7, s8  }
0xd: {  	s9 =	smul.u32 $0x500, s9;
	s11 =	ssub.s32 s6, s11;
	s10 =	sadd.s32 s10, s2  }
0xe: {  	s8 =	sshrl.u32 s8, $0x3;
	s6 =	sadd.s32 $0x800, s10;
	s11 =	smax.u32 s11, $0x1  }
0xf: {  	s12 =	sadd.s32 s8, s5;
	s4 =	sadd.s32 s4, s9;
	s5 =	sadd.s32 s7, s2  }
0x10: {  	s7 =	sadd.s32 $0x1000, s10;
	s8 =	sadd.s32 $0x1800, s10;
	s9 =	sadd.s32 $0x2000, s10  }
0x11: {  	v0 =	vimm.f32 $0.0e+00;
	v1 =	vimm.f32 $1.000000000e+00;
	s10 =	sadd.s32 $0x2000, s12;
	s12 =	simm.s32 $0x3000;
	s18 =	sshrl.u32 s5, $0x3  }
.LBB2_1:
0x12: {  	[tilespmem:s3], [sflag:$0x2] =	stream.linear.gather [hbm4b:s4+s3], $0x2800, $0x38;
	[tilespmem:$0x6000] =	vst v63  }
0x13: {  	s21 =	simm.s32 $0x40;
	s22 =	simm.s32 $0x0  }
.LBB2_2:
0x14: {  	p0 =	sne.s32 s21, $0x1FC0;
	[tilespmem:s22+$0x3000] =	vst v0;
	s22 =	smov.u32 s21;
	s21 =	sadd.s32 $0x40, s21  }
.Ltmp0:
0x15: {  	(pc) =	sbr.rel @p0 .LBB2_2-.Ltmp0, $2  }
0x16: {  	_ =	sdelay $0x2  }
0x17: {  	s22 =	sshra.s32 s22, $0x2  }
0x18: {  	[tilespmem:s22+$0x3000] =	vst v0  }
0x19: {  	[spmem:s5] =	stream.linear.scatter [tilespmem:s12], [sflag:$0x1], $0x800, $0x38;
	[tilespmem:$0x6000] =	vst v63  }
0x1a: {  	_ = 	snop  }
0x1b: {  	[spmem:s6] =	stream.linear.scatter [tilespmem:s12], [sflag:$0x1], $0x800, $0x38;
	[tilespmem:$0x6000] =	vst v63  }
0x1c: {  	_ = 	snop  }
0x1d: {  	[spmem:s7] =	stream.linear.scatter [tilespmem:s12], [sflag:$0x1], $0x800, $0x38;
	[tilespmem:$0x6000] =	vst v63  }
0x1e: {  	_ = 	snop  }
0x1f: {  	[spmem:s8] =	stream.linear.scatter [tilespmem:s12], [sflag:$0x1], $0x800, $0x38;
	[tilespmem:$0x6000] =	vst v63  }
0x20: {  	s21 =	simm.s32 $0x40;
	s22 =	simm.s32 $0x0  }
0x21: {  	[spmem:s9] =	stream.linear.scatter [tilespmem:s12], [sflag:$0x1], $0x800, $0x38;
	[tilespmem:$0x6000] =	vst v63  }
.LBB2_4:
0x22: {  	p0 =	sne.s32 s21, $0x1FC0;
	[tilespmem:s22+$0x2800] =	vst v1;
	s22 =	smov.u32 s21;
	s21 =	sadd.s32 $0x40, s21  }
.Ltmp1:
0x23: {  	(pc) =	sbr.rel @p0 .LBB2_4-.Ltmp1, $2  }
0x24: {  	_ =	sdelay $0x2  }
0x25: {  	s22 =	sshra.s32 s22, $0x2  }
0x26: {  	[tilespmem:s22+$0x2800] =	vst v1  }
0x27: {  	_ =	swait.ge [sflag:s13], $0x800  }
0x28: {  	[sflag:s13] =	ssyncset.done $0x0  }
0x29: {  	[sflag:s13] =	ssyncadd.s32 $0xFFFFF800  }
0x2a: {  	_ =	swait.ge [sflag:s13], $0x800  }
0x2b: {  	[sflag:s13] =	ssyncset.done $0x0  }
0x2c: {  	[sflag:s13] =	ssyncadd.s32 $0xFFFFF800  }
0x2d: {  	_ =	swait.ge [sflag:s13], $0x800  }
0x2e: {  	[sflag:s13] =	ssyncset.done $0x0  }
0x2f: {  	[sflag:s13] =	ssyncadd.s32 $0xFFFFF800  }
0x30: {  	_ =	swait.ge [sflag:s13], $0x800  }
0x31: {  	[sflag:s13] =	ssyncset.done $0x0  }
0x32: {  	[sflag:s13] =	ssyncadd.s32 $0xFFFFF800  }
0x33: {  	_ =	swait.ge [sflag:s13], $0x800  }
0x34: {  	[sflag:s13] =	ssyncset.done $0x0  }
0x35: {  	[sflag:s13] =	ssyncadd.s32 $0xFFFFF800  }
0x36: {  	_ =	swait.ge [sflag:s14], $0x2800  }
0x37: {  	[sflag:s14] =	ssyncset.done $0x0  }
0x38: {  	p0 =	por $0x1, $0x1;
	[sflag:s14] =	ssyncadd.s32 $0xFFFFD800  }
0x39: {  	s22 =	simm.s32 @!p0 $0x1;
	[bflag:$0x0] =	sbarrier.arrive $0xFFFF  }
0x3a: {  	_ =	swait.ge @!p0 [sflag:s22], $0x800  }
0x3b: {  	s23 =	simm.s32 $0x0;
	[sflag:s22] =	ssyncset.done @!p0 $0x0  }
0x3c: {  	s21 =	simm.s32 $0x1;
	[sflag:s22] =	ssyncadd.s32 @!p0 $0xFFFFF800;
	s22 =	simm.s32 $0x80  }
.LBB2_6:
0x3d: {  	[spmem:s2] =	stream.indirect.scatter.add.f32 [tilespmem:s16], [sflag:$0x1], $0x10, s23, s15, $0xb8;
	[tilespmem:$0x6000] =	vst v63  }
0x3e: {  	p0 =	slt.u32 s21, $0x10;
	s21 =	sadd.s32 $0x1, s21  }
0x3f: {  	p1 =	sne.s32 s21, $0x50  }
.Ltmp2:
0x40: {  	(pc) =	sbr.rel @p1 .LBB2_6-.Ltmp2, $4  }
0x41: {  	s23 =	smov.u32 s22;
	s24 =	simm.s32 @!p0 $0x1  }
0x42: {  	_ =	swait.ge @!p0 [sflag:s24], $0x800  }
0x43: {  	[sflag:s24] =	ssyncset.done @!p0 $0x0  }
0x44: {  	s22 =	sadd.s32 $0x80, s22;
	[sflag:s24] =	ssyncadd.s32 @!p0 $0xFFFFF800  }
0x45: {  	[spmem:s2] =	stream.indirect.scatter.add.f32 [tilespmem:s16], [sflag:$0x1], $0x10, s23, s15, $0xb8;
	[tilespmem:$0x6000] =	vst v63  }
0x46: {  	_ =	swait.ge [sflag:s13], $0x800  }
0x47: {  	[sflag:s13] =	ssyncset.done $0x0  }
0x48: {  	[sflag:s13] =	ssyncadd.s32 $0xFFFFF800  }
0x49: {  	_ =	swait.ge [sflag:s13], $0x800  }
0x4a: {  	[sflag:s13] =	ssyncset.done $0x0  }
0x4b: {  	[sflag:s13] =	ssyncadd.s32 $0xFFFFF800  }
0x4c: {  	_ =	swait.ge [sflag:s13], $0x800  }
0x4d: {  	[sflag:s13] =	ssyncset.done $0x0  }
0x4e: {  	[sflag:s13] =	ssyncadd.s32 $0xFFFFF800  }
0x4f: {  	_ =	swait.ge [sflag:s13], $0x800  }
0x50: {  	[sflag:s13] =	ssyncset.done $0x0  }
0x51: {  	[sflag:s13] =	ssyncadd.s32 $0xFFFFF800  }
0x52: {  	_ =	swait.ge [sflag:s13], $0x800  }
0x53: {  	[sflag:s13] =	ssyncset.done $0x0  }
0x54: {  	[sflag:s13] =	ssyncadd.s32 $0xFFFFF800  }
0x55: {  	_ =	swait.ge [sflag:s13], $0x800  }
0x56: {  	[sflag:s13] =	ssyncset.done $0x0  }
0x57: {  	[sflag:s13] =	ssyncadd.s32 $0xFFFFF800  }
0x58: {  	_ =	swait.ge [sflag:s13], $0x800  }
0x59: {  	[sflag:s13] =	ssyncset.done $0x0  }
0x5a: {  	[sflag:s13] =	ssyncadd.s32 $0xFFFFF800  }
0x5b: {  	_ =	swait.ge [sflag:s13], $0x800  }
0x5c: {  	[sflag:s13] =	ssyncset.done $0x0  }
0x5d: {  	[sflag:s13] =	ssyncadd.s32 $0xFFFFF800  }
0x5e: {  	_ =	swait.ge [sflag:s13], $0x800  }
0x5f: {  	[sflag:s13] =	ssyncset.done $0x0  }
0x60: {  	[sflag:s13] =	ssyncadd.s32 $0xFFFFF800  }
0x61: {  	_ =	swait.ge [sflag:s13], $0x800  }
0x62: {  	[sflag:s13] =	ssyncset.done $0x0  }
0x63: {  	[sflag:s13] =	ssyncadd.s32 $0xFFFFF800  }
0x64: {  	_ =	swait.ge [sflag:s13], $0x800  }
0x65: {  	[sflag:s13] =	ssyncset.done $0x0  }
0x66: {  	[sflag:s13] =	ssyncadd.s32 $0xFFFFF800  }
0x67: {  	_ =	swait.ge [sflag:s13], $0x800  }
0x68: {  	[sflag:s13] =	ssyncset.done $0x0  }
0x69: {  	[sflag:s13] =	ssyncadd.s32 $0xFFFFF800  }
0x6a: {  	_ =	swait.ge [sflag:s13], $0x800  }
0x6b: {  	[sflag:s13] =	ssyncset.done $0x0  }
0x6c: {  	[sflag:s13] =	ssyncadd.s32 $0xFFFFF800  }
0x6d: {  	_ =	swait.ge [sflag:s13], $0x800  }
0x6e: {  	[sflag:s13] =	ssyncset.done $0x0  }
0x6f: {  	[sflag:s13] =	ssyncadd.s32 $0xFFFFF800  }
0x70: {  	_ =	swait.ge [sflag:s13], $0x800  }
0x71: {  	[sflag:s13] =	ssyncset.done $0x0  }
0x72: {  	[sflag:s13] =	ssyncadd.s32 $0xFFFFF800  }
0x73: {  	_ =	swait.ge [sflag:s13], $0x800  }
0x74: {  	s20 =	sadd.s32 $0x1, s20;
	[sflag:s13] =	ssyncset.done $0x0  }
0x75: {  	p0 =	sne.s32 s20, s11;
	[sflag:s13] =	ssyncadd.s32 $0xFFFFF800  }
.Ltmp3:
0x76: {  	[bflag:$0x0] =	sbarrier.arrive $0xFFFF;
	(pc) =	sbr.rel @p0 .LBB2_1-.Ltmp3, $4  }
0x77: {  	[hbm:s10], [sflag:s17] =	dma.local [spmem:s18], $0x500  }
0x78: {  	_ =	swait.ge [sflag:s19], $0x500  }
0x79: {  	[sflag:s19] =	ssyncset.done $0x0  }
0x7a: {  	[sflag:s19] =	ssyncadd.s32 $0xFFFFFB00  }
0x7b: {  	_ =	sfence.sel $0x180000  }
0x7c: {  	[bflag:$0x0] =	sbarrier.arrive $0xFFFF  }
0x7d: {  	p0 =	sne.s32 s1, $0x0;
	_ =	strace $0x90000047  }
0x7e: {  	s0 =	sadd.s32 @!p0 $0x100000, s0;
	[bflag:$0x2] =	sbarrier.arrive $0xFFFF  }
0x7f: {  	[sflag:s0] =	ssyncadd.tile.s32 @!p0 $0x1;
	_ =	shalt  }
.Lfunc_end2:
_tile_overlayer_lowered:
.L_overlay_start_2:
0x80: {  	(tag) =	ssettag $0x2  }
0x81: {  	s0 =	rddreg [dreg:$0x0];
	s2 =	stileid.u32  }
0x82: {  	s1 =	rddreg [dreg:$0x1];
	p0 =	sne.s32 s2, $0x0  }
0x83: {  	s3 =	rddreg [dreg:$0x2];
	[bflag:$0x3] =	sbarrier.arrive $0xFFFF;
	s2 =	simm.s32 @!p0 $0x1C03  }
0x84: {  	[timem:s3], [sflag:s2] =	dma.local @!p0 [hbm:s0], s1  }
0x85: {  	s0 =	simm.s32 @!p0 $0x3  }
0x86: {  	_ =	swait.ge @!p0 [sflag:s0], s1  }
0x87: {  	s1 =	ssub.s32 @!p0 $0x0, s1;
	[sflag:s0] =	ssyncset.done @!p0 $0x0  }
0x88: {  	[sflag:s0] =	ssyncadd.s32 @!p0 s1  }
0x89: {  	[bflag:$0x3] =	sbarrier.arrive $0xFFFF  }
0x8a: {  	_ =	shalt  }

</sc_bundles>
